<compile_context>
chip_gen: v7x
topology: tpu7x:2x2x1
jax: 0.10.2.dev20260603
libtpu: 0.0.44.dev20260713+nightly
codegen_flags: <defaults>
</compile_context>

<pallas_src>
import functools

import jax
import jax.numpy as jnp
from jax import lax
from jax.experimental import pallas as pl
from jax.experimental.pallas import tpu as pltpu
from jax.experimental.pallas import tpu_sc as plsc

N = 10000
E = 320000
EP = 327680
D = 128
NC = 2
NS = 16
NW = NC * NS
K = 128
BPW = EP // NW // K
KG = 64
BPG = EP // NW // KG
QB = BPG // 4
NP = 10240
RPS = NP // NS

_mesh = plsc.VectorSubcoreMesh(core_axis_name="c", subcore_axis_name="s",
                               num_cores=NC, num_subcores=NS)


@functools.partial(
    pl.kernel,
    out_type=jax.ShapeDtypeStruct((NC, NP, D), jnp.float32),
    mesh=_mesh,
    scratch_types=[
        pltpu.VMEM_SHARED((NP, D), jnp.float32),
        pltpu.VMEM((BPW, K), jnp.int32),
        pltpu.VMEM((K, D), jnp.float32),
        pltpu.SemaphoreType.DMA,
    ],
)
def _sc_degree(col_hbm, zeros_hbm, ones_hbm, out_hbm, acc, cidx, ones, dsem):
    cid = lax.axis_index("c")
    sid = lax.axis_index("s")
    wid = sid * NC + cid
    pltpu.sync_copy(zeros_hbm.at[pl.ds(sid * RPS, RPS)],
                    acc.at[pl.ds(sid * RPS, RPS)])
    pltpu.sync_copy(col_hbm.at[wid], cidx)
    pltpu.sync_copy(ones_hbm, ones)
    plsc.subcore_barrier()

    def body(j, carry):
        pltpu.async_copy(ones, acc.at[cidx.at[j]], dsem, add=True)

        @pl.when(j >= 3)
        def _():
            pltpu.make_async_copy(ones, acc.at[cidx.at[j - 3]], dsem).wait()

        return carry

    lax.fori_loop(0, BPW, body, 0)
    for t in range(3):
        pltpu.make_async_copy(ones, acc.at[cidx.at[BPW - 3 + t]], dsem).wait()
    plsc.subcore_barrier()
    pltpu.sync_copy(acc.at[pl.ds(sid * RPS, RPS)],
                    out_hbm.at[cid].at[pl.ds(sid * RPS, RPS)])


@functools.partial(
    pl.kernel,
    out_type=jax.ShapeDtypeStruct((NC, NP, D), jnp.float32),
    mesh=_mesh,
    scratch_types=[
        pltpu.VMEM_SHARED((NP, D), jnp.float32),
        pltpu.VMEM((QB, KG), jnp.int32),
        pltpu.VMEM((QB, KG), jnp.int32),
        pltpu.VMEM((KG, D), jnp.float32),
        pltpu.VMEM((KG, D), jnp.float32),
        pltpu.VMEM((KG, D), jnp.float32),
        pltpu.VMEM((KG, D), jnp.float32),
        pltpu.SemaphoreType.DMA,
        pltpu.SemaphoreType.DMA,
    ],
)
def _sc_aggregate(hs_hbm, row_hbm, col_hbm, zeros_hbm, out_hbm,
                  acc, ridx, cidx, rows0, rows1, rows2, rows3, sem, ssem):
    cid = lax.axis_index("c")
    sid = lax.axis_index("s")
    wid = sid * NC + cid
    bufs = (rows0, rows1, rows2, rows3)
    pltpu.sync_copy(zeros_hbm.at[pl.ds(sid * RPS, RPS)],
                    acc.at[pl.ds(sid * RPS, RPS)])
    plsc.subcore_barrier()

    for h in range(4):
        pltpu.sync_copy(row_hbm.at[wid].at[pl.ds(h * QB, QB)], ridx)
        pltpu.sync_copy(col_hbm.at[wid].at[pl.ds(h * QB, QB)], cidx)
        pltpu.async_copy(hs_hbm.at[ridx.at[0]], rows0, sem)
        pltpu.async_copy(hs_hbm.at[ridx.at[1]], rows1, sem)
        pltpu.async_copy(hs_hbm.at[ridx.at[2]], rows2, sem)
        pltpu.make_async_copy(hs_hbm.at[ridx.at[0]], rows0, sem).wait()
        pltpu.async_copy(hs_hbm.at[ridx.at[3]], rows3, sem)
        pltpu.async_copy(rows0, acc.at[cidx.at[0]], ssem, add=True)

        def body(j4, carry):
            for t in range(4):
                j = 4 * j4 + 1 + t
                cur = bufs[(1 + t) % 4]
                prv = bufs[t]
                pltpu.make_async_copy(hs_hbm.at[ridx.at[j]], cur, sem).wait()
                pltpu.make_async_copy(prv, acc.at[cidx.at[j - 1]], ssem).wait()
                pltpu.async_copy(hs_hbm.at[ridx.at[j + 3]], prv, sem)
                pltpu.async_copy(cur, acc.at[cidx.at[j]], ssem, add=True)
            return carry

        lax.fori_loop(0, QB // 4 - 1, body, 0)
        for t in range(3):
            j = QB - 3 + t
            cur = bufs[(1 + t) % 4]
            prv = bufs[t]
            pltpu.make_async_copy(hs_hbm.at[ridx.at[j]], cur, sem).wait()
            pltpu.make_async_copy(prv, acc.at[cidx.at[j - 1]], ssem).wait()
            pltpu.async_copy(cur, acc.at[cidx.at[j]], ssem, add=True)
        pltpu.make_async_copy(bufs[3], acc.at[cidx.at[QB - 1]], ssem).wait()
    plsc.subcore_barrier()
    pltpu.sync_copy(acc.at[pl.ds(sid * RPS, RPS)],
                    out_hbm.at[cid].at[pl.ds(sid * RPS, RPS)])


RB = 400


def _dinv_block(deg_ref):
    d = deg_ref[0][:, 0:1] + deg_ref[1][:, 0:1]
    return lax.rsqrt(d + 1.0)


def _tc_first(x, W1, deg):
    def body(x_ref, w_ref, deg_ref, o_ref, dinv_ref):
        mm = jnp.dot(x_ref[...], w_ref[...], preferred_element_type=jnp.float32)
        dinv = _dinv_block(deg_ref)
        o_ref[...] = mm * dinv
        dinv_ref[...] = jnp.broadcast_to(dinv, (RB, 8))

    return pl.pallas_call(
        body,
        grid=(N // RB,),
        in_specs=[
            pl.BlockSpec((RB, D), lambda i: (i, 0)),
            pl.BlockSpec((D, D), lambda i: (0, 0)),
            pl.BlockSpec((NC, RB, D), lambda i: (0, i, 0)),
        ],
        out_specs=[
            pl.BlockSpec((RB, D), lambda i: (i, 0)),
            pl.BlockSpec((RB, 8), lambda i: (i, 0)),
        ],
        out_shape=[
            jax.ShapeDtypeStruct((N, D), jnp.float32),
            jax.ShapeDtypeStruct((N, 8), jnp.float32),
        ],
    )(x, W1, deg)


def _tc_mid(A, hs, b, W2, dinv8):
    def body(a_ref, hs_ref, b_ref, w_ref, dinv_ref, o_ref):
        dinv = dinv_ref[:, 0:1]
        h = (a_ref[0] + a_ref[1] + hs_ref[...]) * dinv + b_ref[...]
        h = jnp.maximum(h, 0.0)
        mm = jnp.dot(h, w_ref[...], preferred_element_type=jnp.float32)
        o_ref[...] = mm * dinv

    return pl.pallas_call(
        body,
        grid=(N // RB,),
        in_specs=[
            pl.BlockSpec((NC, RB, D), lambda i: (0, i, 0)),
            pl.BlockSpec((RB, D), lambda i: (i, 0)),
            pl.BlockSpec((1, D), lambda i: (0, 0)),
            pl.BlockSpec((D, D), lambda i: (0, 0)),
            pl.BlockSpec((RB, 8), lambda i: (i, 0)),
        ],
        out_specs=pl.BlockSpec((RB, D), lambda i: (i, 0)),
        out_shape=jax.ShapeDtypeStruct((N, D), jnp.float32),
    )(A, hs, b, W2, dinv8)


def _tc_final(A, hs, b, dinv8):
    def body(a_ref, hs_ref, b_ref, dinv_ref, o_ref):
        dinv = dinv_ref[:, 0:1]
        h = (a_ref[0] + a_ref[1] + hs_ref[...]) * dinv + b_ref[...]
        o_ref[...] = jnp.maximum(h, 0.0)

    return pl.pallas_call(
        body,
        grid=(N // RB,),
        in_specs=[
            pl.BlockSpec((NC, RB, D), lambda i: (0, i, 0)),
            pl.BlockSpec((RB, D), lambda i: (i, 0)),
            pl.BlockSpec((1, D), lambda i: (0, 0)),
            pl.BlockSpec((RB, 8), lambda i: (i, 0)),
        ],
        out_specs=pl.BlockSpec((RB, D), lambda i: (i, 0)),
        out_shape=jax.ShapeDtypeStruct((N, D), jnp.float32),
    )(A, hs, b, dinv8)


def kernel(x, edge_index, W1, b1, W2, b2):
    pad = jnp.arange(EP - E, dtype=jnp.int32)
    rowf = jnp.concatenate([edge_index[0].astype(jnp.int32), pad % N])
    colf = jnp.concatenate([edge_index[1].astype(jnp.int32), N + pad % (NP - N)])
    col = colf.reshape(NW, BPW, K)
    rowg = rowf.reshape(NW, BPG, KG)
    colg = colf.reshape(NW, BPG, KG)
    zeros = jnp.zeros((NP, D), jnp.float32)
    onesD = jnp.ones((K, D), jnp.float32)
    b1r = b1.reshape(1, D)
    b2r = b2.reshape(1, D)

    deg = _sc_degree(col, zeros, onesD)
    hs1, dinv8 = _tc_first(x, W1, deg)
    A1 = _sc_aggregate(hs1, rowg, colg, zeros)
    hs2 = _tc_mid(A1, hs1, b1r, W2, dinv8)
    A2 = _sc_aggregate(hs2, rowg, colg, zeros)
    return _tc_final(A2, hs2, b2r, dinv8)

# --- scband reference (transcript-rebuilt; emitter-appended) ---
"""Pipeline reference for scband-gcn-13426067767698 (READ-ONLY COPY).

The authoritative reference and input builder live on the scoring server;
editing this copy changes nothing except your own understanding.
"""

import jax, jax.numpy as jnp
import numpy as np

N_NODES = 10000
N_EDGES = 320000
D_IN = 128
D_HID = 128
D_OUT = 128


def setup_inputs(seed: int = 0) -> dict:
    key = jax.random.key(seed)
    k1, k2, k3, k4, k5, k6 = jax.random.split(key, 6)
    x = jax.random.normal(k1, (N_NODES, D_IN), dtype=jnp.float32)
    edge_index = jax.random.randint(k2, (2, N_EDGES), 0, N_NODES, dtype=jnp.int64)
    # Glorot-style init for GCNConv linear weights (PyG stores weight as [in, out])
    s1 = (6.0 / (D_IN + D_HID)) ** 0.5
    W1 = jax.random.uniform(k3, (D_IN, D_HID), dtype=jnp.float32, minval=-s1, maxval=s1)
    b1 = jnp.zeros((D_HID,), dtype=jnp.float32)
    s2 = (6.0 / (D_HID + D_OUT)) ** 0.5
    W2 = jax.random.uniform(k4, (D_HID, D_OUT), dtype=jnp.float32, minval=-s2, maxval=s2)
    b2 = jnp.zeros((D_OUT,), dtype=jnp.float32)
    return {"x": x, "edge_index": edge_index, "W1": W1, "b1": b1, "W2": W2, "b2": b2}


def _gcn_conv(x, row, col, W, b, num_nodes):
    # x' = D^{-1/2} (A + I) D^{-1/2} X W + b   (PyG GCNConv, normalize=True)
    h = x @ W
    # add self loops
    loop = jnp.arange(num_nodes, dtype=row.dtype)
    r = jnp.concatenate([row, loop])
    c = jnp.concatenate([col, loop])
    deg = jnp.zeros((num_nodes,), dtype=h.dtype).at[c].add(1.0)
    dinv = jnp.where(deg > 0, 1.0 / jnp.sqrt(deg), 0.0)
    norm = dinv[r] * dinv[c]
    msgs = h[r] * norm[:, None]
    out = jax.ops.segment_sum(msgs, c, num_segments=num_nodes)
    return out + b


def reference(x, edge_index, W1, b1, W2, b2):
    row = edge_index[0]
    col = edge_index[1]
    h = _gcn_conv(x, row, col, W1, b1, N_NODES)
    h = jax.nn.relu(h)
    out = _gcn_conv(h, row, col, W2, b2, N_NODES)
    out = jax.nn.relu(out)
    return out

if __name__ == "__main__":
    import jax
    _d = setup_inputs()
    print(jax.jit(kernel)(*tuple(_d.values())))

</pallas_src>

<mosaic_0001>
#map = affine_map<(d0, d1) -> (0, 0, 0)>
#map1 = affine_map<(d0, d1) -> (0, 0)>
module attributes {stable_mosaic.version = 14 : i64} {
  func.func @_sc_degree(%arg0: i32, %arg1: i32, %arg2: memref<32x80x128xi32, #tpu.memory_space<hbm>>, %arg3: memref<10240x128xf32, #tpu.memory_space<hbm>>, %arg4: memref<128x128xf32, #tpu.memory_space<hbm>>, %arg5: memref<2x10240x128xf32, #tpu.memory_space<hbm>>, %arg6: memref<10240x128xf32, #tpu.memory_space<vmem_shared>>, %arg7: memref<80x128xi32, #tpu.memory_space<vmem>>, %arg8: memref<128x128xf32, #tpu.memory_space<vmem>>, %arg9: memref<!tpu.dma_semaphore, #tpu.memory_space<semaphore_mem>>) attributes {dimension_semantics = [#tpu.dimension_semantics<core_parallel>, #tpu.dimension_semantics<subcore_parallel>], iteration_bounds = array<i64: 2, 16>, scalar_prefetch = 0 : i64, scratch_operands = 4 : i64, tpu.core_type = #tpu.core_type<sc_vector_subcore>, window_params = [{transform_indices = #map}, {transform_indices = #map1}, {transform_indices = #map1}, {transform_indices = #map}]} {
    %mul3A = arith.constant 2 : i32
    %mul3A_0 = arith.muli %arg1, %mul3A : i32
    %add3A = arith.addi %mul3A_0, %arg0 : i32
    %mul3A_1 = arith.constant 640 : i32
    %mul3A_2 = arith.muli %arg1, %mul3A_1 : i32
    %mul3A_3 = arith.constant 640 : i32
    %mul3A_4 = arith.muli %arg1, %mul3A_3 : i32
    "tpu.region"() ({
      %run_scoped3A = tpu.sem_alloc : memref<!tpu.dma_semaphore, #tpu.memory_space<semaphore_mem>>
      %dma_start3A = arith.constant 0 : i32
      %dma_start3A_35 = tpu.memref_slice %arg6[%mul3A_4, %dma_start3A] : memref<10240x128xf32, #tpu.memory_space<vmem_shared>> -> memref<640x128xf32, #tpu.memory_space<vmem_shared>>
      %dma_start3A_36 = arith.constant 0 : i32
      %dma_start3A_37 = tpu.memref_slice %arg3[%mul3A_2, %dma_start3A_36] : memref<10240x128xf32, #tpu.memory_space<hbm>> -> memref<640x128xf32, #tpu.memory_space<hbm>>
      tpu.enqueue_dma source(%dma_start3A_37 : memref<640x128xf32, #tpu.memory_space<hbm>>) target(%dma_start3A_35 : memref<640x128xf32, #tpu.memory_space<vmem_shared>>) target_semaphore(%run_scoped3A : memref<!tpu.dma_semaphore, #tpu.memory_space<semaphore_mem>>)
      %dma_wait3A_38 = arith.constant 0 : i32
      %dma_wait3A_39 = tpu.memref_slice %arg6[%mul3A_4, %dma_wait3A_38] : memref<10240x128xf32, #tpu.memory_space<vmem_shared>> -> memref<640x128xf32, #tpu.memory_space<vmem_shared>>
      %dma_wait3A_40 = arith.constant 0 : i32
      %dma_wait3A_41 = tpu.memref_slice %arg3[%mul3A_2, %dma_wait3A_40] : memref<10240x128xf32, #tpu.memory_space<hbm>> -> memref<640x128xf32, #tpu.memory_space<hbm>>
      tpu.wait_dma2 semaphore(%run_scoped3A : memref<!tpu.dma_semaphore, #tpu.memory_space<semaphore_mem>>) src(%dma_wait3A_41 : memref<640x128xf32, #tpu.memory_space<hbm>>) dst(%dma_wait3A_39 : memref<640x128xf32, #tpu.memory_space<vmem_shared>>)
      tpu.yield
    }) : () -> ()
    "tpu.region"() ({
      %run_scoped3A = tpu.sem_alloc : memref<!tpu.dma_semaphore, #tpu.memory_space<semaphore_mem>>
      %dma_start3A = arith.constant 0 : i32
      %dma_start3A_35 = arith.constant 0 : i32
      %dma_start3A_36 = tpu.memref_slice %arg2[%add3A, %dma_start3A, %dma_start3A_35] : memref<32x80x128xi32, #tpu.memory_space<hbm>> -> memref<1x80x128xi32, #tpu.memory_space<hbm>>
      %dma_start3A_37 = tpu.memref_squeeze %dma_start3A_36 : memref<1x80x128xi32, #tpu.memory_space<hbm>> -> memref<80x128xi32, #tpu.memory_space<hbm>>
      %dma_start3A_38 = arith.constant 0 : i32
      %dma_start3A_39 = arith.constant 0 : i32
      %dma_start3A_40 = tpu.memref_slice %arg2[%add3A, %dma_start3A_38, %dma_start3A_39] : memref<32x80x128xi32, #tpu.memory_space<hbm>> -> memref<1x80x128xi32, #tpu.memory_space<hbm>>
      %dma_start3A_41 = tpu.memref_squeeze %dma_start3A_40 : memref<1x80x128xi32, #tpu.memory_space<hbm>> -> memref<80x128xi32, #tpu.memory_space<hbm>>
      tpu.enqueue_dma source(%dma_start3A_41 : memref<80x128xi32, #tpu.memory_space<hbm>>) target(%arg7 : memref<80x128xi32, #tpu.memory_space<vmem>>) target_semaphore(%run_scoped3A : memref<!tpu.dma_semaphore, #tpu.memory_space<semaphore_mem>>)
      %dma_wait3A_42 = arith.constant 0 : i32
      %dma_wait3A_43 = arith.constant 0 : i32
      %dma_wait3A_44 = tpu.memref_slice %arg2[%add3A, %dma_wait3A_42, %dma_wait3A_43] : memref<32x80x128xi32, #tpu.memory_space<hbm>> -> memref<1x80x128xi32, #tpu.memory_space<hbm>>
      %dma_wait3A_45 = tpu.memref_squeeze %dma_wait3A_44 : memref<1x80x128xi32, #tpu.memory_space<hbm>> -> memref<80x128xi32, #tpu.memory_space<hbm>>
      %dma_wait3A_46 = arith.constant 0 : i32
      %dma_wait3A_47 = arith.constant 0 : i32
      %dma_wait3A_48 = tpu.memref_slice %arg2[%add3A, %dma_wait3A_46, %dma_wait3A_47] : memref<32x80x128xi32, #tpu.memory_space<hbm>> -> memref<1x80x128xi32, #tpu.memory_space<hbm>>
      %dma_wait3A_49 = tpu.memref_squeeze %dma_wait3A_48 : memref<1x80x128xi32, #tpu.memory_space<hbm>> -> memref<80x128xi32, #tpu.memory_space<hbm>>
      tpu.wait_dma2 semaphore(%run_scoped3A : memref<!tpu.dma_semaphore, #tpu.memory_space<semaphore_mem>>) src(%dma_wait3A_49 : memref<80x128xi32, #tpu.memory_space<hbm>>) dst(%arg7 : memref<80x128xi32, #tpu.memory_space<vmem>>)
      tpu.yield
    }) : () -> ()
    "tpu.region"() ({
      %run_scoped3A = tpu.sem_alloc : memref<!tpu.dma_semaphore, #tpu.memory_space<semaphore_mem>>
      tpu.enqueue_dma source(%arg4 : memref<128x128xf32, #tpu.memory_space<hbm>>) target(%arg8 : memref<128x128xf32, #tpu.memory_space<vmem>>) target_semaphore(%run_scoped3A : memref<!tpu.dma_semaphore, #tpu.memory_space<semaphore_mem>>)
      tpu.wait_dma2 semaphore(%run_scoped3A : memref<!tpu.dma_semaphore, #tpu.memory_space<semaphore_mem>>) src(%arg4 : memref<128x128xf32, #tpu.memory_space<hbm>>) dst(%arg8 : memref<128x128xf32, #tpu.memory_space<vmem>>)
      tpu.yield
    }) : () -> ()
    %barrier3A = arith.constant 0 : index
    tpu.barrier barrier_id(%barrier3A)
    %scan3A = arith.constant 0 : i32
    %scan3A_5 = arith.constant 0 : i32
    %scan3A_6 = arith.constant 80 : i32
    %scan3A_7 = arith.addi %scan3A_5, %scan3A_6 : i32
    %scan3A_8 = arith.constant 1 : i32
    scf.for %scan3A_35 = %scan3A_5 to %scan3A_7 step %scan3A_8  : i32 {
      %dma_start3A = arith.constant 0 : i32
      %dma_start3A_36 = tpu.memref_slice %arg7[%scan3A_35, %dma_start3A] : memref<80x128xi32, #tpu.memory_space<vmem>> -> memref<1x128xi32, #tpu.memory_space<vmem>>
      %dma_start3A_37 = tpu.memref_squeeze %dma_start3A_36 : memref<1x128xi32, #tpu.memory_space<vmem>> -> memref<128xi32, #tpu.memory_space<vmem>>
      %dma_start3A_38 = arith.constant 0 : i32
      %dma_start3A_39 = arith.constant 0 : i32
      %dma_start3A_40 = tpu.memref_slice %arg6[%dma_start3A_38, %dma_start3A_39] : memref<10240x128xf32, #tpu.memory_space<vmem_shared>> -> memref<10240x128xf32, #tpu.memory_space<vmem_shared>>
      tpu.enqueue_indirect_dma source(%arg8 : memref<128x128xf32, #tpu.memory_space<vmem>>) target(%dma_start3A_40 : memref<10240x128xf32, #tpu.memory_space<vmem_shared>>) offsets(%dma_start3A_37 : memref<128xi32, #tpu.memory_space<vmem>>) semaphore(%arg9 : memref<!tpu.dma_semaphore, #tpu.memory_space<semaphore_mem>>) {add = true}
      %ge3A = arith.constant 3 : i32
      %ge3A_41 = arith.cmpi sge, %scan3A_35, %ge3A : i32
      %convert_element_type3A = arith.extui %ge3A_41 : i1 to i32
      %cond3A = arith.constant 0 : i32
      %cond3A_42 = arith.cmpi ne, %convert_element_type3A, %cond3A : i32
      scf.if %cond3A_42 {
        %sub3A = arith.constant 3 : i32
        %sub3A_43 = arith.subi %scan3A_35, %sub3A : i32
        %dma_wait3A_44 = arith.constant 0 : i32
        %dma_wait3A_45 = tpu.memref_slice %arg7[%sub3A_43, %dma_wait3A_44] : memref<80x128xi32, #tpu.memory_space<vmem>> -> memref<1x128xi32, #tpu.memory_space<vmem>>
        %dma_wait3A_46 = tpu.memref_squeeze %dma_wait3A_45 : memref<1x128xi32, #tpu.memory_space<vmem>> -> memref<128xi32, #tpu.memory_space<vmem>>
        %dma_wait3A_47 = arith.constant 0 : i32
        %dma_wait3A_48 = arith.constant 0 : i32
        %dma_wait3A_49 = tpu.memref_slice %arg6[%dma_wait3A_47, %dma_wait3A_48] : memref<10240x128xf32, #tpu.memory_space<vmem_shared>> -> memref<10240x128xf32, #tpu.memory_space<vmem_shared>>
        tpu.wait_indirect_dma semaphore(%arg9 : memref<!tpu.dma_semaphore, #tpu.memory_space<semaphore_mem>>) src(%arg8 : memref<128x128xf32, #tpu.memory_space<vmem>>) dst(%dma_wait3A_49 : memref<10240x128xf32, #tpu.memory_space<vmem_shared>>)
      } else {
      }
    }
    %scan3A_9 = arith.constant 80 : i32
    %dma_wait3A = arith.constant 77 : i32
    %dma_wait3A_10 = arith.constant 0 : i32
    %dma_wait3A_11 = tpu.memref_slice %arg7[%dma_wait3A, %dma_wait3A_10] : memref<80x128xi32, #tpu.memory_space<vmem>> -> memref<1x128xi32, #tpu.memory_space<vmem>>
    %dma_wait3A_12 = tpu.memref_squeeze %dma_wait3A_11 : memref<1x128xi32, #tpu.memory_space<vmem>> -> memref<128xi32, #tpu.memory_space<vmem>>
    %dma_wait3A_13 = arith.constant 0 : i32
    %dma_wait3A_14 = arith.constant 0 : i32
    %dma_wait3A_15 = tpu.memref_slice %arg6[%dma_wait3A_13, %dma_wait3A_14] : memref<10240x128xf32, #tpu.memory_space<vmem_shared>> -> memref<10240x128xf32, #tpu.memory_space<vmem_shared>>
    tpu.wait_indirect_dma semaphore(%arg9 : memref<!tpu.dma_semaphore, #tpu.memory_space<semaphore_mem>>) src(%arg8 : memref<128x128xf32, #tpu.memory_space<vmem>>) dst(%dma_wait3A_15 : memref<10240x128xf32, #tpu.memory_space<vmem_shared>>)
    %dma_wait3A_16 = arith.constant 78 : i32
    %dma_wait3A_17 = arith.constant 0 : i32
    %dma_wait3A_18 = tpu.memref_slice %arg7[%dma_wait3A_16, %dma_wait3A_17] : memref<80x128xi32, #tpu.memory_space<vmem>> -> memref<1x128xi32, #tpu.memory_space<vmem>>
    %dma_wait3A_19 = tpu.memref_squeeze %dma_wait3A_18 : memref<1x128xi32, #tpu.memory_space<vmem>> -> memref<128xi32, #tpu.memory_space<vmem>>
    %dma_wait3A_20 = arith.constant 0 : i32
    %dma_wait3A_21 = arith.constant 0 : i32
    %dma_wait3A_22 = tpu.memref_slice %arg6[%dma_wait3A_20, %dma_wait3A_21] : memref<10240x128xf32, #tpu.memory_space<vmem_shared>> -> memref<10240x128xf32, #tpu.memory_space<vmem_shared>>
    tpu.wait_indirect_dma semaphore(%arg9 : memref<!tpu.dma_semaphore, #tpu.memory_space<semaphore_mem>>) src(%arg8 : memref<128x128xf32, #tpu.memory_space<vmem>>) dst(%dma_wait3A_22 : memref<10240x128xf32, #tpu.memory_space<vmem_shared>>)
    %dma_wait3A_23 = arith.constant 79 : i32
    %dma_wait3A_24 = arith.constant 0 : i32
    %dma_wait3A_25 = tpu.memref_slice %arg7[%dma_wait3A_23, %dma_wait3A_24] : memref<80x128xi32, #tpu.memory_space<vmem>> -> memref<1x128xi32, #tpu.memory_space<vmem>>
    %dma_wait3A_26 = tpu.memref_squeeze %dma_wait3A_25 : memref<1x128xi32, #tpu.memory_space<vmem>> -> memref<128xi32, #tpu.memory_space<vmem>>
    %dma_wait3A_27 = arith.constant 0 : i32
    %dma_wait3A_28 = arith.constant 0 : i32
    %dma_wait3A_29 = tpu.memref_slice %arg6[%dma_wait3A_27, %dma_wait3A_28] : memref<10240x128xf32, #tpu.memory_space<vmem_shared>> -> memref<10240x128xf32, #tpu.memory_space<vmem_shared>>
    tpu.wait_indirect_dma semaphore(%arg9 : memref<!tpu.dma_semaphore, #tpu.memory_space<semaphore_mem>>) src(%arg8 : memref<128x128xf32, #tpu.memory_space<vmem>>) dst(%dma_wait3A_29 : memref<10240x128xf32, #tpu.memory_space<vmem_shared>>)
    %barrier3A_30 = arith.constant 0 : index
    tpu.barrier barrier_id(%barrier3A_30)
    %mul3A_31 = arith.constant 640 : i32
    %mul3A_32 = arith.muli %arg1, %mul3A_31 : i32
    %mul3A_33 = arith.constant 640 : i32
    %mul3A_34 = arith.muli %arg1, %mul3A_33 : i32
    "tpu.region"() ({
      %run_scoped3A = tpu.sem_alloc : memref<!tpu.dma_semaphore, #tpu.memory_space<semaphore_mem>>
      %dma_start3A = arith.constant 0 : i32
      %dma_start3A_35 = arith.constant 0 : i32
      %dma_start3A_36 = tpu.memref_slice %arg5[%arg0, %dma_start3A, %dma_start3A_35] : memref<2x10240x128xf32, #tpu.memory_space<hbm>> -> memref<1x10240x128xf32, #tpu.memory_space<hbm>>
      %dma_start3A_37 = tpu.memref_squeeze %dma_start3A_36 : memref<1x10240x128xf32, #tpu.memory_space<hbm>> -> memref<10240x128xf32, #tpu.memory_space<hbm>>
      %dma_start3A_38 = arith.constant 0 : i32
      %dma_start3A_39 = tpu.memref_slice %dma_start3A_37[%mul3A_34, %dma_start3A_38] : memref<10240x128xf32, #tpu.memory_space<hbm>> -> memref<640x128xf32, #tpu.memory_space<hbm>>
      %dma_start3A_40 = arith.constant 0 : i32
      %dma_start3A_41 = tpu.memref_slice %arg6[%mul3A_32, %dma_start3A_40] : memref<10240x128xf32, #tpu.memory_space<vmem_shared>> -> memref<640x128xf32, #tpu.memory_space<vmem_shared>>
      tpu.enqueue_dma source(%dma_start3A_41 : memref<640x128xf32, #tpu.memory_space<vmem_shared>>) target(%dma_start3A_39 : memref<640x128xf32, #tpu.memory_space<hbm>>) target_semaphore(%run_scoped3A : memref<!tpu.dma_semaphore, #tpu.memory_space<semaphore_mem>>)
      %dma_wait3A_42 = arith.constant 0 : i32
      %dma_wait3A_43 = arith.constant 0 : i32
      %dma_wait3A_44 = tpu.memref_slice %arg5[%arg0, %dma_wait3A_42, %dma_wait3A_43] : memref<2x10240x128xf32, #tpu.memory_space<hbm>> -> memref<1x10240x128xf32, #tpu.memory_space<hbm>>
      %dma_wait3A_45 = tpu.memref_squeeze %dma_wait3A_44 : memref<1x10240x128xf32, #tpu.memory_space<hbm>> -> memref<10240x128xf32, #tpu.memory_space<hbm>>
      %dma_wait3A_46 = arith.constant 0 : i32
      %dma_wait3A_47 = tpu.memref_slice %dma_wait3A_45[%mul3A_34, %dma_wait3A_46] : memref<10240x128xf32, #tpu.memory_space<hbm>> -> memref<640x128xf32, #tpu.memory_space<hbm>>
      %dma_wait3A_48 = arith.constant 0 : i32
      %dma_wait3A_49 = tpu.memref_slice %arg6[%mul3A_32, %dma_wait3A_48] : memref<10240x128xf32, #tpu.memory_space<vmem_shared>> -> memref<640x128xf32, #tpu.memory_space<vmem_shared>>
      tpu.wait_dma2 semaphore(%run_scoped3A : memref<!tpu.dma_semaphore, #tpu.memory_space<semaphore_mem>>) src(%dma_wait3A_49 : memref<640x128xf32, #tpu.memory_space<vmem_shared>>) dst(%dma_wait3A_47 : memref<640x128xf32, #tpu.memory_space<hbm>>)
      tpu.yield
    }) : () -> ()
    return
  }
}

#map = affine_map<(d0, d1) -> (0, 0)>
#map1 = affine_map<(d0, d1) -> (0, 0, 0)>
module attributes {stable_mosaic.version = 14 : i64} {
  func.func @_sc_aggregate(%arg0: i32, %arg1: i32, %arg2: memref<10000x128xf32, #tpu.memory_space<hbm>>, %arg3: memref<32x160x64xi32, #tpu.memory_space<hbm>>, %arg4: memref<32x160x64xi32, #tpu.memory_space<hbm>>, %arg5: memref<10240x128xf32, #tpu.memory_space<hbm>>, %arg6: memref<2x10240x128xf32, #tpu.memory_space<hbm>>, %arg7: memref<10240x128xf32, #tpu.memory_space<vmem_shared>>, %arg8: memref<40x64xi32, #tpu.memory_space<vmem>>, %arg9: memref<40x64xi32, #tpu.memory_space<vmem>>, %arg10: memref<64x128xf32, #tpu.memory_space<vmem>>, %arg11: memref<64x128xf32, #tpu.memory_space<vmem>>, %arg12: memref<64x128xf32, #tpu.memory_space<vmem>>, %arg13: memref<64x128xf32, #tpu.memory_space<vmem>>, %arg14: memref<!tpu.dma_semaphore, #tpu.memory_space<semaphore_mem>>, %arg15: memref<!tpu.dma_semaphore, #tpu.memory_space<semaphore_mem>>) attributes {dimension_semantics = [#tpu.dimension_semantics<core_parallel>, #tpu.dimension_semantics<subcore_parallel>], iteration_bounds = array<i64: 2, 16>, scalar_prefetch = 0 : i64, scratch_operands = 9 : i64, tpu.core_type = #tpu.core_type<sc_vector_subcore>, window_params = [{transform_indices = #map}, {transform_indices = #map1}, {transform_indices = #map1}, {transform_indices = #map}, {transform_indices = #map1}]} {
    %mul3A = arith.constant 2 : i32
    %mul3A_0 = arith.muli %arg1, %mul3A : i32
    %add3A = arith.addi %mul3A_0, %arg0 : i32
    %mul3A_1 = arith.constant 640 : i32
    %mul3A_2 = arith.muli %arg1, %mul3A_1 : i32
    %mul3A_3 = arith.constant 640 : i32
    %mul3A_4 = arith.muli %arg1, %mul3A_3 : i32
    "tpu.region"() ({
      %run_scoped3A = tpu.sem_alloc : memref<!tpu.dma_semaphore, #tpu.memory_space<semaphore_mem>>
      %dma_start3A_479 = arith.constant 0 : i32
      %dma_start3A_480 = tpu.memref_slice %arg7[%mul3A_4, %dma_start3A_479] : memref<10240x128xf32, #tpu.memory_space<vmem_shared>> -> memref<640x128xf32, #tpu.memory_space<vmem_shared>>
      %dma_start3A_481 = arith.constant 0 : i32
      %dma_start3A_482 = tpu.memref_slice %arg5[%mul3A_2, %dma_start3A_481] : memref<10240x128xf32, #tpu.memory_space<hbm>> -> memref<640x128xf32, #tpu.memory_space<hbm>>
      tpu.enqueue_dma source(%dma_start3A_482 : memref<640x128xf32, #tpu.memory_space<hbm>>) target(%dma_start3A_480 : memref<640x128xf32, #tpu.memory_space<vmem_shared>>) target_semaphore(%run_scoped3A : memref<!tpu.dma_semaphore, #tpu.memory_space<semaphore_mem>>)
      %dma_wait3A_483 = arith.constant 0 : i32
      %dma_wait3A_484 = tpu.memref_slice %arg7[%mul3A_4, %dma_wait3A_483] : memref<10240x128xf32, #tpu.memory_space<vmem_shared>> -> memref<640x128xf32, #tpu.memory_space<vmem_shared>>
      %dma_wait3A_485 = arith.constant 0 : i32
      %dma_wait3A_486 = tpu.memref_slice %arg5[%mul3A_2, %dma_wait3A_485] : memref<10240x128xf32, #tpu.memory_space<hbm>> -> memref<640x128xf32, #tpu.memory_space<hbm>>
      tpu.wait_dma2 semaphore(%run_scoped3A : memref<!tpu.dma_semaphore, #tpu.memory_space<semaphore_mem>>) src(%dma_wait3A_486 : memref<640x128xf32, #tpu.memory_space<hbm>>) dst(%dma_wait3A_484 : memref<640x128xf32, #tpu.memory_space<vmem_shared>>)
      tpu.yield
    }) : () -> ()
    %barrier3A = arith.constant 0 : index
    tpu.barrier barrier_id(%barrier3A)
    "tpu.region"() ({
      %run_scoped3A = tpu.sem_alloc : memref<!tpu.dma_semaphore, #tpu.memory_space<semaphore_mem>>
      %dma_start3A_479 = arith.constant 0 : i32
      %dma_start3A_480 = arith.constant 0 : i32
      %dma_start3A_481 = tpu.memref_slice %arg3[%add3A, %dma_start3A_479, %dma_start3A_480] : memref<32x160x64xi32, #tpu.memory_space<hbm>> -> memref<1x160x64xi32, #tpu.memory_space<hbm>>
      %dma_start3A_482 = tpu.memref_squeeze %dma_start3A_481 : memref<1x160x64xi32, #tpu.memory_space<hbm>> -> memref<160x64xi32, #tpu.memory_space<hbm>>
      %dma_start3A_483 = arith.constant 0 : i32
      %dma_start3A_484 = arith.constant 0 : i32
      %dma_start3A_485 = tpu.memref_slice %dma_start3A_482[%dma_start3A_483, %dma_start3A_484] : memref<160x64xi32, #tpu.memory_space<hbm>> -> memref<40x64xi32, #tpu.memory_space<hbm>>
      %dma_start3A_486 = arith.constant 0 : i32
      %dma_start3A_487 = arith.constant 0 : i32
      %dma_start3A_488 = tpu.memref_slice %arg3[%add3A, %dma_start3A_486, %dma_start3A_487] : memref<32x160x64xi32, #tpu.memory_space<hbm>> -> memref<1x160x64xi32, #tpu.memory_space<hbm>>
      %dma_start3A_489 = tpu.memref_squeeze %dma_start3A_488 : memref<1x160x64xi32, #tpu.memory_space<hbm>> -> memref<160x64xi32, #tpu.memory_space<hbm>>
      %dma_start3A_490 = arith.constant 0 : i32
      %dma_start3A_491 = arith.constant 0 : i32
      %dma_start3A_492 = tpu.memref_slice %dma_start3A_489[%dma_start3A_490, %dma_start3A_491] : memref<160x64xi32, #tpu.memory_space<hbm>> -> memref<40x64xi32, #tpu.memory_space<hbm>>
      tpu.enqueue_dma source(%dma_start3A_492 : memref<40x64xi32, #tpu.memory_space<hbm>>) target(%arg8 : memref<40x64xi32, #tpu.memory_space<vmem>>) target_semaphore(%run_scoped3A : memref<!tpu.dma_semaphore, #tpu.memory_space<semaphore_mem>>)
      %dma_wait3A_493 = arith.constant 0 : i32
      %dma_wait3A_494 = arith.constant 0 : i32
      %dma_wait3A_495 = tpu.memref_slice %arg3[%add3A, %dma_wait3A_493, %dma_wait3A_494] : memref<32x160x64xi32, #tpu.memory_space<hbm>> -> memref<1x160x64xi32, #tpu.memory_space<hbm>>
      %dma_wait3A_496 = tpu.memref_squeeze %dma_wait3A_495 : memref<1x160x64xi32, #tpu.memory_space<hbm>> -> memref<160x64xi32, #tpu.memory_space<hbm>>
      %dma_wait3A_497 = arith.constant 0 : i32
      %dma_wait3A_498 = arith.constant 0 : i32
      %dma_wait3A_499 = tpu.memref_slice %dma_wait3A_496[%dma_wait3A_497, %dma_wait3A_498] : memref<160x64xi32, #tpu.memory_space<hbm>> -> memref<40x64xi32, #tpu.memory_space<hbm>>
      %dma_wait3A_500 = arith.constant 0 : i32
      %dma_wait3A_501 = arith.constant 0 : i32
      %dma_wait3A_502 = tpu.memref_slice %arg3[%add3A, %dma_wait3A_500, %dma_wait3A_501] : memref<32x160x64xi32, #tpu.memory_space<hbm>> -> memref<1x160x64xi32, #tpu.memory_space<hbm>>
      %dma_wait3A_503 = tpu.memref_squeeze %dma_wait3A_502 : memref<1x160x64xi32, #tpu.memory_space<hbm>> -> memref<160x64xi32, #tpu.memory_space<hbm>>
      %dma_wait3A_504 = arith.constant 0 : i32
      %dma_wait3A_505 = arith.constant 0 : i32
      %dma_wait3A_506 = tpu.memref_slice %dma_wait3A_503[%dma_wait3A_504, %dma_wait3A_505] : memref<160x64xi32, #tpu.memory_space<hbm>> -> memref<40x64xi32, #tpu.memory_space<hbm>>
      tpu.wait_dma2 semaphore(%run_scoped3A : memref<!tpu.dma_semaphore, #tpu.memory_space<semaphore_mem>>) src(%dma_wait3A_506 : memref<40x64xi32, #tpu.memory_space<hbm>>) dst(%arg8 : memref<40x64xi32, #tpu.memory_space<vmem>>)
      tpu.yield
    }) : () -> ()
    "tpu.region"() ({
      %run_scoped3A = tpu.sem_alloc : memref<!tpu.dma_semaphore, #tpu.memory_space<semaphore_mem>>
      %dma_start3A_479 = arith.constant 0 : i32
      %dma_start3A_480 = arith.constant 0 : i32
      %dma_start3A_481 = tpu.memref_slice %arg4[%add3A, %dma_start3A_479, %dma_start3A_480] : memref<32x160x64xi32, #tpu.memory_space<hbm>> -> memref<1x160x64xi32, #tpu.memory_space<hbm>>
      %dma_start3A_482 = tpu.memref_squeeze %dma_start3A_481 : memref<1x160x64xi32, #tpu.memory_space<hbm>> -> memref<160x64xi32, #tpu.memory_space<hbm>>
      %dma_start3A_483 = arith.constant 0 : i32
      %dma_start3A_484 = arith.constant 0 : i32
      %dma_start3A_485 = tpu.memref_slice %dma_start3A_482[%dma_start3A_483, %dma_start3A_484] : memref<160x64xi32, #tpu.memory_space<hbm>> -> memref<40x64xi32, #tpu.memory_space<hbm>>
      %dma_start3A_486 = arith.constant 0 : i32
      %dma_start3A_487 = arith.constant 0 : i32
      %dma_start3A_488 = tpu.memref_slice %arg4[%add3A, %dma_start3A_486, %dma_start3A_487] : memref<32x160x64xi32, #tpu.memory_space<hbm>> -> memref<1x160x64xi32, #tpu.memory_space<hbm>>
      %dma_start3A_489 = tpu.memref_squeeze %dma_start3A_488 : memref<1x160x64xi32, #tpu.memory_space<hbm>> -> memref<160x64xi32, #tpu.memory_space<hbm>>
      %dma_start3A_490 = arith.constant 0 : i32
      %dma_start3A_491 = arith.constant 0 : i32
      %dma_start3A_492 = tpu.memref_slice %dma_start3A_489[%dma_start3A_490, %dma_start3A_491] : memref<160x64xi32, #tpu.memory_space<hbm>> -> memref<40x64xi32, #tpu.memory_space<hbm>>
      tpu.enqueue_dma source(%dma_start3A_492 : memref<40x64xi32, #tpu.memory_space<hbm>>) target(%arg9 : memref<40x64xi32, #tpu.memory_space<vmem>>) target_semaphore(%run_scoped3A : memref<!tpu.dma_semaphore, #tpu.memory_space<semaphore_mem>>)
      %dma_wait3A_493 = arith.constant 0 : i32
      %dma_wait3A_494 = arith.constant 0 : i32
      %dma_wait3A_495 = tpu.memref_slice %arg4[%add3A, %dma_wait3A_493, %dma_wait3A_494] : memref<32x160x64xi32, #tpu.memory_space<hbm>> -> memref<1x160x64xi32, #tpu.memory_space<hbm>>
      %dma_wait3A_496 = tpu.memref_squeeze %dma_wait3A_495 : memref<1x160x64xi32, #tpu.memory_space<hbm>> -> memref<160x64xi32, #tpu.memory_space<hbm>>
      %dma_wait3A_497 = arith.constant 0 : i32
      %dma_wait3A_498 = arith.constant 0 : i32
      %dma_wait3A_499 = tpu.memref_slice %dma_wait3A_496[%dma_wait3A_497, %dma_wait3A_498] : memref<160x64xi32, #tpu.memory_space<hbm>> -> memref<40x64xi32, #tpu.memory_space<hbm>>
      %dma_wait3A_500 = arith.constant 0 : i32
      %dma_wait3A_501 = arith.constant 0 : i32
      %dma_wait3A_502 = tpu.memref_slice %arg4[%add3A, %dma_wait3A_500, %dma_wait3A_501] : memref<32x160x64xi32, #tpu.memory_space<hbm>> -> memref<1x160x64xi32, #tpu.memory_space<hbm>>
      %dma_wait3A_503 = tpu.memref_squeeze %dma_wait3A_502 : memref<1x160x64xi32, #tpu.memory_space<hbm>> -> memref<160x64xi32, #tpu.memory_space<hbm>>
      %dma_wait3A_504 = arith.constant 0 : i32
      %dma_wait3A_505 = arith.constant 0 : i32
      %dma_wait3A_506 = tpu.memref_slice %dma_wait3A_503[%dma_wait3A_504, %dma_wait3A_505] : memref<160x64xi32, #tpu.memory_space<hbm>> -> memref<40x64xi32, #tpu.memory_space<hbm>>
      tpu.wait_dma2 semaphore(%run_scoped3A : memref<!tpu.dma_semaphore, #tpu.memory_space<semaphore_mem>>) src(%dma_wait3A_506 : memref<40x64xi32, #tpu.memory_space<hbm>>) dst(%arg9 : memref<40x64xi32, #tpu.memory_space<vmem>>)
      tpu.yield
    }) : () -> ()
    %dma_start3A = arith.constant 0 : i32
    %dma_start3A_5 = arith.constant 0 : i32
    %dma_start3A_6 = tpu.memref_slice %arg8[%dma_start3A, %dma_start3A_5] : memref<40x64xi32, #tpu.memory_space<vmem>> -> memref<1x64xi32, #tpu.memory_space<vmem>>
    %dma_start3A_7 = tpu.memref_squeeze %dma_start3A_6 : memref<1x64xi32, #tpu.memory_space<vmem>> -> memref<64xi32, #tpu.memory_space<vmem>>
    %dma_start3A_8 = arith.constant 0 : i32
    %dma_start3A_9 = arith.constant 0 : i32
    %dma_start3A_10 = tpu.memref_slice %arg2[%dma_start3A_8, %dma_start3A_9] : memref<10000x128xf32, #tpu.memory_space<hbm>> -> memref<10000x128xf32, #tpu.memory_space<hbm>>
    tpu.enqueue_indirect_dma source(%dma_start3A_10 : memref<10000x128xf32, #tpu.memory_space<hbm>>) target(%arg10 : memref<64x128xf32, #tpu.memory_space<vmem>>) offsets(%dma_start3A_7 : memref<64xi32, #tpu.memory_space<vmem>>) semaphore(%arg14 : memref<!tpu.dma_semaphore, #tpu.memory_space<semaphore_mem>>)
    %dma_start3A_11 = arith.constant 1 : i32
    %dma_start3A_12 = arith.constant 0 : i32
    %dma_start3A_13 = tpu.memref_slice %arg8[%dma_start3A_11, %dma_start3A_12] : memref<40x64xi32, #tpu.memory_space<vmem>> -> memref<1x64xi32, #tpu.memory_space<vmem>>
    %dma_start3A_14 = tpu.memref_squeeze %dma_start3A_13 : memref<1x64xi32, #tpu.memory_space<vmem>> -> memref<64xi32, #tpu.memory_space<vmem>>
    %dma_start3A_15 = arith.constant 0 : i32
    %dma_start3A_16 = arith.constant 0 : i32
    %dma_start3A_17 = tpu.memref_slice %arg2[%dma_start3A_15, %dma_start3A_16] : memref<10000x128xf32, #tpu.memory_space<hbm>> -> memref<10000x128xf32, #tpu.memory_space<hbm>>
    tpu.enqueue_indirect_dma source(%dma_start3A_17 : memref<10000x128xf32, #tpu.memory_space<hbm>>) target(%arg11 : memref<64x128xf32, #tpu.memory_space<vmem>>) offsets(%dma_start3A_14 : memref<64xi32, #tpu.memory_space<vmem>>) semaphore(%arg14 : memref<!tpu.dma_semaphore, #tpu.memory_space<semaphore_mem>>)
    %dma_start3A_18 = arith.constant 2 : i32
    %dma_start3A_19 = arith.constant 0 : i32
    %dma_start3A_20 = tpu.memref_slice %arg8[%dma_start3A_18, %dma_start3A_19] : memref<40x64xi32, #tpu.memory_space<vmem>> -> memref<1x64xi32, #tpu.memory_space<vmem>>
    %dma_start3A_21 = tpu.memref_squeeze %dma_start3A_20 : memref<1x64xi32, #tpu.memory_space<vmem>> -> memref<64xi32, #tpu.memory_space<vmem>>
    %dma_start3A_22 = arith.constant 0 : i32
    %dma_start3A_23 = arith.constant 0 : i32
    %dma_start3A_24 = tpu.memref_slice %arg2[%dma_start3A_22, %dma_start3A_23] : memref<10000x128xf32, #tpu.memory_space<hbm>> -> memref<10000x128xf32, #tpu.memory_space<hbm>>
    tpu.enqueue_indirect_dma source(%dma_start3A_24 : memref<10000x128xf32, #tpu.memory_space<hbm>>) target(%arg12 : memref<64x128xf32, #tpu.memory_space<vmem>>) offsets(%dma_start3A_21 : memref<64xi32, #tpu.memory_space<vmem>>) semaphore(%arg14 : memref<!tpu.dma_semaphore, #tpu.memory_space<semaphore_mem>>)
    %dma_wait3A = arith.constant 0 : i32
    %dma_wait3A_25 = arith.constant 0 : i32
    %dma_wait3A_26 = tpu.memref_slice %arg8[%dma_wait3A, %dma_wait3A_25] : memref<40x64xi32, #tpu.memory_space<vmem>> -> memref<1x64xi32, #tpu.memory_space<vmem>>
    %dma_wait3A_27 = tpu.memref_squeeze %dma_wait3A_26 : memref<1x64xi32, #tpu.memory_space<vmem>> -> memref<64xi32, #tpu.memory_space<vmem>>
    %dma_wait3A_28 = arith.constant 0 : i32
    %dma_wait3A_29 = arith.constant 0 : i32
    %dma_wait3A_30 = tpu.memref_slice %arg2[%dma_wait3A_28, %dma_wait3A_29] : memref<10000x128xf32, #tpu.memory_space<hbm>> -> memref<10000x128xf32, #tpu.memory_space<hbm>>
    tpu.wait_indirect_dma semaphore(%arg14 : memref<!tpu.dma_semaphore, #tpu.memory_space<semaphore_mem>>) src(%dma_wait3A_30 : memref<10000x128xf32, #tpu.memory_space<hbm>>) dst(%arg10 : memref<64x128xf32, #tpu.memory_space<vmem>>)
    %dma_start3A_31 = arith.constant 3 : i32
    %dma_start3A_32 = arith.constant 0 : i32
    %dma_start3A_33 = tpu.memref_slice %arg8[%dma_start3A_31, %dma_start3A_32] : memref<40x64xi32, #tpu.memory_space<vmem>> -> memref<1x64xi32, #tpu.memory_space<vmem>>
    %dma_start3A_34 = tpu.memref_squeeze %dma_start3A_33 : memref<1x64xi32, #tpu.memory_space<vmem>> -> memref<64xi32, #tpu.memory_space<vmem>>
    %dma_start3A_35 = arith.constant 0 : i32
    %dma_start3A_36 = arith.constant 0 : i32
    %dma_start3A_37 = tpu.memref_slice %arg2[%dma_start3A_35, %dma_start3A_36] : memref<10000x128xf32, #tpu.memory_space<hbm>> -> memref<10000x128xf32, #tpu.memory_space<hbm>>
    tpu.enqueue_indirect_dma source(%dma_start3A_37 : memref<10000x128xf32, #tpu.memory_space<hbm>>) target(%arg13 : memref<64x128xf32, #tpu.memory_space<vmem>>) offsets(%dma_start3A_34 : memref<64xi32, #tpu.memory_space<vmem>>) semaphore(%arg14 : memref<!tpu.dma_semaphore, #tpu.memory_space<semaphore_mem>>)
    %dma_start3A_38 = arith.constant 0 : i32
    %dma_start3A_39 = arith.constant 0 : i32
    %dma_start3A_40 = tpu.memref_slice %arg9[%dma_start3A_38, %dma_start3A_39] : memref<40x64xi32, #tpu.memory_space<vmem>> -> memref<1x64xi32, #tpu.memory_space<vmem>>
    %dma_start3A_41 = tpu.memref_squeeze %dma_start3A_40 : memref<1x64xi32, #tpu.memory_space<vmem>> -> memref<64xi32, #tpu.memory_space<vmem>>
    %dma_start3A_42 = arith.constant 0 : i32
    %dma_start3A_43 = arith.constant 0 : i32
    %dma_start3A_44 = tpu.memref_slice %arg7[%dma_start3A_42, %dma_start3A_43] : memref<10240x128xf32, #tpu.memory_space<vmem_shared>> -> memref<10240x128xf32, #tpu.memory_space<vmem_shared>>
    tpu.enqueue_indirect_dma source(%arg10 : memref<64x128xf32, #tpu.memory_space<vmem>>) target(%dma_start3A_44 : memref<10240x128xf32, #tpu.memory_space<vmem_shared>>) offsets(%dma_start3A_41 : memref<64xi32, #tpu.memory_space<vmem>>) semaphore(%arg15 : memref<!tpu.dma_semaphore, #tpu.memory_space<semaphore_mem>>) {add = true}
    %scan3A = arith.constant 0 : i32
    %scan3A_45 = arith.constant 0 : i32
    %scan3A_46 = arith.constant 9 : i32
    %scan3A_47 = arith.addi %scan3A_45, %scan3A_46 : i32
    %scan3A_48 = arith.constant 1 : i32
    scf.for %scan3A_479 = %scan3A_45 to %scan3A_47 step %scan3A_48  : i32 {
      %mul3A_480 = arith.constant 4 : i32
      %mul3A_481 = arith.muli %mul3A_480, %scan3A_479 : i32
      %add3A_482 = arith.constant 1 : i32
      %add3A_483 = arith.addi %mul3A_481, %add3A_482 : i32
      %add3A_484 = arith.constant 0 : i32
      %add3A_485 = arith.addi %add3A_483, %add3A_484 : i32
      %dma_wait3A_486 = arith.constant 0 : i32
      %dma_wait3A_487 = tpu.memref_slice %arg8[%add3A_485, %dma_wait3A_486] : memref<40x64xi32, #tpu.memory_space<vmem>> -> memref<1x64xi32, #tpu.memory_space<vmem>>
      %dma_wait3A_488 = tpu.memref_squeeze %dma_wait3A_487 : memref<1x64xi32, #tpu.memory_space<vmem>> -> memref<64xi32, #tpu.memory_space<vmem>>
      %dma_wait3A_489 = arith.constant 0 : i32
      %dma_wait3A_490 = arith.constant 0 : i32
      %dma_wait3A_491 = tpu.memref_slice %arg2[%dma_wait3A_489, %dma_wait3A_490] : memref<10000x128xf32, #tpu.memory_space<hbm>> -> memref<10000x128xf32, #tpu.memory_space<hbm>>
      tpu.wait_indirect_dma semaphore(%arg14 : memref<!tpu.dma_semaphore, #tpu.memory_space<semaphore_mem>>) src(%dma_wait3A_491 : memref<10000x128xf32, #tpu.memory_space<hbm>>) dst(%arg11 : memref<64x128xf32, #tpu.memory_space<vmem>>)
      %sub3A = arith.constant 1 : i32
      %sub3A_492 = arith.subi %add3A_485, %sub3A : i32
      %dma_wait3A_493 = arith.constant 0 : i32
      %dma_wait3A_494 = tpu.memref_slice %arg9[%sub3A_492, %dma_wait3A_493] : memref<40x64xi32, #tpu.memory_space<vmem>> -> memref<1x64xi32, #tpu.memory_space<vmem>>
      %dma_wait3A_495 = tpu.memref_squeeze %dma_wait3A_494 : memref<1x64xi32, #tpu.memory_space<vmem>> -> memref<64xi32, #tpu.memory_space<vmem>>
      %dma_wait3A_496 = arith.constant 0 : i32
      %dma_wait3A_497 = arith.constant 0 : i32
      %dma_wait3A_498 = tpu.memref_slice %arg7[%dma_wait3A_496, %dma_wait3A_497] : memref<10240x128xf32, #tpu.memory_space<vmem_shared>> -> memref<10240x128xf32, #tpu.memory_space<vmem_shared>>
      tpu.wait_indirect_dma semaphore(%arg15 : memref<!tpu.dma_semaphore, #tpu.memory_space<semaphore_mem>>) src(%arg10 : memref<64x128xf32, #tpu.memory_space<vmem>>) dst(%dma_wait3A_498 : memref<10240x128xf32, #tpu.memory_space<vmem_shared>>)
      %add3A_499 = arith.constant 3 : i32
      %add3A_500 = arith.addi %add3A_485, %add3A_499 : i32
      %dma_start3A_501 = arith.constant 0 : i32
      %dma_start3A_502 = tpu.memref_slice %arg8[%add3A_500, %dma_start3A_501] : memref<40x64xi32, #tpu.memory_space<vmem>> -> memref<1x64xi32, #tpu.memory_space<vmem>>
      %dma_start3A_503 = tpu.memref_squeeze %dma_start3A_502 : memref<1x64xi32, #tpu.memory_space<vmem>> -> memref<64xi32, #tpu.memory_space<vmem>>
      %dma_start3A_504 = arith.constant 0 : i32
      %dma_start3A_505 = arith.constant 0 : i32
      %dma_start3A_506 = tpu.memref_slice %arg2[%dma_start3A_504, %dma_start3A_505] : memref<10000x128xf32, #tpu.memory_space<hbm>> -> memref<10000x128xf32, #tpu.memory_space<hbm>>
      tpu.enqueue_indirect_dma source(%dma_start3A_506 : memref<10000x128xf32, #tpu.memory_space<hbm>>) target(%arg10 : memref<64x128xf32, #tpu.memory_space<vmem>>) offsets(%dma_start3A_503 : memref<64xi32, #tpu.memory_space<vmem>>) semaphore(%arg14 : memref<!tpu.dma_semaphore, #tpu.memory_space<semaphore_mem>>)
      %dma_start3A_507 = arith.constant 0 : i32
      %dma_start3A_508 = tpu.memref_slice %arg9[%add3A_485, %dma_start3A_507] : memref<40x64xi32, #tpu.memory_space<vmem>> -> memref<1x64xi32, #tpu.memory_space<vmem>>
      %dma_start3A_509 = tpu.memref_squeeze %dma_start3A_508 : memref<1x64xi32, #tpu.memory_space<vmem>> -> memref<64xi32, #tpu.memory_space<vmem>>
      %dma_start3A_510 = arith.constant 0 : i32
      %dma_start3A_511 = arith.constant 0 : i32
      %dma_start3A_512 = tpu.memref_slice %arg7[%dma_start3A_510, %dma_start3A_511] : memref<10240x128xf32, #tpu.memory_space<vmem_shared>> -> memref<10240x128xf32, #tpu.memory_space<vmem_shared>>
      tpu.enqueue_indirect_dma source(%arg11 : memref<64x128xf32, #tpu.memory_space<vmem>>) target(%dma_start3A_512 : memref<10240x128xf32, #tpu.memory_space<vmem_shared>>) offsets(%dma_start3A_509 : memref<64xi32, #tpu.memory_space<vmem>>) semaphore(%arg15 : memref<!tpu.dma_semaphore, #tpu.memory_space<semaphore_mem>>) {add = true}
      %mul3A_513 = arith.constant 4 : i32
      %mul3A_514 = arith.muli %mul3A_513, %scan3A_479 : i32
      %add3A_515 = arith.constant 1 : i32
      %add3A_516 = arith.addi %mul3A_514, %add3A_515 : i32
      %add3A_517 = arith.constant 1 : i32
      %add3A_518 = arith.addi %add3A_516, %add3A_517 : i32
      %dma_wait3A_519 = arith.constant 0 : i32
      %dma_wait3A_520 = tpu.memref_slice %arg8[%add3A_518, %dma_wait3A_519] : memref<40x64xi32, #tpu.memory_space<vmem>> -> memref<1x64xi32, #tpu.memory_space<vmem>>
      %dma_wait3A_521 = tpu.memref_squeeze %dma_wait3A_520 : memref<1x64xi32, #tpu.memory_space<vmem>> -> memref<64xi32, #tpu.memory_space<vmem>>
      %dma_wait3A_522 = arith.constant 0 : i32
      %dma_wait3A_523 = arith.constant 0 : i32
      %dma_wait3A_524 = tpu.memref_slice %arg2[%dma_wait3A_522, %dma_wait3A_523] : memref<10000x128xf32, #tpu.memory_space<hbm>> -> memref<10000x128xf32, #tpu.memory_space<hbm>>
      tpu.wait_indirect_dma semaphore(%arg14 : memref<!tpu.dma_semaphore, #tpu.memory_space<semaphore_mem>>) src(%dma_wait3A_524 : memref<10000x128xf32, #tpu.memory_space<hbm>>) dst(%arg12 : memref<64x128xf32, #tpu.memory_space<vmem>>)
      %sub3A_525 = arith.constant 1 : i32
      %sub3A_526 = arith.subi %add3A_518, %sub3A_525 : i32
      %dma_wait3A_527 = arith.constant 0 : i32
      %dma_wait3A_528 = tpu.memref_slice %arg9[%sub3A_526, %dma_wait3A_527] : memref<40x64xi32, #tpu.memory_space<vmem>> -> memref<1x64xi32, #tpu.memory_space<vmem>>
      %dma_wait3A_529 = tpu.memref_squeeze %dma_wait3A_528 : memref<1x64xi32, #tpu.memory_space<vmem>> -> memref<64xi32, #tpu.memory_space<vmem>>
      %dma_wait3A_530 = arith.constant 0 : i32
      %dma_wait3A_531 = arith.constant 0 : i32
      %dma_wait3A_532 = tpu.memref_slice %arg7[%dma_wait3A_530, %dma_wait3A_531] : memref<10240x128xf32, #tpu.memory_space<vmem_shared>> -> memref<10240x128xf32, #tpu.memory_space<vmem_shared>>
      tpu.wait_indirect_dma semaphore(%arg15 : memref<!tpu.dma_semaphore, #tpu.memory_space<semaphore_mem>>) src(%arg11 : memref<64x128xf32, #tpu.memory_space<vmem>>) dst(%dma_wait3A_532 : memref<10240x128xf32, #tpu.memory_space<vmem_shared>>)
      %add3A_533 = arith.constant 3 : i32
      %add3A_534 = arith.addi %add3A_518, %add3A_533 : i32
      %dma_start3A_535 = arith.constant 0 : i32
      %dma_start3A_536 = tpu.memref_slice %arg8[%add3A_534, %dma_start3A_535] : memref<40x64xi32, #tpu.memory_space<vmem>> -> memref<1x64xi32, #tpu.memory_space<vmem>>
      %dma_start3A_537 = tpu.memref_squeeze %dma_start3A_536 : memref<1x64xi32, #tpu.memory_space<vmem>> -> memref<64xi32, #tpu.memory_space<vmem>>
      %dma_start3A_538 = arith.constant 0 : i32
      %dma_start3A_539 = arith.constant 0 : i32
      %dma_start3A_540 = tpu.memref_slice %arg2[%dma_start3A_538, %dma_start3A_539] : memref<10000x128xf32, #tpu.memory_space<hbm>> -> memref<10000x128xf32, #tpu.memory_space<hbm>>
      tpu.enqueue_indirect_dma source(%dma_start3A_540 : memref<10000x128xf32, #tpu.memory_space<hbm>>) target(%arg11 : memref<64x128xf32, #tpu.memory_space<vmem>>) offsets(%dma_start3A_537 : memref<64xi32, #tpu.memory_space<vmem>>) semaphore(%arg14 : memref<!tpu.dma_semaphore, #tpu.memory_space<semaphore_mem>>)
      %dma_start3A_541 = arith.constant 0 : i32
      %dma_start3A_542 = tpu.memref_slice %arg9[%add3A_518, %dma_start3A_541] : memref<40x64xi32, #tpu.memory_space<vmem>> -> memref<1x64xi32, #tpu.memory_space<vmem>>
      %dma_start3A_543 = tpu.memref_squeeze %dma_start3A_542 : memref<1x64xi32, #tpu.memory_space<vmem>> -> memref<64xi32, #tpu.memory_space<vmem>>
      %dma_start3A_544 = arith.constant 0 : i32
      %dma_start3A_545 = arith.constant 0 : i32
      %dma_start3A_546 = tpu.memref_slice %arg7[%dma_start3A_544, %dma_start3A_545] : memref<10240x128xf32, #tpu.memory_space<vmem_shared>> -> memref<10240x128xf32, #tpu.memory_space<vmem_shared>>
      tpu.enqueue_indirect_dma source(%arg12 : memref<64x128xf32, #tpu.memory_space<vmem>>) target(%dma_start3A_546 : memref<10240x128xf32, #tpu.memory_space<vmem_shared>>) offsets(%dma_start3A_543 : memref<64xi32, #tpu.memory_space<vmem>>) semaphore(%arg15 : memref<!tpu.dma_semaphore, #tpu.memory_space<semaphore_mem>>) {add = true}
      %mul3A_547 = arith.constant 4 : i32
      %mul3A_548 = arith.muli %mul3A_547, %scan3A_479 : i32
      %add3A_549 = arith.constant 1 : i32
      %add3A_550 = arith.addi %mul3A_548, %add3A_549 : i32
      %add3A_551 = arith.constant 2 : i32
      %add3A_552 = arith.addi %add3A_550, %add3A_551 : i32
      %dma_wait3A_553 = arith.constant 0 : i32
      %dma_wait3A_554 = tpu.memref_slice %arg8[%add3A_552, %dma_wait3A_553] : memref<40x64xi32, #tpu.memory_space<vmem>> -> memref<1x64xi32, #tpu.memory_space<vmem>>
      %dma_wait3A_555 = tpu.memref_squeeze %dma_wait3A_554 : memref<1x64xi32, #tpu.memory_space<vmem>> -> memref<64xi32, #tpu.memory_space<vmem>>
      %dma_wait3A_556 = arith.constant 0 : i32
      %dma_wait3A_557 = arith.constant 0 : i32
      %dma_wait3A_558 = tpu.memref_slice %arg2[%dma_wait3A_556, %dma_wait3A_557] : memref<10000x128xf32, #tpu.memory_space<hbm>> -> memref<10000x128xf32, #tpu.memory_space<hbm>>
      tpu.wait_indirect_dma semaphore(%arg14 : memref<!tpu.dma_semaphore, #tpu.memory_space<semaphore_mem>>) src(%dma_wait3A_558 : memref<10000x128xf32, #tpu.memory_space<hbm>>) dst(%arg13 : memref<64x128xf32, #tpu.memory_space<vmem>>)
      %sub3A_559 = arith.constant 1 : i32
      %sub3A_560 = arith.subi %add3A_552, %sub3A_559 : i32
      %dma_wait3A_561 = arith.constant 0 : i32
      %dma_wait3A_562 = tpu.memref_slice %arg9[%sub3A_560, %dma_wait3A_561] : memref<40x64xi32, #tpu.memory_space<vmem>> -> memref<1x64xi32, #tpu.memory_space<vmem>>
      %dma_wait3A_563 = tpu.memref_squeeze %dma_wait3A_562 : memref<1x64xi32, #tpu.memory_space<vmem>> -> memref<64xi32, #tpu.memory_space<vmem>>
      %dma_wait3A_564 = arith.constant 0 : i32
      %dma_wait3A_565 = arith.constant 0 : i32
      %dma_wait3A_566 = tpu.memref_slice %arg7[%dma_wait3A_564, %dma_wait3A_565] : memref<10240x128xf32, #tpu.memory_space<vmem_shared>> -> memref<10240x128xf32, #tpu.memory_space<vmem_shared>>
      tpu.wait_indirect_dma semaphore(%arg15 : memref<!tpu.dma_semaphore, #tpu.memory_space<semaphore_mem>>) src(%arg12 : memref<64x128xf32, #tpu.memory_space<vmem>>) dst(%dma_wait3A_566 : memref<10240x128xf32, #tpu.memory_space<vmem_shared>>)
      %add3A_567 = arith.constant 3 : i32
      %add3A_568 = arith.addi %add3A_552, %add3A_567 : i32
      %dma_start3A_569 = arith.constant 0 : i32
      %dma_start3A_570 = tpu.memref_slice %arg8[%add3A_568, %dma_start3A_569] : memref<40x64xi32, #tpu.memory_space<vmem>> -> memref<1x64xi32, #tpu.memory_space<vmem>>
      %dma_start3A_571 = tpu.memref_squeeze %dma_start3A_570 : memref<1x64xi32, #tpu.memory_space<vmem>> -> memref<64xi32, #tpu.memory_space<vmem>>
      %dma_start3A_572 = arith.constant 0 : i32
      %dma_start3A_573 = arith.constant 0 : i32
      %dma_start3A_574 = tpu.memref_slice %arg2[%dma_start3A_572, %dma_start3A_573] : memref<10000x128xf32, #tpu.memory_space<hbm>> -> memref<10000x128xf32, #tpu.memory_space<hbm>>
      tpu.enqueue_indirect_dma source(%dma_start3A_574 : memref<10000x128xf32, #tpu.memory_space<hbm>>) target(%arg12 : memref<64x128xf32, #tpu.memory_space<vmem>>) offsets(%dma_start3A_571 : memref<64xi32, #tpu.memory_space<vmem>>) semaphore(%arg14 : memref<!tpu.dma_semaphore, #tpu.memory_space<semaphore_mem>>)
      %dma_start3A_575 = arith.constant 0 : i32
      %dma_start3A_576 = tpu.memref_slice %arg9[%add3A_552, %dma_start3A_575] : memref<40x64xi32, #tpu.memory_space<vmem>> -> memref<1x64xi32, #tpu.memory_space<vmem>>
      %dma_start3A_577 = tpu.memref_squeeze %dma_start3A_576 : memref<1x64xi32, #tpu.memory_space<vmem>> -> memref<64xi32, #tpu.memory_space<vmem>>
      %dma_start3A_578 = arith.constant 0 : i32
      %dma_start3A_579 = arith.constant 0 : i32
      %dma_start3A_580 = tpu.memref_slice %arg7[%dma_start3A_578, %dma_start3A_579] : memref<10240x128xf32, #tpu.memory_space<vmem_shared>> -> memref<10240x128xf32, #tpu.memory_space<vmem_shared>>
      tpu.enqueue_indirect_dma source(%arg13 : memref<64x128xf32, #tpu.memory_space<vmem>>) target(%dma_start3A_580 : memref<10240x128xf32, #tpu.memory_space<vmem_shared>>) offsets(%dma_start3A_577 : memref<64xi32, #tpu.memory_space<vmem>>) semaphore(%arg15 : memref<!tpu.dma_semaphore, #tpu.memory_space<semaphore_mem>>) {add = true}
      %mul3A_581 = arith.constant 4 : i32
      %mul3A_582 = arith.muli %mul3A_581, %scan3A_479 : i32
      %add3A_583 = arith.constant 1 : i32
      %add3A_584 = arith.addi %mul3A_582, %add3A_583 : i32
      %add3A_585 = arith.constant 3 : i32
      %add3A_586 = arith.addi %add3A_584, %add3A_585 : i32
      %dma_wait3A_587 = arith.constant 0 : i32
      %dma_wait3A_588 = tpu.memref_slice %arg8[%add3A_586, %dma_wait3A_587] : memref<40x64xi32, #tpu.memory_space<vmem>> -> memref<1x64xi32, #tpu.memory_space<vmem>>
      %dma_wait3A_589 = tpu.memref_squeeze %dma_wait3A_588 : memref<1x64xi32, #tpu.memory_space<vmem>> -> memref<64xi32, #tpu.memory_space<vmem>>
      %dma_wait3A_590 = arith.constant 0 : i32
      %dma_wait3A_591 = arith.constant 0 : i32
      %dma_wait3A_592 = tpu.memref_slice %arg2[%dma_wait3A_590, %dma_wait3A_591] : memref<10000x128xf32, #tpu.memory_space<hbm>> -> memref<10000x128xf32, #tpu.memory_space<hbm>>
      tpu.wait_indirect_dma semaphore(%arg14 : memref<!tpu.dma_semaphore, #tpu.memory_space<semaphore_mem>>) src(%dma_wait3A_592 : memref<10000x128xf32, #tpu.memory_space<hbm>>) dst(%arg10 : memref<64x128xf32, #tpu.memory_space<vmem>>)
      %sub3A_593 = arith.constant 1 : i32
      %sub3A_594 = arith.subi %add3A_586, %sub3A_593 : i32
      %dma_wait3A_595 = arith.constant 0 : i32
      %dma_wait3A_596 = tpu.memref_slice %arg9[%sub3A_594, %dma_wait3A_595] : memref<40x64xi32, #tpu.memory_space<vmem>> -> memref<1x64xi32, #tpu.memory_space<vmem>>
      %dma_wait3A_597 = tpu.memref_squeeze %dma_wait3A_596 : memref<1x64xi32, #tpu.memory_space<vmem>> -> memref<64xi32, #tpu.memory_space<vmem>>
      %dma_wait3A_598 = arith.constant 0 : i32
      %dma_wait3A_599 = arith.constant 0 : i32
      %dma_wait3A_600 = tpu.memref_slice %arg7[%dma_wait3A_598, %dma_wait3A_599] : memref<10240x128xf32, #tpu.memory_space<vmem_shared>> -> memref<10240x128xf32, #tpu.memory_space<vmem_shared>>
      tpu.wait_indirect_dma semaphore(%arg15 : memref<!tpu.dma_semaphore, #tpu.memory_space<semaphore_mem>>) src(%arg13 : memref<64x128xf32, #tpu.memory_space<vmem>>) dst(%dma_wait3A_600 : memref<10240x128xf32, #tpu.memory_space<vmem_shared>>)
      %add3A_601 = arith.constant 3 : i32
      %add3A_602 = arith.addi %add3A_586, %add3A_601 : i32
      %dma_start3A_603 = arith.constant 0 : i32
      %dma_start3A_604 = tpu.memref_slice %arg8[%add3A_602, %dma_start3A_603] : memref<40x64xi32, #tpu.memory_space<vmem>> -> memref<1x64xi32, #tpu.memory_space<vmem>>
      %dma_start3A_605 = tpu.memref_squeeze %dma_start3A_604 : memref<1x64xi32, #tpu.memory_space<vmem>> -> memref<64xi32, #tpu.memory_space<vmem>>
      %dma_start3A_606 = arith.constant 0 : i32
      %dma_start3A_607 = arith.constant 0 : i32
      %dma_start3A_608 = tpu.memref_slice %arg2[%dma_start3A_606, %dma_start3A_607] : memref<10000x128xf32, #tpu.memory_space<hbm>> -> memref<10000x128xf32, #tpu.memory_space<hbm>>
      tpu.enqueue_indirect_dma source(%dma_start3A_608 : memref<10000x128xf32, #tpu.memory_space<hbm>>) target(%arg13 : memref<64x128xf32, #tpu.memory_space<vmem>>) offsets(%dma_start3A_605 : memref<64xi32, #tpu.memory_space<vmem>>) semaphore(%arg14 : memref<!tpu.dma_semaphore, #tpu.memory_space<semaphore_mem>>)
      %dma_start3A_609 = arith.constant 0 : i32
      %dma_start3A_610 = tpu.memref_slice %arg9[%add3A_586, %dma_start3A_609] : memref<40x64xi32, #tpu.memory_space<vmem>> -> memref<1x64xi32, #tpu.memory_space<vmem>>
      %dma_start3A_611 = tpu.memref_squeeze %dma_start3A_610 : memref<1x64xi32, #tpu.memory_space<vmem>> -> memref<64xi32, #tpu.memory_space<vmem>>
      %dma_start3A_612 = arith.constant 0 : i32
      %dma_start3A_613 = arith.constant 0 : i32
      %dma_start3A_614 = tpu.memref_slice %arg7[%dma_start3A_612, %dma_start3A_613] : memref<10240x128xf32, #tpu.memory_space<vmem_shared>> -> memref<10240x128xf32, #tpu.memory_space<vmem_shared>>
      tpu.enqueue_indirect_dma source(%arg10 : memref<64x128xf32, #tpu.memory_space<vmem>>) target(%dma_start3A_614 : memref<10240x128xf32, #tpu.memory_space<vmem_shared>>) offsets(%dma_start3A_611 : memref<64xi32, #tpu.memory_space<vmem>>) semaphore(%arg15 : memref<!tpu.dma_semaphore, #tpu.memory_space<semaphore_mem>>) {add = true}
    }
    %scan3A_49 = arith.constant 9 : i32
    %dma_wait3A_50 = arith.constant 37 : i32
    %dma_wait3A_51 = arith.constant 0 : i32
    %dma_wait3A_52 = tpu.memref_slice %arg8[%dma_wait3A_50, %dma_wait3A_51] : memref<40x64xi32, #tpu.memory_space<vmem>> -> memref<1x64xi32, #tpu.memory_space<vmem>>
    %dma_wait3A_53 = tpu.memref_squeeze %dma_wait3A_52 : memref<1x64xi32, #tpu.memory_space<vmem>> -> memref<64xi32, #tpu.memory_space<vmem>>
    %dma_wait3A_54 = arith.constant 0 : i32
    %dma_wait3A_55 = arith.constant 0 : i32
    %dma_wait3A_56 = tpu.memref_slice %arg2[%dma_wait3A_54, %dma_wait3A_55] : memref<10000x128xf32, #tpu.memory_space<hbm>> -> memref<10000x128xf32, #tpu.memory_space<hbm>>
    tpu.wait_indirect_dma semaphore(%arg14 : memref<!tpu.dma_semaphore, #tpu.memory_space<semaphore_mem>>) src(%dma_wait3A_56 : memref<10000x128xf32, #tpu.memory_space<hbm>>) dst(%arg11 : memref<64x128xf32, #tpu.memory_space<vmem>>)
    %dma_wait3A_57 = arith.constant 36 : i32
    %dma_wait3A_58 = arith.constant 0 : i32
    %dma_wait3A_59 = tpu.memref_slice %arg9[%dma_wait3A_57, %dma_wait3A_58] : memref<40x64xi32, #tpu.memory_space<vmem>> -> memref<1x64xi32, #tpu.memory_space<vmem>>
    %dma_wait3A_60 = tpu.memref_squeeze %dma_wait3A_59 : memref<1x64xi32, #tpu.memory_space<vmem>> -> memref<64xi32, #tpu.memory_space<vmem>>
    %dma_wait3A_61 = arith.constant 0 : i32
    %dma_wait3A_62 = arith.constant 0 : i32
    %dma_wait3A_63 = tpu.memref_slice %arg7[%dma_wait3A_61, %dma_wait3A_62] : memref<10240x128xf32, #tpu.memory_space<vmem_shared>> -> memref<10240x128xf32, #tpu.memory_space<vmem_shared>>
    tpu.wait_indirect_dma semaphore(%arg15 : memref<!tpu.dma_semaphore, #tpu.memory_space<semaphore_mem>>) src(%arg10 : memref<64x128xf32, #tpu.memory_space<vmem>>) dst(%dma_wait3A_63 : memref<10240x128xf32, #tpu.memory_space<vmem_shared>>)
    %dma_start3A_64 = arith.constant 37 : i32
    %dma_start3A_65 = arith.constant 0 : i32
    %dma_start3A_66 = tpu.memref_slice %arg9[%dma_start3A_64, %dma_start3A_65] : memref<40x64xi32, #tpu.memory_space<vmem>> -> memref<1x64xi32, #tpu.memory_space<vmem>>
    %dma_start3A_67 = tpu.memref_squeeze %dma_start3A_66 : memref<1x64xi32, #tpu.memory_space<vmem>> -> memref<64xi32, #tpu.memory_space<vmem>>
    %dma_start3A_68 = arith.constant 0 : i32
    %dma_start3A_69 = arith.constant 0 : i32
    %dma_start3A_70 = tpu.memref_slice %arg7[%dma_start3A_68, %dma_start3A_69] : memref<10240x128xf32, #tpu.memory_space<vmem_shared>> -> memref<10240x128xf32, #tpu.memory_space<vmem_shared>>
    tpu.enqueue_indirect_dma source(%arg11 : memref<64x128xf32, #tpu.memory_space<vmem>>) target(%dma_start3A_70 : memref<10240x128xf32, #tpu.memory_space<vmem_shared>>) offsets(%dma_start3A_67 : memref<64xi32, #tpu.memory_space<vmem>>) semaphore(%arg15 : memref<!tpu.dma_semaphore, #tpu.memory_space<semaphore_mem>>) {add = true}
    %dma_wait3A_71 = arith.constant 38 : i32
    %dma_wait3A_72 = arith.constant 0 : i32
    %dma_wait3A_73 = tpu.memref_slice %arg8[%dma_wait3A_71, %dma_wait3A_72] : memref<40x64xi32, #tpu.memory_space<vmem>> -> memref<1x64xi32, #tpu.memory_space<vmem>>
    %dma_wait3A_74 = tpu.memref_squeeze %dma_wait3A_73 : memref<1x64xi32, #tpu.memory_space<vmem>> -> memref<64xi32, #tpu.memory_space<vmem>>
    %dma_wait3A_75 = arith.constant 0 : i32
    %dma_wait3A_76 = arith.constant 0 : i32
    %dma_wait3A_77 = tpu.memref_slice %arg2[%dma_wait3A_75, %dma_wait3A_76] : memref<10000x128xf32, #tpu.memory_space<hbm>> -> memref<10000x128xf32, #tpu.memory_space<hbm>>
    tpu.wait_indirect_dma semaphore(%arg14 : memref<!tpu.dma_semaphore, #tpu.memory_space<semaphore_mem>>) src(%dma_wait3A_77 : memref<10000x128xf32, #tpu.memory_space<hbm>>) dst(%arg12 : memref<64x128xf32, #tpu.memory_space<vmem>>)
    %dma_wait3A_78 = arith.constant 37 : i32
    %dma_wait3A_79 = arith.constant 0 : i32
    %dma_wait3A_80 = tpu.memref_slice %arg9[%dma_wait3A_78, %dma_wait3A_79] : memref<40x64xi32, #tpu.memory_space<vmem>> -> memref<1x64xi32, #tpu.memory_space<vmem>>
    %dma_wait3A_81 = tpu.memref_squeeze %dma_wait3A_80 : memref<1x64xi32, #tpu.memory_space<vmem>> -> memref<64xi32, #tpu.memory_space<vmem>>
    %dma_wait3A_82 = arith.constant 0 : i32
    %dma_wait3A_83 = arith.constant 0 : i32
    %dma_wait3A_84 = tpu.memref_slice %arg7[%dma_wait3A_82, %dma_wait3A_83] : memref<10240x128xf32, #tpu.memory_space<vmem_shared>> -> memref<10240x128xf32, #tpu.memory_space<vmem_shared>>
    tpu.wait_indirect_dma semaphore(%arg15 : memref<!tpu.dma_semaphore, #tpu.memory_space<semaphore_mem>>) src(%arg11 : memref<64x128xf32, #tpu.memory_space<vmem>>) dst(%dma_wait3A_84 : memref<10240x128xf32, #tpu.memory_space<vmem_shared>>)
    %dma_start3A_85 = arith.constant 38 : i32
    %dma_start3A_86 = arith.constant 0 : i32
    %dma_start3A_87 = tpu.memref_slice %arg9[%dma_start3A_85, %dma_start3A_86] : memref<40x64xi32, #tpu.memory_space<vmem>> -> memref<1x64xi32, #tpu.memory_space<vmem>>
    %dma_start3A_88 = tpu.memref_squeeze %dma_start3A_87 : memref<1x64xi32, #tpu.memory_space<vmem>> -> memref<64xi32, #tpu.memory_space<vmem>>
    %dma_start3A_89 = arith.constant 0 : i32
    %dma_start3A_90 = arith.constant 0 : i32
    %dma_start3A_91 = tpu.memref_slice %arg7[%dma_start3A_89, %dma_start3A_90] : memref<10240x128xf32, #tpu.memory_space<vmem_shared>> -> memref<10240x128xf32, #tpu.memory_space<vmem_shared>>
    tpu.enqueue_indirect_dma source(%arg12 : memref<64x128xf32, #tpu.memory_space<vmem>>) target(%dma_start3A_91 : memref<10240x128xf32, #tpu.memory_space<vmem_shared>>) offsets(%dma_start3A_88 : memref<64xi32, #tpu.memory_space<vmem>>) semaphore(%arg15 : memref<!tpu.dma_semaphore, #tpu.memory_space<semaphore_mem>>) {add = true}
    %dma_wait3A_92 = arith.constant 39 : i32
    %dma_wait3A_93 = arith.constant 0 : i32
    %dma_wait3A_94 = tpu.memref_slice %arg8[%dma_wait3A_92, %dma_wait3A_93] : memref<40x64xi32, #tpu.memory_space<vmem>> -> memref<1x64xi32, #tpu.memory_space<vmem>>
    %dma_wait3A_95 = tpu.memref_squeeze %dma_wait3A_94 : memref<1x64xi32, #tpu.memory_space<vmem>> -> memref<64xi32, #tpu.memory_space<vmem>>
    %dma_wait3A_96 = arith.constant 0 : i32
    %dma_wait3A_97 = arith.constant 0 : i32
    %dma_wait3A_98 = tpu.memref_slice %arg2[%dma_wait3A_96, %dma_wait3A_97] : memref<10000x128xf32, #tpu.memory_space<hbm>> -> memref<10000x128xf32, #tpu.memory_space<hbm>>
    tpu.wait_indirect_dma semaphore(%arg14 : memref<!tpu.dma_semaphore, #tpu.memory_space<semaphore_mem>>) src(%dma_wait3A_98 : memref<10000x128xf32, #tpu.memory_space<hbm>>) dst(%arg13 : memref<64x128xf32, #tpu.memory_space<vmem>>)
    %dma_wait3A_99 = arith.constant 38 : i32
    %dma_wait3A_100 = arith.constant 0 : i32
    %dma_wait3A_101 = tpu.memref_slice %arg9[%dma_wait3A_99, %dma_wait3A_100] : memref<40x64xi32, #tpu.memory_space<vmem>> -> memref<1x64xi32, #tpu.memory_space<vmem>>
    %dma_wait3A_102 = tpu.memref_squeeze %dma_wait3A_101 : memref<1x64xi32, #tpu.memory_space<vmem>> -> memref<64xi32, #tpu.memory_space<vmem>>
    %dma_wait3A_103 = arith.constant 0 : i32
    %dma_wait3A_104 = arith.constant 0 : i32
    %dma_wait3A_105 = tpu.memref_slice %arg7[%dma_wait3A_103, %dma_wait3A_104] : memref<10240x128xf32, #tpu.memory_space<vmem_shared>> -> memref<10240x128xf32, #tpu.memory_space<vmem_shared>>
    tpu.wait_indirect_dma semaphore(%arg15 : memref<!tpu.dma_semaphore, #tpu.memory_space<semaphore_mem>>) src(%arg12 : memref<64x128xf32, #tpu.memory_space<vmem>>) dst(%dma_wait3A_105 : memref<10240x128xf32, #tpu.memory_space<vmem_shared>>)
    %dma_start3A_106 = arith.constant 39 : i32
    %dma_start3A_107 = arith.constant 0 : i32
    %dma_start3A_108 = tpu.memref_slice %arg9[%dma_start3A_106, %dma_start3A_107] : memref<40x64xi32, #tpu.memory_space<vmem>> -> memref<1x64xi32, #tpu.memory_space<vmem>>
    %dma_start3A_109 = tpu.memref_squeeze %dma_start3A_108 : memref<1x64xi32, #tpu.memory_space<vmem>> -> memref<64xi32, #tpu.memory_space<vmem>>
    %dma_start3A_110 = arith.constant 0 : i32
    %dma_start3A_111 = arith.constant 0 : i32
    %dma_start3A_112 = tpu.memref_slice %arg7[%dma_start3A_110, %dma_start3A_111] : memref<10240x128xf32, #tpu.memory_space<vmem_shared>> -> memref<10240x128xf32, #tpu.memory_space<vmem_shared>>
    tpu.enqueue_indirect_dma source(%arg13 : memref<64x128xf32, #tpu.memory_space<vmem>>) target(%dma_start3A_112 : memref<10240x128xf32, #tpu.memory_space<vmem_shared>>) offsets(%dma_start3A_109 : memref<64xi32, #tpu.memory_space<vmem>>) semaphore(%arg15 : memref<!tpu.dma_semaphore, #tpu.memory_space<semaphore_mem>>) {add = true}
    %dma_wait3A_113 = arith.constant 39 : i32
    %dma_wait3A_114 = arith.constant 0 : i32
    %dma_wait3A_115 = tpu.memref_slice %arg9[%dma_wait3A_113, %dma_wait3A_114] : memref<40x64xi32, #tpu.memory_space<vmem>> -> memref<1x64xi32, #tpu.memory_space<vmem>>
    %dma_wait3A_116 = tpu.memref_squeeze %dma_wait3A_115 : memref<1x64xi32, #tpu.memory_space<vmem>> -> memref<64xi32, #tpu.memory_space<vmem>>
    %dma_wait3A_117 = arith.constant 0 : i32
    %dma_wait3A_118 = arith.constant 0 : i32
    %dma_wait3A_119 = tpu.memref_slice %arg7[%dma_wait3A_117, %dma_wait3A_118] : memref<10240x128xf32, #tpu.memory_space<vmem_shared>> -> memref<10240x128xf32, #tpu.memory_space<vmem_shared>>
    tpu.wait_indirect_dma semaphore(%arg15 : memref<!tpu.dma_semaphore, #tpu.memory_space<semaphore_mem>>) src(%arg13 : memref<64x128xf32, #tpu.memory_space<vmem>>) dst(%dma_wait3A_119 : memref<10240x128xf32, #tpu.memory_space<vmem_shared>>)
    "tpu.region"() ({
      %run_scoped3A = tpu.sem_alloc : memref<!tpu.dma_semaphore, #tpu.memory_space<semaphore_mem>>
      %dma_start3A_479 = arith.constant 0 : i32
      %dma_start3A_480 = arith.constant 0 : i32
      %dma_start3A_481 = tpu.memref_slice %arg3[%add3A, %dma_start3A_479, %dma_start3A_480] : memref<32x160x64xi32, #tpu.memory_space<hbm>> -> memref<1x160x64xi32, #tpu.memory_space<hbm>>
      %dma_start3A_482 = tpu.memref_squeeze %dma_start3A_481 : memref<1x160x64xi32, #tpu.memory_space<hbm>> -> memref<160x64xi32, #tpu.memory_space<hbm>>
      %dma_start3A_483 = arith.constant 40 : i32
      %dma_start3A_484 = arith.constant 0 : i32
      %dma_start3A_485 = tpu.memref_slice %dma_start3A_482[%dma_start3A_483, %dma_start3A_484] : memref<160x64xi32, #tpu.memory_space<hbm>> -> memref<40x64xi32, #tpu.memory_space<hbm>>
      %dma_start3A_486 = arith.constant 0 : i32
      %dma_start3A_487 = arith.constant 0 : i32
      %dma_start3A_488 = tpu.memref_slice %arg3[%add3A, %dma_start3A_486, %dma_start3A_487] : memref<32x160x64xi32, #tpu.memory_space<hbm>> -> memref<1x160x64xi32, #tpu.memory_space<hbm>>
      %dma_start3A_489 = tpu.memref_squeeze %dma_start3A_488 : memref<1x160x64xi32, #tpu.memory_space<hbm>> -> memref<160x64xi32, #tpu.memory_space<hbm>>
      %dma_start3A_490 = arith.constant 40 : i32
      %dma_start3A_491 = arith.constant 0 : i32
      %dma_start3A_492 = tpu.memref_slice %dma_start3A_489[%dma_start3A_490, %dma_start3A_491] : memref<160x64xi32, #tpu.memory_space<hbm>> -> memref<40x64xi32, #tpu.memory_space<hbm>>
      tpu.enqueue_dma source(%dma_start3A_492 : memref<40x64xi32, #tpu.memory_space<hbm>>) target(%arg8 : memref<40x64xi32, #tpu.memory_space<vmem>>) target_semaphore(%run_scoped3A : memref<!tpu.dma_semaphore, #tpu.memory_space<semaphore_mem>>)
      %dma_wait3A_493 = arith.constant 0 : i32
      %dma_wait3A_494 = arith.constant 0 : i32
      %dma_wait3A_495 = tpu.memref_slice %arg3[%add3A, %dma_wait3A_493, %dma_wait3A_494] : memref<32x160x64xi32, #tpu.memory_space<hbm>> -> memref<1x160x64xi32, #tpu.memory_space<hbm>>
      %dma_wait3A_496 = tpu.memref_squeeze %dma_wait3A_495 : memref<1x160x64xi32, #tpu.memory_space<hbm>> -> memref<160x64xi32, #tpu.memory_space<hbm>>
      %dma_wait3A_497 = arith.constant 40 : i32
      %dma_wait3A_498 = arith.constant 0 : i32
      %dma_wait3A_499 = tpu.memref_slice %dma_wait3A_496[%dma_wait3A_497, %dma_wait3A_498] : memref<160x64xi32, #tpu.memory_space<hbm>> -> memref<40x64xi32, #tpu.memory_space<hbm>>
      %dma_wait3A_500 = arith.constant 0 : i32
      %dma_wait3A_501 = arith.constant 0 : i32
      %dma_wait3A_502 = tpu.memref_slice %arg3[%add3A, %dma_wait3A_500, %dma_wait3A_501] : memref<32x160x64xi32, #tpu.memory_space<hbm>> -> memref<1x160x64xi32, #tpu.memory_space<hbm>>
      %dma_wait3A_503 = tpu.memref_squeeze %dma_wait3A_502 : memref<1x160x64xi32, #tpu.memory_space<hbm>> -> memref<160x64xi32, #tpu.memory_space<hbm>>
      %dma_wait3A_504 = arith.constant 40 : i32
      %dma_wait3A_505 = arith.constant 0 : i32
      %dma_wait3A_506 = tpu.memref_slice %dma_wait3A_503[%dma_wait3A_504, %dma_wait3A_505] : memref<160x64xi32, #tpu.memory_space<hbm>> -> memref<40x64xi32, #tpu.memory_space<hbm>>
      tpu.wait_dma2 semaphore(%run_scoped3A : memref<!tpu.dma_semaphore, #tpu.memory_space<semaphore_mem>>) src(%dma_wait3A_506 : memref<40x64xi32, #tpu.memory_space<hbm>>) dst(%arg8 : memref<40x64xi32, #tpu.memory_space<vmem>>)
      tpu.yield
    }) : () -> ()
    "tpu.region"() ({
      %run_scoped3A = tpu.sem_alloc : memref<!tpu.dma_semaphore, #tpu.memory_space<semaphore_mem>>
      %dma_start3A_479 = arith.constant 0 : i32
      %dma_start3A_480 = arith.constant 0 : i32
      %dma_start3A_481 = tpu.memref_slice %arg4[%add3A, %dma_start3A_479, %dma_start3A_480] : memref<32x160x64xi32, #tpu.memory_space<hbm>> -> memref<1x160x64xi32, #tpu.memory_space<hbm>>
      %dma_start3A_482 = tpu.memref_squeeze %dma_start3A_481 : memref<1x160x64xi32, #tpu.memory_space<hbm>> -> memref<160x64xi32, #tpu.memory_space<hbm>>
      %dma_start3A_483 = arith.constant 40 : i32
      %dma_start3A_484 = arith.constant 0 : i32
      %dma_start3A_485 = tpu.memref_slice %dma_start3A_482[%dma_start3A_483, %dma_start3A_484] : memref<160x64xi32, #tpu.memory_space<hbm>> -> memref<40x64xi32, #tpu.memory_space<hbm>>
      %dma_start3A_486 = arith.constant 0 : i32
      %dma_start3A_487 = arith.constant 0 : i32
      %dma_start3A_488 = tpu.memref_slice %arg4[%add3A, %dma_start3A_486, %dma_start3A_487] : memref<32x160x64xi32, #tpu.memory_space<hbm>> -> memref<1x160x64xi32, #tpu.memory_space<hbm>>
      %dma_start3A_489 = tpu.memref_squeeze %dma_start3A_488 : memref<1x160x64xi32, #tpu.memory_space<hbm>> -> memref<160x64xi32, #tpu.memory_space<hbm>>
      %dma_start3A_490 = arith.constant 40 : i32
      %dma_start3A_491 = arith.constant 0 : i32
      %dma_start3A_492 = tpu.memref_slice %dma_start3A_489[%dma_start3A_490, %dma_start3A_491] : memref<160x64xi32, #tpu.memory_space<hbm>> -> memref<40x64xi32, #tpu.memory_space<hbm>>
      tpu.enqueue_dma source(%dma_start3A_492 : memref<40x64xi32, #tpu.memory_space<hbm>>) target(%arg9 : memref<40x64xi32, #tpu.memory_space<vmem>>) target_semaphore(%run_scoped3A : memref<!tpu.dma_semaphore, #tpu.memory_space<semaphore_mem>>)
      %dma_wait3A_493 = arith.constant 0 : i32
      %dma_wait3A_494 = arith.constant 0 : i32
      %dma_wait3A_495 = tpu.memref_slice %arg4[%add3A, %dma_wait3A_493, %dma_wait3A_494] : memref<32x160x64xi32, #tpu.memory_space<hbm>> -> memref<1x160x64xi32, #tpu.memory_space<hbm>>
      %dma_wait3A_496 = tpu.memref_squeeze %dma_wait3A_495 : memref<1x160x64xi32, #tpu.memory_space<hbm>> -> memref<160x64xi32, #tpu.memory_space<hbm>>
      %dma_wait3A_497 = arith.constant 40 : i32
      %dma_wait3A_498 = arith.constant 0 : i32
      %dma_wait3A_499 = tpu.memref_slice %dma_wait3A_496[%dma_wait3A_497, %dma_wait3A_498] : memref<160x64xi32, #tpu.memory_space<hbm>> -> memref<40x64xi32, #tpu.memory_space<hbm>>
      %dma_wait3A_500 = arith.constant 0 : i32
      %dma_wait3A_501 = arith.constant 0 : i32
      %dma_wait3A_502 = tpu.memref_slice %arg4[%add3A, %dma_wait3A_500, %dma_wait3A_501] : memref<32x160x64xi32, #tpu.memory_space<hbm>> -> memref<1x160x64xi32, #tpu.memory_space<hbm>>
      %dma_wait3A_503 = tpu.memref_squeeze %dma_wait3A_502 : memref<1x160x64xi32, #tpu.memory_space<hbm>> -> memref<160x64xi32, #tpu.memory_space<hbm>>
      %dma_wait3A_504 = arith.constant 40 : i32
      %dma_wait3A_505 = arith.constant 0 : i32
      %dma_wait3A_506 = tpu.memref_slice %dma_wait3A_503[%dma_wait3A_504, %dma_wait3A_505] : memref<160x64xi32, #tpu.memory_space<hbm>> -> memref<40x64xi32, #tpu.memory_space<hbm>>
      tpu.wait_dma2 semaphore(%run_scoped3A : memref<!tpu.dma_semaphore, #tpu.memory_space<semaphore_mem>>) src(%dma_wait3A_506 : memref<40x64xi32, #tpu.memory_space<hbm>>) dst(%arg9 : memref<40x64xi32, #tpu.memory_space<vmem>>)
      tpu.yield
    }) : () -> ()
    %dma_start3A_120 = arith.constant 0 : i32
    %dma_start3A_121 = arith.constant 0 : i32
    %dma_start3A_122 = tpu.memref_slice %arg8[%dma_start3A_120, %dma_start3A_121] : memref<40x64xi32, #tpu.memory_space<vmem>> -> memref<1x64xi32, #tpu.memory_space<vmem>>
    %dma_start3A_123 = tpu.memref_squeeze %dma_start3A_122 : memref<1x64xi32, #tpu.memory_space<vmem>> -> memref<64xi32, #tpu.memory_space<vmem>>
    %dma_start3A_124 = arith.constant 0 : i32
    %dma_start3A_125 = arith.constant 0 : i32
    %dma_start3A_126 = tpu.memref_slice %arg2[%dma_start3A_124, %dma_start3A_125] : memref<10000x128xf32, #tpu.memory_space<hbm>> -> memref<10000x128xf32, #tpu.memory_space<hbm>>
    tpu.enqueue_indirect_dma source(%dma_start3A_126 : memref<10000x128xf32, #tpu.memory_space<hbm>>) target(%arg10 : memref<64x128xf32, #tpu.memory_space<vmem>>) offsets(%dma_start3A_123 : memref<64xi32, #tpu.memory_space<vmem>>) semaphore(%arg14 : memref<!tpu.dma_semaphore, #tpu.memory_space<semaphore_mem>>)
    %dma_start3A_127 = arith.constant 1 : i32
    %dma_start3A_128 = arith.constant 0 : i32
    %dma_start3A_129 = tpu.memref_slice %arg8[%dma_start3A_127, %dma_start3A_128] : memref<40x64xi32, #tpu.memory_space<vmem>> -> memref<1x64xi32, #tpu.memory_space<vmem>>
    %dma_start3A_130 = tpu.memref_squeeze %dma_start3A_129 : memref<1x64xi32, #tpu.memory_space<vmem>> -> memref<64xi32, #tpu.memory_space<vmem>>
    %dma_start3A_131 = arith.constant 0 : i32
    %dma_start3A_132 = arith.constant 0 : i32
    %dma_start3A_133 = tpu.memref_slice %arg2[%dma_start3A_131, %dma_start3A_132] : memref<10000x128xf32, #tpu.memory_space<hbm>> -> memref<10000x128xf32, #tpu.memory_space<hbm>>
    tpu.enqueue_indirect_dma source(%dma_start3A_133 : memref<10000x128xf32, #tpu.memory_space<hbm>>) target(%arg11 : memref<64x128xf32, #tpu.memory_space<vmem>>) offsets(%dma_start3A_130 : memref<64xi32, #tpu.memory_space<vmem>>) semaphore(%arg14 : memref<!tpu.dma_semaphore, #tpu.memory_space<semaphore_mem>>)
    %dma_start3A_134 = arith.constant 2 : i32
    %dma_start3A_135 = arith.constant 0 : i32
    %dma_start3A_136 = tpu.memref_slice %arg8[%dma_start3A_134, %dma_start3A_135] : memref<40x64xi32, #tpu.memory_space<vmem>> -> memref<1x64xi32, #tpu.memory_space<vmem>>
    %dma_start3A_137 = tpu.memref_squeeze %dma_start3A_136 : memref<1x64xi32, #tpu.memory_space<vmem>> -> memref<64xi32, #tpu.memory_space<vmem>>
    %dma_start3A_138 = arith.constant 0 : i32
    %dma_start3A_139 = arith.constant 0 : i32
    %dma_start3A_140 = tpu.memref_slice %arg2[%dma_start3A_138, %dma_start3A_139] : memref<10000x128xf32, #tpu.memory_space<hbm>> -> memref<10000x128xf32, #tpu.memory_space<hbm>>
    tpu.enqueue_indirect_dma source(%dma_start3A_140 : memref<10000x128xf32, #tpu.memory_space<hbm>>) target(%arg12 : memref<64x128xf32, #tpu.memory_space<vmem>>) offsets(%dma_start3A_137 : memref<64xi32, #tpu.memory_space<vmem>>) semaphore(%arg14 : memref<!tpu.dma_semaphore, #tpu.memory_space<semaphore_mem>>)
    %dma_wait3A_141 = arith.constant 0 : i32
    %dma_wait3A_142 = arith.constant 0 : i32
    %dma_wait3A_143 = tpu.memref_slice %arg8[%dma_wait3A_141, %dma_wait3A_142] : memref<40x64xi32, #tpu.memory_space<vmem>> -> memref<1x64xi32, #tpu.memory_space<vmem>>
    %dma_wait3A_144 = tpu.memref_squeeze %dma_wait3A_143 : memref<1x64xi32, #tpu.memory_space<vmem>> -> memref<64xi32, #tpu.memory_space<vmem>>
    %dma_wait3A_145 = arith.constant 0 : i32
    %dma_wait3A_146 = arith.constant 0 : i32
    %dma_wait3A_147 = tpu.memref_slice %arg2[%dma_wait3A_145, %dma_wait3A_146] : memref<10000x128xf32, #tpu.memory_space<hbm>> -> memref<10000x128xf32, #tpu.memory_space<hbm>>
    tpu.wait_indirect_dma semaphore(%arg14 : memref<!tpu.dma_semaphore, #tpu.memory_space<semaphore_mem>>) src(%dma_wait3A_147 : memref<10000x128xf32, #tpu.memory_space<hbm>>) dst(%arg10 : memref<64x128xf32, #tpu.memory_space<vmem>>)
    %dma_start3A_148 = arith.constant 3 : i32
    %dma_start3A_149 = arith.constant 0 : i32
    %dma_start3A_150 = tpu.memref_slice %arg8[%dma_start3A_148, %dma_start3A_149] : memref<40x64xi32, #tpu.memory_space<vmem>> -> memref<1x64xi32, #tpu.memory_space<vmem>>
    %dma_start3A_151 = tpu.memref_squeeze %dma_start3A_150 : memref<1x64xi32, #tpu.memory_space<vmem>> -> memref<64xi32, #tpu.memory_space<vmem>>
    %dma_start3A_152 = arith.constant 0 : i32
    %dma_start3A_153 = arith.constant 0 : i32
    %dma_start3A_154 = tpu.memref_slice %arg2[%dma_start3A_152, %dma_start3A_153] : memref<10000x128xf32, #tpu.memory_space<hbm>> -> memref<10000x128xf32, #tpu.memory_space<hbm>>
    tpu.enqueue_indirect_dma source(%dma_start3A_154 : memref<10000x128xf32, #tpu.memory_space<hbm>>) target(%arg13 : memref<64x128xf32, #tpu.memory_space<vmem>>) offsets(%dma_start3A_151 : memref<64xi32, #tpu.memory_space<vmem>>) semaphore(%arg14 : memref<!tpu.dma_semaphore, #tpu.memory_space<semaphore_mem>>)
    %dma_start3A_155 = arith.constant 0 : i32
    %dma_start3A_156 = arith.constant 0 : i32
    %dma_start3A_157 = tpu.memref_slice %arg9[%dma_start3A_155, %dma_start3A_156] : memref<40x64xi32, #tpu.memory_space<vmem>> -> memref<1x64xi32, #tpu.memory_space<vmem>>
    %dma_start3A_158 = tpu.memref_squeeze %dma_start3A_157 : memref<1x64xi32, #tpu.memory_space<vmem>> -> memref<64xi32, #tpu.memory_space<vmem>>
    %dma_start3A_159 = arith.constant 0 : i32
    %dma_start3A_160 = arith.constant 0 : i32
    %dma_start3A_161 = tpu.memref_slice %arg7[%dma_start3A_159, %dma_start3A_160] : memref<10240x128xf32, #tpu.memory_space<vmem_shared>> -> memref<10240x128xf32, #tpu.memory_space<vmem_shared>>
    tpu.enqueue_indirect_dma source(%arg10 : memref<64x128xf32, #tpu.memory_space<vmem>>) target(%dma_start3A_161 : memref<10240x128xf32, #tpu.memory_space<vmem_shared>>) offsets(%dma_start3A_158 : memref<64xi32, #tpu.memory_space<vmem>>) semaphore(%arg15 : memref<!tpu.dma_semaphore, #tpu.memory_space<semaphore_mem>>) {add = true}
    %scan3A_162 = arith.constant 0 : i32
    %scan3A_163 = arith.constant 0 : i32
    %scan3A_164 = arith.constant 9 : i32
    %scan3A_165 = arith.addi %scan3A_163, %scan3A_164 : i32
    %scan3A_166 = arith.constant 1 : i32
    scf.for %scan3A_479 = %scan3A_163 to %scan3A_165 step %scan3A_166  : i32 {
      %mul3A_480 = arith.constant 4 : i32
      %mul3A_481 = arith.muli %mul3A_480, %scan3A_479 : i32
      %add3A_482 = arith.constant 1 : i32
      %add3A_483 = arith.addi %mul3A_481, %add3A_482 : i32
      %add3A_484 = arith.constant 0 : i32
      %add3A_485 = arith.addi %add3A_483, %add3A_484 : i32
      %dma_wait3A_486 = arith.constant 0 : i32
      %dma_wait3A_487 = tpu.memref_slice %arg8[%add3A_485, %dma_wait3A_486] : memref<40x64xi32, #tpu.memory_space<vmem>> -> memref<1x64xi32, #tpu.memory_space<vmem>>
      %dma_wait3A_488 = tpu.memref_squeeze %dma_wait3A_487 : memref<1x64xi32, #tpu.memory_space<vmem>> -> memref<64xi32, #tpu.memory_space<vmem>>
      %dma_wait3A_489 = arith.constant 0 : i32
      %dma_wait3A_490 = arith.constant 0 : i32
      %dma_wait3A_491 = tpu.memref_slice %arg2[%dma_wait3A_489, %dma_wait3A_490] : memref<10000x128xf32, #tpu.memory_space<hbm>> -> memref<10000x128xf32, #tpu.memory_space<hbm>>
      tpu.wait_indirect_dma semaphore(%arg14 : memref<!tpu.dma_semaphore, #tpu.memory_space<semaphore_mem>>) src(%dma_wait3A_491 : memref<10000x128xf32, #tpu.memory_space<hbm>>) dst(%arg11 : memref<64x128xf32, #tpu.memory_space<vmem>>)
      %sub3A = arith.constant 1 : i32
      %sub3A_492 = arith.subi %add3A_485, %sub3A : i32
      %dma_wait3A_493 = arith.constant 0 : i32
      %dma_wait3A_494 = tpu.memref_slice %arg9[%sub3A_492, %dma_wait3A_493] : memref<40x64xi32, #tpu.memory_space<vmem>> -> memref<1x64xi32, #tpu.memory_space<vmem>>
      %dma_wait3A_495 = tpu.memref_squeeze %dma_wait3A_494 : memref<1x64xi32, #tpu.memory_space<vmem>> -> memref<64xi32, #tpu.memory_space<vmem>>
      %dma_wait3A_496 = arith.constant 0 : i32
      %dma_wait3A_497 = arith.constant 0 : i32
      %dma_wait3A_498 = tpu.memref_slice %arg7[%dma_wait3A_496, %dma_wait3A_497] : memref<10240x128xf32, #tpu.memory_space<vmem_shared>> -> memref<10240x128xf32, #tpu.memory_space<vmem_shared>>
      tpu.wait_indirect_dma semaphore(%arg15 : memref<!tpu.dma_semaphore, #tpu.memory_space<semaphore_mem>>) src(%arg10 : memref<64x128xf32, #tpu.memory_space<vmem>>) dst(%dma_wait3A_498 : memref<10240x128xf32, #tpu.memory_space<vmem_shared>>)
      %add3A_499 = arith.constant 3 : i32
      %add3A_500 = arith.addi %add3A_485, %add3A_499 : i32
      %dma_start3A_501 = arith.constant 0 : i32
      %dma_start3A_502 = tpu.memref_slice %arg8[%add3A_500, %dma_start3A_501] : memref<40x64xi32, #tpu.memory_space<vmem>> -> memref<1x64xi32, #tpu.memory_space<vmem>>
      %dma_start3A_503 = tpu.memref_squeeze %dma_start3A_502 : memref<1x64xi32, #tpu.memory_space<vmem>> -> memref<64xi32, #tpu.memory_space<vmem>>
      %dma_start3A_504 = arith.constant 0 : i32
      %dma_start3A_505 = arith.constant 0 : i32
      %dma_start3A_506 = tpu.memref_slice %arg2[%dma_start3A_504, %dma_start3A_505] : memref<10000x128xf32, #tpu.memory_space<hbm>> -> memref<10000x128xf32, #tpu.memory_space<hbm>>
      tpu.enqueue_indirect_dma source(%dma_start3A_506 : memref<10000x128xf32, #tpu.memory_space<hbm>>) target(%arg10 : memref<64x128xf32, #tpu.memory_space<vmem>>) offsets(%dma_start3A_503 : memref<64xi32, #tpu.memory_space<vmem>>) semaphore(%arg14 : memref<!tpu.dma_semaphore, #tpu.memory_space<semaphore_mem>>)
      %dma_start3A_507 = arith.constant 0 : i32
      %dma_start3A_508 = tpu.memref_slice %arg9[%add3A_485, %dma_start3A_507] : memref<40x64xi32, #tpu.memory_space<vmem>> -> memref<1x64xi32, #tpu.memory_space<vmem>>
      %dma_start3A_509 = tpu.memref_squeeze %dma_start3A_508 : memref<1x64xi32, #tpu.memory_space<vmem>> -> memref<64xi32, #tpu.memory_space<vmem>>
      %dma_start3A_510 = arith.constant 0 : i32
      %dma_start3A_511 = arith.constant 0 : i32
      %dma_start3A_512 = tpu.memref_slice %arg7[%dma_start3A_510, %dma_start3A_511] : memref<10240x128xf32, #tpu.memory_space<vmem_shared>> -> memref<10240x128xf32, #tpu.memory_space<vmem_shared>>
      tpu.enqueue_indirect_dma source(%arg11 : memref<64x128xf32, #tpu.memory_space<vmem>>) target(%dma_start3A_512 : memref<10240x128xf32, #tpu.memory_space<vmem_shared>>) offsets(%dma_start3A_509 : memref<64xi32, #tpu.memory_space<vmem>>) semaphore(%arg15 : memref<!tpu.dma_semaphore, #tpu.memory_space<semaphore_mem>>) {add = true}
      %mul3A_513 = arith.constant 4 : i32
      %mul3A_514 = arith.muli %mul3A_513, %scan3A_479 : i32
      %add3A_515 = arith.constant 1 : i32
      %add3A_516 = arith.addi %mul3A_514, %add3A_515 : i32
      %add3A_517 = arith.constant 1 : i32
      %add3A_518 = arith.addi %add3A_516, %add3A_517 : i32
      %dma_wait3A_519 = arith.constant 0 : i32
      %dma_wait3A_520 = tpu.memref_slice %arg8[%add3A_518, %dma_wait3A_519] : memref<40x64xi32, #tpu.memory_space<vmem>> -> memref<1x64xi32, #tpu.memory_space<vmem>>
      %dma_wait3A_521 = tpu.memref_squeeze %dma_wait3A_520 : memref<1x64xi32, #tpu.memory_space<vmem>> -> memref<64xi32, #tpu.memory_space<vmem>>
      %dma_wait3A_522 = arith.constant 0 : i32
      %dma_wait3A_523 = arith.constant 0 : i32
      %dma_wait3A_524 = tpu.memref_slice %arg2[%dma_wait3A_522, %dma_wait3A_523] : memref<10000x128xf32, #tpu.memory_space<hbm>> -> memref<10000x128xf32, #tpu.memory_space<hbm>>
      tpu.wait_indirect_dma semaphore(%arg14 : memref<!tpu.dma_semaphore, #tpu.memory_space<semaphore_mem>>) src(%dma_wait3A_524 : memref<10000x128xf32, #tpu.memory_space<hbm>>) dst(%arg12 : memref<64x128xf32, #tpu.memory_space<vmem>>)
      %sub3A_525 = arith.constant 1 : i32
      %sub3A_526 = arith.subi %add3A_518, %sub3A_525 : i32
      %dma_wait3A_527 = arith.constant 0 : i32
      %dma_wait3A_528 = tpu.memref_slice %arg9[%sub3A_526, %dma_wait3A_527] : memref<40x64xi32, #tpu.memory_space<vmem>> -> memref<1x64xi32, #tpu.memory_space<vmem>>
      %dma_wait3A_529 = tpu.memref_squeeze %dma_wait3A_528 : memref<1x64xi32, #tpu.memory_space<vmem>> -> memref<64xi32, #tpu.memory_space<vmem>>
      %dma_wait3A_530 = arith.constant 0 : i32
      %dma_wait3A_531 = arith.constant 0 : i32
      %dma_wait3A_532 = tpu.memref_slice %arg7[%dma_wait3A_530, %dma_wait3A_531] : memref<10240x128xf32, #tpu.memory_space<vmem_shared>> -> memref<10240x128xf32, #tpu.memory_space<vmem_shared>>
      tpu.wait_indirect_dma semaphore(%arg15 : memref<!tpu.dma_semaphore, #tpu.memory_space<semaphore_mem>>) src(%arg11 : memref<64x128xf32, #tpu.memory_space<vmem>>) dst(%dma_wait3A_532 : memref<10240x128xf32, #tpu.memory_space<vmem_shared>>)
      %add3A_533 = arith.constant 3 : i32
      %add3A_534 = arith.addi %add3A_518, %add3A_533 : i32
      %dma_start3A_535 = arith.constant 0 : i32
      %dma_start3A_536 = tpu.memref_slice %arg8[%add3A_534, %dma_start3A_535] : memref<40x64xi32, #tpu.memory_space<vmem>> -> memref<1x64xi32, #tpu.memory_space<vmem>>
      %dma_start3A_537 = tpu.memref_squeeze %dma_start3A_536 : memref<1x64xi32, #tpu.memory_space<vmem>> -> memref<64xi32, #tpu.memory_space<vmem>>
      %dma_start3A_538 = arith.constant 0 : i32
      %dma_start3A_539 = arith.constant 0 : i32
      %dma_start3A_540 = tpu.memref_slice %arg2[%dma_start3A_538, %dma_start3A_539] : memref<10000x128xf32, #tpu.memory_space<hbm>> -> memref<10000x128xf32, #tpu.memory_space<hbm>>
      tpu.enqueue_indirect_dma source(%dma_start3A_540 : memref<10000x128xf32, #tpu.memory_space<hbm>>) target(%arg11 : memref<64x128xf32, #tpu.memory_space<vmem>>) offsets(%dma_start3A_537 : memref<64xi32, #tpu.memory_space<vmem>>) semaphore(%arg14 : memref<!tpu.dma_semaphore, #tpu.memory_space<semaphore_mem>>)
      %dma_start3A_541 = arith.constant 0 : i32
      %dma_start3A_542 = tpu.memref_slice %arg9[%add3A_518, %dma_start3A_541] : memref<40x64xi32, #tpu.memory_space<vmem>> -> memref<1x64xi32, #tpu.memory_space<vmem>>
      %dma_start3A_543 = tpu.memref_squeeze %dma_start3A_542 : memref<1x64xi32, #tpu.memory_space<vmem>> -> memref<64xi32, #tpu.memory_space<vmem>>
      %dma_start3A_544 = arith.constant 0 : i32
      %dma_start3A_545 = arith.constant 0 : i32
      %dma_start3A_546 = tpu.memref_slice %arg7[%dma_start3A_544, %dma_start3A_545] : memref<10240x128xf32, #tpu.memory_space<vmem_shared>> -> memref<10240x128xf32, #tpu.memory_space<vmem_shared>>
      tpu.enqueue_indirect_dma source(%arg12 : memref<64x128xf32, #tpu.memory_space<vmem>>) target(%dma_start3A_546 : memref<10240x128xf32, #tpu.memory_space<vmem_shared>>) offsets(%dma_start3A_543 : memref<64xi32, #tpu.memory_space<vmem>>) semaphore(%arg15 : memref<!tpu.dma_semaphore, #tpu.memory_space<semaphore_mem>>) {add = true}
      %mul3A_547 = arith.constant 4 : i32
      %mul3A_548 = arith.muli %mul3A_547, %scan3A_479 : i32
      %add3A_549 = arith.constant 1 : i32
      %add3A_550 = arith.addi %mul3A_548, %add3A_549 : i32
      %add3A_551 = arith.constant 2 : i32
      %add3A_552 = arith.addi %add3A_550, %add3A_551 : i32
      %dma_wait3A_553 = arith.constant 0 : i32
      %dma_wait3A_554 = tpu.memref_slice %arg8[%add3A_552, %dma_wait3A_553] : memref<40x64xi32, #tpu.memory_space<vmem>> -> memref<1x64xi32, #tpu.memory_space<vmem>>
      %dma_wait3A_555 = tpu.memref_squeeze %dma_wait3A_554 : memref<1x64xi32, #tpu.memory_space<vmem>> -> memref<64xi32, #tpu.memory_space<vmem>>
      %dma_wait3A_556 = arith.constant 0 : i32
      %dma_wait3A_557 = arith.constant 0 : i32
      %dma_wait3A_558 = tpu.memref_slice %arg2[%dma_wait3A_556, %dma_wait3A_557] : memref<10000x128xf32, #tpu.memory_space<hbm>> -> memref<10000x128xf32, #tpu.memory_space<hbm>>
      tpu.wait_indirect_dma semaphore(%arg14 : memref<!tpu.dma_semaphore, #tpu.memory_space<semaphore_mem>>) src(%dma_wait3A_558 : memref<10000x128xf32, #tpu.memory_space<hbm>>) dst(%arg13 : memref<64x128xf32, #tpu.memory_space<vmem>>)
      %sub3A_559 = arith.constant 1 : i32
      %sub3A_560 = arith.subi %add3A_552, %sub3A_559 : i32
      %dma_wait3A_561 = arith.constant 0 : i32
      %dma_wait3A_562 = tpu.memref_slice %arg9[%sub3A_560, %dma_wait3A_561] : memref<40x64xi32, #tpu.memory_space<vmem>> -> memref<1x64xi32, #tpu.memory_space<vmem>>
      %dma_wait3A_563 = tpu.memref_squeeze %dma_wait3A_562 : memref<1x64xi32, #tpu.memory_space<vmem>> -> memref<64xi32, #tpu.memory_space<vmem>>
      %dma_wait3A_564 = arith.constant 0 : i32
      %dma_wait3A_565 = arith.constant 0 : i32
      %dma_wait3A_566 = tpu.memref_slice %arg7[%dma_wait3A_564, %dma_wait3A_565] : memref<10240x128xf32, #tpu.memory_space<vmem_shared>> -> memref<10240x128xf32, #tpu.memory_space<vmem_shared>>
      tpu.wait_indirect_dma semaphore(%arg15 : memref<!tpu.dma_semaphore, #tpu.memory_space<semaphore_mem>>) src(%arg12 : memref<64x128xf32, #tpu.memory_space<vmem>>) dst(%dma_wait3A_566 : memref<10240x128xf32, #tpu.memory_space<vmem_shared>>)
      %add3A_567 = arith.constant 3 : i32
      %add3A_568 = arith.addi %add3A_552, %add3A_567 : i32
      %dma_start3A_569 = arith.constant 0 : i32
      %dma_start3A_570 = tpu.memref_slice %arg8[%add3A_568, %dma_start3A_569] : memref<40x64xi32, #tpu.memory_space<vmem>> -> memref<1x64xi32, #tpu.memory_space<vmem>>
      %dma_start3A_571 = tpu.memref_squeeze %dma_start3A_570 : memref<1x64xi32, #tpu.memory_space<vmem>> -> memref<64xi32, #tpu.memory_space<vmem>>
      %dma_start3A_572 = arith.constant 0 : i32
      %dma_start3A_573 = arith.constant 0 : i32
      %dma_start3A_574 = tpu.memref_slice %arg2[%dma_start3A_572, %dma_start3A_573] : memref<10000x128xf32, #tpu.memory_space<hbm>> -> memref<10000x128xf32, #tpu.memory_space<hbm>>
      tpu.enqueue_indirect_dma source(%dma_start3A_574 : memref<10000x128xf32, #tpu.memory_space<hbm>>) target(%arg12 : memref<64x128xf32, #tpu.memory_space<vmem>>) offsets(%dma_start3A_571 : memref<64xi32, #tpu.memory_space<vmem>>) semaphore(%arg14 : memref<!tpu.dma_semaphore, #tpu.memory_space<semaphore_mem>>)
      %dma_start3A_575 = arith.constant 0 : i32
      %dma_start3A_576 = tpu.memref_slice %arg9[%add3A_552, %dma_start3A_575] : memref<40x64xi32, #tpu.memory_space<vmem>> -> memref<1x64xi32, #tpu.memory_space<vmem>>
      %dma_start3A_577 = tpu.memref_squeeze %dma_start3A_576 : memref<1x64xi32, #tpu.memory_space<vmem>> -> memref<64xi32, #tpu.memory_space<vmem>>
      %dma_start3A_578 = arith.constant 0 : i32
      %dma_start3A_579 = arith.constant 0 : i32
      %dma_start3A_580 = tpu.memref_slice %arg7[%dma_start3A_578, %dma_start3A_579] : memref<10240x128xf32, #tpu.memory_space<vmem_shared>> -> memref<10240x128xf32, #tpu.memory_space<vmem_shared>>
      tpu.enqueue_indirect_dma source(%arg13 : memref<64x128xf32, #tpu.memory_space<vmem>>) target(%dma_start3A_580 : memref<10240x128xf32, #tpu.memory_space<vmem_shared>>) offsets(%dma_start3A_577 : memref<64xi32, #tpu.memory_space<vmem>>) semaphore(%arg15 : memref<!tpu.dma_semaphore, #tpu.memory_space<semaphore_mem>>) {add = true}
      %mul3A_581 = arith.constant 4 : i32
      %mul3A_582 = arith.muli %mul3A_581, %scan3A_479 : i32
      %add3A_583 = arith.constant 1 : i32
      %add3A_584 = arith.addi %mul3A_582, %add3A_583 : i32
      %add3A_585 = arith.constant 3 : i32
      %add3A_586 = arith.addi %add3A_584, %add3A_585 : i32
      %dma_wait3A_587 = arith.constant 0 : i32
      %dma_wait3A_588 = tpu.memref_slice %arg8[%add3A_586, %dma_wait3A_587] : memref<40x64xi32, #tpu.memory_space<vmem>> -> memref<1x64xi32, #tpu.memory_space<vmem>>
      %dma_wait3A_589 = tpu.memref_squeeze %dma_wait3A_588 : memref<1x64xi32, #tpu.memory_space<vmem>> -> memref<64xi32, #tpu.memory_space<vmem>>
      %dma_wait3A_590 = arith.constant 0 : i32
      %dma_wait3A_591 = arith.constant 0 : i32
      %dma_wait3A_592 = tpu.memref_slice %arg2[%dma_wait3A_590, %dma_wait3A_591] : memref<10000x128xf32, #tpu.memory_space<hbm>> -> memref<10000x128xf32, #tpu.memory_space<hbm>>
      tpu.wait_indirect_dma semaphore(%arg14 : memref<!tpu.dma_semaphore, #tpu.memory_space<semaphore_mem>>) src(%dma_wait3A_592 : memref<10000x128xf32, #tpu.memory_space<hbm>>) dst(%arg10 : memref<64x128xf32, #tpu.memory_space<vmem>>)
      %sub3A_593 = arith.constant 1 : i32
      %sub3A_594 = arith.subi %add3A_586, %sub3A_593 : i32
      %dma_wait3A_595 = arith.constant 0 : i32
      %dma_wait3A_596 = tpu.memref_slice %arg9[%sub3A_594, %dma_wait3A_595] : memref<40x64xi32, #tpu.memory_space<vmem>> -> memref<1x64xi32, #tpu.memory_space<vmem>>
      %dma_wait3A_597 = tpu.memref_squeeze %dma_wait3A_596 : memref<1x64xi32, #tpu.memory_space<vmem>> -> memref<64xi32, #tpu.memory_space<vmem>>
      %dma_wait3A_598 = arith.constant 0 : i32
      %dma_wait3A_599 = arith.constant 0 : i32
      %dma_wait3A_600 = tpu.memref_slice %arg7[%dma_wait3A_598, %dma_wait3A_599] : memref<10240x128xf32, #tpu.memory_space<vmem_shared>> -> memref<10240x128xf32, #tpu.memory_space<vmem_shared>>
      tpu.wait_indirect_dma semaphore(%arg15 : memref<!tpu.dma_semaphore, #tpu.memory_space<semaphore_mem>>) src(%arg13 : memref<64x128xf32, #tpu.memory_space<vmem>>) dst(%dma_wait3A_600 : memref<10240x128xf32, #tpu.memory_space<vmem_shared>>)
      %add3A_601 = arith.constant 3 : i32
      %add3A_602 = arith.addi %add3A_586, %add3A_601 : i32
      %dma_start3A_603 = arith.constant 0 : i32
      %dma_start3A_604 = tpu.memref_slice %arg8[%add3A_602, %dma_start3A_603] : memref<40x64xi32, #tpu.memory_space<vmem>> -> memref<1x64xi32, #tpu.memory_space<vmem>>
      %dma_start3A_605 = tpu.memref_squeeze %dma_start3A_604 : memref<1x64xi32, #tpu.memory_space<vmem>> -> memref<64xi32, #tpu.memory_space<vmem>>
      %dma_start3A_606 = arith.constant 0 : i32
      %dma_start3A_607 = arith.constant 0 : i32
      %dma_start3A_608 = tpu.memref_slice %arg2[%dma_start3A_606, %dma_start3A_607] : memref<10000x128xf32, #tpu.memory_space<hbm>> -> memref<10000x128xf32, #tpu.memory_space<hbm>>
      tpu.enqueue_indirect_dma source(%dma_start3A_608 : memref<10000x128xf32, #tpu.memory_space<hbm>>) target(%arg13 : memref<64x128xf32, #tpu.memory_space<vmem>>) offsets(%dma_start3A_605 : memref<64xi32, #tpu.memory_space<vmem>>) semaphore(%arg14 : memref<!tpu.dma_semaphore, #tpu.memory_space<semaphore_mem>>)
      %dma_start3A_609 = arith.constant 0 : i32
      %dma_start3A_610 = tpu.memref_slice %arg9[%add3A_586, %dma_start3A_609] : memref<40x64xi32, #tpu.memory_space<vmem>> -> memref<1x64xi32, #tpu.memory_space<vmem>>
      %dma_start3A_611 = tpu.memref_squeeze %dma_start3A_610 : memref<1x64xi32, #tpu.memory_space<vmem>> -> memref<64xi32, #tpu.memory_space<vmem>>
      %dma_start3A_612 = arith.constant 0 : i32
      %dma_start3A_613 = arith.constant 0 : i32
      %dma_start3A_614 = tpu.memref_slice %arg7[%dma_start3A_612, %dma_start3A_613] : memref<10240x128xf32, #tpu.memory_space<vmem_shared>> -> memref<10240x128xf32, #tpu.memory_space<vmem_shared>>
      tpu.enqueue_indirect_dma source(%arg10 : memref<64x128xf32, #tpu.memory_space<vmem>>) target(%dma_start3A_614 : memref<10240x128xf32, #tpu.memory_space<vmem_shared>>) offsets(%dma_start3A_611 : memref<64xi32, #tpu.memory_space<vmem>>) semaphore(%arg15 : memref<!tpu.dma_semaphore, #tpu.memory_space<semaphore_mem>>) {add = true}
    }
    %scan3A_167 = arith.constant 9 : i32
    %dma_wait3A_168 = arith.constant 37 : i32
    %dma_wait3A_169 = arith.constant 0 : i32
    %dma_wait3A_170 = tpu.memref_slice %arg8[%dma_wait3A_168, %dma_wait3A_169] : memref<40x64xi32, #tpu.memory_space<vmem>> -> memref<1x64xi32, #tpu.memory_space<vmem>>
    %dma_wait3A_171 = tpu.memref_squeeze %dma_wait3A_170 : memref<1x64xi32, #tpu.memory_space<vmem>> -> memref<64xi32, #tpu.memory_space<vmem>>
    %dma_wait3A_172 = arith.constant 0 : i32
    %dma_wait3A_173 = arith.constant 0 : i32
    %dma_wait3A_174 = tpu.memref_slice %arg2[%dma_wait3A_172, %dma_wait3A_173] : memref<10000x128xf32, #tpu.memory_space<hbm>> -> memref<10000x128xf32, #tpu.memory_space<hbm>>
    tpu.wait_indirect_dma semaphore(%arg14 : memref<!tpu.dma_semaphore, #tpu.memory_space<semaphore_mem>>) src(%dma_wait3A_174 : memref<10000x128xf32, #tpu.memory_space<hbm>>) dst(%arg11 : memref<64x128xf32, #tpu.memory_space<vmem>>)
    %dma_wait3A_175 = arith.constant 36 : i32
    %dma_wait3A_176 = arith.constant 0 : i32
    %dma_wait3A_177 = tpu.memref_slice %arg9[%dma_wait3A_175, %dma_wait3A_176] : memref<40x64xi32, #tpu.memory_space<vmem>> -> memref<1x64xi32, #tpu.memory_space<vmem>>
    %dma_wait3A_178 = tpu.memref_squeeze %dma_wait3A_177 : memref<1x64xi32, #tpu.memory_space<vmem>> -> memref<64xi32, #tpu.memory_space<vmem>>
    %dma_wait3A_179 = arith.constant 0 : i32
    %dma_wait3A_180 = arith.constant 0 : i32
    %dma_wait3A_181 = tpu.memref_slice %arg7[%dma_wait3A_179, %dma_wait3A_180] : memref<10240x128xf32, #tpu.memory_space<vmem_shared>> -> memref<10240x128xf32, #tpu.memory_space<vmem_shared>>
    tpu.wait_indirect_dma semaphore(%arg15 : memref<!tpu.dma_semaphore, #tpu.memory_space<semaphore_mem>>) src(%arg10 : memref<64x128xf32, #tpu.memory_space<vmem>>) dst(%dma_wait3A_181 : memref<10240x128xf32, #tpu.memory_space<vmem_shared>>)
    %dma_start3A_182 = arith.constant 37 : i32
    %dma_start3A_183 = arith.constant 0 : i32
    %dma_start3A_184 = tpu.memref_slice %arg9[%dma_start3A_182, %dma_start3A_183] : memref<40x64xi32, #tpu.memory_space<vmem>> -> memref<1x64xi32, #tpu.memory_space<vmem>>
    %dma_start3A_185 = tpu.memref_squeeze %dma_start3A_184 : memref<1x64xi32, #tpu.memory_space<vmem>> -> memref<64xi32, #tpu.memory_space<vmem>>
    %dma_start3A_186 = arith.constant 0 : i32
    %dma_start3A_187 = arith.constant 0 : i32
    %dma_start3A_188 = tpu.memref_slice %arg7[%dma_start3A_186, %dma_start3A_187] : memref<10240x128xf32, #tpu.memory_space<vmem_shared>> -> memref<10240x128xf32, #tpu.memory_space<vmem_shared>>
    tpu.enqueue_indirect_dma source(%arg11 : memref<64x128xf32, #tpu.memory_space<vmem>>) target(%dma_start3A_188 : memref<10240x128xf32, #tpu.memory_space<vmem_shared>>) offsets(%dma_start3A_185 : memref<64xi32, #tpu.memory_space<vmem>>) semaphore(%arg15 : memref<!tpu.dma_semaphore, #tpu.memory_space<semaphore_mem>>) {add = true}
    %dma_wait3A_189 = arith.constant 38 : i32
    %dma_wait3A_190 = arith.constant 0 : i32
    %dma_wait3A_191 = tpu.memref_slice %arg8[%dma_wait3A_189, %dma_wait3A_190] : memref<40x64xi32, #tpu.memory_space<vmem>> -> memref<1x64xi32, #tpu.memory_space<vmem>>
    %dma_wait3A_192 = tpu.memref_squeeze %dma_wait3A_191 : memref<1x64xi32, #tpu.memory_space<vmem>> -> memref<64xi32, #tpu.memory_space<vmem>>
    %dma_wait3A_193 = arith.constant 0 : i32
    %dma_wait3A_194 = arith.constant 0 : i32
    %dma_wait3A_195 = tpu.memref_slice %arg2[%dma_wait3A_193, %dma_wait3A_194] : memref<10000x128xf32, #tpu.memory_space<hbm>> -> memref<10000x128xf32, #tpu.memory_space<hbm>>
    tpu.wait_indirect_dma semaphore(%arg14 : memref<!tpu.dma_semaphore, #tpu.memory_space<semaphore_mem>>) src(%dma_wait3A_195 : memref<10000x128xf32, #tpu.memory_space<hbm>>) dst(%arg12 : memref<64x128xf32, #tpu.memory_space<vmem>>)
    %dma_wait3A_196 = arith.constant 37 : i32
    %dma_wait3A_197 = arith.constant 0 : i32
    %dma_wait3A_198 = tpu.memref_slice %arg9[%dma_wait3A_196, %dma_wait3A_197] : memref<40x64xi32, #tpu.memory_space<vmem>> -> memref<1x64xi32, #tpu.memory_space<vmem>>
    %dma_wait3A_199 = tpu.memref_squeeze %dma_wait3A_198 : memref<1x64xi32, #tpu.memory_space<vmem>> -> memref<64xi32, #tpu.memory_space<vmem>>
    %dma_wait3A_200 = arith.constant 0 : i32
    %dma_wait3A_201 = arith.constant 0 : i32
    %dma_wait3A_202 = tpu.memref_slice %arg7[%dma_wait3A_200, %dma_wait3A_201] : memref<10240x128xf32, #tpu.memory_space<vmem_shared>> -> memref<10240x128xf32, #tpu.memory_space<vmem_shared>>
    tpu.wait_indirect_dma semaphore(%arg15 : memref<!tpu.dma_semaphore, #tpu.memory_space<semaphore_mem>>) src(%arg11 : memref<64x128xf32, #tpu.memory_space<vmem>>) dst(%dma_wait3A_202 : memref<10240x128xf32, #tpu.memory_space<vmem_shared>>)
    %dma_start3A_203 = arith.constant 38 : i32
    %dma_start3A_204 = arith.constant 0 : i32
    %dma_start3A_205 = tpu.memref_slice %arg9[%dma_start3A_203, %dma_start3A_204] : memref<40x64xi32, #tpu.memory_space<vmem>> -> memref<1x64xi32, #tpu.memory_space<vmem>>
    %dma_start3A_206 = tpu.memref_squeeze %dma_start3A_205 : memref<1x64xi32, #tpu.memory_space<vmem>> -> memref<64xi32, #tpu.memory_space<vmem>>
    %dma_start3A_207 = arith.constant 0 : i32
    %dma_start3A_208 = arith.constant 0 : i32
    %dma_start3A_209 = tpu.memref_slice %arg7[%dma_start3A_207, %dma_start3A_208] : memref<10240x128xf32, #tpu.memory_space<vmem_shared>> -> memref<10240x128xf32, #tpu.memory_space<vmem_shared>>
    tpu.enqueue_indirect_dma source(%arg12 : memref<64x128xf32, #tpu.memory_space<vmem>>) target(%dma_start3A_209 : memref<10240x128xf32, #tpu.memory_space<vmem_shared>>) offsets(%dma_start3A_206 : memref<64xi32, #tpu.memory_space<vmem>>) semaphore(%arg15 : memref<!tpu.dma_semaphore, #tpu.memory_space<semaphore_mem>>) {add = true}
    %dma_wait3A_210 = arith.constant 39 : i32
    %dma_wait3A_211 = arith.constant 0 : i32
    %dma_wait3A_212 = tpu.memref_slice %arg8[%dma_wait3A_210, %dma_wait3A_211] : memref<40x64xi32, #tpu.memory_space<vmem>> -> memref<1x64xi32, #tpu.memory_space<vmem>>
    %dma_wait3A_213 = tpu.memref_squeeze %dma_wait3A_212 : memref<1x64xi32, #tpu.memory_space<vmem>> -> memref<64xi32, #tpu.memory_space<vmem>>
    %dma_wait3A_214 = arith.constant 0 : i32
    %dma_wait3A_215 = arith.constant 0 : i32
    %dma_wait3A_216 = tpu.memref_slice %arg2[%dma_wait3A_214, %dma_wait3A_215] : memref<10000x128xf32, #tpu.memory_space<hbm>> -> memref<10000x128xf32, #tpu.memory_space<hbm>>
    tpu.wait_indirect_dma semaphore(%arg14 : memref<!tpu.dma_semaphore, #tpu.memory_space<semaphore_mem>>) src(%dma_wait3A_216 : memref<10000x128xf32, #tpu.memory_space<hbm>>) dst(%arg13 : memref<64x128xf32, #tpu.memory_space<vmem>>)
    %dma_wait3A_217 = arith.constant 38 : i32
    %dma_wait3A_218 = arith.constant 0 : i32
    %dma_wait3A_219 = tpu.memref_slice %arg9[%dma_wait3A_217, %dma_wait3A_218] : memref<40x64xi32, #tpu.memory_space<vmem>> -> memref<1x64xi32, #tpu.memory_space<vmem>>
    %dma_wait3A_220 = tpu.memref_squeeze %dma_wait3A_219 : memref<1x64xi32, #tpu.memory_space<vmem>> -> memref<64xi32, #tpu.memory_space<vmem>>
    %dma_wait3A_221 = arith.constant 0 : i32
    %dma_wait3A_222 = arith.constant 0 : i32
    %dma_wait3A_223 = tpu.memref_slice %arg7[%dma_wait3A_221, %dma_wait3A_222] : memref<10240x128xf32, #tpu.memory_space<vmem_shared>> -> memref<10240x128xf32, #tpu.memory_space<vmem_shared>>
    tpu.wait_indirect_dma semaphore(%arg15 : memref<!tpu.dma_semaphore, #tpu.memory_space<semaphore_mem>>) src(%arg12 : memref<64x128xf32, #tpu.memory_space<vmem>>) dst(%dma_wait3A_223 : memref<10240x128xf32, #tpu.memory_space<vmem_shared>>)
    %dma_start3A_224 = arith.constant 39 : i32
    %dma_start3A_225 = arith.constant 0 : i32
    %dma_start3A_226 = tpu.memref_slice %arg9[%dma_start3A_224, %dma_start3A_225] : memref<40x64xi32, #tpu.memory_space<vmem>> -> memref<1x64xi32, #tpu.memory_space<vmem>>
    %dma_start3A_227 = tpu.memref_squeeze %dma_start3A_226 : memref<1x64xi32, #tpu.memory_space<vmem>> -> memref<64xi32, #tpu.memory_space<vmem>>
    %dma_start3A_228 = arith.constant 0 : i32
    %dma_start3A_229 = arith.constant 0 : i32
    %dma_start3A_230 = tpu.memref_slice %arg7[%dma_start3A_228, %dma_start3A_229] : memref<10240x128xf32, #tpu.memory_space<vmem_shared>> -> memref<10240x128xf32, #tpu.memory_space<vmem_shared>>
    tpu.enqueue_indirect_dma source(%arg13 : memref<64x128xf32, #tpu.memory_space<vmem>>) target(%dma_start3A_230 : memref<10240x128xf32, #tpu.memory_space<vmem_shared>>) offsets(%dma_start3A_227 : memref<64xi32, #tpu.memory_space<vmem>>) semaphore(%arg15 : memref<!tpu.dma_semaphore, #tpu.memory_space<semaphore_mem>>) {add = true}
    %dma_wait3A_231 = arith.constant 39 : i32
    %dma_wait3A_232 = arith.constant 0 : i32
    %dma_wait3A_233 = tpu.memref_slice %arg9[%dma_wait3A_231, %dma_wait3A_232] : memref<40x64xi32, #tpu.memory_space<vmem>> -> memref<1x64xi32, #tpu.memory_space<vmem>>
    %dma_wait3A_234 = tpu.memref_squeeze %dma_wait3A_233 : memref<1x64xi32, #tpu.memory_space<vmem>> -> memref<64xi32, #tpu.memory_space<vmem>>
    %dma_wait3A_235 = arith.constant 0 : i32
    %dma_wait3A_236 = arith.constant 0 : i32
    %dma_wait3A_237 = tpu.memref_slice %arg7[%dma_wait3A_235, %dma_wait3A_236] : memref<10240x128xf32, #tpu.memory_space<vmem_shared>> -> memref<10240x128xf32, #tpu.memory_space<vmem_shared>>
    tpu.wait_indirect_dma semaphore(%arg15 : memref<!tpu.dma_semaphore, #tpu.memory_space<semaphore_mem>>) src(%arg13 : memref<64x128xf32, #tpu.memory_space<vmem>>) dst(%dma_wait3A_237 : memref<10240x128xf32, #tpu.memory_space<vmem_shared>>)
    "tpu.region"() ({
      %run_scoped3A = tpu.sem_alloc : memref<!tpu.dma_semaphore, #tpu.memory_space<semaphore_mem>>
      %dma_start3A_479 = arith.constant 0 : i32
      %dma_start3A_480 = arith.constant 0 : i32
      %dma_start3A_481 = tpu.memref_slice %arg3[%add3A, %dma_start3A_479, %dma_start3A_480] : memref<32x160x64xi32, #tpu.memory_space<hbm>> -> memref<1x160x64xi32, #tpu.memory_space<hbm>>
      %dma_start3A_482 = tpu.memref_squeeze %dma_start3A_481 : memref<1x160x64xi32, #tpu.memory_space<hbm>> -> memref<160x64xi32, #tpu.memory_space<hbm>>
      %dma_start3A_483 = arith.constant 80 : i32
      %dma_start3A_484 = arith.constant 0 : i32
      %dma_start3A_485 = tpu.memref_slice %dma_start3A_482[%dma_start3A_483, %dma_start3A_484] : memref<160x64xi32, #tpu.memory_space<hbm>> -> memref<40x64xi32, #tpu.memory_space<hbm>>
      %dma_start3A_486 = arith.constant 0 : i32
      %dma_start3A_487 = arith.constant 0 : i32
      %dma_start3A_488 = tpu.memref_slice %arg3[%add3A, %dma_start3A_486, %dma_start3A_487] : memref<32x160x64xi32, #tpu.memory_space<hbm>> -> memref<1x160x64xi32, #tpu.memory_space<hbm>>
      %dma_start3A_489 = tpu.memref_squeeze %dma_start3A_488 : memref<1x160x64xi32, #tpu.memory_space<hbm>> -> memref<160x64xi32, #tpu.memory_space<hbm>>
      %dma_start3A_490 = arith.constant 80 : i32
      %dma_start3A_491 = arith.constant 0 : i32
      %dma_start3A_492 = tpu.memref_slice %dma_start3A_489[%dma_start3A_490, %dma_start3A_491] : memref<160x64xi32, #tpu.memory_space<hbm>> -> memref<40x64xi32, #tpu.memory_space<hbm>>
      tpu.enqueue_dma source(%dma_start3A_492 : memref<40x64xi32, #tpu.memory_space<hbm>>) target(%arg8 : memref<40x64xi32, #tpu.memory_space<vmem>>) target_semaphore(%run_scoped3A : memref<!tpu.dma_semaphore, #tpu.memory_space<semaphore_mem>>)
      %dma_wait3A_493 = arith.constant 0 : i32
      %dma_wait3A_494 = arith.constant 0 : i32
      %dma_wait3A_495 = tpu.memref_slice %arg3[%add3A, %dma_wait3A_493, %dma_wait3A_494] : memref<32x160x64xi32, #tpu.memory_space<hbm>> -> memref<1x160x64xi32, #tpu.memory_space<hbm>>
      %dma_wait3A_496 = tpu.memref_squeeze %dma_wait3A_495 : memref<1x160x64xi32, #tpu.memory_space<hbm>> -> memref<160x64xi32, #tpu.memory_space<hbm>>
      %dma_wait3A_497 = arith.constant 80 : i32
      %dma_wait3A_498 = arith.constant 0 : i32
      %dma_wait3A_499 = tpu.memref_slice %dma_wait3A_496[%dma_wait3A_497, %dma_wait3A_498] : memref<160x64xi32, #tpu.memory_space<hbm>> -> memref<40x64xi32, #tpu.memory_space<hbm>>
      %dma_wait3A_500 = arith.constant 0 : i32
      %dma_wait3A_501 = arith.constant 0 : i32
      %dma_wait3A_502 = tpu.memref_slice %arg3[%add3A, %dma_wait3A_500, %dma_wait3A_501] : memref<32x160x64xi32, #tpu.memory_space<hbm>> -> memref<1x160x64xi32, #tpu.memory_space<hbm>>
      %dma_wait3A_503 = tpu.memref_squeeze %dma_wait3A_502 : memref<1x160x64xi32, #tpu.memory_space<hbm>> -> memref<160x64xi32, #tpu.memory_space<hbm>>
      %dma_wait3A_504 = arith.constant 80 : i32
      %dma_wait3A_505 = arith.constant 0 : i32
      %dma_wait3A_506 = tpu.memref_slice %dma_wait3A_503[%dma_wait3A_504, %dma_wait3A_505] : memref<160x64xi32, #tpu.memory_space<hbm>> -> memref<40x64xi32, #tpu.memory_space<hbm>>
      tpu.wait_dma2 semaphore(%run_scoped3A : memref<!tpu.dma_semaphore, #tpu.memory_space<semaphore_mem>>) src(%dma_wait3A_506 : memref<40x64xi32, #tpu.memory_space<hbm>>) dst(%arg8 : memref<40x64xi32, #tpu.memory_space<vmem>>)
      tpu.yield
    }) : () -> ()
    "tpu.region"() ({
      %run_scoped3A = tpu.sem_alloc : memref<!tpu.dma_semaphore, #tpu.memory_space<semaphore_mem>>
      %dma_start3A_479 = arith.constant 0 : i32
      %dma_start3A_480 = arith.constant 0 : i32
      %dma_start3A_481 = tpu.memref_slice %arg4[%add3A, %dma_start3A_479, %dma_start3A_480] : memref<32x160x64xi32, #tpu.memory_space<hbm>> -> memref<1x160x64xi32, #tpu.memory_space<hbm>>
      %dma_start3A_482 = tpu.memref_squeeze %dma_start3A_481 : memref<1x160x64xi32, #tpu.memory_space<hbm>> -> memref<160x64xi32, #tpu.memory_space<hbm>>
      %dma_start3A_483 = arith.constant 80 : i32
      %dma_start3A_484 = arith.constant 0 : i32
      %dma_start3A_485 = tpu.memref_slice %dma_start3A_482[%dma_start3A_483, %dma_start3A_484] : memref<160x64xi32, #tpu.memory_space<hbm>> -> memref<40x64xi32, #tpu.memory_space<hbm>>
      %dma_start3A_486 = arith.constant 0 : i32
      %dma_start3A_487 = arith.constant 0 : i32
      %dma_start3A_488 = tpu.memref_slice %arg4[%add3A, %dma_start3A_486, %dma_start3A_487] : memref<32x160x64xi32, #tpu.memory_space<hbm>> -> memref<1x160x64xi32, #tpu.memory_space<hbm>>
      %dma_start3A_489 = tpu.memref_squeeze %dma_start3A_488 : memref<1x160x64xi32, #tpu.memory_space<hbm>> -> memref<160x64xi32, #tpu.memory_space<hbm>>
      %dma_start3A_490 = arith.constant 80 : i32
      %dma_start3A_491 = arith.constant 0 : i32
      %dma_start3A_492 = tpu.memref_slice %dma_start3A_489[%dma_start3A_490, %dma_start3A_491] : memref<160x64xi32, #tpu.memory_space<hbm>> -> memref<40x64xi32, #tpu.memory_space<hbm>>
      tpu.enqueue_dma source(%dma_start3A_492 : memref<40x64xi32, #tpu.memory_space<hbm>>) target(%arg9 : memref<40x64xi32, #tpu.memory_space<vmem>>) target_semaphore(%run_scoped3A : memref<!tpu.dma_semaphore, #tpu.memory_space<semaphore_mem>>)
      %dma_wait3A_493 = arith.constant 0 : i32
      %dma_wait3A_494 = arith.constant 0 : i32
      %dma_wait3A_495 = tpu.memref_slice %arg4[%add3A, %dma_wait3A_493, %dma_wait3A_494] : memref<32x160x64xi32, #tpu.memory_space<hbm>> -> memref<1x160x64xi32, #tpu.memory_space<hbm>>
      %dma_wait3A_496 = tpu.memref_squeeze %dma_wait3A_495 : memref<1x160x64xi32, #tpu.memory_space<hbm>> -> memref<160x64xi32, #tpu.memory_space<hbm>>
      %dma_wait3A_497 = arith.constant 80 : i32
      %dma_wait3A_498 = arith.constant 0 : i32
      %dma_wait3A_499 = tpu.memref_slice %dma_wait3A_496[%dma_wait3A_497, %dma_wait3A_498] : memref<160x64xi32, #tpu.memory_space<hbm>> -> memref<40x64xi32, #tpu.memory_space<hbm>>
      %dma_wait3A_500 = arith.constant 0 : i32
      %dma_wait3A_501 = arith.constant 0 : i32
      %dma_wait3A_502 = tpu.memref_slice %arg4[%add3A, %dma_wait3A_500, %dma_wait3A_501] : memref<32x160x64xi32, #tpu.memory_space<hbm>> -> memref<1x160x64xi32, #tpu.memory_space<hbm>>
      %dma_wait3A_503 = tpu.memref_squeeze %dma_wait3A_502 : memref<1x160x64xi32, #tpu.memory_space<hbm>> -> memref<160x64xi32, #tpu.memory_space<hbm>>
      %dma_wait3A_504 = arith.constant 80 : i32
      %dma_wait3A_505 = arith.constant 0 : i32
      %dma_wait3A_506 = tpu.memref_slice %dma_wait3A_503[%dma_wait3A_504, %dma_wait3A_505] : memref<160x64xi32, #tpu.memory_space<hbm>> -> memref<40x64xi32, #tpu.memory_space<hbm>>
      tpu.wait_dma2 semaphore(%run_scoped3A : memref<!tpu.dma_semaphore, #tpu.memory_space<semaphore_mem>>) src(%dma_wait3A_506 : memref<40x64xi32, #tpu.memory_space<hbm>>) dst(%arg9 : memref<40x64xi32, #tpu.memory_space<vmem>>)
      tpu.yield
    }) : () -> ()
    %dma_start3A_238 = arith.constant 0 : i32
    %dma_start3A_239 = arith.constant 0 : i32
    %dma_start3A_240 = tpu.memref_slice %arg8[%dma_start3A_238, %dma_start3A_239] : memref<40x64xi32, #tpu.memory_space<vmem>> -> memref<1x64xi32, #tpu.memory_space<vmem>>
    %dma_start3A_241 = tpu.memref_squeeze %dma_start3A_240 : memref<1x64xi32, #tpu.memory_space<vmem>> -> memref<64xi32, #tpu.memory_space<vmem>>
    %dma_start3A_242 = arith.constant 0 : i32
    %dma_start3A_243 = arith.constant 0 : i32
    %dma_start3A_244 = tpu.memref_slice %arg2[%dma_start3A_242, %dma_start3A_243] : memref<10000x128xf32, #tpu.memory_space<hbm>> -> memref<10000x128xf32, #tpu.memory_space<hbm>>
    tpu.enqueue_indirect_dma source(%dma_start3A_244 : memref<10000x128xf32, #tpu.memory_space<hbm>>) target(%arg10 : memref<64x128xf32, #tpu.memory_space<vmem>>) offsets(%dma_start3A_241 : memref<64xi32, #tpu.memory_space<vmem>>) semaphore(%arg14 : memref<!tpu.dma_semaphore, #tpu.memory_space<semaphore_mem>>)
    %dma_start3A_245 = arith.constant 1 : i32
    %dma_start3A_246 = arith.constant 0 : i32
    %dma_start3A_247 = tpu.memref_slice %arg8[%dma_start3A_245, %dma_start3A_246] : memref<40x64xi32, #tpu.memory_space<vmem>> -> memref<1x64xi32, #tpu.memory_space<vmem>>
    %dma_start3A_248 = tpu.memref_squeeze %dma_start3A_247 : memref<1x64xi32, #tpu.memory_space<vmem>> -> memref<64xi32, #tpu.memory_space<vmem>>
    %dma_start3A_249 = arith.constant 0 : i32
    %dma_start3A_250 = arith.constant 0 : i32
    %dma_start3A_251 = tpu.memref_slice %arg2[%dma_start3A_249, %dma_start3A_250] : memref<10000x128xf32, #tpu.memory_space<hbm>> -> memref<10000x128xf32, #tpu.memory_space<hbm>>
    tpu.enqueue_indirect_dma source(%dma_start3A_251 : memref<10000x128xf32, #tpu.memory_space<hbm>>) target(%arg11 : memref<64x128xf32, #tpu.memory_space<vmem>>) offsets(%dma_start3A_248 : memref<64xi32, #tpu.memory_space<vmem>>) semaphore(%arg14 : memref<!tpu.dma_semaphore, #tpu.memory_space<semaphore_mem>>)
    %dma_start3A_252 = arith.constant 2 : i32
    %dma_start3A_253 = arith.constant 0 : i32
    %dma_start3A_254 = tpu.memref_slice %arg8[%dma_start3A_252, %dma_start3A_253] : memref<40x64xi32, #tpu.memory_space<vmem>> -> memref<1x64xi32, #tpu.memory_space<vmem>>
    %dma_start3A_255 = tpu.memref_squeeze %dma_start3A_254 : memref<1x64xi32, #tpu.memory_space<vmem>> -> memref<64xi32, #tpu.memory_space<vmem>>
    %dma_start3A_256 = arith.constant 0 : i32
    %dma_start3A_257 = arith.constant 0 : i32
    %dma_start3A_258 = tpu.memref_slice %arg2[%dma_start3A_256, %dma_start3A_257] : memref<10000x128xf32, #tpu.memory_space<hbm>> -> memref<10000x128xf32, #tpu.memory_space<hbm>>
    tpu.enqueue_indirect_dma source(%dma_start3A_258 : memref<10000x128xf32, #tpu.memory_space<hbm>>) target(%arg12 : memref<64x128xf32, #tpu.memory_space<vmem>>) offsets(%dma_start3A_255 : memref<64xi32, #tpu.memory_space<vmem>>) semaphore(%arg14 : memref<!tpu.dma_semaphore, #tpu.memory_space<semaphore_mem>>)
    %dma_wait3A_259 = arith.constant 0 : i32
    %dma_wait3A_260 = arith.constant 0 : i32
    %dma_wait3A_261 = tpu.memref_slice %arg8[%dma_wait3A_259, %dma_wait3A_260] : memref<40x64xi32, #tpu.memory_space<vmem>> -> memref<1x64xi32, #tpu.memory_space<vmem>>
    %dma_wait3A_262 = tpu.memref_squeeze %dma_wait3A_261 : memref<1x64xi32, #tpu.memory_space<vmem>> -> memref<64xi32, #tpu.memory_space<vmem>>
    %dma_wait3A_263 = arith.constant 0 : i32
    %dma_wait3A_264 = arith.constant 0 : i32
    %dma_wait3A_265 = tpu.memref_slice %arg2[%dma_wait3A_263, %dma_wait3A_264] : memref<10000x128xf32, #tpu.memory_space<hbm>> -> memref<10000x128xf32, #tpu.memory_space<hbm>>
    tpu.wait_indirect_dma semaphore(%arg14 : memref<!tpu.dma_semaphore, #tpu.memory_space<semaphore_mem>>) src(%dma_wait3A_265 : memref<10000x128xf32, #tpu.memory_space<hbm>>) dst(%arg10 : memref<64x128xf32, #tpu.memory_space<vmem>>)
    %dma_start3A_266 = arith.constant 3 : i32
    %dma_start3A_267 = arith.constant 0 : i32
    %dma_start3A_268 = tpu.memref_slice %arg8[%dma_start3A_266, %dma_start3A_267] : memref<40x64xi32, #tpu.memory_space<vmem>> -> memref<1x64xi32, #tpu.memory_space<vmem>>
    %dma_start3A_269 = tpu.memref_squeeze %dma_start3A_268 : memref<1x64xi32, #tpu.memory_space<vmem>> -> memref<64xi32, #tpu.memory_space<vmem>>
    %dma_start3A_270 = arith.constant 0 : i32
    %dma_start3A_271 = arith.constant 0 : i32
    %dma_start3A_272 = tpu.memref_slice %arg2[%dma_start3A_270, %dma_start3A_271] : memref<10000x128xf32, #tpu.memory_space<hbm>> -> memref<10000x128xf32, #tpu.memory_space<hbm>>
    tpu.enqueue_indirect_dma source(%dma_start3A_272 : memref<10000x128xf32, #tpu.memory_space<hbm>>) target(%arg13 : memref<64x128xf32, #tpu.memory_space<vmem>>) offsets(%dma_start3A_269 : memref<64xi32, #tpu.memory_space<vmem>>) semaphore(%arg14 : memref<!tpu.dma_semaphore, #tpu.memory_space<semaphore_mem>>)
    %dma_start3A_273 = arith.constant 0 : i32
    %dma_start3A_274 = arith.constant 0 : i32
    %dma_start3A_275 = tpu.memref_slice %arg9[%dma_start3A_273, %dma_start3A_274] : memref<40x64xi32, #tpu.memory_space<vmem>> -> memref<1x64xi32, #tpu.memory_space<vmem>>
    %dma_start3A_276 = tpu.memref_squeeze %dma_start3A_275 : memref<1x64xi32, #tpu.memory_space<vmem>> -> memref<64xi32, #tpu.memory_space<vmem>>
    %dma_start3A_277 = arith.constant 0 : i32
    %dma_start3A_278 = arith.constant 0 : i32
    %dma_start3A_279 = tpu.memref_slice %arg7[%dma_start3A_277, %dma_start3A_278] : memref<10240x128xf32, #tpu.memory_space<vmem_shared>> -> memref<10240x128xf32, #tpu.memory_space<vmem_shared>>
    tpu.enqueue_indirect_dma source(%arg10 : memref<64x128xf32, #tpu.memory_space<vmem>>) target(%dma_start3A_279 : memref<10240x128xf32, #tpu.memory_space<vmem_shared>>) offsets(%dma_start3A_276 : memref<64xi32, #tpu.memory_space<vmem>>) semaphore(%arg15 : memref<!tpu.dma_semaphore, #tpu.memory_space<semaphore_mem>>) {add = true}
    %scan3A_280 = arith.constant 0 : i32
    %scan3A_281 = arith.constant 0 : i32
    %scan3A_282 = arith.constant 9 : i32
    %scan3A_283 = arith.addi %scan3A_281, %scan3A_282 : i32
    %scan3A_284 = arith.constant 1 : i32
    scf.for %scan3A_479 = %scan3A_281 to %scan3A_283 step %scan3A_284  : i32 {
      %mul3A_480 = arith.constant 4 : i32
      %mul3A_481 = arith.muli %mul3A_480, %scan3A_479 : i32
      %add3A_482 = arith.constant 1 : i32
      %add3A_483 = arith.addi %mul3A_481, %add3A_482 : i32
      %add3A_484 = arith.constant 0 : i32
      %add3A_485 = arith.addi %add3A_483, %add3A_484 : i32
      %dma_wait3A_486 = arith.constant 0 : i32
      %dma_wait3A_487 = tpu.memref_slice %arg8[%add3A_485, %dma_wait3A_486] : memref<40x64xi32, #tpu.memory_space<vmem>> -> memref<1x64xi32, #tpu.memory_space<vmem>>
      %dma_wait3A_488 = tpu.memref_squeeze %dma_wait3A_487 : memref<1x64xi32, #tpu.memory_space<vmem>> -> memref<64xi32, #tpu.memory_space<vmem>>
      %dma_wait3A_489 = arith.constant 0 : i32
      %dma_wait3A_490 = arith.constant 0 : i32
      %dma_wait3A_491 = tpu.memref_slice %arg2[%dma_wait3A_489, %dma_wait3A_490] : memref<10000x128xf32, #tpu.memory_space<hbm>> -> memref<10000x128xf32, #tpu.memory_space<hbm>>
      tpu.wait_indirect_dma semaphore(%arg14 : memref<!tpu.dma_semaphore, #tpu.memory_space<semaphore_mem>>) src(%dma_wait3A_491 : memref<10000x128xf32, #tpu.memory_space<hbm>>) dst(%arg11 : memref<64x128xf32, #tpu.memory_space<vmem>>)
      %sub3A = arith.constant 1 : i32
      %sub3A_492 = arith.subi %add3A_485, %sub3A : i32
      %dma_wait3A_493 = arith.constant 0 : i32
      %dma_wait3A_494 = tpu.memref_slice %arg9[%sub3A_492, %dma_wait3A_493] : memref<40x64xi32, #tpu.memory_space<vmem>> -> memref<1x64xi32, #tpu.memory_space<vmem>>
      %dma_wait3A_495 = tpu.memref_squeeze %dma_wait3A_494 : memref<1x64xi32, #tpu.memory_space<vmem>> -> memref<64xi32, #tpu.memory_space<vmem>>
      %dma_wait3A_496 = arith.constant 0 : i32
      %dma_wait3A_497 = arith.constant 0 : i32
      %dma_wait3A_498 = tpu.memref_slice %arg7[%dma_wait3A_496, %dma_wait3A_497] : memref<10240x128xf32, #tpu.memory_space<vmem_shared>> -> memref<10240x128xf32, #tpu.memory_space<vmem_shared>>
      tpu.wait_indirect_dma semaphore(%arg15 : memref<!tpu.dma_semaphore, #tpu.memory_space<semaphore_mem>>) src(%arg10 : memref<64x128xf32, #tpu.memory_space<vmem>>) dst(%dma_wait3A_498 : memref<10240x128xf32, #tpu.memory_space<vmem_shared>>)
      %add3A_499 = arith.constant 3 : i32
      %add3A_500 = arith.addi %add3A_485, %add3A_499 : i32
      %dma_start3A_501 = arith.constant 0 : i32
      %dma_start3A_502 = tpu.memref_slice %arg8[%add3A_500, %dma_start3A_501] : memref<40x64xi32, #tpu.memory_space<vmem>> -> memref<1x64xi32, #tpu.memory_space<vmem>>
      %dma_start3A_503 = tpu.memref_squeeze %dma_start3A_502 : memref<1x64xi32, #tpu.memory_space<vmem>> -> memref<64xi32, #tpu.memory_space<vmem>>
      %dma_start3A_504 = arith.constant 0 : i32
      %dma_start3A_505 = arith.constant 0 : i32
      %dma_start3A_506 = tpu.memref_slice %arg2[%dma_start3A_504, %dma_start3A_505] : memref<10000x128xf32, #tpu.memory_space<hbm>> -> memref<10000x128xf32, #tpu.memory_space<hbm>>
      tpu.enqueue_indirect_dma source(%dma_start3A_506 : memref<10000x128xf32, #tpu.memory_space<hbm>>) target(%arg10 : memref<64x128xf32, #tpu.memory_space<vmem>>) offsets(%dma_start3A_503 : memref<64xi32, #tpu.memory_space<vmem>>) semaphore(%arg14 : memref<!tpu.dma_semaphore, #tpu.memory_space<semaphore_mem>>)
      %dma_start3A_507 = arith.constant 0 : i32
      %dma_start3A_508 = tpu.memref_slice %arg9[%add3A_485, %dma_start3A_507] : memref<40x64xi32, #tpu.memory_space<vmem>> -> memref<1x64xi32, #tpu.memory_space<vmem>>
      %dma_start3A_509 = tpu.memref_squeeze %dma_start3A_508 : memref<1x64xi32, #tpu.memory_space<vmem>> -> memref<64xi32, #tpu.memory_space<vmem>>
      %dma_start3A_510 = arith.constant 0 : i32
      %dma_start3A_511 = arith.constant 0 : i32
      %dma_start3A_512 = tpu.memref_slice %arg7[%dma_start3A_510, %dma_start3A_511] : memref<10240x128xf32, #tpu.memory_space<vmem_shared>> -> memref<10240x128xf32, #tpu.memory_space<vmem_shared>>
      tpu.enqueue_indirect_dma source(%arg11 : memref<64x128xf32, #tpu.memory_space<vmem>>) target(%dma_start3A_512 : memref<10240x128xf32, #tpu.memory_space<vmem_shared>>) offsets(%dma_start3A_509 : memref<64xi32, #tpu.memory_space<vmem>>) semaphore(%arg15 : memref<!tpu.dma_semaphore, #tpu.memory_space<semaphore_mem>>) {add = true}
      %mul3A_513 = arith.constant 4 : i32
      %mul3A_514 = arith.muli %mul3A_513, %scan3A_479 : i32
      %add3A_515 = arith.constant 1 : i32
      %add3A_516 = arith.addi %mul3A_514, %add3A_515 : i32
      %add3A_517 = arith.constant 1 : i32
      %add3A_518 = arith.addi %add3A_516, %add3A_517 : i32
      %dma_wait3A_519 = arith.constant 0 : i32
      %dma_wait3A_520 = tpu.memref_slice %arg8[%add3A_518, %dma_wait3A_519] : memref<40x64xi32, #tpu.memory_space<vmem>> -> memref<1x64xi32, #tpu.memory_space<vmem>>
      %dma_wait3A_521 = tpu.memref_squeeze %dma_wait3A_520 : memref<1x64xi32, #tpu.memory_space<vmem>> -> memref<64xi32, #tpu.memory_space<vmem>>
      %dma_wait3A_522 = arith.constant 0 : i32
      %dma_wait3A_523 = arith.constant 0 : i32
      %dma_wait3A_524 = tpu.memref_slice %arg2[%dma_wait3A_522, %dma_wait3A_523] : memref<10000x128xf32, #tpu.memory_space<hbm>> -> memref<10000x128xf32, #tpu.memory_space<hbm>>
      tpu.wait_indirect_dma semaphore(%arg14 : memref<!tpu.dma_semaphore, #tpu.memory_space<semaphore_mem>>) src(%dma_wait3A_524 : memref<10000x128xf32, #tpu.memory_space<hbm>>) dst(%arg12 : memref<64x128xf32, #tpu.memory_space<vmem>>)
      %sub3A_525 = arith.constant 1 : i32
      %sub3A_526 = arith.subi %add3A_518, %sub3A_525 : i32
      %dma_wait3A_527 = arith.constant 0 : i32
      %dma_wait3A_528 = tpu.memref_slice %arg9[%sub3A_526, %dma_wait3A_527] : memref<40x64xi32, #tpu.memory_space<vmem>> -> memref<1x64xi32, #tpu.memory_space<vmem>>
      %dma_wait3A_529 = tpu.memref_squeeze %dma_wait3A_528 : memref<1x64xi32, #tpu.memory_space<vmem>> -> memref<64xi32, #tpu.memory_space<vmem>>
      %dma_wait3A_530 = arith.constant 0 : i32
      %dma_wait3A_531 = arith.constant 0 : i32
      %dma_wait3A_532 = tpu.memref_slice %arg7[%dma_wait3A_530, %dma_wait3A_531] : memref<10240x128xf32, #tpu.memory_space<vmem_shared>> -> memref<10240x128xf32, #tpu.memory_space<vmem_shared>>
      tpu.wait_indirect_dma semaphore(%arg15 : memref<!tpu.dma_semaphore, #tpu.memory_space<semaphore_mem>>) src(%arg11 : memref<64x128xf32, #tpu.memory_space<vmem>>) dst(%dma_wait3A_532 : memref<10240x128xf32, #tpu.memory_space<vmem_shared>>)
      %add3A_533 = arith.constant 3 : i32
      %add3A_534 = arith.addi %add3A_518, %add3A_533 : i32
      %dma_start3A_535 = arith.constant 0 : i32
      %dma_start3A_536 = tpu.memref_slice %arg8[%add3A_534, %dma_start3A_535] : memref<40x64xi32, #tpu.memory_space<vmem>> -> memref<1x64xi32, #tpu.memory_space<vmem>>
      %dma_start3A_537 = tpu.memref_squeeze %dma_start3A_536 : memref<1x64xi32, #tpu.memory_space<vmem>> -> memref<64xi32, #tpu.memory_space<vmem>>
      %dma_start3A_538 = arith.constant 0 : i32
      %dma_start3A_539 = arith.constant 0 : i32
      %dma_start3A_540 = tpu.memref_slice %arg2[%dma_start3A_538, %dma_start3A_539] : memref<10000x128xf32, #tpu.memory_space<hbm>> -> memref<10000x128xf32, #tpu.memory_space<hbm>>
      tpu.enqueue_indirect_dma source(%dma_start3A_540 : memref<10000x128xf32, #tpu.memory_space<hbm>>) target(%arg11 : memref<64x128xf32, #tpu.memory_space<vmem>>) offsets(%dma_start3A_537 : memref<64xi32, #tpu.memory_space<vmem>>) semaphore(%arg14 : memref<!tpu.dma_semaphore, #tpu.memory_space<semaphore_mem>>)
      %dma_start3A_541 = arith.constant 0 : i32
      %dma_start3A_542 = tpu.memref_slice %arg9[%add3A_518, %dma_start3A_541] : memref<40x64xi32, #tpu.memory_space<vmem>> -> memref<1x64xi32, #tpu.memory_space<vmem>>
      %dma_start3A_543 = tpu.memref_squeeze %dma_start3A_542 : memref<1x64xi32, #tpu.memory_space<vmem>> -> memref<64xi32, #tpu.memory_space<vmem>>
      %dma_start3A_544 = arith.constant 0 : i32
      %dma_start3A_545 = arith.constant 0 : i32
      %dma_start3A_546 = tpu.memref_slice %arg7[%dma_start3A_544, %dma_start3A_545] : memref<10240x128xf32, #tpu.memory_space<vmem_shared>> -> memref<10240x128xf32, #tpu.memory_space<vmem_shared>>
      tpu.enqueue_indirect_dma source(%arg12 : memref<64x128xf32, #tpu.memory_space<vmem>>) target(%dma_start3A_546 : memref<10240x128xf32, #tpu.memory_space<vmem_shared>>) offsets(%dma_start3A_543 : memref<64xi32, #tpu.memory_space<vmem>>) semaphore(%arg15 : memref<!tpu.dma_semaphore, #tpu.memory_space<semaphore_mem>>) {add = true}
      %mul3A_547 = arith.constant 4 : i32
      %mul3A_548 = arith.muli %mul3A_547, %scan3A_479 : i32
      %add3A_549 = arith.constant 1 : i32
      %add3A_550 = arith.addi %mul3A_548, %add3A_549 : i32
      %add3A_551 = arith.constant 2 : i32
      %add3A_552 = arith.addi %add3A_550, %add3A_551 : i32
      %dma_wait3A_553 = arith.constant 0 : i32
      %dma_wait3A_554 = tpu.memref_slice %arg8[%add3A_552, %dma_wait3A_553] : memref<40x64xi32, #tpu.memory_space<vmem>> -> memref<1x64xi32, #tpu.memory_space<vmem>>
      %dma_wait3A_555 = tpu.memref_squeeze %dma_wait3A_554 : memref<1x64xi32, #tpu.memory_space<vmem>> -> memref<64xi32, #tpu.memory_space<vmem>>
      %dma_wait3A_556 = arith.constant 0 : i32
      %dma_wait3A_557 = arith.constant 0 : i32
      %dma_wait3A_558 = tpu.memref_slice %arg2[%dma_wait3A_556, %dma_wait3A_557] : memref<10000x128xf32, #tpu.memory_space<hbm>> -> memref<10000x128xf32, #tpu.memory_space<hbm>>
      tpu.wait_indirect_dma semaphore(%arg14 : memref<!tpu.dma_semaphore, #tpu.memory_space<semaphore_mem>>) src(%dma_wait3A_558 : memref<10000x128xf32, #tpu.memory_space<hbm>>) dst(%arg13 : memref<64x128xf32, #tpu.memory_space<vmem>>)
      %sub3A_559 = arith.constant 1 : i32
      %sub3A_560 = arith.subi %add3A_552, %sub3A_559 : i32
      %dma_wait3A_561 = arith.constant 0 : i32
      %dma_wait3A_562 = tpu.memref_slice %arg9[%sub3A_560, %dma_wait3A_561] : memref<40x64xi32, #tpu.memory_space<vmem>> -> memref<1x64xi32, #tpu.memory_space<vmem>>
      %dma_wait3A_563 = tpu.memref_squeeze %dma_wait3A_562 : memref<1x64xi32, #tpu.memory_space<vmem>> -> memref<64xi32, #tpu.memory_space<vmem>>
      %dma_wait3A_564 = arith.constant 0 : i32
      %dma_wait3A_565 = arith.constant 0 : i32
      %dma_wait3A_566 = tpu.memref_slice %arg7[%dma_wait3A_564, %dma_wait3A_565] : memref<10240x128xf32, #tpu.memory_space<vmem_shared>> -> memref<10240x128xf32, #tpu.memory_space<vmem_shared>>
      tpu.wait_indirect_dma semaphore(%arg15 : memref<!tpu.dma_semaphore, #tpu.memory_space<semaphore_mem>>) src(%arg12 : memref<64x128xf32, #tpu.memory_space<vmem>>) dst(%dma_wait3A_566 : memref<10240x128xf32, #tpu.memory_space<vmem_shared>>)
      %add3A_567 = arith.constant 3 : i32
      %add3A_568 = arith.addi %add3A_552, %add3A_567 : i32
      %dma_start3A_569 = arith.constant 0 : i32
      %dma_start3A_570 = tpu.memref_slice %arg8[%add3A_568, %dma_start3A_569] : memref<40x64xi32, #tpu.memory_space<vmem>> -> memref<1x64xi32, #tpu.memory_space<vmem>>
      %dma_start3A_571 = tpu.memref_squeeze %dma_start3A_570 : memref<1x64xi32, #tpu.memory_space<vmem>> -> memref<64xi32, #tpu.memory_space<vmem>>
      %dma_start3A_572 = arith.constant 0 : i32
      %dma_start3A_573 = arith.constant 0 : i32
      %dma_start3A_574 = tpu.memref_slice %arg2[%dma_start3A_572, %dma_start3A_573] : memref<10000x128xf32, #tpu.memory_space<hbm>> -> memref<10000x128xf32, #tpu.memory_space<hbm>>
      tpu.enqueue_indirect_dma source(%dma_start3A_574 : memref<10000x128xf32, #tpu.memory_space<hbm>>) target(%arg12 : memref<64x128xf32, #tpu.memory_space<vmem>>) offsets(%dma_start3A_571 : memref<64xi32, #tpu.memory_space<vmem>>) semaphore(%arg14 : memref<!tpu.dma_semaphore, #tpu.memory_space<semaphore_mem>>)
      %dma_start3A_575 = arith.constant 0 : i32
      %dma_start3A_576 = tpu.memref_slice %arg9[%add3A_552, %dma_start3A_575] : memref<40x64xi32, #tpu.memory_space<vmem>> -> memref<1x64xi32, #tpu.memory_space<vmem>>
      %dma_start3A_577 = tpu.memref_squeeze %dma_start3A_576 : memref<1x64xi32, #tpu.memory_space<vmem>> -> memref<64xi32, #tpu.memory_space<vmem>>
      %dma_start3A_578 = arith.constant 0 : i32
      %dma_start3A_579 = arith.constant 0 : i32
      %dma_start3A_580 = tpu.memref_slice %arg7[%dma_start3A_578, %dma_start3A_579] : memref<10240x128xf32, #tpu.memory_space<vmem_shared>> -> memref<10240x128xf32, #tpu.memory_space<vmem_shared>>
      tpu.enqueue_indirect_dma source(%arg13 : memref<64x128xf32, #tpu.memory_space<vmem>>) target(%dma_start3A_580 : memref<10240x128xf32, #tpu.memory_space<vmem_shared>>) offsets(%dma_start3A_577 : memref<64xi32, #tpu.memory_space<vmem>>) semaphore(%arg15 : memref<!tpu.dma_semaphore, #tpu.memory_space<semaphore_mem>>) {add = true}
      %mul3A_581 = arith.constant 4 : i32
      %mul3A_582 = arith.muli %mul3A_581, %scan3A_479 : i32
      %add3A_583 = arith.constant 1 : i32
      %add3A_584 = arith.addi %mul3A_582, %add3A_583 : i32
      %add3A_585 = arith.constant 3 : i32
      %add3A_586 = arith.addi %add3A_584, %add3A_585 : i32
      %dma_wait3A_587 = arith.constant 0 : i32
      %dma_wait3A_588 = tpu.memref_slice %arg8[%add3A_586, %dma_wait3A_587] : memref<40x64xi32, #tpu.memory_space<vmem>> -> memref<1x64xi32, #tpu.memory_space<vmem>>
      %dma_wait3A_589 = tpu.memref_squeeze %dma_wait3A_588 : memref<1x64xi32, #tpu.memory_space<vmem>> -> memref<64xi32, #tpu.memory_space<vmem>>
      %dma_wait3A_590 = arith.constant 0 : i32
      %dma_wait3A_591 = arith.constant 0 : i32
      %dma_wait3A_592 = tpu.memref_slice %arg2[%dma_wait3A_590, %dma_wait3A_591] : memref<10000x128xf32, #tpu.memory_space<hbm>> -> memref<10000x128xf32, #tpu.memory_space<hbm>>
      tpu.wait_indirect_dma semaphore(%arg14 : memref<!tpu.dma_semaphore, #tpu.memory_space<semaphore_mem>>) src(%dma_wait3A_592 : memref<10000x128xf32, #tpu.memory_space<hbm>>) dst(%arg10 : memref<64x128xf32, #tpu.memory_space<vmem>>)
      %sub3A_593 = arith.constant 1 : i32
      %sub3A_594 = arith.subi %add3A_586, %sub3A_593 : i32
      %dma_wait3A_595 = arith.constant 0 : i32
      %dma_wait3A_596 = tpu.memref_slice %arg9[%sub3A_594, %dma_wait3A_595] : memref<40x64xi32, #tpu.memory_space<vmem>> -> memref<1x64xi32, #tpu.memory_space<vmem>>
      %dma_wait3A_597 = tpu.memref_squeeze %dma_wait3A_596 : memref<1x64xi32, #tpu.memory_space<vmem>> -> memref<64xi32, #tpu.memory_space<vmem>>
      %dma_wait3A_598 = arith.constant 0 : i32
      %dma_wait3A_599 = arith.constant 0 : i32
      %dma_wait3A_600 = tpu.memref_slice %arg7[%dma_wait3A_598, %dma_wait3A_599] : memref<10240x128xf32, #tpu.memory_space<vmem_shared>> -> memref<10240x128xf32, #tpu.memory_space<vmem_shared>>
      tpu.wait_indirect_dma semaphore(%arg15 : memref<!tpu.dma_semaphore, #tpu.memory_space<semaphore_mem>>) src(%arg13 : memref<64x128xf32, #tpu.memory_space<vmem>>) dst(%dma_wait3A_600 : memref<10240x128xf32, #tpu.memory_space<vmem_shared>>)
      %add3A_601 = arith.constant 3 : i32
      %add3A_602 = arith.addi %add3A_586, %add3A_601 : i32
      %dma_start3A_603 = arith.constant 0 : i32
      %dma_start3A_604 = tpu.memref_slice %arg8[%add3A_602, %dma_start3A_603] : memref<40x64xi32, #tpu.memory_space<vmem>> -> memref<1x64xi32, #tpu.memory_space<vmem>>
      %dma_start3A_605 = tpu.memref_squeeze %dma_start3A_604 : memref<1x64xi32, #tpu.memory_space<vmem>> -> memref<64xi32, #tpu.memory_space<vmem>>
      %dma_start3A_606 = arith.constant 0 : i32
      %dma_start3A_607 = arith.constant 0 : i32
      %dma_start3A_608 = tpu.memref_slice %arg2[%dma_start3A_606, %dma_start3A_607] : memref<10000x128xf32, #tpu.memory_space<hbm>> -> memref<10000x128xf32, #tpu.memory_space<hbm>>
      tpu.enqueue_indirect_dma source(%dma_start3A_608 : memref<10000x128xf32, #tpu.memory_space<hbm>>) target(%arg13 : memref<64x128xf32, #tpu.memory_space<vmem>>) offsets(%dma_start3A_605 : memref<64xi32, #tpu.memory_space<vmem>>) semaphore(%arg14 : memref<!tpu.dma_semaphore, #tpu.memory_space<semaphore_mem>>)
      %dma_start3A_609 = arith.constant 0 : i32
      %dma_start3A_610 = tpu.memref_slice %arg9[%add3A_586, %dma_start3A_609] : memref<40x64xi32, #tpu.memory_space<vmem>> -> memref<1x64xi32, #tpu.memory_space<vmem>>
      %dma_start3A_611 = tpu.memref_squeeze %dma_start3A_610 : memref<1x64xi32, #tpu.memory_space<vmem>> -> memref<64xi32, #tpu.memory_space<vmem>>
      %dma_start3A_612 = arith.constant 0 : i32
      %dma_start3A_613 = arith.constant 0 : i32
      %dma_start3A_614 = tpu.memref_slice %arg7[%dma_start3A_612, %dma_start3A_613] : memref<10240x128xf32, #tpu.memory_space<vmem_shared>> -> memref<10240x128xf32, #tpu.memory_space<vmem_shared>>
      tpu.enqueue_indirect_dma source(%arg10 : memref<64x128xf32, #tpu.memory_space<vmem>>) target(%dma_start3A_614 : memref<10240x128xf32, #tpu.memory_space<vmem_shared>>) offsets(%dma_start3A_611 : memref<64xi32, #tpu.memory_space<vmem>>) semaphore(%arg15 : memref<!tpu.dma_semaphore, #tpu.memory_space<semaphore_mem>>) {add = true}
    }
    %scan3A_285 = arith.constant 9 : i32
    %dma_wait3A_286 = arith.constant 37 : i32
    %dma_wait3A_287 = arith.constant 0 : i32
    %dma_wait3A_288 = tpu.memref_slice %arg8[%dma_wait3A_286, %dma_wait3A_287] : memref<40x64xi32, #tpu.memory_space<vmem>> -> memref<1x64xi32, #tpu.memory_space<vmem>>
    %dma_wait3A_289 = tpu.memref_squeeze %dma_wait3A_288 : memref<1x64xi32, #tpu.memory_space<vmem>> -> memref<64xi32, #tpu.memory_space<vmem>>
    %dma_wait3A_290 = arith.constant 0 : i32
    %dma_wait3A_291 = arith.constant 0 : i32
    %dma_wait3A_292 = tpu.memref_slice %arg2[%dma_wait3A_290, %dma_wait3A_291] : memref<10000x128xf32, #tpu.memory_space<hbm>> -> memref<10000x128xf32, #tpu.memory_space<hbm>>
    tpu.wait_indirect_dma semaphore(%arg14 : memref<!tpu.dma_semaphore, #tpu.memory_space<semaphore_mem>>) src(%dma_wait3A_292 : memref<10000x128xf32, #tpu.memory_space<hbm>>) dst(%arg11 : memref<64x128xf32, #tpu.memory_space<vmem>>)
    %dma_wait3A_293 = arith.constant 36 : i32
    %dma_wait3A_294 = arith.constant 0 : i32
    %dma_wait3A_295 = tpu.memref_slice %arg9[%dma_wait3A_293, %dma_wait3A_294] : memref<40x64xi32, #tpu.memory_space<vmem>> -> memref<1x64xi32, #tpu.memory_space<vmem>>
    %dma_wait3A_296 = tpu.memref_squeeze %dma_wait3A_295 : memref<1x64xi32, #tpu.memory_space<vmem>> -> memref<64xi32, #tpu.memory_space<vmem>>
    %dma_wait3A_297 = arith.constant 0 : i32
    %dma_wait3A_298 = arith.constant 0 : i32
    %dma_wait3A_299 = tpu.memref_slice %arg7[%dma_wait3A_297, %dma_wait3A_298] : memref<10240x128xf32, #tpu.memory_space<vmem_shared>> -> memref<10240x128xf32, #tpu.memory_space<vmem_shared>>
    tpu.wait_indirect_dma semaphore(%arg15 : memref<!tpu.dma_semaphore, #tpu.memory_space<semaphore_mem>>) src(%arg10 : memref<64x128xf32, #tpu.memory_space<vmem>>) dst(%dma_wait3A_299 : memref<10240x128xf32, #tpu.memory_space<vmem_shared>>)
    %dma_start3A_300 = arith.constant 37 : i32
    %dma_start3A_301 = arith.constant 0 : i32
    %dma_start3A_302 = tpu.memref_slice %arg9[%dma_start3A_300, %dma_start3A_301] : memref<40x64xi32, #tpu.memory_space<vmem>> -> memref<1x64xi32, #tpu.memory_space<vmem>>
    %dma_start3A_303 = tpu.memref_squeeze %dma_start3A_302 : memref<1x64xi32, #tpu.memory_space<vmem>> -> memref<64xi32, #tpu.memory_space<vmem>>
    %dma_start3A_304 = arith.constant 0 : i32
    %dma_start3A_305 = arith.constant 0 : i32
    %dma_start3A_306 = tpu.memref_slice %arg7[%dma_start3A_304, %dma_start3A_305] : memref<10240x128xf32, #tpu.memory_space<vmem_shared>> -> memref<10240x128xf32, #tpu.memory_space<vmem_shared>>
    tpu.enqueue_indirect_dma source(%arg11 : memref<64x128xf32, #tpu.memory_space<vmem>>) target(%dma_start3A_306 : memref<10240x128xf32, #tpu.memory_space<vmem_shared>>) offsets(%dma_start3A_303 : memref<64xi32, #tpu.memory_space<vmem>>) semaphore(%arg15 : memref<!tpu.dma_semaphore, #tpu.memory_space<semaphore_mem>>) {add = true}
    %dma_wait3A_307 = arith.constant 38 : i32
    %dma_wait3A_308 = arith.constant 0 : i32
    %dma_wait3A_309 = tpu.memref_slice %arg8[%dma_wait3A_307, %dma_wait3A_308] : memref<40x64xi32, #tpu.memory_space<vmem>> -> memref<1x64xi32, #tpu.memory_space<vmem>>
    %dma_wait3A_310 = tpu.memref_squeeze %dma_wait3A_309 : memref<1x64xi32, #tpu.memory_space<vmem>> -> memref<64xi32, #tpu.memory_space<vmem>>
    %dma_wait3A_311 = arith.constant 0 : i32
    %dma_wait3A_312 = arith.constant 0 : i32
    %dma_wait3A_313 = tpu.memref_slice %arg2[%dma_wait3A_311, %dma_wait3A_312] : memref<10000x128xf32, #tpu.memory_space<hbm>> -> memref<10000x128xf32, #tpu.memory_space<hbm>>
    tpu.wait_indirect_dma semaphore(%arg14 : memref<!tpu.dma_semaphore, #tpu.memory_space<semaphore_mem>>) src(%dma_wait3A_313 : memref<10000x128xf32, #tpu.memory_space<hbm>>) dst(%arg12 : memref<64x128xf32, #tpu.memory_space<vmem>>)
    %dma_wait3A_314 = arith.constant 37 : i32
    %dma_wait3A_315 = arith.constant 0 : i32
    %dma_wait3A_316 = tpu.memref_slice %arg9[%dma_wait3A_314, %dma_wait3A_315] : memref<40x64xi32, #tpu.memory_space<vmem>> -> memref<1x64xi32, #tpu.memory_space<vmem>>
    %dma_wait3A_317 = tpu.memref_squeeze %dma_wait3A_316 : memref<1x64xi32, #tpu.memory_space<vmem>> -> memref<64xi32, #tpu.memory_space<vmem>>
    %dma_wait3A_318 = arith.constant 0 : i32
    %dma_wait3A_319 = arith.constant 0 : i32
    %dma_wait3A_320 = tpu.memref_slice %arg7[%dma_wait3A_318, %dma_wait3A_319] : memref<10240x128xf32, #tpu.memory_space<vmem_shared>> -> memref<10240x128xf32, #tpu.memory_space<vmem_shared>>
    tpu.wait_indirect_dma semaphore(%arg15 : memref<!tpu.dma_semaphore, #tpu.memory_space<semaphore_mem>>) src(%arg11 : memref<64x128xf32, #tpu.memory_space<vmem>>) dst(%dma_wait3A_320 : memref<10240x128xf32, #tpu.memory_space<vmem_shared>>)
    %dma_start3A_321 = arith.constant 38 : i32
    %dma_start3A_322 = arith.constant 0 : i32
    %dma_start3A_323 = tpu.memref_slice %arg9[%dma_start3A_321, %dma_start3A_322] : memref<40x64xi32, #tpu.memory_space<vmem>> -> memref<1x64xi32, #tpu.memory_space<vmem>>
    %dma_start3A_324 = tpu.memref_squeeze %dma_start3A_323 : memref<1x64xi32, #tpu.memory_space<vmem>> -> memref<64xi32, #tpu.memory_space<vmem>>
    %dma_start3A_325 = arith.constant 0 : i32
    %dma_start3A_326 = arith.constant 0 : i32
    %dma_start3A_327 = tpu.memref_slice %arg7[%dma_start3A_325, %dma_start3A_326] : memref<10240x128xf32, #tpu.memory_space<vmem_shared>> -> memref<10240x128xf32, #tpu.memory_space<vmem_shared>>
    tpu.enqueue_indirect_dma source(%arg12 : memref<64x128xf32, #tpu.memory_space<vmem>>) target(%dma_start3A_327 : memref<10240x128xf32, #tpu.memory_space<vmem_shared>>) offsets(%dma_start3A_324 : memref<64xi32, #tpu.memory_space<vmem>>) semaphore(%arg15 : memref<!tpu.dma_semaphore, #tpu.memory_space<semaphore_mem>>) {add = true}
    %dma_wait3A_328 = arith.constant 39 : i32
    %dma_wait3A_329 = arith.constant 0 : i32
    %dma_wait3A_330 = tpu.memref_slice %arg8[%dma_wait3A_328, %dma_wait3A_329] : memref<40x64xi32, #tpu.memory_space<vmem>> -> memref<1x64xi32, #tpu.memory_space<vmem>>
    %dma_wait3A_331 = tpu.memref_squeeze %dma_wait3A_330 : memref<1x64xi32, #tpu.memory_space<vmem>> -> memref<64xi32, #tpu.memory_space<vmem>>
    %dma_wait3A_332 = arith.constant 0 : i32
    %dma_wait3A_333 = arith.constant 0 : i32
    %dma_wait3A_334 = tpu.memref_slice %arg2[%dma_wait3A_332, %dma_wait3A_333] : memref<10000x128xf32, #tpu.memory_space<hbm>> -> memref<10000x128xf32, #tpu.memory_space<hbm>>
    tpu.wait_indirect_dma semaphore(%arg14 : memref<!tpu.dma_semaphore, #tpu.memory_space<semaphore_mem>>) src(%dma_wait3A_334 : memref<10000x128xf32, #tpu.memory_space<hbm>>) dst(%arg13 : memref<64x128xf32, #tpu.memory_space<vmem>>)
    %dma_wait3A_335 = arith.constant 38 : i32
    %dma_wait3A_336 = arith.constant 0 : i32
    %dma_wait3A_337 = tpu.memref_slice %arg9[%dma_wait3A_335, %dma_wait3A_336] : memref<40x64xi32, #tpu.memory_space<vmem>> -> memref<1x64xi32, #tpu.memory_space<vmem>>
    %dma_wait3A_338 = tpu.memref_squeeze %dma_wait3A_337 : memref<1x64xi32, #tpu.memory_space<vmem>> -> memref<64xi32, #tpu.memory_space<vmem>>
    %dma_wait3A_339 = arith.constant 0 : i32
    %dma_wait3A_340 = arith.constant 0 : i32
    %dma_wait3A_341 = tpu.memref_slice %arg7[%dma_wait3A_339, %dma_wait3A_340] : memref<10240x128xf32, #tpu.memory_space<vmem_shared>> -> memref<10240x128xf32, #tpu.memory_space<vmem_shared>>
    tpu.wait_indirect_dma semaphore(%arg15 : memref<!tpu.dma_semaphore, #tpu.memory_space<semaphore_mem>>) src(%arg12 : memref<64x128xf32, #tpu.memory_space<vmem>>) dst(%dma_wait3A_341 : memref<10240x128xf32, #tpu.memory_space<vmem_shared>>)
    %dma_start3A_342 = arith.constant 39 : i32
    %dma_start3A_343 = arith.constant 0 : i32
    %dma_start3A_344 = tpu.memref_slice %arg9[%dma_start3A_342, %dma_start3A_343] : memref<40x64xi32, #tpu.memory_space<vmem>> -> memref<1x64xi32, #tpu.memory_space<vmem>>
    %dma_start3A_345 = tpu.memref_squeeze %dma_start3A_344 : memref<1x64xi32, #tpu.memory_space<vmem>> -> memref<64xi32, #tpu.memory_space<vmem>>
    %dma_start3A_346 = arith.constant 0 : i32
    %dma_start3A_347 = arith.constant 0 : i32
    %dma_start3A_348 = tpu.memref_slice %arg7[%dma_start3A_346, %dma_start3A_347] : memref<10240x128xf32, #tpu.memory_space<vmem_shared>> -> memref<10240x128xf32, #tpu.memory_space<vmem_shared>>
    tpu.enqueue_indirect_dma source(%arg13 : memref<64x128xf32, #tpu.memory_space<vmem>>) target(%dma_start3A_348 : memref<10240x128xf32, #tpu.memory_space<vmem_shared>>) offsets(%dma_start3A_345 : memref<64xi32, #tpu.memory_space<vmem>>) semaphore(%arg15 : memref<!tpu.dma_semaphore, #tpu.memory_space<semaphore_mem>>) {add = true}
    %dma_wait3A_349 = arith.constant 39 : i32
    %dma_wait3A_350 = arith.constant 0 : i32
    %dma_wait3A_351 = tpu.memref_slice %arg9[%dma_wait3A_349, %dma_wait3A_350] : memref<40x64xi32, #tpu.memory_space<vmem>> -> memref<1x64xi32, #tpu.memory_space<vmem>>
    %dma_wait3A_352 = tpu.memref_squeeze %dma_wait3A_351 : memref<1x64xi32, #tpu.memory_space<vmem>> -> memref<64xi32, #tpu.memory_space<vmem>>
    %dma_wait3A_353 = arith.constant 0 : i32
    %dma_wait3A_354 = arith.constant 0 : i32
    %dma_wait3A_355 = tpu.memref_slice %arg7[%dma_wait3A_353, %dma_wait3A_354] : memref<10240x128xf32, #tpu.memory_space<vmem_shared>> -> memref<10240x128xf32, #tpu.memory_space<vmem_shared>>
    tpu.wait_indirect_dma semaphore(%arg15 : memref<!tpu.dma_semaphore, #tpu.memory_space<semaphore_mem>>) src(%arg13 : memref<64x128xf32, #tpu.memory_space<vmem>>) dst(%dma_wait3A_355 : memref<10240x128xf32, #tpu.memory_space<vmem_shared>>)
    "tpu.region"() ({
      %run_scoped3A = tpu.sem_alloc : memref<!tpu.dma_semaphore, #tpu.memory_space<semaphore_mem>>
      %dma_start3A_479 = arith.constant 0 : i32
      %dma_start3A_480 = arith.constant 0 : i32
      %dma_start3A_481 = tpu.memref_slice %arg3[%add3A, %dma_start3A_479, %dma_start3A_480] : memref<32x160x64xi32, #tpu.memory_space<hbm>> -> memref<1x160x64xi32, #tpu.memory_space<hbm>>
      %dma_start3A_482 = tpu.memref_squeeze %dma_start3A_481 : memref<1x160x64xi32, #tpu.memory_space<hbm>> -> memref<160x64xi32, #tpu.memory_space<hbm>>
      %dma_start3A_483 = arith.constant 120 : i32
      %dma_start3A_484 = arith.constant 0 : i32
      %dma_start3A_485 = tpu.memref_slice %dma_start3A_482[%dma_start3A_483, %dma_start3A_484] : memref<160x64xi32, #tpu.memory_space<hbm>> -> memref<40x64xi32, #tpu.memory_space<hbm>>
      %dma_start3A_486 = arith.constant 0 : i32
      %dma_start3A_487 = arith.constant 0 : i32
      %dma_start3A_488 = tpu.memref_slice %arg3[%add3A, %dma_start3A_486, %dma_start3A_487] : memref<32x160x64xi32, #tpu.memory_space<hbm>> -> memref<1x160x64xi32, #tpu.memory_space<hbm>>
      %dma_start3A_489 = tpu.memref_squeeze %dma_start3A_488 : memref<1x160x64xi32, #tpu.memory_space<hbm>> -> memref<160x64xi32, #tpu.memory_space<hbm>>
      %dma_start3A_490 = arith.constant 120 : i32
      %dma_start3A_491 = arith.constant 0 : i32
      %dma_start3A_492 = tpu.memref_slice %dma_start3A_489[%dma_start3A_490, %dma_start3A_491] : memref<160x64xi32, #tpu.memory_space<hbm>> -> memref<40x64xi32, #tpu.memory_space<hbm>>
      tpu.enqueue_dma source(%dma_start3A_492 : memref<40x64xi32, #tpu.memory_space<hbm>>) target(%arg8 : memref<40x64xi32, #tpu.memory_space<vmem>>) target_semaphore(%run_scoped3A : memref<!tpu.dma_semaphore, #tpu.memory_space<semaphore_mem>>)
      %dma_wait3A_493 = arith.constant 0 : i32
      %dma_wait3A_494 = arith.constant 0 : i32
      %dma_wait3A_495 = tpu.memref_slice %arg3[%add3A, %dma_wait3A_493, %dma_wait3A_494] : memref<32x160x64xi32, #tpu.memory_space<hbm>> -> memref<1x160x64xi32, #tpu.memory_space<hbm>>
      %dma_wait3A_496 = tpu.memref_squeeze %dma_wait3A_495 : memref<1x160x64xi32, #tpu.memory_space<hbm>> -> memref<160x64xi32, #tpu.memory_space<hbm>>
      %dma_wait3A_497 = arith.constant 120 : i32
      %dma_wait3A_498 = arith.constant 0 : i32
      %dma_wait3A_499 = tpu.memref_slice %dma_wait3A_496[%dma_wait3A_497, %dma_wait3A_498] : memref<160x64xi32, #tpu.memory_space<hbm>> -> memref<40x64xi32, #tpu.memory_space<hbm>>
      %dma_wait3A_500 = arith.constant 0 : i32
      %dma_wait3A_501 = arith.constant 0 : i32
      %dma_wait3A_502 = tpu.memref_slice %arg3[%add3A, %dma_wait3A_500, %dma_wait3A_501] : memref<32x160x64xi32, #tpu.memory_space<hbm>> -> memref<1x160x64xi32, #tpu.memory_space<hbm>>
      %dma_wait3A_503 = tpu.memref_squeeze %dma_wait3A_502 : memref<1x160x64xi32, #tpu.memory_space<hbm>> -> memref<160x64xi32, #tpu.memory_space<hbm>>
      %dma_wait3A_504 = arith.constant 120 : i32
      %dma_wait3A_505 = arith.constant 0 : i32
      %dma_wait3A_506 = tpu.memref_slice %dma_wait3A_503[%dma_wait3A_504, %dma_wait3A_505] : memref<160x64xi32, #tpu.memory_space<hbm>> -> memref<40x64xi32, #tpu.memory_space<hbm>>
      tpu.wait_dma2 semaphore(%run_scoped3A : memref<!tpu.dma_semaphore, #tpu.memory_space<semaphore_mem>>) src(%dma_wait3A_506 : memref<40x64xi32, #tpu.memory_space<hbm>>) dst(%arg8 : memref<40x64xi32, #tpu.memory_space<vmem>>)
      tpu.yield
    }) : () -> ()
    "tpu.region"() ({
      %run_scoped3A = tpu.sem_alloc : memref<!tpu.dma_semaphore, #tpu.memory_space<semaphore_mem>>
      %dma_start3A_479 = arith.constant 0 : i32
      %dma_start3A_480 = arith.constant 0 : i32
      %dma_start3A_481 = tpu.memref_slice %arg4[%add3A, %dma_start3A_479, %dma_start3A_480] : memref<32x160x64xi32, #tpu.memory_space<hbm>> -> memref<1x160x64xi32, #tpu.memory_space<hbm>>
      %dma_start3A_482 = tpu.memref_squeeze %dma_start3A_481 : memref<1x160x64xi32, #tpu.memory_space<hbm>> -> memref<160x64xi32, #tpu.memory_space<hbm>>
      %dma_start3A_483 = arith.constant 120 : i32
      %dma_start3A_484 = arith.constant 0 : i32
      %dma_start3A_485 = tpu.memref_slice %dma_start3A_482[%dma_start3A_483, %dma_start3A_484] : memref<160x64xi32, #tpu.memory_space<hbm>> -> memref<40x64xi32, #tpu.memory_space<hbm>>
      %dma_start3A_486 = arith.constant 0 : i32
      %dma_start3A_487 = arith.constant 0 : i32
      %dma_start3A_488 = tpu.memref_slice %arg4[%add3A, %dma_start3A_486, %dma_start3A_487] : memref<32x160x64xi32, #tpu.memory_space<hbm>> -> memref<1x160x64xi32, #tpu.memory_space<hbm>>
      %dma_start3A_489 = tpu.memref_squeeze %dma_start3A_488 : memref<1x160x64xi32, #tpu.memory_space<hbm>> -> memref<160x64xi32, #tpu.memory_space<hbm>>
      %dma_start3A_490 = arith.constant 120 : i32
      %dma_start3A_491 = arith.constant 0 : i32
      %dma_start3A_492 = tpu.memref_slice %dma_start3A_489[%dma_start3A_490, %dma_start3A_491] : memref<160x64xi32, #tpu.memory_space<hbm>> -> memref<40x64xi32, #tpu.memory_space<hbm>>
      tpu.enqueue_dma source(%dma_start3A_492 : memref<40x64xi32, #tpu.memory_space<hbm>>) target(%arg9 : memref<40x64xi32, #tpu.memory_space<vmem>>) target_semaphore(%run_scoped3A : memref<!tpu.dma_semaphore, #tpu.memory_space<semaphore_mem>>)
      %dma_wait3A_493 = arith.constant 0 : i32
      %dma_wait3A_494 = arith.constant 0 : i32
      %dma_wait3A_495 = tpu.memref_slice %arg4[%add3A, %dma_wait3A_493, %dma_wait3A_494] : memref<32x160x64xi32, #tpu.memory_space<hbm>> -> memref<1x160x64xi32, #tpu.memory_space<hbm>>
      %dma_wait3A_496 = tpu.memref_squeeze %dma_wait3A_495 : memref<1x160x64xi32, #tpu.memory_space<hbm>> -> memref<160x64xi32, #tpu.memory_space<hbm>>
      %dma_wait3A_497 = arith.constant 120 : i32
      %dma_wait3A_498 = arith.constant 0 : i32
      %dma_wait3A_499 = tpu.memref_slice %dma_wait3A_496[%dma_wait3A_497, %dma_wait3A_498] : memref<160x64xi32, #tpu.memory_space<hbm>> -> memref<40x64xi32, #tpu.memory_space<hbm>>
      %dma_wait3A_500 = arith.constant 0 : i32
      %dma_wait3A_501 = arith.constant 0 : i32
      %dma_wait3A_502 = tpu.memref_slice %arg4[%add3A, %dma_wait3A_500, %dma_wait3A_501] : memref<32x160x64xi32, #tpu.memory_space<hbm>> -> memref<1x160x64xi32, #tpu.memory_space<hbm>>
      %dma_wait3A_503 = tpu.memref_squeeze %dma_wait3A_502 : memref<1x160x64xi32, #tpu.memory_space<hbm>> -> memref<160x64xi32, #tpu.memory_space<hbm>>
      %dma_wait3A_504 = arith.constant 120 : i32
      %dma_wait3A_505 = arith.constant 0 : i32
      %dma_wait3A_506 = tpu.memref_slice %dma_wait3A_503[%dma_wait3A_504, %dma_wait3A_505] : memref<160x64xi32, #tpu.memory_space<hbm>> -> memref<40x64xi32, #tpu.memory_space<hbm>>
      tpu.wait_dma2 semaphore(%run_scoped3A : memref<!tpu.dma_semaphore, #tpu.memory_space<semaphore_mem>>) src(%dma_wait3A_506 : memref<40x64xi32, #tpu.memory_space<hbm>>) dst(%arg9 : memref<40x64xi32, #tpu.memory_space<vmem>>)
      tpu.yield
    }) : () -> ()
    %dma_start3A_356 = arith.constant 0 : i32
    %dma_start3A_357 = arith.constant 0 : i32
    %dma_start3A_358 = tpu.memref_slice %arg8[%dma_start3A_356, %dma_start3A_357] : memref<40x64xi32, #tpu.memory_space<vmem>> -> memref<1x64xi32, #tpu.memory_space<vmem>>
    %dma_start3A_359 = tpu.memref_squeeze %dma_start3A_358 : memref<1x64xi32, #tpu.memory_space<vmem>> -> memref<64xi32, #tpu.memory_space<vmem>>
    %dma_start3A_360 = arith.constant 0 : i32
    %dma_start3A_361 = arith.constant 0 : i32
    %dma_start3A_362 = tpu.memref_slice %arg2[%dma_start3A_360, %dma_start3A_361] : memref<10000x128xf32, #tpu.memory_space<hbm>> -> memref<10000x128xf32, #tpu.memory_space<hbm>>
    tpu.enqueue_indirect_dma source(%dma_start3A_362 : memref<10000x128xf32, #tpu.memory_space<hbm>>) target(%arg10 : memref<64x128xf32, #tpu.memory_space<vmem>>) offsets(%dma_start3A_359 : memref<64xi32, #tpu.memory_space<vmem>>) semaphore(%arg14 : memref<!tpu.dma_semaphore, #tpu.memory_space<semaphore_mem>>)
    %dma_start3A_363 = arith.constant 1 : i32
    %dma_start3A_364 = arith.constant 0 : i32
    %dma_start3A_365 = tpu.memref_slice %arg8[%dma_start3A_363, %dma_start3A_364] : memref<40x64xi32, #tpu.memory_space<vmem>> -> memref<1x64xi32, #tpu.memory_space<vmem>>
    %dma_start3A_366 = tpu.memref_squeeze %dma_start3A_365 : memref<1x64xi32, #tpu.memory_space<vmem>> -> memref<64xi32, #tpu.memory_space<vmem>>
    %dma_start3A_367 = arith.constant 0 : i32
    %dma_start3A_368 = arith.constant 0 : i32
    %dma_start3A_369 = tpu.memref_slice %arg2[%dma_start3A_367, %dma_start3A_368] : memref<10000x128xf32, #tpu.memory_space<hbm>> -> memref<10000x128xf32, #tpu.memory_space<hbm>>
    tpu.enqueue_indirect_dma source(%dma_start3A_369 : memref<10000x128xf32, #tpu.memory_space<hbm>>) target(%arg11 : memref<64x128xf32, #tpu.memory_space<vmem>>) offsets(%dma_start3A_366 : memref<64xi32, #tpu.memory_space<vmem>>) semaphore(%arg14 : memref<!tpu.dma_semaphore, #tpu.memory_space<semaphore_mem>>)
    %dma_start3A_370 = arith.constant 2 : i32
    %dma_start3A_371 = arith.constant 0 : i32
    %dma_start3A_372 = tpu.memref_slice %arg8[%dma_start3A_370, %dma_start3A_371] : memref<40x64xi32, #tpu.memory_space<vmem>> -> memref<1x64xi32, #tpu.memory_space<vmem>>
    %dma_start3A_373 = tpu.memref_squeeze %dma_start3A_372 : memref<1x64xi32, #tpu.memory_space<vmem>> -> memref<64xi32, #tpu.memory_space<vmem>>
    %dma_start3A_374 = arith.constant 0 : i32
    %dma_start3A_375 = arith.constant 0 : i32
    %dma_start3A_376 = tpu.memref_slice %arg2[%dma_start3A_374, %dma_start3A_375] : memref<10000x128xf32, #tpu.memory_space<hbm>> -> memref<10000x128xf32, #tpu.memory_space<hbm>>
    tpu.enqueue_indirect_dma source(%dma_start3A_376 : memref<10000x128xf32, #tpu.memory_space<hbm>>) target(%arg12 : memref<64x128xf32, #tpu.memory_space<vmem>>) offsets(%dma_start3A_373 : memref<64xi32, #tpu.memory_space<vmem>>) semaphore(%arg14 : memref<!tpu.dma_semaphore, #tpu.memory_space<semaphore_mem>>)
    %dma_wait3A_377 = arith.constant 0 : i32
    %dma_wait3A_378 = arith.constant 0 : i32
    %dma_wait3A_379 = tpu.memref_slice %arg8[%dma_wait3A_377, %dma_wait3A_378] : memref<40x64xi32, #tpu.memory_space<vmem>> -> memref<1x64xi32, #tpu.memory_space<vmem>>
    %dma_wait3A_380 = tpu.memref_squeeze %dma_wait3A_379 : memref<1x64xi32, #tpu.memory_space<vmem>> -> memref<64xi32, #tpu.memory_space<vmem>>
    %dma_wait3A_381 = arith.constant 0 : i32
    %dma_wait3A_382 = arith.constant 0 : i32
    %dma_wait3A_383 = tpu.memref_slice %arg2[%dma_wait3A_381, %dma_wait3A_382] : memref<10000x128xf32, #tpu.memory_space<hbm>> -> memref<10000x128xf32, #tpu.memory_space<hbm>>
    tpu.wait_indirect_dma semaphore(%arg14 : memref<!tpu.dma_semaphore, #tpu.memory_space<semaphore_mem>>) src(%dma_wait3A_383 : memref<10000x128xf32, #tpu.memory_space<hbm>>) dst(%arg10 : memref<64x128xf32, #tpu.memory_space<vmem>>)
    %dma_start3A_384 = arith.constant 3 : i32
    %dma_start3A_385 = arith.constant 0 : i32
    %dma_start3A_386 = tpu.memref_slice %arg8[%dma_start3A_384, %dma_start3A_385] : memref<40x64xi32, #tpu.memory_space<vmem>> -> memref<1x64xi32, #tpu.memory_space<vmem>>
    %dma_start3A_387 = tpu.memref_squeeze %dma_start3A_386 : memref<1x64xi32, #tpu.memory_space<vmem>> -> memref<64xi32, #tpu.memory_space<vmem>>
    %dma_start3A_388 = arith.constant 0 : i32
    %dma_start3A_389 = arith.constant 0 : i32
    %dma_start3A_390 = tpu.memref_slice %arg2[%dma_start3A_388, %dma_start3A_389] : memref<10000x128xf32, #tpu.memory_space<hbm>> -> memref<10000x128xf32, #tpu.memory_space<hbm>>
    tpu.enqueue_indirect_dma source(%dma_start3A_390 : memref<10000x128xf32, #tpu.memory_space<hbm>>) target(%arg13 : memref<64x128xf32, #tpu.memory_space<vmem>>) offsets(%dma_start3A_387 : memref<64xi32, #tpu.memory_space<vmem>>) semaphore(%arg14 : memref<!tpu.dma_semaphore, #tpu.memory_space<semaphore_mem>>)
    %dma_start3A_391 = arith.constant 0 : i32
    %dma_start3A_392 = arith.constant 0 : i32
    %dma_start3A_393 = tpu.memref_slice %arg9[%dma_start3A_391, %dma_start3A_392] : memref<40x64xi32, #tpu.memory_space<vmem>> -> memref<1x64xi32, #tpu.memory_space<vmem>>
    %dma_start3A_394 = tpu.memref_squeeze %dma_start3A_393 : memref<1x64xi32, #tpu.memory_space<vmem>> -> memref<64xi32, #tpu.memory_space<vmem>>
    %dma_start3A_395 = arith.constant 0 : i32
    %dma_start3A_396 = arith.constant 0 : i32
    %dma_start3A_397 = tpu.memref_slice %arg7[%dma_start3A_395, %dma_start3A_396] : memref<10240x128xf32, #tpu.memory_space<vmem_shared>> -> memref<10240x128xf32, #tpu.memory_space<vmem_shared>>
    tpu.enqueue_indirect_dma source(%arg10 : memref<64x128xf32, #tpu.memory_space<vmem>>) target(%dma_start3A_397 : memref<10240x128xf32, #tpu.memory_space<vmem_shared>>) offsets(%dma_start3A_394 : memref<64xi32, #tpu.memory_space<vmem>>) semaphore(%arg15 : memref<!tpu.dma_semaphore, #tpu.memory_space<semaphore_mem>>) {add = true}
    %scan3A_398 = arith.constant 0 : i32
    %scan3A_399 = arith.constant 0 : i32
    %scan3A_400 = arith.constant 9 : i32
    %scan3A_401 = arith.addi %scan3A_399, %scan3A_400 : i32
    %scan3A_402 = arith.constant 1 : i32
    scf.for %scan3A_479 = %scan3A_399 to %scan3A_401 step %scan3A_402  : i32 {
      %mul3A_480 = arith.constant 4 : i32
      %mul3A_481 = arith.muli %mul3A_480, %scan3A_479 : i32
      %add3A_482 = arith.constant 1 : i32
      %add3A_483 = arith.addi %mul3A_481, %add3A_482 : i32
      %add3A_484 = arith.constant 0 : i32
      %add3A_485 = arith.addi %add3A_483, %add3A_484 : i32
      %dma_wait3A_486 = arith.constant 0 : i32
      %dma_wait3A_487 = tpu.memref_slice %arg8[%add3A_485, %dma_wait3A_486] : memref<40x64xi32, #tpu.memory_space<vmem>> -> memref<1x64xi32, #tpu.memory_space<vmem>>
      %dma_wait3A_488 = tpu.memref_squeeze %dma_wait3A_487 : memref<1x64xi32, #tpu.memory_space<vmem>> -> memref<64xi32, #tpu.memory_space<vmem>>
      %dma_wait3A_489 = arith.constant 0 : i32
      %dma_wait3A_490 = arith.constant 0 : i32
      %dma_wait3A_491 = tpu.memref_slice %arg2[%dma_wait3A_489, %dma_wait3A_490] : memref<10000x128xf32, #tpu.memory_space<hbm>> -> memref<10000x128xf32, #tpu.memory_space<hbm>>
      tpu.wait_indirect_dma semaphore(%arg14 : memref<!tpu.dma_semaphore, #tpu.memory_space<semaphore_mem>>) src(%dma_wait3A_491 : memref<10000x128xf32, #tpu.memory_space<hbm>>) dst(%arg11 : memref<64x128xf32, #tpu.memory_space<vmem>>)
      %sub3A = arith.constant 1 : i32
      %sub3A_492 = arith.subi %add3A_485, %sub3A : i32
      %dma_wait3A_493 = arith.constant 0 : i32
      %dma_wait3A_494 = tpu.memref_slice %arg9[%sub3A_492, %dma_wait3A_493] : memref<40x64xi32, #tpu.memory_space<vmem>> -> memref<1x64xi32, #tpu.memory_space<vmem>>
      %dma_wait3A_495 = tpu.memref_squeeze %dma_wait3A_494 : memref<1x64xi32, #tpu.memory_space<vmem>> -> memref<64xi32, #tpu.memory_space<vmem>>
      %dma_wait3A_496 = arith.constant 0 : i32
      %dma_wait3A_497 = arith.constant 0 : i32
      %dma_wait3A_498 = tpu.memref_slice %arg7[%dma_wait3A_496, %dma_wait3A_497] : memref<10240x128xf32, #tpu.memory_space<vmem_shared>> -> memref<10240x128xf32, #tpu.memory_space<vmem_shared>>
      tpu.wait_indirect_dma semaphore(%arg15 : memref<!tpu.dma_semaphore, #tpu.memory_space<semaphore_mem>>) src(%arg10 : memref<64x128xf32, #tpu.memory_space<vmem>>) dst(%dma_wait3A_498 : memref<10240x128xf32, #tpu.memory_space<vmem_shared>>)
      %add3A_499 = arith.constant 3 : i32
      %add3A_500 = arith.addi %add3A_485, %add3A_499 : i32
      %dma_start3A_501 = arith.constant 0 : i32
      %dma_start3A_502 = tpu.memref_slice %arg8[%add3A_500, %dma_start3A_501] : memref<40x64xi32, #tpu.memory_space<vmem>> -> memref<1x64xi32, #tpu.memory_space<vmem>>
      %dma_start3A_503 = tpu.memref_squeeze %dma_start3A_502 : memref<1x64xi32, #tpu.memory_space<vmem>> -> memref<64xi32, #tpu.memory_space<vmem>>
      %dma_start3A_504 = arith.constant 0 : i32
      %dma_start3A_505 = arith.constant 0 : i32
      %dma_start3A_506 = tpu.memref_slice %arg2[%dma_start3A_504, %dma_start3A_505] : memref<10000x128xf32, #tpu.memory_space<hbm>> -> memref<10000x128xf32, #tpu.memory_space<hbm>>
      tpu.enqueue_indirect_dma source(%dma_start3A_506 : memref<10000x128xf32, #tpu.memory_space<hbm>>) target(%arg10 : memref<64x128xf32, #tpu.memory_space<vmem>>) offsets(%dma_start3A_503 : memref<64xi32, #tpu.memory_space<vmem>>) semaphore(%arg14 : memref<!tpu.dma_semaphore, #tpu.memory_space<semaphore_mem>>)
      %dma_start3A_507 = arith.constant 0 : i32
      %dma_start3A_508 = tpu.memref_slice %arg9[%add3A_485, %dma_start3A_507] : memref<40x64xi32, #tpu.memory_space<vmem>> -> memref<1x64xi32, #tpu.memory_space<vmem>>
      %dma_start3A_509 = tpu.memref_squeeze %dma_start3A_508 : memref<1x64xi32, #tpu.memory_space<vmem>> -> memref<64xi32, #tpu.memory_space<vmem>>
      %dma_start3A_510 = arith.constant 0 : i32
      %dma_start3A_511 = arith.constant 0 : i32
      %dma_start3A_512 = tpu.memref_slice %arg7[%dma_start3A_510, %dma_start3A_511] : memref<10240x128xf32, #tpu.memory_space<vmem_shared>> -> memref<10240x128xf32, #tpu.memory_space<vmem_shared>>
      tpu.enqueue_indirect_dma source(%arg11 : memref<64x128xf32, #tpu.memory_space<vmem>>) target(%dma_start3A_512 : memref<10240x128xf32, #tpu.memory_space<vmem_shared>>) offsets(%dma_start3A_509 : memref<64xi32, #tpu.memory_space<vmem>>) semaphore(%arg15 : memref<!tpu.dma_semaphore, #tpu.memory_space<semaphore_mem>>) {add = true}
      %mul3A_513 = arith.constant 4 : i32
      %mul3A_514 = arith.muli %mul3A_513, %scan3A_479 : i32
      %add3A_515 = arith.constant 1 : i32
      %add3A_516 = arith.addi %mul3A_514, %add3A_515 : i32
      %add3A_517 = arith.constant 1 : i32
      %add3A_518 = arith.addi %add3A_516, %add3A_517 : i32
      %dma_wait3A_519 = arith.constant 0 : i32
      %dma_wait3A_520 = tpu.memref_slice %arg8[%add3A_518, %dma_wait3A_519] : memref<40x64xi32, #tpu.memory_space<vmem>> -> memref<1x64xi32, #tpu.memory_space<vmem>>
      %dma_wait3A_521 = tpu.memref_squeeze %dma_wait3A_520 : memref<1x64xi32, #tpu.memory_space<vmem>> -> memref<64xi32, #tpu.memory_space<vmem>>
      %dma_wait3A_522 = arith.constant 0 : i32
      %dma_wait3A_523 = arith.constant 0 : i32
      %dma_wait3A_524 = tpu.memref_slice %arg2[%dma_wait3A_522, %dma_wait3A_523] : memref<10000x128xf32, #tpu.memory_space<hbm>> -> memref<10000x128xf32, #tpu.memory_space<hbm>>
      tpu.wait_indirect_dma semaphore(%arg14 : memref<!tpu.dma_semaphore, #tpu.memory_space<semaphore_mem>>) src(%dma_wait3A_524 : memref<10000x128xf32, #tpu.memory_space<hbm>>) dst(%arg12 : memref<64x128xf32, #tpu.memory_space<vmem>>)
      %sub3A_525 = arith.constant 1 : i32
      %sub3A_526 = arith.subi %add3A_518, %sub3A_525 : i32
      %dma_wait3A_527 = arith.constant 0 : i32
      %dma_wait3A_528 = tpu.memref_slice %arg9[%sub3A_526, %dma_wait3A_527] : memref<40x64xi32, #tpu.memory_space<vmem>> -> memref<1x64xi32, #tpu.memory_space<vmem>>
      %dma_wait3A_529 = tpu.memref_squeeze %dma_wait3A_528 : memref<1x64xi32, #tpu.memory_space<vmem>> -> memref<64xi32, #tpu.memory_space<vmem>>
      %dma_wait3A_530 = arith.constant 0 : i32
      %dma_wait3A_531 = arith.constant 0 : i32
      %dma_wait3A_532 = tpu.memref_slice %arg7[%dma_wait3A_530, %dma_wait3A_531] : memref<10240x128xf32, #tpu.memory_space<vmem_shared>> -> memref<10240x128xf32, #tpu.memory_space<vmem_shared>>
      tpu.wait_indirect_dma semaphore(%arg15 : memref<!tpu.dma_semaphore, #tpu.memory_space<semaphore_mem>>) src(%arg11 : memref<64x128xf32, #tpu.memory_space<vmem>>) dst(%dma_wait3A_532 : memref<10240x128xf32, #tpu.memory_space<vmem_shared>>)
      %add3A_533 = arith.constant 3 : i32
      %add3A_534 = arith.addi %add3A_518, %add3A_533 : i32
      %dma_start3A_535 = arith.constant 0 : i32
      %dma_start3A_536 = tpu.memref_slice %arg8[%add3A_534, %dma_start3A_535] : memref<40x64xi32, #tpu.memory_space<vmem>> -> memref<1x64xi32, #tpu.memory_space<vmem>>
      %dma_start3A_537 = tpu.memref_squeeze %dma_start3A_536 : memref<1x64xi32, #tpu.memory_space<vmem>> -> memref<64xi32, #tpu.memory_space<vmem>>
      %dma_start3A_538 = arith.constant 0 : i32
      %dma_start3A_539 = arith.constant 0 : i32
      %dma_start3A_540 = tpu.memref_slice %arg2[%dma_start3A_538, %dma_start3A_539] : memref<10000x128xf32, #tpu.memory_space<hbm>> -> memref<10000x128xf32, #tpu.memory_space<hbm>>
      tpu.enqueue_indirect_dma source(%dma_start3A_540 : memref<10000x128xf32, #tpu.memory_space<hbm>>) target(%arg11 : memref<64x128xf32, #tpu.memory_space<vmem>>) offsets(%dma_start3A_537 : memref<64xi32, #tpu.memory_space<vmem>>) semaphore(%arg14 : memref<!tpu.dma_semaphore, #tpu.memory_space<semaphore_mem>>)
      %dma_start3A_541 = arith.constant 0 : i32
      %dma_start3A_542 = tpu.memref_slice %arg9[%add3A_518, %dma_start3A_541] : memref<40x64xi32, #tpu.memory_space<vmem>> -> memref<1x64xi32, #tpu.memory_space<vmem>>
      %dma_start3A_543 = tpu.memref_squeeze %dma_start3A_542 : memref<1x64xi32, #tpu.memory_space<vmem>> -> memref<64xi32, #tpu.memory_space<vmem>>
      %dma_start3A_544 = arith.constant 0 : i32
      %dma_start3A_545 = arith.constant 0 : i32
      %dma_start3A_546 = tpu.memref_slice %arg7[%dma_start3A_544, %dma_start3A_545] : memref<10240x128xf32, #tpu.memory_space<vmem_shared>> -> memref<10240x128xf32, #tpu.memory_space<vmem_shared>>
      tpu.enqueue_indirect_dma source(%arg12 : memref<64x128xf32, #tpu.memory_space<vmem>>) target(%dma_start3A_546 : memref<10240x128xf32, #tpu.memory_space<vmem_shared>>) offsets(%dma_start3A_543 : memref<64xi32, #tpu.memory_space<vmem>>) semaphore(%arg15 : memref<!tpu.dma_semaphore, #tpu.memory_space<semaphore_mem>>) {add = true}
      %mul3A_547 = arith.constant 4 : i32
      %mul3A_548 = arith.muli %mul3A_547, %scan3A_479 : i32
      %add3A_549 = arith.constant 1 : i32
      %add3A_550 = arith.addi %mul3A_548, %add3A_549 : i32
      %add3A_551 = arith.constant 2 : i32
      %add3A_552 = arith.addi %add3A_550, %add3A_551 : i32
      %dma_wait3A_553 = arith.constant 0 : i32
      %dma_wait3A_554 = tpu.memref_slice %arg8[%add3A_552, %dma_wait3A_553] : memref<40x64xi32, #tpu.memory_space<vmem>> -> memref<1x64xi32, #tpu.memory_space<vmem>>
      %dma_wait3A_555 = tpu.memref_squeeze %dma_wait3A_554 : memref<1x64xi32, #tpu.memory_space<vmem>> -> memref<64xi32, #tpu.memory_space<vmem>>
      %dma_wait3A_556 = arith.constant 0 : i32
      %dma_wait3A_557 = arith.constant 0 : i32
      %dma_wait3A_558 = tpu.memref_slice %arg2[%dma_wait3A_556, %dma_wait3A_557] : memref<10000x128xf32, #tpu.memory_space<hbm>> -> memref<10000x128xf32, #tpu.memory_space<hbm>>
      tpu.wait_indirect_dma semaphore(%arg14 : memref<!tpu.dma_semaphore, #tpu.memory_space<semaphore_mem>>) src(%dma_wait3A_558 : memref<10000x128xf32, #tpu.memory_space<hbm>>) dst(%arg13 : memref<64x128xf32, #tpu.memory_space<vmem>>)
      %sub3A_559 = arith.constant 1 : i32
      %sub3A_560 = arith.subi %add3A_552, %sub3A_559 : i32
      %dma_wait3A_561 = arith.constant 0 : i32
      %dma_wait3A_562 = tpu.memref_slice %arg9[%sub3A_560, %dma_wait3A_561] : memref<40x64xi32, #tpu.memory_space<vmem>> -> memref<1x64xi32, #tpu.memory_space<vmem>>
      %dma_wait3A_563 = tpu.memref_squeeze %dma_wait3A_562 : memref<1x64xi32, #tpu.memory_space<vmem>> -> memref<64xi32, #tpu.memory_space<vmem>>
      %dma_wait3A_564 = arith.constant 0 : i32
      %dma_wait3A_565 = arith.constant 0 : i32
      %dma_wait3A_566 = tpu.memref_slice %arg7[%dma_wait3A_564, %dma_wait3A_565] : memref<10240x128xf32, #tpu.memory_space<vmem_shared>> -> memref<10240x128xf32, #tpu.memory_space<vmem_shared>>
      tpu.wait_indirect_dma semaphore(%arg15 : memref<!tpu.dma_semaphore, #tpu.memory_space<semaphore_mem>>) src(%arg12 : memref<64x128xf32, #tpu.memory_space<vmem>>) dst(%dma_wait3A_566 : memref<10240x128xf32, #tpu.memory_space<vmem_shared>>)
      %add3A_567 = arith.constant 3 : i32
      %add3A_568 = arith.addi %add3A_552, %add3A_567 : i32
      %dma_start3A_569 = arith.constant 0 : i32
      %dma_start3A_570 = tpu.memref_slice %arg8[%add3A_568, %dma_start3A_569] : memref<40x64xi32, #tpu.memory_space<vmem>> -> memref<1x64xi32, #tpu.memory_space<vmem>>
      %dma_start3A_571 = tpu.memref_squeeze %dma_start3A_570 : memref<1x64xi32, #tpu.memory_space<vmem>> -> memref<64xi32, #tpu.memory_space<vmem>>
      %dma_start3A_572 = arith.constant 0 : i32
      %dma_start3A_573 = arith.constant 0 : i32
      %dma_start3A_574 = tpu.memref_slice %arg2[%dma_start3A_572, %dma_start3A_573] : memref<10000x128xf32, #tpu.memory_space<hbm>> -> memref<10000x128xf32, #tpu.memory_space<hbm>>
      tpu.enqueue_indirect_dma source(%dma_start3A_574 : memref<10000x128xf32, #tpu.memory_space<hbm>>) target(%arg12 : memref<64x128xf32, #tpu.memory_space<vmem>>) offsets(%dma_start3A_571 : memref<64xi32, #tpu.memory_space<vmem>>) semaphore(%arg14 : memref<!tpu.dma_semaphore, #tpu.memory_space<semaphore_mem>>)
      %dma_start3A_575 = arith.constant 0 : i32
      %dma_start3A_576 = tpu.memref_slice %arg9[%add3A_552, %dma_start3A_575] : memref<40x64xi32, #tpu.memory_space<vmem>> -> memref<1x64xi32, #tpu.memory_space<vmem>>
      %dma_start3A_577 = tpu.memref_squeeze %dma_start3A_576 : memref<1x64xi32, #tpu.memory_space<vmem>> -> memref<64xi32, #tpu.memory_space<vmem>>
      %dma_start3A_578 = arith.constant 0 : i32
      %dma_start3A_579 = arith.constant 0 : i32
      %dma_start3A_580 = tpu.memref_slice %arg7[%dma_start3A_578, %dma_start3A_579] : memref<10240x128xf32, #tpu.memory_space<vmem_shared>> -> memref<10240x128xf32, #tpu.memory_space<vmem_shared>>
      tpu.enqueue_indirect_dma source(%arg13 : memref<64x128xf32, #tpu.memory_space<vmem>>) target(%dma_start3A_580 : memref<10240x128xf32, #tpu.memory_space<vmem_shared>>) offsets(%dma_start3A_577 : memref<64xi32, #tpu.memory_space<vmem>>) semaphore(%arg15 : memref<!tpu.dma_semaphore, #tpu.memory_space<semaphore_mem>>) {add = true}
      %mul3A_581 = arith.constant 4 : i32
      %mul3A_582 = arith.muli %mul3A_581, %scan3A_479 : i32
      %add3A_583 = arith.constant 1 : i32
      %add3A_584 = arith.addi %mul3A_582, %add3A_583 : i32
      %add3A_585 = arith.constant 3 : i32
      %add3A_586 = arith.addi %add3A_584, %add3A_585 : i32
      %dma_wait3A_587 = arith.constant 0 : i32
      %dma_wait3A_588 = tpu.memref_slice %arg8[%add3A_586, %dma_wait3A_587] : memref<40x64xi32, #tpu.memory_space<vmem>> -> memref<1x64xi32, #tpu.memory_space<vmem>>
      %dma_wait3A_589 = tpu.memref_squeeze %dma_wait3A_588 : memref<1x64xi32, #tpu.memory_space<vmem>> -> memref<64xi32, #tpu.memory_space<vmem>>
      %dma_wait3A_590 = arith.constant 0 : i32
      %dma_wait3A_591 = arith.constant 0 : i32
      %dma_wait3A_592 = tpu.memref_slice %arg2[%dma_wait3A_590, %dma_wait3A_591] : memref<10000x128xf32, #tpu.memory_space<hbm>> -> memref<10000x128xf32, #tpu.memory_space<hbm>>
      tpu.wait_indirect_dma semaphore(%arg14 : memref<!tpu.dma_semaphore, #tpu.memory_space<semaphore_mem>>) src(%dma_wait3A_592 : memref<10000x128xf32, #tpu.memory_space<hbm>>) dst(%arg10 : memref<64x128xf32, #tpu.memory_space<vmem>>)
      %sub3A_593 = arith.constant 1 : i32
      %sub3A_594 = arith.subi %add3A_586, %sub3A_593 : i32
      %dma_wait3A_595 = arith.constant 0 : i32
      %dma_wait3A_596 = tpu.memref_slice %arg9[%sub3A_594, %dma_wait3A_595] : memref<40x64xi32, #tpu.memory_space<vmem>> -> memref<1x64xi32, #tpu.memory_space<vmem>>
      %dma_wait3A_597 = tpu.memref_squeeze %dma_wait3A_596 : memref<1x64xi32, #tpu.memory_space<vmem>> -> memref<64xi32, #tpu.memory_space<vmem>>
      %dma_wait3A_598 = arith.constant 0 : i32
      %dma_wait3A_599 = arith.constant 0 : i32
      %dma_wait3A_600 = tpu.memref_slice %arg7[%dma_wait3A_598, %dma_wait3A_599] : memref<10240x128xf32, #tpu.memory_space<vmem_shared>> -> memref<10240x128xf32, #tpu.memory_space<vmem_shared>>
      tpu.wait_indirect_dma semaphore(%arg15 : memref<!tpu.dma_semaphore, #tpu.memory_space<semaphore_mem>>) src(%arg13 : memref<64x128xf32, #tpu.memory_space<vmem>>) dst(%dma_wait3A_600 : memref<10240x128xf32, #tpu.memory_space<vmem_shared>>)
      %add3A_601 = arith.constant 3 : i32
      %add3A_602 = arith.addi %add3A_586, %add3A_601 : i32
      %dma_start3A_603 = arith.constant 0 : i32
      %dma_start3A_604 = tpu.memref_slice %arg8[%add3A_602, %dma_start3A_603] : memref<40x64xi32, #tpu.memory_space<vmem>> -> memref<1x64xi32, #tpu.memory_space<vmem>>
      %dma_start3A_605 = tpu.memref_squeeze %dma_start3A_604 : memref<1x64xi32, #tpu.memory_space<vmem>> -> memref<64xi32, #tpu.memory_space<vmem>>
      %dma_start3A_606 = arith.constant 0 : i32
      %dma_start3A_607 = arith.constant 0 : i32
      %dma_start3A_608 = tpu.memref_slice %arg2[%dma_start3A_606, %dma_start3A_607] : memref<10000x128xf32, #tpu.memory_space<hbm>> -> memref<10000x128xf32, #tpu.memory_space<hbm>>
      tpu.enqueue_indirect_dma source(%dma_start3A_608 : memref<10000x128xf32, #tpu.memory_space<hbm>>) target(%arg13 : memref<64x128xf32, #tpu.memory_space<vmem>>) offsets(%dma_start3A_605 : memref<64xi32, #tpu.memory_space<vmem>>) semaphore(%arg14 : memref<!tpu.dma_semaphore, #tpu.memory_space<semaphore_mem>>)
      %dma_start3A_609 = arith.constant 0 : i32
      %dma_start3A_610 = tpu.memref_slice %arg9[%add3A_586, %dma_start3A_609] : memref<40x64xi32, #tpu.memory_space<vmem>> -> memref<1x64xi32, #tpu.memory_space<vmem>>
      %dma_start3A_611 = tpu.memref_squeeze %dma_start3A_610 : memref<1x64xi32, #tpu.memory_space<vmem>> -> memref<64xi32, #tpu.memory_space<vmem>>
      %dma_start3A_612 = arith.constant 0 : i32
      %dma_start3A_613 = arith.constant 0 : i32
      %dma_start3A_614 = tpu.memref_slice %arg7[%dma_start3A_612, %dma_start3A_613] : memref<10240x128xf32, #tpu.memory_space<vmem_shared>> -> memref<10240x128xf32, #tpu.memory_space<vmem_shared>>
      tpu.enqueue_indirect_dma source(%arg10 : memref<64x128xf32, #tpu.memory_space<vmem>>) target(%dma_start3A_614 : memref<10240x128xf32, #tpu.memory_space<vmem_shared>>) offsets(%dma_start3A_611 : memref<64xi32, #tpu.memory_space<vmem>>) semaphore(%arg15 : memref<!tpu.dma_semaphore, #tpu.memory_space<semaphore_mem>>) {add = true}
    }
    %scan3A_403 = arith.constant 9 : i32
    %dma_wait3A_404 = arith.constant 37 : i32
    %dma_wait3A_405 = arith.constant 0 : i32
    %dma_wait3A_406 = tpu.memref_slice %arg8[%dma_wait3A_404, %dma_wait3A_405] : memref<40x64xi32, #tpu.memory_space<vmem>> -> memref<1x64xi32, #tpu.memory_space<vmem>>
    %dma_wait3A_407 = tpu.memref_squeeze %dma_wait3A_406 : memref<1x64xi32, #tpu.memory_space<vmem>> -> memref<64xi32, #tpu.memory_space<vmem>>
    %dma_wait3A_408 = arith.constant 0 : i32
    %dma_wait3A_409 = arith.constant 0 : i32
    %dma_wait3A_410 = tpu.memref_slice %arg2[%dma_wait3A_408, %dma_wait3A_409] : memref<10000x128xf32, #tpu.memory_space<hbm>> -> memref<10000x128xf32, #tpu.memory_space<hbm>>
    tpu.wait_indirect_dma semaphore(%arg14 : memref<!tpu.dma_semaphore, #tpu.memory_space<semaphore_mem>>) src(%dma_wait3A_410 : memref<10000x128xf32, #tpu.memory_space<hbm>>) dst(%arg11 : memref<64x128xf32, #tpu.memory_space<vmem>>)
    %dma_wait3A_411 = arith.constant 36 : i32
    %dma_wait3A_412 = arith.constant 0 : i32
    %dma_wait3A_413 = tpu.memref_slice %arg9[%dma_wait3A_411, %dma_wait3A_412] : memref<40x64xi32, #tpu.memory_space<vmem>> -> memref<1x64xi32, #tpu.memory_space<vmem>>
    %dma_wait3A_414 = tpu.memref_squeeze %dma_wait3A_413 : memref<1x64xi32, #tpu.memory_space<vmem>> -> memref<64xi32, #tpu.memory_space<vmem>>
    %dma_wait3A_415 = arith.constant 0 : i32
    %dma_wait3A_416 = arith.constant 0 : i32
    %dma_wait3A_417 = tpu.memref_slice %arg7[%dma_wait3A_415, %dma_wait3A_416] : memref<10240x128xf32, #tpu.memory_space<vmem_shared>> -> memref<10240x128xf32, #tpu.memory_space<vmem_shared>>
    tpu.wait_indirect_dma semaphore(%arg15 : memref<!tpu.dma_semaphore, #tpu.memory_space<semaphore_mem>>) src(%arg10 : memref<64x128xf32, #tpu.memory_space<vmem>>) dst(%dma_wait3A_417 : memref<10240x128xf32, #tpu.memory_space<vmem_shared>>)
    %dma_start3A_418 = arith.constant 37 : i32
    %dma_start3A_419 = arith.constant 0 : i32
    %dma_start3A_420 = tpu.memref_slice %arg9[%dma_start3A_418, %dma_start3A_419] : memref<40x64xi32, #tpu.memory_space<vmem>> -> memref<1x64xi32, #tpu.memory_space<vmem>>
    %dma_start3A_421 = tpu.memref_squeeze %dma_start3A_420 : memref<1x64xi32, #tpu.memory_space<vmem>> -> memref<64xi32, #tpu.memory_space<vmem>>
    %dma_start3A_422 = arith.constant 0 : i32
    %dma_start3A_423 = arith.constant 0 : i32
    %dma_start3A_424 = tpu.memref_slice %arg7[%dma_start3A_422, %dma_start3A_423] : memref<10240x128xf32, #tpu.memory_space<vmem_shared>> -> memref<10240x128xf32, #tpu.memory_space<vmem_shared>>
    tpu.enqueue_indirect_dma source(%arg11 : memref<64x128xf32, #tpu.memory_space<vmem>>) target(%dma_start3A_424 : memref<10240x128xf32, #tpu.memory_space<vmem_shared>>) offsets(%dma_start3A_421 : memref<64xi32, #tpu.memory_space<vmem>>) semaphore(%arg15 : memref<!tpu.dma_semaphore, #tpu.memory_space<semaphore_mem>>) {add = true}
    %dma_wait3A_425 = arith.constant 38 : i32
    %dma_wait3A_426 = arith.constant 0 : i32
    %dma_wait3A_427 = tpu.memref_slice %arg8[%dma_wait3A_425, %dma_wait3A_426] : memref<40x64xi32, #tpu.memory_space<vmem>> -> memref<1x64xi32, #tpu.memory_space<vmem>>
    %dma_wait3A_428 = tpu.memref_squeeze %dma_wait3A_427 : memref<1x64xi32, #tpu.memory_space<vmem>> -> memref<64xi32, #tpu.memory_space<vmem>>
    %dma_wait3A_429 = arith.constant 0 : i32
    %dma_wait3A_430 = arith.constant 0 : i32
    %dma_wait3A_431 = tpu.memref_slice %arg2[%dma_wait3A_429, %dma_wait3A_430] : memref<10000x128xf32, #tpu.memory_space<hbm>> -> memref<10000x128xf32, #tpu.memory_space<hbm>>
    tpu.wait_indirect_dma semaphore(%arg14 : memref<!tpu.dma_semaphore, #tpu.memory_space<semaphore_mem>>) src(%dma_wait3A_431 : memref<10000x128xf32, #tpu.memory_space<hbm>>) dst(%arg12 : memref<64x128xf32, #tpu.memory_space<vmem>>)
    %dma_wait3A_432 = arith.constant 37 : i32
    %dma_wait3A_433 = arith.constant 0 : i32
    %dma_wait3A_434 = tpu.memref_slice %arg9[%dma_wait3A_432, %dma_wait3A_433] : memref<40x64xi32, #tpu.memory_space<vmem>> -> memref<1x64xi32, #tpu.memory_space<vmem>>
    %dma_wait3A_435 = tpu.memref_squeeze %dma_wait3A_434 : memref<1x64xi32, #tpu.memory_space<vmem>> -> memref<64xi32, #tpu.memory_space<vmem>>
    %dma_wait3A_436 = arith.constant 0 : i32
    %dma_wait3A_437 = arith.constant 0 : i32
    %dma_wait3A_438 = tpu.memref_slice %arg7[%dma_wait3A_436, %dma_wait3A_437] : memref<10240x128xf32, #tpu.memory_space<vmem_shared>> -> memref<10240x128xf32, #tpu.memory_space<vmem_shared>>
    tpu.wait_indirect_dma semaphore(%arg15 : memref<!tpu.dma_semaphore, #tpu.memory_space<semaphore_mem>>) src(%arg11 : memref<64x128xf32, #tpu.memory_space<vmem>>) dst(%dma_wait3A_438 : memref<10240x128xf32, #tpu.memory_space<vmem_shared>>)
    %dma_start3A_439 = arith.constant 38 : i32
    %dma_start3A_440 = arith.constant 0 : i32
    %dma_start3A_441 = tpu.memref_slice %arg9[%dma_start3A_439, %dma_start3A_440] : memref<40x64xi32, #tpu.memory_space<vmem>> -> memref<1x64xi32, #tpu.memory_space<vmem>>
    %dma_start3A_442 = tpu.memref_squeeze %dma_start3A_441 : memref<1x64xi32, #tpu.memory_space<vmem>> -> memref<64xi32, #tpu.memory_space<vmem>>
    %dma_start3A_443 = arith.constant 0 : i32
    %dma_start3A_444 = arith.constant 0 : i32
    %dma_start3A_445 = tpu.memref_slice %arg7[%dma_start3A_443, %dma_start3A_444] : memref<10240x128xf32, #tpu.memory_space<vmem_shared>> -> memref<10240x128xf32, #tpu.memory_space<vmem_shared>>
    tpu.enqueue_indirect_dma source(%arg12 : memref<64x128xf32, #tpu.memory_space<vmem>>) target(%dma_start3A_445 : memref<10240x128xf32, #tpu.memory_space<vmem_shared>>) offsets(%dma_start3A_442 : memref<64xi32, #tpu.memory_space<vmem>>) semaphore(%arg15 : memref<!tpu.dma_semaphore, #tpu.memory_space<semaphore_mem>>) {add = true}
    %dma_wait3A_446 = arith.constant 39 : i32
    %dma_wait3A_447 = arith.constant 0 : i32
    %dma_wait3A_448 = tpu.memref_slice %arg8[%dma_wait3A_446, %dma_wait3A_447] : memref<40x64xi32, #tpu.memory_space<vmem>> -> memref<1x64xi32, #tpu.memory_space<vmem>>
    %dma_wait3A_449 = tpu.memref_squeeze %dma_wait3A_448 : memref<1x64xi32, #tpu.memory_space<vmem>> -> memref<64xi32, #tpu.memory_space<vmem>>
    %dma_wait3A_450 = arith.constant 0 : i32
    %dma_wait3A_451 = arith.constant 0 : i32
    %dma_wait3A_452 = tpu.memref_slice %arg2[%dma_wait3A_450, %dma_wait3A_451] : memref<10000x128xf32, #tpu.memory_space<hbm>> -> memref<10000x128xf32, #tpu.memory_space<hbm>>
    tpu.wait_indirect_dma semaphore(%arg14 : memref<!tpu.dma_semaphore, #tpu.memory_space<semaphore_mem>>) src(%dma_wait3A_452 : memref<10000x128xf32, #tpu.memory_space<hbm>>) dst(%arg13 : memref<64x128xf32, #tpu.memory_space<vmem>>)
    %dma_wait3A_453 = arith.constant 38 : i32
    %dma_wait3A_454 = arith.constant 0 : i32
    %dma_wait3A_455 = tpu.memref_slice %arg9[%dma_wait3A_453, %dma_wait3A_454] : memref<40x64xi32, #tpu.memory_space<vmem>> -> memref<1x64xi32, #tpu.memory_space<vmem>>
    %dma_wait3A_456 = tpu.memref_squeeze %dma_wait3A_455 : memref<1x64xi32, #tpu.memory_space<vmem>> -> memref<64xi32, #tpu.memory_space<vmem>>
    %dma_wait3A_457 = arith.constant 0 : i32
    %dma_wait3A_458 = arith.constant 0 : i32
    %dma_wait3A_459 = tpu.memref_slice %arg7[%dma_wait3A_457, %dma_wait3A_458] : memref<10240x128xf32, #tpu.memory_space<vmem_shared>> -> memref<10240x128xf32, #tpu.memory_space<vmem_shared>>
    tpu.wait_indirect_dma semaphore(%arg15 : memref<!tpu.dma_semaphore, #tpu.memory_space<semaphore_mem>>) src(%arg12 : memref<64x128xf32, #tpu.memory_space<vmem>>) dst(%dma_wait3A_459 : memref<10240x128xf32, #tpu.memory_space<vmem_shared>>)
    %dma_start3A_460 = arith.constant 39 : i32
    %dma_start3A_461 = arith.constant 0 : i32
    %dma_start3A_462 = tpu.memref_slice %arg9[%dma_start3A_460, %dma_start3A_461] : memref<40x64xi32, #tpu.memory_space<vmem>> -> memref<1x64xi32, #tpu.memory_space<vmem>>
    %dma_start3A_463 = tpu.memref_squeeze %dma_start3A_462 : memref<1x64xi32, #tpu.memory_space<vmem>> -> memref<64xi32, #tpu.memory_space<vmem>>
    %dma_start3A_464 = arith.constant 0 : i32
    %dma_start3A_465 = arith.constant 0 : i32
    %dma_start3A_466 = tpu.memref_slice %arg7[%dma_start3A_464, %dma_start3A_465] : memref<10240x128xf32, #tpu.memory_space<vmem_shared>> -> memref<10240x128xf32, #tpu.memory_space<vmem_shared>>
    tpu.enqueue_indirect_dma source(%arg13 : memref<64x128xf32, #tpu.memory_space<vmem>>) target(%dma_start3A_466 : memref<10240x128xf32, #tpu.memory_space<vmem_shared>>) offsets(%dma_start3A_463 : memref<64xi32, #tpu.memory_space<vmem>>) semaphore(%arg15 : memref<!tpu.dma_semaphore, #tpu.memory_space<semaphore_mem>>) {add = true}
    %dma_wait3A_467 = arith.constant 39 : i32
    %dma_wait3A_468 = arith.constant 0 : i32
    %dma_wait3A_469 = tpu.memref_slice %arg9[%dma_wait3A_467, %dma_wait3A_468] : memref<40x64xi32, #tpu.memory_space<vmem>> -> memref<1x64xi32, #tpu.memory_space<vmem>>
    %dma_wait3A_470 = tpu.memref_squeeze %dma_wait3A_469 : memref<1x64xi32, #tpu.memory_space<vmem>> -> memref<64xi32, #tpu.memory_space<vmem>>
    %dma_wait3A_471 = arith.constant 0 : i32
    %dma_wait3A_472 = arith.constant 0 : i32
    %dma_wait3A_473 = tpu.memref_slice %arg7[%dma_wait3A_471, %dma_wait3A_472] : memref<10240x128xf32, #tpu.memory_space<vmem_shared>> -> memref<10240x128xf32, #tpu.memory_space<vmem_shared>>
    tpu.wait_indirect_dma semaphore(%arg15 : memref<!tpu.dma_semaphore, #tpu.memory_space<semaphore_mem>>) src(%arg13 : memref<64x128xf32, #tpu.memory_space<vmem>>) dst(%dma_wait3A_473 : memref<10240x128xf32, #tpu.memory_space<vmem_shared>>)
    %barrier3A_474 = arith.constant 0 : index
    tpu.barrier barrier_id(%barrier3A_474)
    %mul3A_475 = arith.constant 640 : i32
    %mul3A_476 = arith.muli %arg1, %mul3A_475 : i32
    %mul3A_477 = arith.constant 640 : i32
    %mul3A_478 = arith.muli %arg1, %mul3A_477 : i32
    "tpu.region"() ({
      %run_scoped3A = tpu.sem_alloc : memref<!tpu.dma_semaphore, #tpu.memory_space<semaphore_mem>>
      %dma_start3A_479 = arith.constant 0 : i32
      %dma_start3A_480 = arith.constant 0 : i32
      %dma_start3A_481 = tpu.memref_slice %arg6[%arg0, %dma_start3A_479, %dma_start3A_480] : memref<2x10240x128xf32, #tpu.memory_space<hbm>> -> memref<1x10240x128xf32, #tpu.memory_space<hbm>>
      %dma_start3A_482 = tpu.memref_squeeze %dma_start3A_481 : memref<1x10240x128xf32, #tpu.memory_space<hbm>> -> memref<10240x128xf32, #tpu.memory_space<hbm>>
      %dma_start3A_483 = arith.constant 0 : i32
      %dma_start3A_484 = tpu.memref_slice %dma_start3A_482[%mul3A_478, %dma_start3A_483] : memref<10240x128xf32, #tpu.memory_space<hbm>> -> memref<640x128xf32, #tpu.memory_space<hbm>>
      %dma_start3A_485 = arith.constant 0 : i32
      %dma_start3A_486 = tpu.memref_slice %arg7[%mul3A_476, %dma_start3A_485] : memref<10240x128xf32, #tpu.memory_space<vmem_shared>> -> memref<640x128xf32, #tpu.memory_space<vmem_shared>>
      tpu.enqueue_dma source(%dma_start3A_486 : memref<640x128xf32, #tpu.memory_space<vmem_shared>>) target(%dma_start3A_484 : memref<640x128xf32, #tpu.memory_space<hbm>>) target_semaphore(%run_scoped3A : memref<!tpu.dma_semaphore, #tpu.memory_space<semaphore_mem>>)
      %dma_wait3A_487 = arith.constant 0 : i32
      %dma_wait3A_488 = arith.constant 0 : i32
      %dma_wait3A_489 = tpu.memref_slice %arg6[%arg0, %dma_wait3A_487, %dma_wait3A_488] : memref<2x10240x128xf32, #tpu.memory_space<hbm>> -> memref<1x10240x128xf32, #tpu.memory_space<hbm>>
      %dma_wait3A_490 = tpu.memref_squeeze %dma_wait3A_489 : memref<1x10240x128xf32, #tpu.memory_space<hbm>> -> memref<10240x128xf32, #tpu.memory_space<hbm>>
      %dma_wait3A_491 = arith.constant 0 : i32
      %dma_wait3A_492 = tpu.memref_slice %dma_wait3A_490[%mul3A_478, %dma_wait3A_491] : memref<10240x128xf32, #tpu.memory_space<hbm>> -> memref<640x128xf32, #tpu.memory_space<hbm>>
      %dma_wait3A_493 = arith.constant 0 : i32
      %dma_wait3A_494 = tpu.memref_slice %arg7[%mul3A_476, %dma_wait3A_493] : memref<10240x128xf32, #tpu.memory_space<vmem_shared>> -> memref<640x128xf32, #tpu.memory_space<vmem_shared>>
      tpu.wait_dma2 semaphore(%run_scoped3A : memref<!tpu.dma_semaphore, #tpu.memory_space<semaphore_mem>>) src(%dma_wait3A_494 : memref<640x128xf32, #tpu.memory_space<vmem_shared>>) dst(%dma_wait3A_492 : memref<640x128xf32, #tpu.memory_space<hbm>>)
      tpu.yield
    }) : () -> ()
    return
  }
}

#map = affine_map<(d0, d1) -> (0, 0)>
#map1 = affine_map<(d0, d1) -> (0, 0, 0)>
module attributes {stable_mosaic.version = 14 : i64} {
  func.func @_sc_aggregate(%arg0: i32, %arg1: i32, %arg2: memref<10000x128xf32, #tpu.memory_space<hbm>>, %arg3: memref<32x160x64xi32, #tpu.memory_space<hbm>>, %arg4: memref<32x160x64xi32, #tpu.memory_space<hbm>>, %arg5: memref<10240x128xf32, #tpu.memory_space<hbm>>, %arg6: memref<2x10240x128xf32, #tpu.memory_space<hbm>>, %arg7: memref<10240x128xf32, #tpu.memory_space<vmem_shared>>, %arg8: memref<40x64xi32, #tpu.memory_space<vmem>>, %arg9: memref<40x64xi32, #tpu.memory_space<vmem>>, %arg10: memref<64x128xf32, #tpu.memory_space<vmem>>, %arg11: memref<64x128xf32, #tpu.memory_space<vmem>>, %arg12: memref<64x128xf32, #tpu.memory_space<vmem>>, %arg13: memref<64x128xf32, #tpu.memory_space<vmem>>, %arg14: memref<!tpu.dma_semaphore, #tpu.memory_space<semaphore_mem>>, %arg15: memref<!tpu.dma_semaphore, #tpu.memory_space<semaphore_mem>>) attributes {dimension_semantics = [#tpu.dimension_semantics<core_parallel>, #tpu.dimension_semantics<subcore_parallel>], iteration_bounds = array<i64: 2, 16>, scalar_prefetch = 0 : i64, scratch_operands = 9 : i64, tpu.core_type = #tpu.core_type<sc_vector_subcore>, window_params = [{transform_indices = #map}, {transform_indices = #map1}, {transform_indices = #map1}, {transform_indices = #map}, {transform_indices = #map1}]} {
    %mul3A = arith.constant 2 : i32
    %mul3A_0 = arith.muli %arg1, %mul3A : i32
    %add3A = arith.addi %mul3A_0, %arg0 : i32
    %mul3A_1 = arith.constant 640 : i32
    %mul3A_2 = arith.muli %arg1, %mul3A_1 : i32
    %mul3A_3 = arith.constant 640 : i32
    %mul3A_4 = arith.muli %arg1, %mul3A_3 : i32
    "tpu.region"() ({
      %run_scoped3A = tpu.sem_alloc : memref<!tpu.dma_semaphore, #tpu.memory_space<semaphore_mem>>
      %dma_start3A_479 = arith.constant 0 : i32
      %dma_start3A_480 = tpu.memref_slice %arg7[%mul3A_4, %dma_start3A_479] : memref<10240x128xf32, #tpu.memory_space<vmem_shared>> -> memref<640x128xf32, #tpu.memory_space<vmem_shared>>
      %dma_start3A_481 = arith.constant 0 : i32
      %dma_start3A_482 = tpu.memref_slice %arg5[%mul3A_2, %dma_start3A_481] : memref<10240x128xf32, #tpu.memory_space<hbm>> -> memref<640x128xf32, #tpu.memory_space<hbm>>
      tpu.enqueue_dma source(%dma_start3A_482 : memref<640x128xf32, #tpu.memory_space<hbm>>) target(%dma_start3A_480 : memref<640x128xf32, #tpu.memory_space<vmem_shared>>) target_semaphore(%run_scoped3A : memref<!tpu.dma_semaphore, #tpu.memory_space<semaphore_mem>>)
      %dma_wait3A_483 = arith.constant 0 : i32
      %dma_wait3A_484 = tpu.memref_slice %arg7[%mul3A_4, %dma_wait3A_483] : memref<10240x128xf32, #tpu.memory_space<vmem_shared>> -> memref<640x128xf32, #tpu.memory_space<vmem_shared>>
      %dma_wait3A_485 = arith.constant 0 : i32
      %dma_wait3A_486 = tpu.memref_slice %arg5[%mul3A_2, %dma_wait3A_485] : memref<10240x128xf32, #tpu.memory_space<hbm>> -> memref<640x128xf32, #tpu.memory_space<hbm>>
      tpu.wait_dma2 semaphore(%run_scoped3A : memref<!tpu.dma_semaphore, #tpu.memory_space<semaphore_mem>>) src(%dma_wait3A_486 : memref<640x128xf32, #tpu.memory_space<hbm>>) dst(%dma_wait3A_484 : memref<640x128xf32, #tpu.memory_space<vmem_shared>>)
      tpu.yield
    }) : () -> ()
    %barrier3A = arith.constant 0 : index
    tpu.barrier barrier_id(%barrier3A)
    "tpu.region"() ({
      %run_scoped3A = tpu.sem_alloc : memref<!tpu.dma_semaphore, #tpu.memory_space<semaphore_mem>>
      %dma_start3A_479 = arith.constant 0 : i32
      %dma_start3A_480 = arith.constant 0 : i32
      %dma_start3A_481 = tpu.memref_slice %arg3[%add3A, %dma_start3A_479, %dma_start3A_480] : memref<32x160x64xi32, #tpu.memory_space<hbm>> -> memref<1x160x64xi32, #tpu.memory_space<hbm>>
      %dma_start3A_482 = tpu.memref_squeeze %dma_start3A_481 : memref<1x160x64xi32, #tpu.memory_space<hbm>> -> memref<160x64xi32, #tpu.memory_space<hbm>>
      %dma_start3A_483 = arith.constant 0 : i32
      %dma_start3A_484 = arith.constant 0 : i32
      %dma_start3A_485 = tpu.memref_slice %dma_start3A_482[%dma_start3A_483, %dma_start3A_484] : memref<160x64xi32, #tpu.memory_space<hbm>> -> memref<40x64xi32, #tpu.memory_space<hbm>>
      %dma_start3A_486 = arith.constant 0 : i32
      %dma_start3A_487 = arith.constant 0 : i32
      %dma_start3A_488 = tpu.memref_slice %arg3[%add3A, %dma_start3A_486, %dma_start3A_487] : memref<32x160x64xi32, #tpu.memory_space<hbm>> -> memref<1x160x64xi32, #tpu.memory_space<hbm>>
      %dma_start3A_489 = tpu.memref_squeeze %dma_start3A_488 : memref<1x160x64xi32, #tpu.memory_space<hbm>> -> memref<160x64xi32, #tpu.memory_space<hbm>>
      %dma_start3A_490 = arith.constant 0 : i32
      %dma_start3A_491 = arith.constant 0 : i32
      %dma_start3A_492 = tpu.memref_slice %dma_start3A_489[%dma_start3A_490, %dma_start3A_491] : memref<160x64xi32, #tpu.memory_space<hbm>> -> memref<40x64xi32, #tpu.memory_space<hbm>>
      tpu.enqueue_dma source(%dma_start3A_492 : memref<40x64xi32, #tpu.memory_space<hbm>>) target(%arg8 : memref<40x64xi32, #tpu.memory_space<vmem>>) target_semaphore(%run_scoped3A : memref<!tpu.dma_semaphore, #tpu.memory_space<semaphore_mem>>)
      %dma_wait3A_493 = arith.constant 0 : i32
      %dma_wait3A_494 = arith.constant 0 : i32
      %dma_wait3A_495 = tpu.memref_slice %arg3[%add3A, %dma_wait3A_493, %dma_wait3A_494] : memref<32x160x64xi32, #tpu.memory_space<hbm>> -> memref<1x160x64xi32, #tpu.memory_space<hbm>>
      %dma_wait3A_496 = tpu.memref_squeeze %dma_wait3A_495 : memref<1x160x64xi32, #tpu.memory_space<hbm>> -> memref<160x64xi32, #tpu.memory_space<hbm>>
      %dma_wait3A_497 = arith.constant 0 : i32
      %dma_wait3A_498 = arith.constant 0 : i32
      %dma_wait3A_499 = tpu.memref_slice %dma_wait3A_496[%dma_wait3A_497, %dma_wait3A_498] : memref<160x64xi32, #tpu.memory_space<hbm>> -> memref<40x64xi32, #tpu.memory_space<hbm>>
      %dma_wait3A_500 = arith.constant 0 : i32
      %dma_wait3A_501 = arith.constant 0 : i32
      %dma_wait3A_502 = tpu.memref_slice %arg3[%add3A, %dma_wait3A_500, %dma_wait3A_501] : memref<32x160x64xi32, #tpu.memory_space<hbm>> -> memref<1x160x64xi32, #tpu.memory_space<hbm>>
      %dma_wait3A_503 = tpu.memref_squeeze %dma_wait3A_502 : memref<1x160x64xi32, #tpu.memory_space<hbm>> -> memref<160x64xi32, #tpu.memory_space<hbm>>
      %dma_wait3A_504 = arith.constant 0 : i32
      %dma_wait3A_505 = arith.constant 0 : i32
      %dma_wait3A_506 = tpu.memref_slice %dma_wait3A_503[%dma_wait3A_504, %dma_wait3A_505] : memref<160x64xi32, #tpu.memory_space<hbm>> -> memref<40x64xi32, #tpu.memory_space<hbm>>
      tpu.wait_dma2 semaphore(%run_scoped3A : memref<!tpu.dma_semaphore, #tpu.memory_space<semaphore_mem>>) src(%dma_wait3A_506 : memref<40x64xi32, #tpu.memory_space<hbm>>) dst(%arg8 : memref<40x64xi32, #tpu.memory_space<vmem>>)
      tpu.yield
    }) : () -> ()
    "tpu.region"() ({
      %run_scoped3A = tpu.sem_alloc : memref<!tpu.dma_semaphore, #tpu.memory_space<semaphore_mem>>
      %dma_start3A_479 = arith.constant 0 : i32
      %dma_start3A_480 = arith.constant 0 : i32
      %dma_start3A_481 = tpu.memref_slice %arg4[%add3A, %dma_start3A_479, %dma_start3A_480] : memref<32x160x64xi32, #tpu.memory_space<hbm>> -> memref<1x160x64xi32, #tpu.memory_space<hbm>>
      %dma_start3A_482 = tpu.memref_squeeze %dma_start3A_481 : memref<1x160x64xi32, #tpu.memory_space<hbm>> -> memref<160x64xi32, #tpu.memory_space<hbm>>
      %dma_start3A_483 = arith.constant 0 : i32
      %dma_start3A_484 = arith.constant 0 : i32
      %dma_start3A_485 = tpu.memref_slice %dma_start3A_482[%dma_start3A_483, %dma_start3A_484] : memref<160x64xi32, #tpu.memory_space<hbm>> -> memref<40x64xi32, #tpu.memory_space<hbm>>
      %dma_start3A_486 = arith.constant 0 : i32
      %dma_start3A_487 = arith.constant 0 : i32
      %dma_start3A_488 = tpu.memref_slice %arg4[%add3A, %dma_start3A_486, %dma_start3A_487] : memref<32x160x64xi32, #tpu.memory_space<hbm>> -> memref<1x160x64xi32, #tpu.memory_space<hbm>>
      %dma_start3A_489 = tpu.memref_squeeze %dma_start3A_488 : memref<1x160x64xi32, #tpu.memory_space<hbm>> -> memref<160x64xi32, #tpu.memory_space<hbm>>
      %dma_start3A_490 = arith.constant 0 : i32
      %dma_start3A_491 = arith.constant 0 : i32
      %dma_start3A_492 = tpu.memref_slice %dma_start3A_489[%dma_start3A_490, %dma_start3A_491] : memref<160x64xi32, #tpu.memory_space<hbm>> -> memref<40x64xi32, #tpu.memory_space<hbm>>
      tpu.enqueue_dma source(%dma_start3A_492 : memref<40x64xi32, #tpu.memory_space<hbm>>) target(%arg9 : memref<40x64xi32, #tpu.memory_space<vmem>>) target_semaphore(%run_scoped3A : memref<!tpu.dma_semaphore, #tpu.memory_space<semaphore_mem>>)
      %dma_wait3A_493 = arith.constant 0 : i32
      %dma_wait3A_494 = arith.constant 0 : i32
      %dma_wait3A_495 = tpu.memref_slice %arg4[%add3A, %dma_wait3A_493, %dma_wait3A_494] : memref<32x160x64xi32, #tpu.memory_space<hbm>> -> memref<1x160x64xi32, #tpu.memory_space<hbm>>
      %dma_wait3A_496 = tpu.memref_squeeze %dma_wait3A_495 : memref<1x160x64xi32, #tpu.memory_space<hbm>> -> memref<160x64xi32, #tpu.memory_space<hbm>>
      %dma_wait3A_497 = arith.constant 0 : i32
      %dma_wait3A_498 = arith.constant 0 : i32
      %dma_wait3A_499 = tpu.memref_slice %dma_wait3A_496[%dma_wait3A_497, %dma_wait3A_498] : memref<160x64xi32, #tpu.memory_space<hbm>> -> memref<40x64xi32, #tpu.memory_space<hbm>>
      %dma_wait3A_500 = arith.constant 0 : i32
      %dma_wait3A_501 = arith.constant 0 : i32
      %dma_wait3A_502 = tpu.memref_slice %arg4[%add3A, %dma_wait3A_500, %dma_wait3A_501] : memref<32x160x64xi32, #tpu.memory_space<hbm>> -> memref<1x160x64xi32, #tpu.memory_space<hbm>>
      %dma_wait3A_503 = tpu.memref_squeeze %dma_wait3A_502 : memref<1x160x64xi32, #tpu.memory_space<hbm>> -> memref<160x64xi32, #tpu.memory_space<hbm>>
      %dma_wait3A_504 = arith.constant 0 : i32
      %dma_wait3A_505 = arith.constant 0 : i32
      %dma_wait3A_506 = tpu.memref_slice %dma_wait3A_503[%dma_wait3A_504, %dma_wait3A_505] : memref<160x64xi32, #tpu.memory_space<hbm>> -> memref<40x64xi32, #tpu.memory_space<hbm>>
      tpu.wait_dma2 semaphore(%run_scoped3A : memref<!tpu.dma_semaphore, #tpu.memory_space<semaphore_mem>>) src(%dma_wait3A_506 : memref<40x64xi32, #tpu.memory_space<hbm>>) dst(%arg9 : memref<40x64xi32, #tpu.memory_space<vmem>>)
      tpu.yield
    }) : () -> ()
    %dma_start3A = arith.constant 0 : i32
    %dma_start3A_5 = arith.constant 0 : i32
    %dma_start3A_6 = tpu.memref_slice %arg8[%dma_start3A, %dma_start3A_5] : memref<40x64xi32, #tpu.memory_space<vmem>> -> memref<1x64xi32, #tpu.memory_space<vmem>>
    %dma_start3A_7 = tpu.memref_squeeze %dma_start3A_6 : memref<1x64xi32, #tpu.memory_space<vmem>> -> memref<64xi32, #tpu.memory_space<vmem>>
    %dma_start3A_8 = arith.constant 0 : i32
    %dma_start3A_9 = arith.constant 0 : i32
    %dma_start3A_10 = tpu.memref_slice %arg2[%dma_start3A_8, %dma_start3A_9] : memref<10000x128xf32, #tpu.memory_space<hbm>> -> memref<10000x128xf32, #tpu.memory_space<hbm>>
    tpu.enqueue_indirect_dma source(%dma_start3A_10 : memref<10000x128xf32, #tpu.memory_space<hbm>>) target(%arg10 : memref<64x128xf32, #tpu.memory_space<vmem>>) offsets(%dma_start3A_7 : memref<64xi32, #tpu.memory_space<vmem>>) semaphore(%arg14 : memref<!tpu.dma_semaphore, #tpu.memory_space<semaphore_mem>>)
    %dma_start3A_11 = arith.constant 1 : i32
    %dma_start3A_12 = arith.constant 0 : i32
    %dma_start3A_13 = tpu.memref_slice %arg8[%dma_start3A_11, %dma_start3A_12] : memref<40x64xi32, #tpu.memory_space<vmem>> -> memref<1x64xi32, #tpu.memory_space<vmem>>
    %dma_start3A_14 = tpu.memref_squeeze %dma_start3A_13 : memref<1x64xi32, #tpu.memory_space<vmem>> -> memref<64xi32, #tpu.memory_space<vmem>>
    %dma_start3A_15 = arith.constant 0 : i32
    %dma_start3A_16 = arith.constant 0 : i32
    %dma_start3A_17 = tpu.memref_slice %arg2[%dma_start3A_15, %dma_start3A_16] : memref<10000x128xf32, #tpu.memory_space<hbm>> -> memref<10000x128xf32, #tpu.memory_space<hbm>>
    tpu.enqueue_indirect_dma source(%dma_start3A_17 : memref<10000x128xf32, #tpu.memory_space<hbm>>) target(%arg11 : memref<64x128xf32, #tpu.memory_space<vmem>>) offsets(%dma_start3A_14 : memref<64xi32, #tpu.memory_space<vmem>>) semaphore(%arg14 : memref<!tpu.dma_semaphore, #tpu.memory_space<semaphore_mem>>)
    %dma_start3A_18 = arith.constant 2 : i32
    %dma_start3A_19 = arith.constant 0 : i32
    %dma_start3A_20 = tpu.memref_slice %arg8[%dma_start3A_18, %dma_start3A_19] : memref<40x64xi32, #tpu.memory_space<vmem>> -> memref<1x64xi32, #tpu.memory_space<vmem>>
    %dma_start3A_21 = tpu.memref_squeeze %dma_start3A_20 : memref<1x64xi32, #tpu.memory_space<vmem>> -> memref<64xi32, #tpu.memory_space<vmem>>
    %dma_start3A_22 = arith.constant 0 : i32
    %dma_start3A_23 = arith.constant 0 : i32
    %dma_start3A_24 = tpu.memref_slice %arg2[%dma_start3A_22, %dma_start3A_23] : memref<10000x128xf32, #tpu.memory_space<hbm>> -> memref<10000x128xf32, #tpu.memory_space<hbm>>
    tpu.enqueue_indirect_dma source(%dma_start3A_24 : memref<10000x128xf32, #tpu.memory_space<hbm>>) target(%arg12 : memref<64x128xf32, #tpu.memory_space<vmem>>) offsets(%dma_start3A_21 : memref<64xi32, #tpu.memory_space<vmem>>) semaphore(%arg14 : memref<!tpu.dma_semaphore, #tpu.memory_space<semaphore_mem>>)
    %dma_wait3A = arith.constant 0 : i32
    %dma_wait3A_25 = arith.constant 0 : i32
    %dma_wait3A_26 = tpu.memref_slice %arg8[%dma_wait3A, %dma_wait3A_25] : memref<40x64xi32, #tpu.memory_space<vmem>> -> memref<1x64xi32, #tpu.memory_space<vmem>>
    %dma_wait3A_27 = tpu.memref_squeeze %dma_wait3A_26 : memref<1x64xi32, #tpu.memory_space<vmem>> -> memref<64xi32, #tpu.memory_space<vmem>>
    %dma_wait3A_28 = arith.constant 0 : i32
    %dma_wait3A_29 = arith.constant 0 : i32
    %dma_wait3A_30 = tpu.memref_slice %arg2[%dma_wait3A_28, %dma_wait3A_29] : memref<10000x128xf32, #tpu.memory_space<hbm>> -> memref<10000x128xf32, #tpu.memory_space<hbm>>
    tpu.wait_indirect_dma semaphore(%arg14 : memref<!tpu.dma_semaphore, #tpu.memory_space<semaphore_mem>>) src(%dma_wait3A_30 : memref<10000x128xf32, #tpu.memory_space<hbm>>) dst(%arg10 : memref<64x128xf32, #tpu.memory_space<vmem>>)
    %dma_start3A_31 = arith.constant 3 : i32
    %dma_start3A_32 = arith.constant 0 : i32
    %dma_start3A_33 = tpu.memref_slice %arg8[%dma_start3A_31, %dma_start3A_32] : memref<40x64xi32, #tpu.memory_space<vmem>> -> memref<1x64xi32, #tpu.memory_space<vmem>>
    %dma_start3A_34 = tpu.memref_squeeze %dma_start3A_33 : memref<1x64xi32, #tpu.memory_space<vmem>> -> memref<64xi32, #tpu.memory_space<vmem>>
    %dma_start3A_35 = arith.constant 0 : i32
    %dma_start3A_36 = arith.constant 0 : i32
    %dma_start3A_37 = tpu.memref_slice %arg2[%dma_start3A_35, %dma_start3A_36] : memref<10000x128xf32, #tpu.memory_space<hbm>> -> memref<10000x128xf32, #tpu.memory_space<hbm>>
    tpu.enqueue_indirect_dma source(%dma_start3A_37 : memref<10000x128xf32, #tpu.memory_space<hbm>>) target(%arg13 : memref<64x128xf32, #tpu.memory_space<vmem>>) offsets(%dma_start3A_34 : memref<64xi32, #tpu.memory_space<vmem>>) semaphore(%arg14 : memref<!tpu.dma_semaphore, #tpu.memory_space<semaphore_mem>>)
    %dma_start3A_38 = arith.constant 0 : i32
    %dma_start3A_39 = arith.constant 0 : i32
    %dma_start3A_40 = tpu.memref_slice %arg9[%dma_start3A_38, %dma_start3A_39] : memref<40x64xi32, #tpu.memory_space<vmem>> -> memref<1x64xi32, #tpu.memory_space<vmem>>
    %dma_start3A_41 = tpu.memref_squeeze %dma_start3A_40 : memref<1x64xi32, #tpu.memory_space<vmem>> -> memref<64xi32, #tpu.memory_space<vmem>>
    %dma_start3A_42 = arith.constant 0 : i32
    %dma_start3A_43 = arith.constant 0 : i32
    %dma_start3A_44 = tpu.memref_slice %arg7[%dma_start3A_42, %dma_start3A_43] : memref<10240x128xf32, #tpu.memory_space<vmem_shared>> -> memref<10240x128xf32, #tpu.memory_space<vmem_shared>>
    tpu.enqueue_indirect_dma source(%arg10 : memref<64x128xf32, #tpu.memory_space<vmem>>) target(%dma_start3A_44 : memref<10240x128xf32, #tpu.memory_space<vmem_shared>>) offsets(%dma_start3A_41 : memref<64xi32, #tpu.memory_space<vmem>>) semaphore(%arg15 : memref<!tpu.dma_semaphore, #tpu.memory_space<semaphore_mem>>) {add = true}
    %scan3A = arith.constant 0 : i32
    %scan3A_45 = arith.constant 0 : i32
    %scan3A_46 = arith.constant 9 : i32
    %scan3A_47 = arith.addi %scan3A_45, %scan3A_46 : i32
    %scan3A_48 = arith.constant 1 : i32
    scf.for %scan3A_479 = %scan3A_45 to %scan3A_47 step %scan3A_48  : i32 {
      %mul3A_480 = arith.constant 4 : i32
      %mul3A_481 = arith.muli %mul3A_480, %scan3A_479 : i32
      %add3A_482 = arith.constant 1 : i32
      %add3A_483 = arith.addi %mul3A_481, %add3A_482 : i32
      %add3A_484 = arith.constant 0 : i32
      %add3A_485 = arith.addi %add3A_483, %add3A_484 : i32
      %dma_wait3A_486 = arith.constant 0 : i32
      %dma_wait3A_487 = tpu.memref_slice %arg8[%add3A_485, %dma_wait3A_486] : memref<40x64xi32, #tpu.memory_space<vmem>> -> memref<1x64xi32, #tpu.memory_space<vmem>>
      %dma_wait3A_488 = tpu.memref_squeeze %dma_wait3A_487 : memref<1x64xi32, #tpu.memory_space<vmem>> -> memref<64xi32, #tpu.memory_space<vmem>>
      %dma_wait3A_489 = arith.constant 0 : i32
      %dma_wait3A_490 = arith.constant 0 : i32
      %dma_wait3A_491 = tpu.memref_slice %arg2[%dma_wait3A_489, %dma_wait3A_490] : memref<10000x128xf32, #tpu.memory_space<hbm>> -> memref<10000x128xf32, #tpu.memory_space<hbm>>
      tpu.wait_indirect_dma semaphore(%arg14 : memref<!tpu.dma_semaphore, #tpu.memory_space<semaphore_mem>>) src(%dma_wait3A_491 : memref<10000x128xf32, #tpu.memory_space<hbm>>) dst(%arg11 : memref<64x128xf32, #tpu.memory_space<vmem>>)
      %sub3A = arith.constant 1 : i32
      %sub3A_492 = arith.subi %add3A_485, %sub3A : i32
      %dma_wait3A_493 = arith.constant 0 : i32
      %dma_wait3A_494 = tpu.memref_slice %arg9[%sub3A_492, %dma_wait3A_493] : memref<40x64xi32, #tpu.memory_space<vmem>> -> memref<1x64xi32, #tpu.memory_space<vmem>>
      %dma_wait3A_495 = tpu.memref_squeeze %dma_wait3A_494 : memref<1x64xi32, #tpu.memory_space<vmem>> -> memref<64xi32, #tpu.memory_space<vmem>>
      %dma_wait3A_496 = arith.constant 0 : i32
      %dma_wait3A_497 = arith.constant 0 : i32
      %dma_wait3A_498 = tpu.memref_slice %arg7[%dma_wait3A_496, %dma_wait3A_497] : memref<10240x128xf32, #tpu.memory_space<vmem_shared>> -> memref<10240x128xf32, #tpu.memory_space<vmem_shared>>
      tpu.wait_indirect_dma semaphore(%arg15 : memref<!tpu.dma_semaphore, #tpu.memory_space<semaphore_mem>>) src(%arg10 : memref<64x128xf32, #tpu.memory_space<vmem>>) dst(%dma_wait3A_498 : memref<10240x128xf32, #tpu.memory_space<vmem_shared>>)
      %add3A_499 = arith.constant 3 : i32
      %add3A_500 = arith.addi %add3A_485, %add3A_499 : i32
      %dma_start3A_501 = arith.constant 0 : i32
      %dma_start3A_502 = tpu.memref_slice %arg8[%add3A_500, %dma_start3A_501] : memref<40x64xi32, #tpu.memory_space<vmem>> -> memref<1x64xi32, #tpu.memory_space<vmem>>
      %dma_start3A_503 = tpu.memref_squeeze %dma_start3A_502 : memref<1x64xi32, #tpu.memory_space<vmem>> -> memref<64xi32, #tpu.memory_space<vmem>>
      %dma_start3A_504 = arith.constant 0 : i32
      %dma_start3A_505 = arith.constant 0 : i32
      %dma_start3A_506 = tpu.memref_slice %arg2[%dma_start3A_504, %dma_start3A_505] : memref<10000x128xf32, #tpu.memory_space<hbm>> -> memref<10000x128xf32, #tpu.memory_space<hbm>>
      tpu.enqueue_indirect_dma source(%dma_start3A_506 : memref<10000x128xf32, #tpu.memory_space<hbm>>) target(%arg10 : memref<64x128xf32, #tpu.memory_space<vmem>>) offsets(%dma_start3A_503 : memref<64xi32, #tpu.memory_space<vmem>>) semaphore(%arg14 : memref<!tpu.dma_semaphore, #tpu.memory_space<semaphore_mem>>)
      %dma_start3A_507 = arith.constant 0 : i32
      %dma_start3A_508 = tpu.memref_slice %arg9[%add3A_485, %dma_start3A_507] : memref<40x64xi32, #tpu.memory_space<vmem>> -> memref<1x64xi32, #tpu.memory_space<vmem>>
      %dma_start3A_509 = tpu.memref_squeeze %dma_start3A_508 : memref<1x64xi32, #tpu.memory_space<vmem>> -> memref<64xi32, #tpu.memory_space<vmem>>
      %dma_start3A_510 = arith.constant 0 : i32
      %dma_start3A_511 = arith.constant 0 : i32
      %dma_start3A_512 = tpu.memref_slice %arg7[%dma_start3A_510, %dma_start3A_511] : memref<10240x128xf32, #tpu.memory_space<vmem_shared>> -> memref<10240x128xf32, #tpu.memory_space<vmem_shared>>
      tpu.enqueue_indirect_dma source(%arg11 : memref<64x128xf32, #tpu.memory_space<vmem>>) target(%dma_start3A_512 : memref<10240x128xf32, #tpu.memory_space<vmem_shared>>) offsets(%dma_start3A_509 : memref<64xi32, #tpu.memory_space<vmem>>) semaphore(%arg15 : memref<!tpu.dma_semaphore, #tpu.memory_space<semaphore_mem>>) {add = true}
      %mul3A_513 = arith.constant 4 : i32
      %mul3A_514 = arith.muli %mul3A_513, %scan3A_479 : i32
      %add3A_515 = arith.constant 1 : i32
      %add3A_516 = arith.addi %mul3A_514, %add3A_515 : i32
      %add3A_517 = arith.constant 1 : i32
      %add3A_518 = arith.addi %add3A_516, %add3A_517 : i32
      %dma_wait3A_519 = arith.constant 0 : i32
      %dma_wait3A_520 = tpu.memref_slice %arg8[%add3A_518, %dma_wait3A_519] : memref<40x64xi32, #tpu.memory_space<vmem>> -> memref<1x64xi32, #tpu.memory_space<vmem>>
      %dma_wait3A_521 = tpu.memref_squeeze %dma_wait3A_520 : memref<1x64xi32, #tpu.memory_space<vmem>> -> memref<64xi32, #tpu.memory_space<vmem>>
      %dma_wait3A_522 = arith.constant 0 : i32
      %dma_wait3A_523 = arith.constant 0 : i32
      %dma_wait3A_524 = tpu.memref_slice %arg2[%dma_wait3A_522, %dma_wait3A_523] : memref<10000x128xf32, #tpu.memory_space<hbm>> -> memref<10000x128xf32, #tpu.memory_space<hbm>>
      tpu.wait_indirect_dma semaphore(%arg14 : memref<!tpu.dma_semaphore, #tpu.memory_space<semaphore_mem>>) src(%dma_wait3A_524 : memref<10000x128xf32, #tpu.memory_space<hbm>>) dst(%arg12 : memref<64x128xf32, #tpu.memory_space<vmem>>)
      %sub3A_525 = arith.constant 1 : i32
      %sub3A_526 = arith.subi %add3A_518, %sub3A_525 : i32
      %dma_wait3A_527 = arith.constant 0 : i32
      %dma_wait3A_528 = tpu.memref_slice %arg9[%sub3A_526, %dma_wait3A_527] : memref<40x64xi32, #tpu.memory_space<vmem>> -> memref<1x64xi32, #tpu.memory_space<vmem>>
      %dma_wait3A_529 = tpu.memref_squeeze %dma_wait3A_528 : memref<1x64xi32, #tpu.memory_space<vmem>> -> memref<64xi32, #tpu.memory_space<vmem>>
      %dma_wait3A_530 = arith.constant 0 : i32
      %dma_wait3A_531 = arith.constant 0 : i32
      %dma_wait3A_532 = tpu.memref_slice %arg7[%dma_wait3A_530, %dma_wait3A_531] : memref<10240x128xf32, #tpu.memory_space<vmem_shared>> -> memref<10240x128xf32, #tpu.memory_space<vmem_shared>>
      tpu.wait_indirect_dma semaphore(%arg15 : memref<!tpu.dma_semaphore, #tpu.memory_space<semaphore_mem>>) src(%arg11 : memref<64x128xf32, #tpu.memory_space<vmem>>) dst(%dma_wait3A_532 : memref<10240x128xf32, #tpu.memory_space<vmem_shared>>)
      %add3A_533 = arith.constant 3 : i32
      %add3A_534 = arith.addi %add3A_518, %add3A_533 : i32
      %dma_start3A_535 = arith.constant 0 : i32
      %dma_start3A_536 = tpu.memref_slice %arg8[%add3A_534, %dma_start3A_535] : memref<40x64xi32, #tpu.memory_space<vmem>> -> memref<1x64xi32, #tpu.memory_space<vmem>>
      %dma_start3A_537 = tpu.memref_squeeze %dma_start3A_536 : memref<1x64xi32, #tpu.memory_space<vmem>> -> memref<64xi32, #tpu.memory_space<vmem>>
      %dma_start3A_538 = arith.constant 0 : i32
      %dma_start3A_539 = arith.constant 0 : i32
      %dma_start3A_540 = tpu.memref_slice %arg2[%dma_start3A_538, %dma_start3A_539] : memref<10000x128xf32, #tpu.memory_space<hbm>> -> memref<10000x128xf32, #tpu.memory_space<hbm>>
      tpu.enqueue_indirect_dma source(%dma_start3A_540 : memref<10000x128xf32, #tpu.memory_space<hbm>>) target(%arg11 : memref<64x128xf32, #tpu.memory_space<vmem>>) offsets(%dma_start3A_537 : memref<64xi32, #tpu.memory_space<vmem>>) semaphore(%arg14 : memref<!tpu.dma_semaphore, #tpu.memory_space<semaphore_mem>>)
      %dma_start3A_541 = arith.constant 0 : i32
      %dma_start3A_542 = tpu.memref_slice %arg9[%add3A_518, %dma_start3A_541] : memref<40x64xi32, #tpu.memory_space<vmem>> -> memref<1x64xi32, #tpu.memory_space<vmem>>
      %dma_start3A_543 = tpu.memref_squeeze %dma_start3A_542 : memref<1x64xi32, #tpu.memory_space<vmem>> -> memref<64xi32, #tpu.memory_space<vmem>>
      %dma_start3A_544 = arith.constant 0 : i32
      %dma_start3A_545 = arith.constant 0 : i32
      %dma_start3A_546 = tpu.memref_slice %arg7[%dma_start3A_544, %dma_start3A_545] : memref<10240x128xf32, #tpu.memory_space<vmem_shared>> -> memref<10240x128xf32, #tpu.memory_space<vmem_shared>>
      tpu.enqueue_indirect_dma source(%arg12 : memref<64x128xf32, #tpu.memory_space<vmem>>) target(%dma_start3A_546 : memref<10240x128xf32, #tpu.memory_space<vmem_shared>>) offsets(%dma_start3A_543 : memref<64xi32, #tpu.memory_space<vmem>>) semaphore(%arg15 : memref<!tpu.dma_semaphore, #tpu.memory_space<semaphore_mem>>) {add = true}
      %mul3A_547 = arith.constant 4 : i32
      %mul3A_548 = arith.muli %mul3A_547, %scan3A_479 : i32
      %add3A_549 = arith.constant 1 : i32
      %add3A_550 = arith.addi %mul3A_548, %add3A_549 : i32
      %add3A_551 = arith.constant 2 : i32
      %add3A_552 = arith.addi %add3A_550, %add3A_551 : i32
      %dma_wait3A_553 = arith.constant 0 : i32
      %dma_wait3A_554 = tpu.memref_slice %arg8[%add3A_552, %dma_wait3A_553] : memref<40x64xi32, #tpu.memory_space<vmem>> -> memref<1x64xi32, #tpu.memory_space<vmem>>
      %dma_wait3A_555 = tpu.memref_squeeze %dma_wait3A_554 : memref<1x64xi32, #tpu.memory_space<vmem>> -> memref<64xi32, #tpu.memory_space<vmem>>
      %dma_wait3A_556 = arith.constant 0 : i32
      %dma_wait3A_557 = arith.constant 0 : i32
      %dma_wait3A_558 = tpu.memref_slice %arg2[%dma_wait3A_556, %dma_wait3A_557] : memref<10000x128xf32, #tpu.memory_space<hbm>> -> memref<10000x128xf32, #tpu.memory_space<hbm>>
      tpu.wait_indirect_dma semaphore(%arg14 : memref<!tpu.dma_semaphore, #tpu.memory_space<semaphore_mem>>) src(%dma_wait3A_558 : memref<10000x128xf32, #tpu.memory_space<hbm>>) dst(%arg13 : memref<64x128xf32, #tpu.memory_space<vmem>>)
      %sub3A_559 = arith.constant 1 : i32
      %sub3A_560 = arith.subi %add3A_552, %sub3A_559 : i32
      %dma_wait3A_561 = arith.constant 0 : i32
      %dma_wait3A_562 = tpu.memref_slice %arg9[%sub3A_560, %dma_wait3A_561] : memref<40x64xi32, #tpu.memory_space<vmem>> -> memref<1x64xi32, #tpu.memory_space<vmem>>
      %dma_wait3A_563 = tpu.memref_squeeze %dma_wait3A_562 : memref<1x64xi32, #tpu.memory_space<vmem>> -> memref<64xi32, #tpu.memory_space<vmem>>
      %dma_wait3A_564 = arith.constant 0 : i32
      %dma_wait3A_565 = arith.constant 0 : i32
      %dma_wait3A_566 = tpu.memref_slice %arg7[%dma_wait3A_564, %dma_wait3A_565] : memref<10240x128xf32, #tpu.memory_space<vmem_shared>> -> memref<10240x128xf32, #tpu.memory_space<vmem_shared>>
      tpu.wait_indirect_dma semaphore(%arg15 : memref<!tpu.dma_semaphore, #tpu.memory_space<semaphore_mem>>) src(%arg12 : memref<64x128xf32, #tpu.memory_space<vmem>>) dst(%dma_wait3A_566 : memref<10240x128xf32, #tpu.memory_space<vmem_shared>>)
      %add3A_567 = arith.constant 3 : i32
      %add3A_568 = arith.addi %add3A_552, %add3A_567 : i32
      %dma_start3A_569 = arith.constant 0 : i32
      %dma_start3A_570 = tpu.memref_slice %arg8[%add3A_568, %dma_start3A_569] : memref<40x64xi32, #tpu.memory_space<vmem>> -> memref<1x64xi32, #tpu.memory_space<vmem>>
      %dma_start3A_571 = tpu.memref_squeeze %dma_start3A_570 : memref<1x64xi32, #tpu.memory_space<vmem>> -> memref<64xi32, #tpu.memory_space<vmem>>
      %dma_start3A_572 = arith.constant 0 : i32
      %dma_start3A_573 = arith.constant 0 : i32
      %dma_start3A_574 = tpu.memref_slice %arg2[%dma_start3A_572, %dma_start3A_573] : memref<10000x128xf32, #tpu.memory_space<hbm>> -> memref<10000x128xf32, #tpu.memory_space<hbm>>
      tpu.enqueue_indirect_dma source(%dma_start3A_574 : memref<10000x128xf32, #tpu.memory_space<hbm>>) target(%arg12 : memref<64x128xf32, #tpu.memory_space<vmem>>) offsets(%dma_start3A_571 : memref<64xi32, #tpu.memory_space<vmem>>) semaphore(%arg14 : memref<!tpu.dma_semaphore, #tpu.memory_space<semaphore_mem>>)
      %dma_start3A_575 = arith.constant 0 : i32
      %dma_start3A_576 = tpu.memref_slice %arg9[%add3A_552, %dma_start3A_575] : memref<40x64xi32, #tpu.memory_space<vmem>> -> memref<1x64xi32, #tpu.memory_space<vmem>>
      %dma_start3A_577 = tpu.memref_squeeze %dma_start3A_576 : memref<1x64xi32, #tpu.memory_space<vmem>> -> memref<64xi32, #tpu.memory_space<vmem>>
      %dma_start3A_578 = arith.constant 0 : i32
      %dma_start3A_579 = arith.constant 0 : i32
      %dma_start3A_580 = tpu.memref_slice %arg7[%dma_start3A_578, %dma_start3A_579] : memref<10240x128xf32, #tpu.memory_space<vmem_shared>> -> memref<10240x128xf32, #tpu.memory_space<vmem_shared>>
      tpu.enqueue_indirect_dma source(%arg13 : memref<64x128xf32, #tpu.memory_space<vmem>>) target(%dma_start3A_580 : memref<10240x128xf32, #tpu.memory_space<vmem_shared>>) offsets(%dma_start3A_577 : memref<64xi32, #tpu.memory_space<vmem>>) semaphore(%arg15 : memref<!tpu.dma_semaphore, #tpu.memory_space<semaphore_mem>>) {add = true}
      %mul3A_581 = arith.constant 4 : i32
      %mul3A_582 = arith.muli %mul3A_581, %scan3A_479 : i32
      %add3A_583 = arith.constant 1 : i32
      %add3A_584 = arith.addi %mul3A_582, %add3A_583 : i32
      %add3A_585 = arith.constant 3 : i32
      %add3A_586 = arith.addi %add3A_584, %add3A_585 : i32
      %dma_wait3A_587 = arith.constant 0 : i32
      %dma_wait3A_588 = tpu.memref_slice %arg8[%add3A_586, %dma_wait3A_587] : memref<40x64xi32, #tpu.memory_space<vmem>> -> memref<1x64xi32, #tpu.memory_space<vmem>>
      %dma_wait3A_589 = tpu.memref_squeeze %dma_wait3A_588 : memref<1x64xi32, #tpu.memory_space<vmem>> -> memref<64xi32, #tpu.memory_space<vmem>>
      %dma_wait3A_590 = arith.constant 0 : i32
      %dma_wait3A_591 = arith.constant 0 : i32
      %dma_wait3A_592 = tpu.memref_slice %arg2[%dma_wait3A_590, %dma_wait3A_591] : memref<10000x128xf32, #tpu.memory_space<hbm>> -> memref<10000x128xf32, #tpu.memory_space<hbm>>
      tpu.wait_indirect_dma semaphore(%arg14 : memref<!tpu.dma_semaphore, #tpu.memory_space<semaphore_mem>>) src(%dma_wait3A_592 : memref<10000x128xf32, #tpu.memory_space<hbm>>) dst(%arg10 : memref<64x128xf32, #tpu.memory_space<vmem>>)
      %sub3A_593 = arith.constant 1 : i32
      %sub3A_594 = arith.subi %add3A_586, %sub3A_593 : i32
      %dma_wait3A_595 = arith.constant 0 : i32
      %dma_wait3A_596 = tpu.memref_slice %arg9[%sub3A_594, %dma_wait3A_595] : memref<40x64xi32, #tpu.memory_space<vmem>> -> memref<1x64xi32, #tpu.memory_space<vmem>>
      %dma_wait3A_597 = tpu.memref_squeeze %dma_wait3A_596 : memref<1x64xi32, #tpu.memory_space<vmem>> -> memref<64xi32, #tpu.memory_space<vmem>>
      %dma_wait3A_598 = arith.constant 0 : i32
      %dma_wait3A_599 = arith.constant 0 : i32
      %dma_wait3A_600 = tpu.memref_slice %arg7[%dma_wait3A_598, %dma_wait3A_599] : memref<10240x128xf32, #tpu.memory_space<vmem_shared>> -> memref<10240x128xf32, #tpu.memory_space<vmem_shared>>
      tpu.wait_indirect_dma semaphore(%arg15 : memref<!tpu.dma_semaphore, #tpu.memory_space<semaphore_mem>>) src(%arg13 : memref<64x128xf32, #tpu.memory_space<vmem>>) dst(%dma_wait3A_600 : memref<10240x128xf32, #tpu.memory_space<vmem_shared>>)
      %add3A_601 = arith.constant 3 : i32
      %add3A_602 = arith.addi %add3A_586, %add3A_601 : i32
      %dma_start3A_603 = arith.constant 0 : i32
      %dma_start3A_604 = tpu.memref_slice %arg8[%add3A_602, %dma_start3A_603] : memref<40x64xi32, #tpu.memory_space<vmem>> -> memref<1x64xi32, #tpu.memory_space<vmem>>
      %dma_start3A_605 = tpu.memref_squeeze %dma_start3A_604 : memref<1x64xi32, #tpu.memory_space<vmem>> -> memref<64xi32, #tpu.memory_space<vmem>>
      %dma_start3A_606 = arith.constant 0 : i32
      %dma_start3A_607 = arith.constant 0 : i32
      %dma_start3A_608 = tpu.memref_slice %arg2[%dma_start3A_606, %dma_start3A_607] : memref<10000x128xf32, #tpu.memory_space<hbm>> -> memref<10000x128xf32, #tpu.memory_space<hbm>>
      tpu.enqueue_indirect_dma source(%dma_start3A_608 : memref<10000x128xf32, #tpu.memory_space<hbm>>) target(%arg13 : memref<64x128xf32, #tpu.memory_space<vmem>>) offsets(%dma_start3A_605 : memref<64xi32, #tpu.memory_space<vmem>>) semaphore(%arg14 : memref<!tpu.dma_semaphore, #tpu.memory_space<semaphore_mem>>)
      %dma_start3A_609 = arith.constant 0 : i32
      %dma_start3A_610 = tpu.memref_slice %arg9[%add3A_586, %dma_start3A_609] : memref<40x64xi32, #tpu.memory_space<vmem>> -> memref<1x64xi32, #tpu.memory_space<vmem>>
      %dma_start3A_611 = tpu.memref_squeeze %dma_start3A_610 : memref<1x64xi32, #tpu.memory_space<vmem>> -> memref<64xi32, #tpu.memory_space<vmem>>
      %dma_start3A_612 = arith.constant 0 : i32
      %dma_start3A_613 = arith.constant 0 : i32
      %dma_start3A_614 = tpu.memref_slice %arg7[%dma_start3A_612, %dma_start3A_613] : memref<10240x128xf32, #tpu.memory_space<vmem_shared>> -> memref<10240x128xf32, #tpu.memory_space<vmem_shared>>
      tpu.enqueue_indirect_dma source(%arg10 : memref<64x128xf32, #tpu.memory_space<vmem>>) target(%dma_start3A_614 : memref<10240x128xf32, #tpu.memory_space<vmem_shared>>) offsets(%dma_start3A_611 : memref<64xi32, #tpu.memory_space<vmem>>) semaphore(%arg15 : memref<!tpu.dma_semaphore, #tpu.memory_space<semaphore_mem>>) {add = true}
    }
    %scan3A_49 = arith.constant 9 : i32
    %dma_wait3A_50 = arith.constant 37 : i32
    %dma_wait3A_51 = arith.constant 0 : i32
    %dma_wait3A_52 = tpu.memref_slice %arg8[%dma_wait3A_50, %dma_wait3A_51] : memref<40x64xi32, #tpu.memory_space<vmem>> -> memref<1x64xi32, #tpu.memory_space<vmem>>
    %dma_wait3A_53 = tpu.memref_squeeze %dma_wait3A_52 : memref<1x64xi32, #tpu.memory_space<vmem>> -> memref<64xi32, #tpu.memory_space<vmem>>
    %dma_wait3A_54 = arith.constant 0 : i32
    %dma_wait3A_55 = arith.constant 0 : i32
    %dma_wait3A_56 = tpu.memref_slice %arg2[%dma_wait3A_54, %dma_wait3A_55] : memref<10000x128xf32, #tpu.memory_space<hbm>> -> memref<10000x128xf32, #tpu.memory_space<hbm>>
    tpu.wait_indirect_dma semaphore(%arg14 : memref<!tpu.dma_semaphore, #tpu.memory_space<semaphore_mem>>) src(%dma_wait3A_56 : memref<10000x128xf32, #tpu.memory_space<hbm>>) dst(%arg11 : memref<64x128xf32, #tpu.memory_space<vmem>>)
    %dma_wait3A_57 = arith.constant 36 : i32
    %dma_wait3A_58 = arith.constant 0 : i32
    %dma_wait3A_59 = tpu.memref_slice %arg9[%dma_wait3A_57, %dma_wait3A_58] : memref<40x64xi32, #tpu.memory_space<vmem>> -> memref<1x64xi32, #tpu.memory_space<vmem>>
    %dma_wait3A_60 = tpu.memref_squeeze %dma_wait3A_59 : memref<1x64xi32, #tpu.memory_space<vmem>> -> memref<64xi32, #tpu.memory_space<vmem>>
    %dma_wait3A_61 = arith.constant 0 : i32
    %dma_wait3A_62 = arith.constant 0 : i32
    %dma_wait3A_63 = tpu.memref_slice %arg7[%dma_wait3A_61, %dma_wait3A_62] : memref<10240x128xf32, #tpu.memory_space<vmem_shared>> -> memref<10240x128xf32, #tpu.memory_space<vmem_shared>>
    tpu.wait_indirect_dma semaphore(%arg15 : memref<!tpu.dma_semaphore, #tpu.memory_space<semaphore_mem>>) src(%arg10 : memref<64x128xf32, #tpu.memory_space<vmem>>) dst(%dma_wait3A_63 : memref<10240x128xf32, #tpu.memory_space<vmem_shared>>)
    %dma_start3A_64 = arith.constant 37 : i32
    %dma_start3A_65 = arith.constant 0 : i32
    %dma_start3A_66 = tpu.memref_slice %arg9[%dma_start3A_64, %dma_start3A_65] : memref<40x64xi32, #tpu.memory_space<vmem>> -> memref<1x64xi32, #tpu.memory_space<vmem>>
    %dma_start3A_67 = tpu.memref_squeeze %dma_start3A_66 : memref<1x64xi32, #tpu.memory_space<vmem>> -> memref<64xi32, #tpu.memory_space<vmem>>
    %dma_start3A_68 = arith.constant 0 : i32
    %dma_start3A_69 = arith.constant 0 : i32
    %dma_start3A_70 = tpu.memref_slice %arg7[%dma_start3A_68, %dma_start3A_69] : memref<10240x128xf32, #tpu.memory_space<vmem_shared>> -> memref<10240x128xf32, #tpu.memory_space<vmem_shared>>
    tpu.enqueue_indirect_dma source(%arg11 : memref<64x128xf32, #tpu.memory_space<vmem>>) target(%dma_start3A_70 : memref<10240x128xf32, #tpu.memory_space<vmem_shared>>) offsets(%dma_start3A_67 : memref<64xi32, #tpu.memory_space<vmem>>) semaphore(%arg15 : memref<!tpu.dma_semaphore, #tpu.memory_space<semaphore_mem>>) {add = true}
    %dma_wait3A_71 = arith.constant 38 : i32
    %dma_wait3A_72 = arith.constant 0 : i32
    %dma_wait3A_73 = tpu.memref_slice %arg8[%dma_wait3A_71, %dma_wait3A_72] : memref<40x64xi32, #tpu.memory_space<vmem>> -> memref<1x64xi32, #tpu.memory_space<vmem>>
    %dma_wait3A_74 = tpu.memref_squeeze %dma_wait3A_73 : memref<1x64xi32, #tpu.memory_space<vmem>> -> memref<64xi32, #tpu.memory_space<vmem>>
    %dma_wait3A_75 = arith.constant 0 : i32
    %dma_wait3A_76 = arith.constant 0 : i32
    %dma_wait3A_77 = tpu.memref_slice %arg2[%dma_wait3A_75, %dma_wait3A_76] : memref<10000x128xf32, #tpu.memory_space<hbm>> -> memref<10000x128xf32, #tpu.memory_space<hbm>>
    tpu.wait_indirect_dma semaphore(%arg14 : memref<!tpu.dma_semaphore, #tpu.memory_space<semaphore_mem>>) src(%dma_wait3A_77 : memref<10000x128xf32, #tpu.memory_space<hbm>>) dst(%arg12 : memref<64x128xf32, #tpu.memory_space<vmem>>)
    %dma_wait3A_78 = arith.constant 37 : i32
    %dma_wait3A_79 = arith.constant 0 : i32
    %dma_wait3A_80 = tpu.memref_slice %arg9[%dma_wait3A_78, %dma_wait3A_79] : memref<40x64xi32, #tpu.memory_space<vmem>> -> memref<1x64xi32, #tpu.memory_space<vmem>>
    %dma_wait3A_81 = tpu.memref_squeeze %dma_wait3A_80 : memref<1x64xi32, #tpu.memory_space<vmem>> -> memref<64xi32, #tpu.memory_space<vmem>>
    %dma_wait3A_82 = arith.constant 0 : i32
    %dma_wait3A_83 = arith.constant 0 : i32
    %dma_wait3A_84 = tpu.memref_slice %arg7[%dma_wait3A_82, %dma_wait3A_83] : memref<10240x128xf32, #tpu.memory_space<vmem_shared>> -> memref<10240x128xf32, #tpu.memory_space<vmem_shared>>
    tpu.wait_indirect_dma semaphore(%arg15 : memref<!tpu.dma_semaphore, #tpu.memory_space<semaphore_mem>>) src(%arg11 : memref<64x128xf32, #tpu.memory_space<vmem>>) dst(%dma_wait3A_84 : memref<10240x128xf32, #tpu.memory_space<vmem_shared>>)
    %dma_start3A_85 = arith.constant 38 : i32
    %dma_start3A_86 = arith.constant 0 : i32
    %dma_start3A_87 = tpu.memref_slice %arg9[%dma_start3A_85, %dma_start3A_86] : memref<40x64xi32, #tpu.memory_space<vmem>> -> memref<1x64xi32, #tpu.memory_space<vmem>>
    %dma_start3A_88 = tpu.memref_squeeze %dma_start3A_87 : memref<1x64xi32, #tpu.memory_space<vmem>> -> memref<64xi32, #tpu.memory_space<vmem>>
    %dma_start3A_89 = arith.constant 0 : i32
    %dma_start3A_90 = arith.constant 0 : i32
    %dma_start3A_91 = tpu.memref_slice %arg7[%dma_start3A_89, %dma_start3A_90] : memref<10240x128xf32, #tpu.memory_space<vmem_shared>> -> memref<10240x128xf32, #tpu.memory_space<vmem_shared>>
    tpu.enqueue_indirect_dma source(%arg12 : memref<64x128xf32, #tpu.memory_space<vmem>>) target(%dma_start3A_91 : memref<10240x128xf32, #tpu.memory_space<vmem_shared>>) offsets(%dma_start3A_88 : memref<64xi32, #tpu.memory_space<vmem>>) semaphore(%arg15 : memref<!tpu.dma_semaphore, #tpu.memory_space<semaphore_mem>>) {add = true}
    %dma_wait3A_92 = arith.constant 39 : i32
    %dma_wait3A_93 = arith.constant 0 : i32
    %dma_wait3A_94 = tpu.memref_slice %arg8[%dma_wait3A_92, %dma_wait3A_93] : memref<40x64xi32, #tpu.memory_space<vmem>> -> memref<1x64xi32, #tpu.memory_space<vmem>>
    %dma_wait3A_95 = tpu.memref_squeeze %dma_wait3A_94 : memref<1x64xi32, #tpu.memory_space<vmem>> -> memref<64xi32, #tpu.memory_space<vmem>>
    %dma_wait3A_96 = arith.constant 0 : i32
    %dma_wait3A_97 = arith.constant 0 : i32
    %dma_wait3A_98 = tpu.memref_slice %arg2[%dma_wait3A_96, %dma_wait3A_97] : memref<10000x128xf32, #tpu.memory_space<hbm>> -> memref<10000x128xf32, #tpu.memory_space<hbm>>
    tpu.wait_indirect_dma semaphore(%arg14 : memref<!tpu.dma_semaphore, #tpu.memory_space<semaphore_mem>>) src(%dma_wait3A_98 : memref<10000x128xf32, #tpu.memory_space<hbm>>) dst(%arg13 : memref<64x128xf32, #tpu.memory_space<vmem>>)
    %dma_wait3A_99 = arith.constant 38 : i32
    %dma_wait3A_100 = arith.constant 0 : i32
    %dma_wait3A_101 = tpu.memref_slice %arg9[%dma_wait3A_99, %dma_wait3A_100] : memref<40x64xi32, #tpu.memory_space<vmem>> -> memref<1x64xi32, #tpu.memory_space<vmem>>
    %dma_wait3A_102 = tpu.memref_squeeze %dma_wait3A_101 : memref<1x64xi32, #tpu.memory_space<vmem>> -> memref<64xi32, #tpu.memory_space<vmem>>
    %dma_wait3A_103 = arith.constant 0 : i32
    %dma_wait3A_104 = arith.constant 0 : i32
    %dma_wait3A_105 = tpu.memref_slice %arg7[%dma_wait3A_103, %dma_wait3A_104] : memref<10240x128xf32, #tpu.memory_space<vmem_shared>> -> memref<10240x128xf32, #tpu.memory_space<vmem_shared>>
    tpu.wait_indirect_dma semaphore(%arg15 : memref<!tpu.dma_semaphore, #tpu.memory_space<semaphore_mem>>) src(%arg12 : memref<64x128xf32, #tpu.memory_space<vmem>>) dst(%dma_wait3A_105 : memref<10240x128xf32, #tpu.memory_space<vmem_shared>>)
    %dma_start3A_106 = arith.constant 39 : i32
    %dma_start3A_107 = arith.constant 0 : i32
    %dma_start3A_108 = tpu.memref_slice %arg9[%dma_start3A_106, %dma_start3A_107] : memref<40x64xi32, #tpu.memory_space<vmem>> -> memref<1x64xi32, #tpu.memory_space<vmem>>
    %dma_start3A_109 = tpu.memref_squeeze %dma_start3A_108 : memref<1x64xi32, #tpu.memory_space<vmem>> -> memref<64xi32, #tpu.memory_space<vmem>>
    %dma_start3A_110 = arith.constant 0 : i32
    %dma_start3A_111 = arith.constant 0 : i32
    %dma_start3A_112 = tpu.memref_slice %arg7[%dma_start3A_110, %dma_start3A_111] : memref<10240x128xf32, #tpu.memory_space<vmem_shared>> -> memref<10240x128xf32, #tpu.memory_space<vmem_shared>>
    tpu.enqueue_indirect_dma source(%arg13 : memref<64x128xf32, #tpu.memory_space<vmem>>) target(%dma_start3A_112 : memref<10240x128xf32, #tpu.memory_space<vmem_shared>>) offsets(%dma_start3A_109 : memref<64xi32, #tpu.memory_space<vmem>>) semaphore(%arg15 : memref<!tpu.dma_semaphore, #tpu.memory_space<semaphore_mem>>) {add = true}
    %dma_wait3A_113 = arith.constant 39 : i32
    %dma_wait3A_114 = arith.constant 0 : i32
    %dma_wait3A_115 = tpu.memref_slice %arg9[%dma_wait3A_113, %dma_wait3A_114] : memref<40x64xi32, #tpu.memory_space<vmem>> -> memref<1x64xi32, #tpu.memory_space<vmem>>
    %dma_wait3A_116 = tpu.memref_squeeze %dma_wait3A_115 : memref<1x64xi32, #tpu.memory_space<vmem>> -> memref<64xi32, #tpu.memory_space<vmem>>
    %dma_wait3A_117 = arith.constant 0 : i32
    %dma_wait3A_118 = arith.constant 0 : i32
    %dma_wait3A_119 = tpu.memref_slice %arg7[%dma_wait3A_117, %dma_wait3A_118] : memref<10240x128xf32, #tpu.memory_space<vmem_shared>> -> memref<10240x128xf32, #tpu.memory_space<vmem_shared>>
    tpu.wait_indirect_dma semaphore(%arg15 : memref<!tpu.dma_semaphore, #tpu.memory_space<semaphore_mem>>) src(%arg13 : memref<64x128xf32, #tpu.memory_space<vmem>>) dst(%dma_wait3A_119 : memref<10240x128xf32, #tpu.memory_space<vmem_shared>>)
    "tpu.region"() ({
      %run_scoped3A = tpu.sem_alloc : memref<!tpu.dma_semaphore, #tpu.memory_space<semaphore_mem>>
      %dma_start3A_479 = arith.constant 0 : i32
      %dma_start3A_480 = arith.constant 0 : i32
      %dma_start3A_481 = tpu.memref_slice %arg3[%add3A, %dma_start3A_479, %dma_start3A_480] : memref<32x160x64xi32, #tpu.memory_space<hbm>> -> memref<1x160x64xi32, #tpu.memory_space<hbm>>
      %dma_start3A_482 = tpu.memref_squeeze %dma_start3A_481 : memref<1x160x64xi32, #tpu.memory_space<hbm>> -> memref<160x64xi32, #tpu.memory_space<hbm>>
      %dma_start3A_483 = arith.constant 40 : i32
      %dma_start3A_484 = arith.constant 0 : i32
      %dma_start3A_485 = tpu.memref_slice %dma_start3A_482[%dma_start3A_483, %dma_start3A_484] : memref<160x64xi32, #tpu.memory_space<hbm>> -> memref<40x64xi32, #tpu.memory_space<hbm>>
      %dma_start3A_486 = arith.constant 0 : i32
      %dma_start3A_487 = arith.constant 0 : i32
      %dma_start3A_488 = tpu.memref_slice %arg3[%add3A, %dma_start3A_486, %dma_start3A_487] : memref<32x160x64xi32, #tpu.memory_space<hbm>> -> memref<1x160x64xi32, #tpu.memory_space<hbm>>
      %dma_start3A_489 = tpu.memref_squeeze %dma_start3A_488 : memref<1x160x64xi32, #tpu.memory_space<hbm>> -> memref<160x64xi32, #tpu.memory_space<hbm>>
      %dma_start3A_490 = arith.constant 40 : i32
      %dma_start3A_491 = arith.constant 0 : i32
      %dma_start3A_492 = tpu.memref_slice %dma_start3A_489[%dma_start3A_490, %dma_start3A_491] : memref<160x64xi32, #tpu.memory_space<hbm>> -> memref<40x64xi32, #tpu.memory_space<hbm>>
      tpu.enqueue_dma source(%dma_start3A_492 : memref<40x64xi32, #tpu.memory_space<hbm>>) target(%arg8 : memref<40x64xi32, #tpu.memory_space<vmem>>) target_semaphore(%run_scoped3A : memref<!tpu.dma_semaphore, #tpu.memory_space<semaphore_mem>>)
      %dma_wait3A_493 = arith.constant 0 : i32
      %dma_wait3A_494 = arith.constant 0 : i32
      %dma_wait3A_495 = tpu.memref_slice %arg3[%add3A, %dma_wait3A_493, %dma_wait3A_494] : memref<32x160x64xi32, #tpu.memory_space<hbm>> -> memref<1x160x64xi32, #tpu.memory_space<hbm>>
      %dma_wait3A_496 = tpu.memref_squeeze %dma_wait3A_495 : memref<1x160x64xi32, #tpu.memory_space<hbm>> -> memref<160x64xi32, #tpu.memory_space<hbm>>
      %dma_wait3A_497 = arith.constant 40 : i32
      %dma_wait3A_498 = arith.constant 0 : i32
      %dma_wait3A_499 = tpu.memref_slice %dma_wait3A_496[%dma_wait3A_497, %dma_wait3A_498] : memref<160x64xi32, #tpu.memory_space<hbm>> -> memref<40x64xi32, #tpu.memory_space<hbm>>
      %dma_wait3A_500 = arith.constant 0 : i32
      %dma_wait3A_501 = arith.constant 0 : i32
      %dma_wait3A_502 = tpu.memref_slice %arg3[%add3A, %dma_wait3A_500, %dma_wait3A_501] : memref<32x160x64xi32, #tpu.memory_space<hbm>> -> memref<1x160x64xi32, #tpu.memory_space<hbm>>
      %dma_wait3A_503 = tpu.memref_squeeze %dma_wait3A_502 : memref<1x160x64xi32, #tpu.memory_space<hbm>> -> memref<160x64xi32, #tpu.memory_space<hbm>>
      %dma_wait3A_504 = arith.constant 40 : i32
      %dma_wait3A_505 = arith.constant 0 : i32
      %dma_wait3A_506 = tpu.memref_slice %dma_wait3A_503[%dma_wait3A_504, %dma_wait3A_505] : memref<160x64xi32, #tpu.memory_space<hbm>> -> memref<40x64xi32, #tpu.memory_space<hbm>>
      tpu.wait_dma2 semaphore(%run_scoped3A : memref<!tpu.dma_semaphore, #tpu.memory_space<semaphore_mem>>) src(%dma_wait3A_506 : memref<40x64xi32, #tpu.memory_space<hbm>>) dst(%arg8 : memref<40x64xi32, #tpu.memory_space<vmem>>)
      tpu.yield
    }) : () -> ()
    "tpu.region"() ({
      %run_scoped3A = tpu.sem_alloc : memref<!tpu.dma_semaphore, #tpu.memory_space<semaphore_mem>>
      %dma_start3A_479 = arith.constant 0 : i32
      %dma_start3A_480 = arith.constant 0 : i32
      %dma_start3A_481 = tpu.memref_slice %arg4[%add3A, %dma_start3A_479, %dma_start3A_480] : memref<32x160x64xi32, #tpu.memory_space<hbm>> -> memref<1x160x64xi32, #tpu.memory_space<hbm>>
      %dma_start3A_482 = tpu.memref_squeeze %dma_start3A_481 : memref<1x160x64xi32, #tpu.memory_space<hbm>> -> memref<160x64xi32, #tpu.memory_space<hbm>>
      %dma_start3A_483 = arith.constant 40 : i32
      %dma_start3A_484 = arith.constant 0 : i32
      %dma_start3A_485 = tpu.memref_slice %dma_start3A_482[%dma_start3A_483, %dma_start3A_484] : memref<160x64xi32, #tpu.memory_space<hbm>> -> memref<40x64xi32, #tpu.memory_space<hbm>>
      %dma_start3A_486 = arith.constant 0 : i32
      %dma_start3A_487 = arith.constant 0 : i32
      %dma_start3A_488 = tpu.memref_slice %arg4[%add3A, %dma_start3A_486, %dma_start3A_487] : memref<32x160x64xi32, #tpu.memory_space<hbm>> -> memref<1x160x64xi32, #tpu.memory_space<hbm>>
      %dma_start3A_489 = tpu.memref_squeeze %dma_start3A_488 : memref<1x160x64xi32, #tpu.memory_space<hbm>> -> memref<160x64xi32, #tpu.memory_space<hbm>>
      %dma_start3A_490 = arith.constant 40 : i32
      %dma_start3A_491 = arith.constant 0 : i32
      %dma_start3A_492 = tpu.memref_slice %dma_start3A_489[%dma_start3A_490, %dma_start3A_491] : memref<160x64xi32, #tpu.memory_space<hbm>> -> memref<40x64xi32, #tpu.memory_space<hbm>>
      tpu.enqueue_dma source(%dma_start3A_492 : memref<40x64xi32, #tpu.memory_space<hbm>>) target(%arg9 : memref<40x64xi32, #tpu.memory_space<vmem>>) target_semaphore(%run_scoped3A : memref<!tpu.dma_semaphore, #tpu.memory_space<semaphore_mem>>)
      %dma_wait3A_493 = arith.constant 0 : i32
      %dma_wait3A_494 = arith.constant 0 : i32
      %dma_wait3A_495 = tpu.memref_slice %arg4[%add3A, %dma_wait3A_493, %dma_wait3A_494] : memref<32x160x64xi32, #tpu.memory_space<hbm>> -> memref<1x160x64xi32, #tpu.memory_space<hbm>>
      %dma_wait3A_496 = tpu.memref_squeeze %dma_wait3A_495 : memref<1x160x64xi32, #tpu.memory_space<hbm>> -> memref<160x64xi32, #tpu.memory_space<hbm>>
      %dma_wait3A_497 = arith.constant 40 : i32
      %dma_wait3A_498 = arith.constant 0 : i32
      %dma_wait3A_499 = tpu.memref_slice %dma_wait3A_496[%dma_wait3A_497, %dma_wait3A_498] : memref<160x64xi32, #tpu.memory_space<hbm>> -> memref<40x64xi32, #tpu.memory_space<hbm>>
      %dma_wait3A_500 = arith.constant 0 : i32
      %dma_wait3A_501 = arith.constant 0 : i32
      %dma_wait3A_502 = tpu.memref_slice %arg4[%add3A, %dma_wait3A_500, %dma_wait3A_501] : memref<32x160x64xi32, #tpu.memory_space<hbm>> -> memref<1x160x64xi32, #tpu.memory_space<hbm>>
      %dma_wait3A_503 = tpu.memref_squeeze %dma_wait3A_502 : memref<1x160x64xi32, #tpu.memory_space<hbm>> -> memref<160x64xi32, #tpu.memory_space<hbm>>
      %dma_wait3A_504 = arith.constant 40 : i32
      %dma_wait3A_505 = arith.constant 0 : i32
      %dma_wait3A_506 = tpu.memref_slice %dma_wait3A_503[%dma_wait3A_504, %dma_wait3A_505] : memref<160x64xi32, #tpu.memory_space<hbm>> -> memref<40x64xi32, #tpu.memory_space<hbm>>
      tpu.wait_dma2 semaphore(%run_scoped3A : memref<!tpu.dma_semaphore, #tpu.memory_space<semaphore_mem>>) src(%dma_wait3A_506 : memref<40x64xi32, #tpu.memory_space<hbm>>) dst(%arg9 : memref<40x64xi32, #tpu.memory_space<vmem>>)
      tpu.yield
    }) : () -> ()
    %dma_start3A_120 = arith.constant 0 : i32
    %dma_start3A_121 = arith.constant 0 : i32
    %dma_start3A_122 = tpu.memref_slice %arg8[%dma_start3A_120, %dma_start3A_121] : memref<40x64xi32, #tpu.memory_space<vmem>> -> memref<1x64xi32, #tpu.memory_space<vmem>>
    %dma_start3A_123 = tpu.memref_squeeze %dma_start3A_122 : memref<1x64xi32, #tpu.memory_space<vmem>> -> memref<64xi32, #tpu.memory_space<vmem>>
    %dma_start3A_124 = arith.constant 0 : i32
    %dma_start3A_125 = arith.constant 0 : i32
    %dma_start3A_126 = tpu.memref_slice %arg2[%dma_start3A_124, %dma_start3A_125] : memref<10000x128xf32, #tpu.memory_space<hbm>> -> memref<10000x128xf32, #tpu.memory_space<hbm>>
    tpu.enqueue_indirect_dma source(%dma_start3A_126 : memref<10000x128xf32, #tpu.memory_space<hbm>>) target(%arg10 : memref<64x128xf32, #tpu.memory_space<vmem>>) offsets(%dma_start3A_123 : memref<64xi32, #tpu.memory_space<vmem>>) semaphore(%arg14 : memref<!tpu.dma_semaphore, #tpu.memory_space<semaphore_mem>>)
    %dma_start3A_127 = arith.constant 1 : i32
    %dma_start3A_128 = arith.constant 0 : i32
    %dma_start3A_129 = tpu.memref_slice %arg8[%dma_start3A_127, %dma_start3A_128] : memref<40x64xi32, #tpu.memory_space<vmem>> -> memref<1x64xi32, #tpu.memory_space<vmem>>
    %dma_start3A_130 = tpu.memref_squeeze %dma_start3A_129 : memref<1x64xi32, #tpu.memory_space<vmem>> -> memref<64xi32, #tpu.memory_space<vmem>>
    %dma_start3A_131 = arith.constant 0 : i32
    %dma_start3A_132 = arith.constant 0 : i32
    %dma_start3A_133 = tpu.memref_slice %arg2[%dma_start3A_131, %dma_start3A_132] : memref<10000x128xf32, #tpu.memory_space<hbm>> -> memref<10000x128xf32, #tpu.memory_space<hbm>>
    tpu.enqueue_indirect_dma source(%dma_start3A_133 : memref<10000x128xf32, #tpu.memory_space<hbm>>) target(%arg11 : memref<64x128xf32, #tpu.memory_space<vmem>>) offsets(%dma_start3A_130 : memref<64xi32, #tpu.memory_space<vmem>>) semaphore(%arg14 : memref<!tpu.dma_semaphore, #tpu.memory_space<semaphore_mem>>)
    %dma_start3A_134 = arith.constant 2 : i32
    %dma_start3A_135 = arith.constant 0 : i32
    %dma_start3A_136 = tpu.memref_slice %arg8[%dma_start3A_134, %dma_start3A_135] : memref<40x64xi32, #tpu.memory_space<vmem>> -> memref<1x64xi32, #tpu.memory_space<vmem>>
    %dma_start3A_137 = tpu.memref_squeeze %dma_start3A_136 : memref<1x64xi32, #tpu.memory_space<vmem>> -> memref<64xi32, #tpu.memory_space<vmem>>
    %dma_start3A_138 = arith.constant 0 : i32
    %dma_start3A_139 = arith.constant 0 : i32
    %dma_start3A_140 = tpu.memref_slice %arg2[%dma_start3A_138, %dma_start3A_139] : memref<10000x128xf32, #tpu.memory_space<hbm>> -> memref<10000x128xf32, #tpu.memory_space<hbm>>
    tpu.enqueue_indirect_dma source(%dma_start3A_140 : memref<10000x128xf32, #tpu.memory_space<hbm>>) target(%arg12 : memref<64x128xf32, #tpu.memory_space<vmem>>) offsets(%dma_start3A_137 : memref<64xi32, #tpu.memory_space<vmem>>) semaphore(%arg14 : memref<!tpu.dma_semaphore, #tpu.memory_space<semaphore_mem>>)
    %dma_wait3A_141 = arith.constant 0 : i32
    %dma_wait3A_142 = arith.constant 0 : i32
    %dma_wait3A_143 = tpu.memref_slice %arg8[%dma_wait3A_141, %dma_wait3A_142] : memref<40x64xi32, #tpu.memory_space<vmem>> -> memref<1x64xi32, #tpu.memory_space<vmem>>
    %dma_wait3A_144 = tpu.memref_squeeze %dma_wait3A_143 : memref<1x64xi32, #tpu.memory_space<vmem>> -> memref<64xi32, #tpu.memory_space<vmem>>
    %dma_wait3A_145 = arith.constant 0 : i32
    %dma_wait3A_146 = arith.constant 0 : i32
    %dma_wait3A_147 = tpu.memref_slice %arg2[%dma_wait3A_145, %dma_wait3A_146] : memref<10000x128xf32, #tpu.memory_space<hbm>> -> memref<10000x128xf32, #tpu.memory_space<hbm>>
    tpu.wait_indirect_dma semaphore(%arg14 : memref<!tpu.dma_semaphore, #tpu.memory_space<semaphore_mem>>) src(%dma_wait3A_147 : memref<10000x128xf32, #tpu.memory_space<hbm>>) dst(%arg10 : memref<64x128xf32, #tpu.memory_space<vmem>>)
    %dma_start3A_148 = arith.constant 3 : i32
    %dma_start3A_149 = arith.constant 0 : i32
    %dma_start3A_150 = tpu.memref_slice %arg8[%dma_start3A_148, %dma_start3A_149] : memref<40x64xi32, #tpu.memory_space<vmem>> -> memref<1x64xi32, #tpu.memory_space<vmem>>
    %dma_start3A_151 = tpu.memref_squeeze %dma_start3A_150 : memref<1x64xi32, #tpu.memory_space<vmem>> -> memref<64xi32, #tpu.memory_space<vmem>>
    %dma_start3A_152 = arith.constant 0 : i32
    %dma_start3A_153 = arith.constant 0 : i32
    %dma_start3A_154 = tpu.memref_slice %arg2[%dma_start3A_152, %dma_start3A_153] : memref<10000x128xf32, #tpu.memory_space<hbm>> -> memref<10000x128xf32, #tpu.memory_space<hbm>>
    tpu.enqueue_indirect_dma source(%dma_start3A_154 : memref<10000x128xf32, #tpu.memory_space<hbm>>) target(%arg13 : memref<64x128xf32, #tpu.memory_space<vmem>>) offsets(%dma_start3A_151 : memref<64xi32, #tpu.memory_space<vmem>>) semaphore(%arg14 : memref<!tpu.dma_semaphore, #tpu.memory_space<semaphore_mem>>)
    %dma_start3A_155 = arith.constant 0 : i32
    %dma_start3A_156 = arith.constant 0 : i32
    %dma_start3A_157 = tpu.memref_slice %arg9[%dma_start3A_155, %dma_start3A_156] : memref<40x64xi32, #tpu.memory_space<vmem>> -> memref<1x64xi32, #tpu.memory_space<vmem>>
    %dma_start3A_158 = tpu.memref_squeeze %dma_start3A_157 : memref<1x64xi32, #tpu.memory_space<vmem>> -> memref<64xi32, #tpu.memory_space<vmem>>
    %dma_start3A_159 = arith.constant 0 : i32
    %dma_start3A_160 = arith.constant 0 : i32
    %dma_start3A_161 = tpu.memref_slice %arg7[%dma_start3A_159, %dma_start3A_160] : memref<10240x128xf32, #tpu.memory_space<vmem_shared>> -> memref<10240x128xf32, #tpu.memory_space<vmem_shared>>
    tpu.enqueue_indirect_dma source(%arg10 : memref<64x128xf32, #tpu.memory_space<vmem>>) target(%dma_start3A_161 : memref<10240x128xf32, #tpu.memory_space<vmem_shared>>) offsets(%dma_start3A_158 : memref<64xi32, #tpu.memory_space<vmem>>) semaphore(%arg15 : memref<!tpu.dma_semaphore, #tpu.memory_space<semaphore_mem>>) {add = true}
    %scan3A_162 = arith.constant 0 : i32
    %scan3A_163 = arith.constant 0 : i32
    %scan3A_164 = arith.constant 9 : i32
    %scan3A_165 = arith.addi %scan3A_163, %scan3A_164 : i32
    %scan3A_166 = arith.constant 1 : i32
    scf.for %scan3A_479 = %scan3A_163 to %scan3A_165 step %scan3A_166  : i32 {
      %mul3A_480 = arith.constant 4 : i32
      %mul3A_481 = arith.muli %mul3A_480, %scan3A_479 : i32
      %add3A_482 = arith.constant 1 : i32
      %add3A_483 = arith.addi %mul3A_481, %add3A_482 : i32
      %add3A_484 = arith.constant 0 : i32
      %add3A_485 = arith.addi %add3A_483, %add3A_484 : i32
      %dma_wait3A_486 = arith.constant 0 : i32
      %dma_wait3A_487 = tpu.memref_slice %arg8[%add3A_485, %dma_wait3A_486] : memref<40x64xi32, #tpu.memory_space<vmem>> -> memref<1x64xi32, #tpu.memory_space<vmem>>
      %dma_wait3A_488 = tpu.memref_squeeze %dma_wait3A_487 : memref<1x64xi32, #tpu.memory_space<vmem>> -> memref<64xi32, #tpu.memory_space<vmem>>
      %dma_wait3A_489 = arith.constant 0 : i32
      %dma_wait3A_490 = arith.constant 0 : i32
      %dma_wait3A_491 = tpu.memref_slice %arg2[%dma_wait3A_489, %dma_wait3A_490] : memref<10000x128xf32, #tpu.memory_space<hbm>> -> memref<10000x128xf32, #tpu.memory_space<hbm>>
      tpu.wait_indirect_dma semaphore(%arg14 : memref<!tpu.dma_semaphore, #tpu.memory_space<semaphore_mem>>) src(%dma_wait3A_491 : memref<10000x128xf32, #tpu.memory_space<hbm>>) dst(%arg11 : memref<64x128xf32, #tpu.memory_space<vmem>>)
      %sub3A = arith.constant 1 : i32
      %sub3A_492 = arith.subi %add3A_485, %sub3A : i32
      %dma_wait3A_493 = arith.constant 0 : i32
      %dma_wait3A_494 = tpu.memref_slice %arg9[%sub3A_492, %dma_wait3A_493] : memref<40x64xi32, #tpu.memory_space<vmem>> -> memref<1x64xi32, #tpu.memory_space<vmem>>
      %dma_wait3A_495 = tpu.memref_squeeze %dma_wait3A_494 : memref<1x64xi32, #tpu.memory_space<vmem>> -> memref<64xi32, #tpu.memory_space<vmem>>
      %dma_wait3A_496 = arith.constant 0 : i32
      %dma_wait3A_497 = arith.constant 0 : i32
      %dma_wait3A_498 = tpu.memref_slice %arg7[%dma_wait3A_496, %dma_wait3A_497] : memref<10240x128xf32, #tpu.memory_space<vmem_shared>> -> memref<10240x128xf32, #tpu.memory_space<vmem_shared>>
      tpu.wait_indirect_dma semaphore(%arg15 : memref<!tpu.dma_semaphore, #tpu.memory_space<semaphore_mem>>) src(%arg10 : memref<64x128xf32, #tpu.memory_space<vmem>>) dst(%dma_wait3A_498 : memref<10240x128xf32, #tpu.memory_space<vmem_shared>>)
      %add3A_499 = arith.constant 3 : i32
      %add3A_500 = arith.addi %add3A_485, %add3A_499 : i32
      %dma_start3A_501 = arith.constant 0 : i32
      %dma_start3A_502 = tpu.memref_slice %arg8[%add3A_500, %dma_start3A_501] : memref<40x64xi32, #tpu.memory_space<vmem>> -> memref<1x64xi32, #tpu.memory_space<vmem>>
      %dma_start3A_503 = tpu.memref_squeeze %dma_start3A_502 : memref<1x64xi32, #tpu.memory_space<vmem>> -> memref<64xi32, #tpu.memory_space<vmem>>
      %dma_start3A_504 = arith.constant 0 : i32
      %dma_start3A_505 = arith.constant 0 : i32
      %dma_start3A_506 = tpu.memref_slice %arg2[%dma_start3A_504, %dma_start3A_505] : memref<10000x128xf32, #tpu.memory_space<hbm>> -> memref<10000x128xf32, #tpu.memory_space<hbm>>
      tpu.enqueue_indirect_dma source(%dma_start3A_506 : memref<10000x128xf32, #tpu.memory_space<hbm>>) target(%arg10 : memref<64x128xf32, #tpu.memory_space<vmem>>) offsets(%dma_start3A_503 : memref<64xi32, #tpu.memory_space<vmem>>) semaphore(%arg14 : memref<!tpu.dma_semaphore, #tpu.memory_space<semaphore_mem>>)
      %dma_start3A_507 = arith.constant 0 : i32
      %dma_start3A_508 = tpu.memref_slice %arg9[%add3A_485, %dma_start3A_507] : memref<40x64xi32, #tpu.memory_space<vmem>> -> memref<1x64xi32, #tpu.memory_space<vmem>>
      %dma_start3A_509 = tpu.memref_squeeze %dma_start3A_508 : memref<1x64xi32, #tpu.memory_space<vmem>> -> memref<64xi32, #tpu.memory_space<vmem>>
      %dma_start3A_510 = arith.constant 0 : i32
      %dma_start3A_511 = arith.constant 0 : i32
      %dma_start3A_512 = tpu.memref_slice %arg7[%dma_start3A_510, %dma_start3A_511] : memref<10240x128xf32, #tpu.memory_space<vmem_shared>> -> memref<10240x128xf32, #tpu.memory_space<vmem_shared>>
      tpu.enqueue_indirect_dma source(%arg11 : memref<64x128xf32, #tpu.memory_space<vmem>>) target(%dma_start3A_512 : memref<10240x128xf32, #tpu.memory_space<vmem_shared>>) offsets(%dma_start3A_509 : memref<64xi32, #tpu.memory_space<vmem>>) semaphore(%arg15 : memref<!tpu.dma_semaphore, #tpu.memory_space<semaphore_mem>>) {add = true}
      %mul3A_513 = arith.constant 4 : i32
      %mul3A_514 = arith.muli %mul3A_513, %scan3A_479 : i32
      %add3A_515 = arith.constant 1 : i32
      %add3A_516 = arith.addi %mul3A_514, %add3A_515 : i32
      %add3A_517 = arith.constant 1 : i32
      %add3A_518 = arith.addi %add3A_516, %add3A_517 : i32
      %dma_wait3A_519 = arith.constant 0 : i32
      %dma_wait3A_520 = tpu.memref_slice %arg8[%add3A_518, %dma_wait3A_519] : memref<40x64xi32, #tpu.memory_space<vmem>> -> memref<1x64xi32, #tpu.memory_space<vmem>>
      %dma_wait3A_521 = tpu.memref_squeeze %dma_wait3A_520 : memref<1x64xi32, #tpu.memory_space<vmem>> -> memref<64xi32, #tpu.memory_space<vmem>>
      %dma_wait3A_522 = arith.constant 0 : i32
      %dma_wait3A_523 = arith.constant 0 : i32
      %dma_wait3A_524 = tpu.memref_slice %arg2[%dma_wait3A_522, %dma_wait3A_523] : memref<10000x128xf32, #tpu.memory_space<hbm>> -> memref<10000x128xf32, #tpu.memory_space<hbm>>
      tpu.wait_indirect_dma semaphore(%arg14 : memref<!tpu.dma_semaphore, #tpu.memory_space<semaphore_mem>>) src(%dma_wait3A_524 : memref<10000x128xf32, #tpu.memory_space<hbm>>) dst(%arg12 : memref<64x128xf32, #tpu.memory_space<vmem>>)
      %sub3A_525 = arith.constant 1 : i32
      %sub3A_526 = arith.subi %add3A_518, %sub3A_525 : i32
      %dma_wait3A_527 = arith.constant 0 : i32
      %dma_wait3A_528 = tpu.memref_slice %arg9[%sub3A_526, %dma_wait3A_527] : memref<40x64xi32, #tpu.memory_space<vmem>> -> memref<1x64xi32, #tpu.memory_space<vmem>>
      %dma_wait3A_529 = tpu.memref_squeeze %dma_wait3A_528 : memref<1x64xi32, #tpu.memory_space<vmem>> -> memref<64xi32, #tpu.memory_space<vmem>>
      %dma_wait3A_530 = arith.constant 0 : i32
      %dma_wait3A_531 = arith.constant 0 : i32
      %dma_wait3A_532 = tpu.memref_slice %arg7[%dma_wait3A_530, %dma_wait3A_531] : memref<10240x128xf32, #tpu.memory_space<vmem_shared>> -> memref<10240x128xf32, #tpu.memory_space<vmem_shared>>
      tpu.wait_indirect_dma semaphore(%arg15 : memref<!tpu.dma_semaphore, #tpu.memory_space<semaphore_mem>>) src(%arg11 : memref<64x128xf32, #tpu.memory_space<vmem>>) dst(%dma_wait3A_532 : memref<10240x128xf32, #tpu.memory_space<vmem_shared>>)
      %add3A_533 = arith.constant 3 : i32
      %add3A_534 = arith.addi %add3A_518, %add3A_533 : i32
      %dma_start3A_535 = arith.constant 0 : i32
      %dma_start3A_536 = tpu.memref_slice %arg8[%add3A_534, %dma_start3A_535] : memref<40x64xi32, #tpu.memory_space<vmem>> -> memref<1x64xi32, #tpu.memory_space<vmem>>
      %dma_start3A_537 = tpu.memref_squeeze %dma_start3A_536 : memref<1x64xi32, #tpu.memory_space<vmem>> -> memref<64xi32, #tpu.memory_space<vmem>>
      %dma_start3A_538 = arith.constant 0 : i32
      %dma_start3A_539 = arith.constant 0 : i32
      %dma_start3A_540 = tpu.memref_slice %arg2[%dma_start3A_538, %dma_start3A_539] : memref<10000x128xf32, #tpu.memory_space<hbm>> -> memref<10000x128xf32, #tpu.memory_space<hbm>>
      tpu.enqueue_indirect_dma source(%dma_start3A_540 : memref<10000x128xf32, #tpu.memory_space<hbm>>) target(%arg11 : memref<64x128xf32, #tpu.memory_space<vmem>>) offsets(%dma_start3A_537 : memref<64xi32, #tpu.memory_space<vmem>>) semaphore(%arg14 : memref<!tpu.dma_semaphore, #tpu.memory_space<semaphore_mem>>)
      %dma_start3A_541 = arith.constant 0 : i32
      %dma_start3A_542 = tpu.memref_slice %arg9[%add3A_518, %dma_start3A_541] : memref<40x64xi32, #tpu.memory_space<vmem>> -> memref<1x64xi32, #tpu.memory_space<vmem>>
      %dma_start3A_543 = tpu.memref_squeeze %dma_start3A_542 : memref<1x64xi32, #tpu.memory_space<vmem>> -> memref<64xi32, #tpu.memory_space<vmem>>
      %dma_start3A_544 = arith.constant 0 : i32
      %dma_start3A_545 = arith.constant 0 : i32
      %dma_start3A_546 = tpu.memref_slice %arg7[%dma_start3A_544, %dma_start3A_545] : memref<10240x128xf32, #tpu.memory_space<vmem_shared>> -> memref<10240x128xf32, #tpu.memory_space<vmem_shared>>
      tpu.enqueue_indirect_dma source(%arg12 : memref<64x128xf32, #tpu.memory_space<vmem>>) target(%dma_start3A_546 : memref<10240x128xf32, #tpu.memory_space<vmem_shared>>) offsets(%dma_start3A_543 : memref<64xi32, #tpu.memory_space<vmem>>) semaphore(%arg15 : memref<!tpu.dma_semaphore, #tpu.memory_space<semaphore_mem>>) {add = true}
      %mul3A_547 = arith.constant 4 : i32
      %mul3A_548 = arith.muli %mul3A_547, %scan3A_479 : i32
      %add3A_549 = arith.constant 1 : i32
      %add3A_550 = arith.addi %mul3A_548, %add3A_549 : i32
      %add3A_551 = arith.constant 2 : i32
      %add3A_552 = arith.addi %add3A_550, %add3A_551 : i32
      %dma_wait3A_553 = arith.constant 0 : i32
      %dma_wait3A_554 = tpu.memref_slice %arg8[%add3A_552, %dma_wait3A_553] : memref<40x64xi32, #tpu.memory_space<vmem>> -> memref<1x64xi32, #tpu.memory_space<vmem>>
      %dma_wait3A_555 = tpu.memref_squeeze %dma_wait3A_554 : memref<1x64xi32, #tpu.memory_space<vmem>> -> memref<64xi32, #tpu.memory_space<vmem>>
      %dma_wait3A_556 = arith.constant 0 : i32
      %dma_wait3A_557 = arith.constant 0 : i32
      %dma_wait3A_558 = tpu.memref_slice %arg2[%dma_wait3A_556, %dma_wait3A_557] : memref<10000x128xf32, #tpu.memory_space<hbm>> -> memref<10000x128xf32, #tpu.memory_space<hbm>>
      tpu.wait_indirect_dma semaphore(%arg14 : memref<!tpu.dma_semaphore, #tpu.memory_space<semaphore_mem>>) src(%dma_wait3A_558 : memref<10000x128xf32, #tpu.memory_space<hbm>>) dst(%arg13 : memref<64x128xf32, #tpu.memory_space<vmem>>)
      %sub3A_559 = arith.constant 1 : i32
      %sub3A_560 = arith.subi %add3A_552, %sub3A_559 : i32
      %dma_wait3A_561 = arith.constant 0 : i32
      %dma_wait3A_562 = tpu.memref_slice %arg9[%sub3A_560, %dma_wait3A_561] : memref<40x64xi32, #tpu.memory_space<vmem>> -> memref<1x64xi32, #tpu.memory_space<vmem>>
      %dma_wait3A_563 = tpu.memref_squeeze %dma_wait3A_562 : memref<1x64xi32, #tpu.memory_space<vmem>> -> memref<64xi32, #tpu.memory_space<vmem>>
      %dma_wait3A_564 = arith.constant 0 : i32
      %dma_wait3A_565 = arith.constant 0 : i32
      %dma_wait3A_566 = tpu.memref_slice %arg7[%dma_wait3A_564, %dma_wait3A_565] : memref<10240x128xf32, #tpu.memory_space<vmem_shared>> -> memref<10240x128xf32, #tpu.memory_space<vmem_shared>>
      tpu.wait_indirect_dma semaphore(%arg15 : memref<!tpu.dma_semaphore, #tpu.memory_space<semaphore_mem>>) src(%arg12 : memref<64x128xf32, #tpu.memory_space<vmem>>) dst(%dma_wait3A_566 : memref<10240x128xf32, #tpu.memory_space<vmem_shared>>)
      %add3A_567 = arith.constant 3 : i32
      %add3A_568 = arith.addi %add3A_552, %add3A_567 : i32
      %dma_start3A_569 = arith.constant 0 : i32
      %dma_start3A_570 = tpu.memref_slice %arg8[%add3A_568, %dma_start3A_569] : memref<40x64xi32, #tpu.memory_space<vmem>> -> memref<1x64xi32, #tpu.memory_space<vmem>>
      %dma_start3A_571 = tpu.memref_squeeze %dma_start3A_570 : memref<1x64xi32, #tpu.memory_space<vmem>> -> memref<64xi32, #tpu.memory_space<vmem>>
      %dma_start3A_572 = arith.constant 0 : i32
      %dma_start3A_573 = arith.constant 0 : i32
      %dma_start3A_574 = tpu.memref_slice %arg2[%dma_start3A_572, %dma_start3A_573] : memref<10000x128xf32, #tpu.memory_space<hbm>> -> memref<10000x128xf32, #tpu.memory_space<hbm>>
      tpu.enqueue_indirect_dma source(%dma_start3A_574 : memref<10000x128xf32, #tpu.memory_space<hbm>>) target(%arg12 : memref<64x128xf32, #tpu.memory_space<vmem>>) offsets(%dma_start3A_571 : memref<64xi32, #tpu.memory_space<vmem>>) semaphore(%arg14 : memref<!tpu.dma_semaphore, #tpu.memory_space<semaphore_mem>>)
      %dma_start3A_575 = arith.constant 0 : i32
      %dma_start3A_576 = tpu.memref_slice %arg9[%add3A_552, %dma_start3A_575] : memref<40x64xi32, #tpu.memory_space<vmem>> -> memref<1x64xi32, #tpu.memory_space<vmem>>
      %dma_start3A_577 = tpu.memref_squeeze %dma_start3A_576 : memref<1x64xi32, #tpu.memory_space<vmem>> -> memref<64xi32, #tpu.memory_space<vmem>>
      %dma_start3A_578 = arith.constant 0 : i32
      %dma_start3A_579 = arith.constant 0 : i32
      %dma_start3A_580 = tpu.memref_slice %arg7[%dma_start3A_578, %dma_start3A_579] : memref<10240x128xf32, #tpu.memory_space<vmem_shared>> -> memref<10240x128xf32, #tpu.memory_space<vmem_shared>>
      tpu.enqueue_indirect_dma source(%arg13 : memref<64x128xf32, #tpu.memory_space<vmem>>) target(%dma_start3A_580 : memref<10240x128xf32, #tpu.memory_space<vmem_shared>>) offsets(%dma_start3A_577 : memref<64xi32, #tpu.memory_space<vmem>>) semaphore(%arg15 : memref<!tpu.dma_semaphore, #tpu.memory_space<semaphore_mem>>) {add = true}
      %mul3A_581 = arith.constant 4 : i32
      %mul3A_582 = arith.muli %mul3A_581, %scan3A_479 : i32
      %add3A_583 = arith.constant 1 : i32
      %add3A_584 = arith.addi %mul3A_582, %add3A_583 : i32
      %add3A_585 = arith.constant 3 : i32
      %add3A_586 = arith.addi %add3A_584, %add3A_585 : i32
      %dma_wait3A_587 = arith.constant 0 : i32
      %dma_wait3A_588 = tpu.memref_slice %arg8[%add3A_586, %dma_wait3A_587] : memref<40x64xi32, #tpu.memory_space<vmem>> -> memref<1x64xi32, #tpu.memory_space<vmem>>
      %dma_wait3A_589 = tpu.memref_squeeze %dma_wait3A_588 : memref<1x64xi32, #tpu.memory_space<vmem>> -> memref<64xi32, #tpu.memory_space<vmem>>
      %dma_wait3A_590 = arith.constant 0 : i32
      %dma_wait3A_591 = arith.constant 0 : i32
      %dma_wait3A_592 = tpu.memref_slice %arg2[%dma_wait3A_590, %dma_wait3A_591] : memref<10000x128xf32, #tpu.memory_space<hbm>> -> memref<10000x128xf32, #tpu.memory_space<hbm>>
      tpu.wait_indirect_dma semaphore(%arg14 : memref<!tpu.dma_semaphore, #tpu.memory_space<semaphore_mem>>) src(%dma_wait3A_592 : memref<10000x128xf32, #tpu.memory_space<hbm>>) dst(%arg10 : memref<64x128xf32, #tpu.memory_space<vmem>>)
      %sub3A_593 = arith.constant 1 : i32
      %sub3A_594 = arith.subi %add3A_586, %sub3A_593 : i32
      %dma_wait3A_595 = arith.constant 0 : i32
      %dma_wait3A_596 = tpu.memref_slice %arg9[%sub3A_594, %dma_wait3A_595] : memref<40x64xi32, #tpu.memory_space<vmem>> -> memref<1x64xi32, #tpu.memory_space<vmem>>
      %dma_wait3A_597 = tpu.memref_squeeze %dma_wait3A_596 : memref<1x64xi32, #tpu.memory_space<vmem>> -> memref<64xi32, #tpu.memory_space<vmem>>
      %dma_wait3A_598 = arith.constant 0 : i32
      %dma_wait3A_599 = arith.constant 0 : i32
      %dma_wait3A_600 = tpu.memref_slice %arg7[%dma_wait3A_598, %dma_wait3A_599] : memref<10240x128xf32, #tpu.memory_space<vmem_shared>> -> memref<10240x128xf32, #tpu.memory_space<vmem_shared>>
      tpu.wait_indirect_dma semaphore(%arg15 : memref<!tpu.dma_semaphore, #tpu.memory_space<semaphore_mem>>) src(%arg13 : memref<64x128xf32, #tpu.memory_space<vmem>>) dst(%dma_wait3A_600 : memref<10240x128xf32, #tpu.memory_space<vmem_shared>>)
      %add3A_601 = arith.constant 3 : i32
      %add3A_602 = arith.addi %add3A_586, %add3A_601 : i32
      %dma_start3A_603 = arith.constant 0 : i32
      %dma_start3A_604 = tpu.memref_slice %arg8[%add3A_602, %dma_start3A_603] : memref<40x64xi32, #tpu.memory_space<vmem>> -> memref<1x64xi32, #tpu.memory_space<vmem>>
      %dma_start3A_605 = tpu.memref_squeeze %dma_start3A_604 : memref<1x64xi32, #tpu.memory_space<vmem>> -> memref<64xi32, #tpu.memory_space<vmem>>
      %dma_start3A_606 = arith.constant 0 : i32
      %dma_start3A_607 = arith.constant 0 : i32
      %dma_start3A_608 = tpu.memref_slice %arg2[%dma_start3A_606, %dma_start3A_607] : memref<10000x128xf32, #tpu.memory_space<hbm>> -> memref<10000x128xf32, #tpu.memory_space<hbm>>
      tpu.enqueue_indirect_dma source(%dma_start3A_608 : memref<10000x128xf32, #tpu.memory_space<hbm>>) target(%arg13 : memref<64x128xf32, #tpu.memory_space<vmem>>) offsets(%dma_start3A_605 : memref<64xi32, #tpu.memory_space<vmem>>) semaphore(%arg14 : memref<!tpu.dma_semaphore, #tpu.memory_space<semaphore_mem>>)
      %dma_start3A_609 = arith.constant 0 : i32
      %dma_start3A_610 = tpu.memref_slice %arg9[%add3A_586, %dma_start3A_609] : memref<40x64xi32, #tpu.memory_space<vmem>> -> memref<1x64xi32, #tpu.memory_space<vmem>>
      %dma_start3A_611 = tpu.memref_squeeze %dma_start3A_610 : memref<1x64xi32, #tpu.memory_space<vmem>> -> memref<64xi32, #tpu.memory_space<vmem>>
      %dma_start3A_612 = arith.constant 0 : i32
      %dma_start3A_613 = arith.constant 0 : i32
      %dma_start3A_614 = tpu.memref_slice %arg7[%dma_start3A_612, %dma_start3A_613] : memref<10240x128xf32, #tpu.memory_space<vmem_shared>> -> memref<10240x128xf32, #tpu.memory_space<vmem_shared>>
      tpu.enqueue_indirect_dma source(%arg10 : memref<64x128xf32, #tpu.memory_space<vmem>>) target(%dma_start3A_614 : memref<10240x128xf32, #tpu.memory_space<vmem_shared>>) offsets(%dma_start3A_611 : memref<64xi32, #tpu.memory_space<vmem>>) semaphore(%arg15 : memref<!tpu.dma_semaphore, #tpu.memory_space<semaphore_mem>>) {add = true}
    }
    %scan3A_167 = arith.constant 9 : i32
    %dma_wait3A_168 = arith.constant 37 : i32
    %dma_wait3A_169 = arith.constant 0 : i32
    %dma_wait3A_170 = tpu.memref_slice %arg8[%dma_wait3A_168, %dma_wait3A_169] : memref<40x64xi32, #tpu.memory_space<vmem>> -> memref<1x64xi32, #tpu.memory_space<vmem>>
    %dma_wait3A_171 = tpu.memref_squeeze %dma_wait3A_170 : memref<1x64xi32, #tpu.memory_space<vmem>> -> memref<64xi32, #tpu.memory_space<vmem>>
    %dma_wait3A_172 = arith.constant 0 : i32
    %dma_wait3A_173 = arith.constant 0 : i32
    %dma_wait3A_174 = tpu.memref_slice %arg2[%dma_wait3A_172, %dma_wait3A_173] : memref<10000x128xf32, #tpu.memory_space<hbm>> -> memref<10000x128xf32, #tpu.memory_space<hbm>>
    tpu.wait_indirect_dma semaphore(%arg14 : memref<!tpu.dma_semaphore, #tpu.memory_space<semaphore_mem>>) src(%dma_wait3A_174 : memref<10000x128xf32, #tpu.memory_space<hbm>>) dst(%arg11 : memref<64x128xf32, #tpu.memory_space<vmem>>)
    %dma_wait3A_175 = arith.constant 36 : i32
    %dma_wait3A_176 = arith.constant 0 : i32
    %dma_wait3A_177 = tpu.memref_slice %arg9[%dma_wait3A_175, %dma_wait3A_176] : memref<40x64xi32, #tpu.memory_space<vmem>> -> memref<1x64xi32, #tpu.memory_space<vmem>>
    %dma_wait3A_178 = tpu.memref_squeeze %dma_wait3A_177 : memref<1x64xi32, #tpu.memory_space<vmem>> -> memref<64xi32, #tpu.memory_space<vmem>>
    %dma_wait3A_179 = arith.constant 0 : i32
    %dma_wait3A_180 = arith.constant 0 : i32
    %dma_wait3A_181 = tpu.memref_slice %arg7[%dma_wait3A_179, %dma_wait3A_180] : memref<10240x128xf32, #tpu.memory_space<vmem_shared>> -> memref<10240x128xf32, #tpu.memory_space<vmem_shared>>
    tpu.wait_indirect_dma semaphore(%arg15 : memref<!tpu.dma_semaphore, #tpu.memory_space<semaphore_mem>>) src(%arg10 : memref<64x128xf32, #tpu.memory_space<vmem>>) dst(%dma_wait3A_181 : memref<10240x128xf32, #tpu.memory_space<vmem_shared>>)
    %dma_start3A_182 = arith.constant 37 : i32
    %dma_start3A_183 = arith.constant 0 : i32
    %dma_start3A_184 = tpu.memref_slice %arg9[%dma_start3A_182, %dma_start3A_183] : memref<40x64xi32, #tpu.memory_space<vmem>> -> memref<1x64xi32, #tpu.memory_space<vmem>>
    %dma_start3A_185 = tpu.memref_squeeze %dma_start3A_184 : memref<1x64xi32, #tpu.memory_space<vmem>> -> memref<64xi32, #tpu.memory_space<vmem>>
    %dma_start3A_186 = arith.constant 0 : i32
    %dma_start3A_187 = arith.constant 0 : i32
    %dma_start3A_188 = tpu.memref_slice %arg7[%dma_start3A_186, %dma_start3A_187] : memref<10240x128xf32, #tpu.memory_space<vmem_shared>> -> memref<10240x128xf32, #tpu.memory_space<vmem_shared>>
    tpu.enqueue_indirect_dma source(%arg11 : memref<64x128xf32, #tpu.memory_space<vmem>>) target(%dma_start3A_188 : memref<10240x128xf32, #tpu.memory_space<vmem_shared>>) offsets(%dma_start3A_185 : memref<64xi32, #tpu.memory_space<vmem>>) semaphore(%arg15 : memref<!tpu.dma_semaphore, #tpu.memory_space<semaphore_mem>>) {add = true}
    %dma_wait3A_189 = arith.constant 38 : i32
    %dma_wait3A_190 = arith.constant 0 : i32
    %dma_wait3A_191 = tpu.memref_slice %arg8[%dma_wait3A_189, %dma_wait3A_190] : memref<40x64xi32, #tpu.memory_space<vmem>> -> memref<1x64xi32, #tpu.memory_space<vmem>>
    %dma_wait3A_192 = tpu.memref_squeeze %dma_wait3A_191 : memref<1x64xi32, #tpu.memory_space<vmem>> -> memref<64xi32, #tpu.memory_space<vmem>>
    %dma_wait3A_193 = arith.constant 0 : i32
    %dma_wait3A_194 = arith.constant 0 : i32
    %dma_wait3A_195 = tpu.memref_slice %arg2[%dma_wait3A_193, %dma_wait3A_194] : memref<10000x128xf32, #tpu.memory_space<hbm>> -> memref<10000x128xf32, #tpu.memory_space<hbm>>
    tpu.wait_indirect_dma semaphore(%arg14 : memref<!tpu.dma_semaphore, #tpu.memory_space<semaphore_mem>>) src(%dma_wait3A_195 : memref<10000x128xf32, #tpu.memory_space<hbm>>) dst(%arg12 : memref<64x128xf32, #tpu.memory_space<vmem>>)
    %dma_wait3A_196 = arith.constant 37 : i32
    %dma_wait3A_197 = arith.constant 0 : i32
    %dma_wait3A_198 = tpu.memref_slice %arg9[%dma_wait3A_196, %dma_wait3A_197] : memref<40x64xi32, #tpu.memory_space<vmem>> -> memref<1x64xi32, #tpu.memory_space<vmem>>
    %dma_wait3A_199 = tpu.memref_squeeze %dma_wait3A_198 : memref<1x64xi32, #tpu.memory_space<vmem>> -> memref<64xi32, #tpu.memory_space<vmem>>
    %dma_wait3A_200 = arith.constant 0 : i32
    %dma_wait3A_201 = arith.constant 0 : i32
    %dma_wait3A_202 = tpu.memref_slice %arg7[%dma_wait3A_200, %dma_wait3A_201] : memref<10240x128xf32, #tpu.memory_space<vmem_shared>> -> memref<10240x128xf32, #tpu.memory_space<vmem_shared>>
    tpu.wait_indirect_dma semaphore(%arg15 : memref<!tpu.dma_semaphore, #tpu.memory_space<semaphore_mem>>) src(%arg11 : memref<64x128xf32, #tpu.memory_space<vmem>>) dst(%dma_wait3A_202 : memref<10240x128xf32, #tpu.memory_space<vmem_shared>>)
    %dma_start3A_203 = arith.constant 38 : i32
    %dma_start3A_204 = arith.constant 0 : i32
    %dma_start3A_205 = tpu.memref_slice %arg9[%dma_start3A_203, %dma_start3A_204] : memref<40x64xi32, #tpu.memory_space<vmem>> -> memref<1x64xi32, #tpu.memory_space<vmem>>
    %dma_start3A_206 = tpu.memref_squeeze %dma_start3A_205 : memref<1x64xi32, #tpu.memory_space<vmem>> -> memref<64xi32, #tpu.memory_space<vmem>>
    %dma_start3A_207 = arith.constant 0 : i32
    %dma_start3A_208 = arith.constant 0 : i32
    %dma_start3A_209 = tpu.memref_slice %arg7[%dma_start3A_207, %dma_start3A_208] : memref<10240x128xf32, #tpu.memory_space<vmem_shared>> -> memref<10240x128xf32, #tpu.memory_space<vmem_shared>>
    tpu.enqueue_indirect_dma source(%arg12 : memref<64x128xf32, #tpu.memory_space<vmem>>) target(%dma_start3A_209 : memref<10240x128xf32, #tpu.memory_space<vmem_shared>>) offsets(%dma_start3A_206 : memref<64xi32, #tpu.memory_space<vmem>>) semaphore(%arg15 : memref<!tpu.dma_semaphore, #tpu.memory_space<semaphore_mem>>) {add = true}
    %dma_wait3A_210 = arith.constant 39 : i32
    %dma_wait3A_211 = arith.constant 0 : i32
    %dma_wait3A_212 = tpu.memref_slice %arg8[%dma_wait3A_210, %dma_wait3A_211] : memref<40x64xi32, #tpu.memory_space<vmem>> -> memref<1x64xi32, #tpu.memory_space<vmem>>
    %dma_wait3A_213 = tpu.memref_squeeze %dma_wait3A_212 : memref<1x64xi32, #tpu.memory_space<vmem>> -> memref<64xi32, #tpu.memory_space<vmem>>
    %dma_wait3A_214 = arith.constant 0 : i32
    %dma_wait3A_215 = arith.constant 0 : i32
    %dma_wait3A_216 = tpu.memref_slice %arg2[%dma_wait3A_214, %dma_wait3A_215] : memref<10000x128xf32, #tpu.memory_space<hbm>> -> memref<10000x128xf32, #tpu.memory_space<hbm>>
    tpu.wait_indirect_dma semaphore(%arg14 : memref<!tpu.dma_semaphore, #tpu.memory_space<semaphore_mem>>) src(%dma_wait3A_216 : memref<10000x128xf32, #tpu.memory_space<hbm>>) dst(%arg13 : memref<64x128xf32, #tpu.memory_space<vmem>>)
    %dma_wait3A_217 = arith.constant 38 : i32
    %dma_wait3A_218 = arith.constant 0 : i32
    %dma_wait3A_219 = tpu.memref_slice %arg9[%dma_wait3A_217, %dma_wait3A_218] : memref<40x64xi32, #tpu.memory_space<vmem>> -> memref<1x64xi32, #tpu.memory_space<vmem>>
    %dma_wait3A_220 = tpu.memref_squeeze %dma_wait3A_219 : memref<1x64xi32, #tpu.memory_space<vmem>> -> memref<64xi32, #tpu.memory_space<vmem>>
    %dma_wait3A_221 = arith.constant 0 : i32
    %dma_wait3A_222 = arith.constant 0 : i32
    %dma_wait3A_223 = tpu.memref_slice %arg7[%dma_wait3A_221, %dma_wait3A_222] : memref<10240x128xf32, #tpu.memory_space<vmem_shared>> -> memref<10240x128xf32, #tpu.memory_space<vmem_shared>>
    tpu.wait_indirect_dma semaphore(%arg15 : memref<!tpu.dma_semaphore, #tpu.memory_space<semaphore_mem>>) src(%arg12 : memref<64x128xf32, #tpu.memory_space<vmem>>) dst(%dma_wait3A_223 : memref<10240x128xf32, #tpu.memory_space<vmem_shared>>)
    %dma_start3A_224 = arith.constant 39 : i32
    %dma_start3A_225 = arith.constant 0 : i32
    %dma_start3A_226 = tpu.memref_slice %arg9[%dma_start3A_224, %dma_start3A_225] : memref<40x64xi32, #tpu.memory_space<vmem>> -> memref<1x64xi32, #tpu.memory_space<vmem>>
    %dma_start3A_227 = tpu.memref_squeeze %dma_start3A_226 : memref<1x64xi32, #tpu.memory_space<vmem>> -> memref<64xi32, #tpu.memory_space<vmem>>
    %dma_start3A_228 = arith.constant 0 : i32
    %dma_start3A_229 = arith.constant 0 : i32
    %dma_start3A_230 = tpu.memref_slice %arg7[%dma_start3A_228, %dma_start3A_229] : memref<10240x128xf32, #tpu.memory_space<vmem_shared>> -> memref<10240x128xf32, #tpu.memory_space<vmem_shared>>
    tpu.enqueue_indirect_dma source(%arg13 : memref<64x128xf32, #tpu.memory_space<vmem>>) target(%dma_start3A_230 : memref<10240x128xf32, #tpu.memory_space<vmem_shared>>) offsets(%dma_start3A_227 : memref<64xi32, #tpu.memory_space<vmem>>) semaphore(%arg15 : memref<!tpu.dma_semaphore, #tpu.memory_space<semaphore_mem>>) {add = true}
    %dma_wait3A_231 = arith.constant 39 : i32
    %dma_wait3A_232 = arith.constant 0 : i32
    %dma_wait3A_233 = tpu.memref_slice %arg9[%dma_wait3A_231, %dma_wait3A_232] : memref<40x64xi32, #tpu.memory_space<vmem>> -> memref<1x64xi32, #tpu.memory_space<vmem>>
    %dma_wait3A_234 = tpu.memref_squeeze %dma_wait3A_233 : memref<1x64xi32, #tpu.memory_space<vmem>> -> memref<64xi32, #tpu.memory_space<vmem>>
    %dma_wait3A_235 = arith.constant 0 : i32
    %dma_wait3A_236 = arith.constant 0 : i32
    %dma_wait3A_237 = tpu.memref_slice %arg7[%dma_wait3A_235, %dma_wait3A_236] : memref<10240x128xf32, #tpu.memory_space<vmem_shared>> -> memref<10240x128xf32, #tpu.memory_space<vmem_shared>>
    tpu.wait_indirect_dma semaphore(%arg15 : memref<!tpu.dma_semaphore, #tpu.memory_space<semaphore_mem>>) src(%arg13 : memref<64x128xf32, #tpu.memory_space<vmem>>) dst(%dma_wait3A_237 : memref<10240x128xf32, #tpu.memory_space<vmem_shared>>)
    "tpu.region"() ({
      %run_scoped3A = tpu.sem_alloc : memref<!tpu.dma_semaphore, #tpu.memory_space<semaphore_mem>>
      %dma_start3A_479 = arith.constant 0 : i32
      %dma_start3A_480 = arith.constant 0 : i32
      %dma_start3A_481 = tpu.memref_slice %arg3[%add3A, %dma_start3A_479, %dma_start3A_480] : memref<32x160x64xi32, #tpu.memory_space<hbm>> -> memref<1x160x64xi32, #tpu.memory_space<hbm>>
      %dma_start3A_482 = tpu.memref_squeeze %dma_start3A_481 : memref<1x160x64xi32, #tpu.memory_space<hbm>> -> memref<160x64xi32, #tpu.memory_space<hbm>>
      %dma_start3A_483 = arith.constant 80 : i32
      %dma_start3A_484 = arith.constant 0 : i32
      %dma_start3A_485 = tpu.memref_slice %dma_start3A_482[%dma_start3A_483, %dma_start3A_484] : memref<160x64xi32, #tpu.memory_space<hbm>> -> memref<40x64xi32, #tpu.memory_space<hbm>>
      %dma_start3A_486 = arith.constant 0 : i32
      %dma_start3A_487 = arith.constant 0 : i32
      %dma_start3A_488 = tpu.memref_slice %arg3[%add3A, %dma_start3A_486, %dma_start3A_487] : memref<32x160x64xi32, #tpu.memory_space<hbm>> -> memref<1x160x64xi32, #tpu.memory_space<hbm>>
      %dma_start3A_489 = tpu.memref_squeeze %dma_start3A_488 : memref<1x160x64xi32, #tpu.memory_space<hbm>> -> memref<160x64xi32, #tpu.memory_space<hbm>>
      %dma_start3A_490 = arith.constant 80 : i32
      %dma_start3A_491 = arith.constant 0 : i32
      %dma_start3A_492 = tpu.memref_slice %dma_start3A_489[%dma_start3A_490, %dma_start3A_491] : memref<160x64xi32, #tpu.memory_space<hbm>> -> memref<40x64xi32, #tpu.memory_space<hbm>>
      tpu.enqueue_dma source(%dma_start3A_492 : memref<40x64xi32, #tpu.memory_space<hbm>>) target(%arg8 : memref<40x64xi32, #tpu.memory_space<vmem>>) target_semaphore(%run_scoped3A : memref<!tpu.dma_semaphore, #tpu.memory_space<semaphore_mem>>)
      %dma_wait3A_493 = arith.constant 0 : i32
      %dma_wait3A_494 = arith.constant 0 : i32
      %dma_wait3A_495 = tpu.memref_slice %arg3[%add3A, %dma_wait3A_493, %dma_wait3A_494] : memref<32x160x64xi32, #tpu.memory_space<hbm>> -> memref<1x160x64xi32, #tpu.memory_space<hbm>>
      %dma_wait3A_496 = tpu.memref_squeeze %dma_wait3A_495 : memref<1x160x64xi32, #tpu.memory_space<hbm>> -> memref<160x64xi32, #tpu.memory_space<hbm>>
      %dma_wait3A_497 = arith.constant 80 : i32
      %dma_wait3A_498 = arith.constant 0 : i32
      %dma_wait3A_499 = tpu.memref_slice %dma_wait3A_496[%dma_wait3A_497, %dma_wait3A_498] : memref<160x64xi32, #tpu.memory_space<hbm>> -> memref<40x64xi32, #tpu.memory_space<hbm>>
      %dma_wait3A_500 = arith.constant 0 : i32
      %dma_wait3A_501 = arith.constant 0 : i32
      %dma_wait3A_502 = tpu.memref_slice %arg3[%add3A, %dma_wait3A_500, %dma_wait3A_501] : memref<32x160x64xi32, #tpu.memory_space<hbm>> -> memref<1x160x64xi32, #tpu.memory_space<hbm>>
      %dma_wait3A_503 = tpu.memref_squeeze %dma_wait3A_502 : memref<1x160x64xi32, #tpu.memory_space<hbm>> -> memref<160x64xi32, #tpu.memory_space<hbm>>
      %dma_wait3A_504 = arith.constant 80 : i32
      %dma_wait3A_505 = arith.constant 0 : i32
      %dma_wait3A_506 = tpu.memref_slice %dma_wait3A_503[%dma_wait3A_504, %dma_wait3A_505] : memref<160x64xi32, #tpu.memory_space<hbm>> -> memref<40x64xi32, #tpu.memory_space<hbm>>
      tpu.wait_dma2 semaphore(%run_scoped3A : memref<!tpu.dma_semaphore, #tpu.memory_space<semaphore_mem>>) src(%dma_wait3A_506 : memref<40x64xi32, #tpu.memory_space<hbm>>) dst(%arg8 : memref<40x64xi32, #tpu.memory_space<vmem>>)
      tpu.yield
    }) : () -> ()
    "tpu.region"() ({
      %run_scoped3A = tpu.sem_alloc : memref<!tpu.dma_semaphore, #tpu.memory_space<semaphore_mem>>
      %dma_start3A_479 = arith.constant 0 : i32
      %dma_start3A_480 = arith.constant 0 : i32
      %dma_start3A_481 = tpu.memref_slice %arg4[%add3A, %dma_start3A_479, %dma_start3A_480] : memref<32x160x64xi32, #tpu.memory_space<hbm>> -> memref<1x160x64xi32, #tpu.memory_space<hbm>>
      %dma_start3A_482 = tpu.memref_squeeze %dma_start3A_481 : memref<1x160x64xi32, #tpu.memory_space<hbm>> -> memref<160x64xi32, #tpu.memory_space<hbm>>
      %dma_start3A_483 = arith.constant 80 : i32
      %dma_start3A_484 = arith.constant 0 : i32
      %dma_start3A_485 = tpu.memref_slice %dma_start3A_482[%dma_start3A_483, %dma_start3A_484] : memref<160x64xi32, #tpu.memory_space<hbm>> -> memref<40x64xi32, #tpu.memory_space<hbm>>
      %dma_start3A_486 = arith.constant 0 : i32
      %dma_start3A_487 = arith.constant 0 : i32
      %dma_start3A_488 = tpu.memref_slice %arg4[%add3A, %dma_start3A_486, %dma_start3A_487] : memref<32x160x64xi32, #tpu.memory_space<hbm>> -> memref<1x160x64xi32, #tpu.memory_space<hbm>>
      %dma_start3A_489 = tpu.memref_squeeze %dma_start3A_488 : memref<1x160x64xi32, #tpu.memory_space<hbm>> -> memref<160x64xi32, #tpu.memory_space<hbm>>
      %dma_start3A_490 = arith.constant 80 : i32
      %dma_start3A_491 = arith.constant 0 : i32
      %dma_start3A_492 = tpu.memref_slice %dma_start3A_489[%dma_start3A_490, %dma_start3A_491] : memref<160x64xi32, #tpu.memory_space<hbm>> -> memref<40x64xi32, #tpu.memory_space<hbm>>
      tpu.enqueue_dma source(%dma_start3A_492 : memref<40x64xi32, #tpu.memory_space<hbm>>) target(%arg9 : memref<40x64xi32, #tpu.memory_space<vmem>>) target_semaphore(%run_scoped3A : memref<!tpu.dma_semaphore, #tpu.memory_space<semaphore_mem>>)
      %dma_wait3A_493 = arith.constant 0 : i32
      %dma_wait3A_494 = arith.constant 0 : i32
      %dma_wait3A_495 = tpu.memref_slice %arg4[%add3A, %dma_wait3A_493, %dma_wait3A_494] : memref<32x160x64xi32, #tpu.memory_space<hbm>> -> memref<1x160x64xi32, #tpu.memory_space<hbm>>
      %dma_wait3A_496 = tpu.memref_squeeze %dma_wait3A_495 : memref<1x160x64xi32, #tpu.memory_space<hbm>> -> memref<160x64xi32, #tpu.memory_space<hbm>>
      %dma_wait3A_497 = arith.constant 80 : i32
      %dma_wait3A_498 = arith.constant 0 : i32
      %dma_wait3A_499 = tpu.memref_slice %dma_wait3A_496[%dma_wait3A_497, %dma_wait3A_498] : memref<160x64xi32, #tpu.memory_space<hbm>> -> memref<40x64xi32, #tpu.memory_space<hbm>>
      %dma_wait3A_500 = arith.constant 0 : i32
      %dma_wait3A_501 = arith.constant 0 : i32
      %dma_wait3A_502 = tpu.memref_slice %arg4[%add3A, %dma_wait3A_500, %dma_wait3A_501] : memref<32x160x64xi32, #tpu.memory_space<hbm>> -> memref<1x160x64xi32, #tpu.memory_space<hbm>>
      %dma_wait3A_503 = tpu.memref_squeeze %dma_wait3A_502 : memref<1x160x64xi32, #tpu.memory_space<hbm>> -> memref<160x64xi32, #tpu.memory_space<hbm>>
      %dma_wait3A_504 = arith.constant 80 : i32
      %dma_wait3A_505 = arith.constant 0 : i32
      %dma_wait3A_506 = tpu.memref_slice %dma_wait3A_503[%dma_wait3A_504, %dma_wait3A_505] : memref<160x64xi32, #tpu.memory_space<hbm>> -> memref<40x64xi32, #tpu.memory_space<hbm>>
      tpu.wait_dma2 semaphore(%run_scoped3A : memref<!tpu.dma_semaphore, #tpu.memory_space<semaphore_mem>>) src(%dma_wait3A_506 : memref<40x64xi32, #tpu.memory_space<hbm>>) dst(%arg9 : memref<40x64xi32, #tpu.memory_space<vmem>>)
      tpu.yield
    }) : () -> ()
    %dma_start3A_238 = arith.constant 0 : i32
    %dma_start3A_239 = arith.constant 0 : i32
    %dma_start3A_240 = tpu.memref_slice %arg8[%dma_start3A_238, %dma_start3A_239] : memref<40x64xi32, #tpu.memory_space<vmem>> -> memref<1x64xi32, #tpu.memory_space<vmem>>
    %dma_start3A_241 = tpu.memref_squeeze %dma_start3A_240 : memref<1x64xi32, #tpu.memory_space<vmem>> -> memref<64xi32, #tpu.memory_space<vmem>>
    %dma_start3A_242 = arith.constant 0 : i32
    %dma_start3A_243 = arith.constant 0 : i32
    %dma_start3A_244 = tpu.memref_slice %arg2[%dma_start3A_242, %dma_start3A_243] : memref<10000x128xf32, #tpu.memory_space<hbm>> -> memref<10000x128xf32, #tpu.memory_space<hbm>>
    tpu.enqueue_indirect_dma source(%dma_start3A_244 : memref<10000x128xf32, #tpu.memory_space<hbm>>) target(%arg10 : memref<64x128xf32, #tpu.memory_space<vmem>>) offsets(%dma_start3A_241 : memref<64xi32, #tpu.memory_space<vmem>>) semaphore(%arg14 : memref<!tpu.dma_semaphore, #tpu.memory_space<semaphore_mem>>)
    %dma_start3A_245 = arith.constant 1 : i32
    %dma_start3A_246 = arith.constant 0 : i32
    %dma_start3A_247 = tpu.memref_slice %arg8[%dma_start3A_245, %dma_start3A_246] : memref<40x64xi32, #tpu.memory_space<vmem>> -> memref<1x64xi32, #tpu.memory_space<vmem>>
    %dma_start3A_248 = tpu.memref_squeeze %dma_start3A_247 : memref<1x64xi32, #tpu.memory_space<vmem>> -> memref<64xi32, #tpu.memory_space<vmem>>
    %dma_start3A_249 = arith.constant 0 : i32
    %dma_start3A_250 = arith.constant 0 : i32
    %dma_start3A_251 = tpu.memref_slice %arg2[%dma_start3A_249, %dma_start3A_250] : memref<10000x128xf32, #tpu.memory_space<hbm>> -> memref<10000x128xf32, #tpu.memory_space<hbm>>
    tpu.enqueue_indirect_dma source(%dma_start3A_251 : memref<10000x128xf32, #tpu.memory_space<hbm>>) target(%arg11 : memref<64x128xf32, #tpu.memory_space<vmem>>) offsets(%dma_start3A_248 : memref<64xi32, #tpu.memory_space<vmem>>) semaphore(%arg14 : memref<!tpu.dma_semaphore, #tpu.memory_space<semaphore_mem>>)
    %dma_start3A_252 = arith.constant 2 : i32
    %dma_start3A_253 = arith.constant 0 : i32
    %dma_start3A_254 = tpu.memref_slice %arg8[%dma_start3A_252, %dma_start3A_253] : memref<40x64xi32, #tpu.memory_space<vmem>> -> memref<1x64xi32, #tpu.memory_space<vmem>>
    %dma_start3A_255 = tpu.memref_squeeze %dma_start3A_254 : memref<1x64xi32, #tpu.memory_space<vmem>> -> memref<64xi32, #tpu.memory_space<vmem>>
    %dma_start3A_256 = arith.constant 0 : i32
    %dma_start3A_257 = arith.constant 0 : i32
    %dma_start3A_258 = tpu.memref_slice %arg2[%dma_start3A_256, %dma_start3A_257] : memref<10000x128xf32, #tpu.memory_space<hbm>> -> memref<10000x128xf32, #tpu.memory_space<hbm>>
    tpu.enqueue_indirect_dma source(%dma_start3A_258 : memref<10000x128xf32, #tpu.memory_space<hbm>>) target(%arg12 : memref<64x128xf32, #tpu.memory_space<vmem>>) offsets(%dma_start3A_255 : memref<64xi32, #tpu.memory_space<vmem>>) semaphore(%arg14 : memref<!tpu.dma_semaphore, #tpu.memory_space<semaphore_mem>>)
    %dma_wait3A_259 = arith.constant 0 : i32
    %dma_wait3A_260 = arith.constant 0 : i32
    %dma_wait3A_261 = tpu.memref_slice %arg8[%dma_wait3A_259, %dma_wait3A_260] : memref<40x64xi32, #tpu.memory_space<vmem>> -> memref<1x64xi32, #tpu.memory_space<vmem>>
    %dma_wait3A_262 = tpu.memref_squeeze %dma_wait3A_261 : memref<1x64xi32, #tpu.memory_space<vmem>> -> memref<64xi32, #tpu.memory_space<vmem>>
    %dma_wait3A_263 = arith.constant 0 : i32
    %dma_wait3A_264 = arith.constant 0 : i32
    %dma_wait3A_265 = tpu.memref_slice %arg2[%dma_wait3A_263, %dma_wait3A_264] : memref<10000x128xf32, #tpu.memory_space<hbm>> -> memref<10000x128xf32, #tpu.memory_space<hbm>>
    tpu.wait_indirect_dma semaphore(%arg14 : memref<!tpu.dma_semaphore, #tpu.memory_space<semaphore_mem>>) src(%dma_wait3A_265 : memref<10000x128xf32, #tpu.memory_space<hbm>>) dst(%arg10 : memref<64x128xf32, #tpu.memory_space<vmem>>)
    %dma_start3A_266 = arith.constant 3 : i32
    %dma_start3A_267 = arith.constant 0 : i32
    %dma_start3A_268 = tpu.memref_slice %arg8[%dma_start3A_266, %dma_start3A_267] : memref<40x64xi32, #tpu.memory_space<vmem>> -> memref<1x64xi32, #tpu.memory_space<vmem>>
    %dma_start3A_269 = tpu.memref_squeeze %dma_start3A_268 : memref<1x64xi32, #tpu.memory_space<vmem>> -> memref<64xi32, #tpu.memory_space<vmem>>
    %dma_start3A_270 = arith.constant 0 : i32
    %dma_start3A_271 = arith.constant 0 : i32
    %dma_start3A_272 = tpu.memref_slice %arg2[%dma_start3A_270, %dma_start3A_271] : memref<10000x128xf32, #tpu.memory_space<hbm>> -> memref<10000x128xf32, #tpu.memory_space<hbm>>
    tpu.enqueue_indirect_dma source(%dma_start3A_272 : memref<10000x128xf32, #tpu.memory_space<hbm>>) target(%arg13 : memref<64x128xf32, #tpu.memory_space<vmem>>) offsets(%dma_start3A_269 : memref<64xi32, #tpu.memory_space<vmem>>) semaphore(%arg14 : memref<!tpu.dma_semaphore, #tpu.memory_space<semaphore_mem>>)
    %dma_start3A_273 = arith.constant 0 : i32
    %dma_start3A_274 = arith.constant 0 : i32
    %dma_start3A_275 = tpu.memref_slice %arg9[%dma_start3A_273, %dma_start3A_274] : memref<40x64xi32, #tpu.memory_space<vmem>> -> memref<1x64xi32, #tpu.memory_space<vmem>>
    %dma_start3A_276 = tpu.memref_squeeze %dma_start3A_275 : memref<1x64xi32, #tpu.memory_space<vmem>> -> memref<64xi32, #tpu.memory_space<vmem>>
    %dma_start3A_277 = arith.constant 0 : i32
    %dma_start3A_278 = arith.constant 0 : i32
    %dma_start3A_279 = tpu.memref_slice %arg7[%dma_start3A_277, %dma_start3A_278] : memref<10240x128xf32, #tpu.memory_space<vmem_shared>> -> memref<10240x128xf32, #tpu.memory_space<vmem_shared>>
    tpu.enqueue_indirect_dma source(%arg10 : memref<64x128xf32, #tpu.memory_space<vmem>>) target(%dma_start3A_279 : memref<10240x128xf32, #tpu.memory_space<vmem_shared>>) offsets(%dma_start3A_276 : memref<64xi32, #tpu.memory_space<vmem>>) semaphore(%arg15 : memref<!tpu.dma_semaphore, #tpu.memory_space<semaphore_mem>>) {add = true}
    %scan3A_280 = arith.constant 0 : i32
    %scan3A_281 = arith.constant 0 : i32
    %scan3A_282 = arith.constant 9 : i32
    %scan3A_283 = arith.addi %scan3A_281, %scan3A_282 : i32
    %scan3A_284 = arith.constant 1 : i32
    scf.for %scan3A_479 = %scan3A_281 to %scan3A_283 step %scan3A_284  : i32 {
      %mul3A_480 = arith.constant 4 : i32
      %mul3A_481 = arith.muli %mul3A_480, %scan3A_479 : i32
      %add3A_482 = arith.constant 1 : i32
      %add3A_483 = arith.addi %mul3A_481, %add3A_482 : i32
      %add3A_484 = arith.constant 0 : i32
      %add3A_485 = arith.addi %add3A_483, %add3A_484 : i32
      %dma_wait3A_486 = arith.constant 0 : i32
      %dma_wait3A_487 = tpu.memref_slice %arg8[%add3A_485, %dma_wait3A_486] : memref<40x64xi32, #tpu.memory_space<vmem>> -> memref<1x64xi32, #tpu.memory_space<vmem>>
      %dma_wait3A_488 = tpu.memref_squeeze %dma_wait3A_487 : memref<1x64xi32, #tpu.memory_space<vmem>> -> memref<64xi32, #tpu.memory_space<vmem>>
      %dma_wait3A_489 = arith.constant 0 : i32
      %dma_wait3A_490 = arith.constant 0 : i32
      %dma_wait3A_491 = tpu.memref_slice %arg2[%dma_wait3A_489, %dma_wait3A_490] : memref<10000x128xf32, #tpu.memory_space<hbm>> -> memref<10000x128xf32, #tpu.memory_space<hbm>>
      tpu.wait_indirect_dma semaphore(%arg14 : memref<!tpu.dma_semaphore, #tpu.memory_space<semaphore_mem>>) src(%dma_wait3A_491 : memref<10000x128xf32, #tpu.memory_space<hbm>>) dst(%arg11 : memref<64x128xf32, #tpu.memory_space<vmem>>)
      %sub3A = arith.constant 1 : i32
      %sub3A_492 = arith.subi %add3A_485, %sub3A : i32
      %dma_wait3A_493 = arith.constant 0 : i32
      %dma_wait3A_494 = tpu.memref_slice %arg9[%sub3A_492, %dma_wait3A_493] : memref<40x64xi32, #tpu.memory_space<vmem>> -> memref<1x64xi32, #tpu.memory_space<vmem>>
      %dma_wait3A_495 = tpu.memref_squeeze %dma_wait3A_494 : memref<1x64xi32, #tpu.memory_space<vmem>> -> memref<64xi32, #tpu.memory_space<vmem>>
      %dma_wait3A_496 = arith.constant 0 : i32
      %dma_wait3A_497 = arith.constant 0 : i32
      %dma_wait3A_498 = tpu.memref_slice %arg7[%dma_wait3A_496, %dma_wait3A_497] : memref<10240x128xf32, #tpu.memory_space<vmem_shared>> -> memref<10240x128xf32, #tpu.memory_space<vmem_shared>>
      tpu.wait_indirect_dma semaphore(%arg15 : memref<!tpu.dma_semaphore, #tpu.memory_space<semaphore_mem>>) src(%arg10 : memref<64x128xf32, #tpu.memory_space<vmem>>) dst(%dma_wait3A_498 : memref<10240x128xf32, #tpu.memory_space<vmem_shared>>)
      %add3A_499 = arith.constant 3 : i32
      %add3A_500 = arith.addi %add3A_485, %add3A_499 : i32
      %dma_start3A_501 = arith.constant 0 : i32
      %dma_start3A_502 = tpu.memref_slice %arg8[%add3A_500, %dma_start3A_501] : memref<40x64xi32, #tpu.memory_space<vmem>> -> memref<1x64xi32, #tpu.memory_space<vmem>>
      %dma_start3A_503 = tpu.memref_squeeze %dma_start3A_502 : memref<1x64xi32, #tpu.memory_space<vmem>> -> memref<64xi32, #tpu.memory_space<vmem>>
      %dma_start3A_504 = arith.constant 0 : i32
      %dma_start3A_505 = arith.constant 0 : i32
      %dma_start3A_506 = tpu.memref_slice %arg2[%dma_start3A_504, %dma_start3A_505] : memref<10000x128xf32, #tpu.memory_space<hbm>> -> memref<10000x128xf32, #tpu.memory_space<hbm>>
      tpu.enqueue_indirect_dma source(%dma_start3A_506 : memref<10000x128xf32, #tpu.memory_space<hbm>>) target(%arg10 : memref<64x128xf32, #tpu.memory_space<vmem>>) offsets(%dma_start3A_503 : memref<64xi32, #tpu.memory_space<vmem>>) semaphore(%arg14 : memref<!tpu.dma_semaphore, #tpu.memory_space<semaphore_mem>>)
      %dma_start3A_507 = arith.constant 0 : i32
      %dma_start3A_508 = tpu.memref_slice %arg9[%add3A_485, %dma_start3A_507] : memref<40x64xi32, #tpu.memory_space<vmem>> -> memref<1x64xi32, #tpu.memory_space<vmem>>
      %dma_start3A_509 = tpu.memref_squeeze %dma_start3A_508 : memref<1x64xi32, #tpu.memory_space<vmem>> -> memref<64xi32, #tpu.memory_space<vmem>>
      %dma_start3A_510 = arith.constant 0 : i32
      %dma_start3A_511 = arith.constant 0 : i32
      %dma_start3A_512 = tpu.memref_slice %arg7[%dma_start3A_510, %dma_start3A_511] : memref<10240x128xf32, #tpu.memory_space<vmem_shared>> -> memref<10240x128xf32, #tpu.memory_space<vmem_shared>>
      tpu.enqueue_indirect_dma source(%arg11 : memref<64x128xf32, #tpu.memory_space<vmem>>) target(%dma_start3A_512 : memref<10240x128xf32, #tpu.memory_space<vmem_shared>>) offsets(%dma_start3A_509 : memref<64xi32, #tpu.memory_space<vmem>>) semaphore(%arg15 : memref<!tpu.dma_semaphore, #tpu.memory_space<semaphore_mem>>) {add = true}
      %mul3A_513 = arith.constant 4 : i32
      %mul3A_514 = arith.muli %mul3A_513, %scan3A_479 : i32
      %add3A_515 = arith.constant 1 : i32
      %add3A_516 = arith.addi %mul3A_514, %add3A_515 : i32
      %add3A_517 = arith.constant 1 : i32
      %add3A_518 = arith.addi %add3A_516, %add3A_517 : i32
      %dma_wait3A_519 = arith.constant 0 : i32
      %dma_wait3A_520 = tpu.memref_slice %arg8[%add3A_518, %dma_wait3A_519] : memref<40x64xi32, #tpu.memory_space<vmem>> -> memref<1x64xi32, #tpu.memory_space<vmem>>
      %dma_wait3A_521 = tpu.memref_squeeze %dma_wait3A_520 : memref<1x64xi32, #tpu.memory_space<vmem>> -> memref<64xi32, #tpu.memory_space<vmem>>
      %dma_wait3A_522 = arith.constant 0 : i32
      %dma_wait3A_523 = arith.constant 0 : i32
      %dma_wait3A_524 = tpu.memref_slice %arg2[%dma_wait3A_522, %dma_wait3A_523] : memref<10000x128xf32, #tpu.memory_space<hbm>> -> memref<10000x128xf32, #tpu.memory_space<hbm>>
      tpu.wait_indirect_dma semaphore(%arg14 : memref<!tpu.dma_semaphore, #tpu.memory_space<semaphore_mem>>) src(%dma_wait3A_524 : memref<10000x128xf32, #tpu.memory_space<hbm>>) dst(%arg12 : memref<64x128xf32, #tpu.memory_space<vmem>>)
      %sub3A_525 = arith.constant 1 : i32
      %sub3A_526 = arith.subi %add3A_518, %sub3A_525 : i32
      %dma_wait3A_527 = arith.constant 0 : i32
      %dma_wait3A_528 = tpu.memref_slice %arg9[%sub3A_526, %dma_wait3A_527] : memref<40x64xi32, #tpu.memory_space<vmem>> -> memref<1x64xi32, #tpu.memory_space<vmem>>
      %dma_wait3A_529 = tpu.memref_squeeze %dma_wait3A_528 : memref<1x64xi32, #tpu.memory_space<vmem>> -> memref<64xi32, #tpu.memory_space<vmem>>
      %dma_wait3A_530 = arith.constant 0 : i32
      %dma_wait3A_531 = arith.constant 0 : i32
      %dma_wait3A_532 = tpu.memref_slice %arg7[%dma_wait3A_530, %dma_wait3A_531] : memref<10240x128xf32, #tpu.memory_space<vmem_shared>> -> memref<10240x128xf32, #tpu.memory_space<vmem_shared>>
      tpu.wait_indirect_dma semaphore(%arg15 : memref<!tpu.dma_semaphore, #tpu.memory_space<semaphore_mem>>) src(%arg11 : memref<64x128xf32, #tpu.memory_space<vmem>>) dst(%dma_wait3A_532 : memref<10240x128xf32, #tpu.memory_space<vmem_shared>>)
      %add3A_533 = arith.constant 3 : i32
      %add3A_534 = arith.addi %add3A_518, %add3A_533 : i32
      %dma_start3A_535 = arith.constant 0 : i32
      %dma_start3A_536 = tpu.memref_slice %arg8[%add3A_534, %dma_start3A_535] : memref<40x64xi32, #tpu.memory_space<vmem>> -> memref<1x64xi32, #tpu.memory_space<vmem>>
      %dma_start3A_537 = tpu.memref_squeeze %dma_start3A_536 : memref<1x64xi32, #tpu.memory_space<vmem>> -> memref<64xi32, #tpu.memory_space<vmem>>
      %dma_start3A_538 = arith.constant 0 : i32
      %dma_start3A_539 = arith.constant 0 : i32
      %dma_start3A_540 = tpu.memref_slice %arg2[%dma_start3A_538, %dma_start3A_539] : memref<10000x128xf32, #tpu.memory_space<hbm>> -> memref<10000x128xf32, #tpu.memory_space<hbm>>
      tpu.enqueue_indirect_dma source(%dma_start3A_540 : memref<10000x128xf32, #tpu.memory_space<hbm>>) target(%arg11 : memref<64x128xf32, #tpu.memory_space<vmem>>) offsets(%dma_start3A_537 : memref<64xi32, #tpu.memory_space<vmem>>) semaphore(%arg14 : memref<!tpu.dma_semaphore, #tpu.memory_space<semaphore_mem>>)
      %dma_start3A_541 = arith.constant 0 : i32
      %dma_start3A_542 = tpu.memref_slice %arg9[%add3A_518, %dma_start3A_541] : memref<40x64xi32, #tpu.memory_space<vmem>> -> memref<1x64xi32, #tpu.memory_space<vmem>>
      %dma_start3A_543 = tpu.memref_squeeze %dma_start3A_542 : memref<1x64xi32, #tpu.memory_space<vmem>> -> memref<64xi32, #tpu.memory_space<vmem>>
      %dma_start3A_544 = arith.constant 0 : i32
      %dma_start3A_545 = arith.constant 0 : i32
      %dma_start3A_546 = tpu.memref_slice %arg7[%dma_start3A_544, %dma_start3A_545] : memref<10240x128xf32, #tpu.memory_space<vmem_shared>> -> memref<10240x128xf32, #tpu.memory_space<vmem_shared>>
      tpu.enqueue_indirect_dma source(%arg12 : memref<64x128xf32, #tpu.memory_space<vmem>>) target(%dma_start3A_546 : memref<10240x128xf32, #tpu.memory_space<vmem_shared>>) offsets(%dma_start3A_543 : memref<64xi32, #tpu.memory_space<vmem>>) semaphore(%arg15 : memref<!tpu.dma_semaphore, #tpu.memory_space<semaphore_mem>>) {add = true}
      %mul3A_547 = arith.constant 4 : i32
      %mul3A_548 = arith.muli %mul3A_547, %scan3A_479 : i32
      %add3A_549 = arith.constant 1 : i32
      %add3A_550 = arith.addi %mul3A_548, %add3A_549 : i32
      %add3A_551 = arith.constant 2 : i32
      %add3A_552 = arith.addi %add3A_550, %add3A_551 : i32
      %dma_wait3A_553 = arith.constant 0 : i32
      %dma_wait3A_554 = tpu.memref_slice %arg8[%add3A_552, %dma_wait3A_553] : memref<40x64xi32, #tpu.memory_space<vmem>> -> memref<1x64xi32, #tpu.memory_space<vmem>>
      %dma_wait3A_555 = tpu.memref_squeeze %dma_wait3A_554 : memref<1x64xi32, #tpu.memory_space<vmem>> -> memref<64xi32, #tpu.memory_space<vmem>>
      %dma_wait3A_556 = arith.constant 0 : i32
      %dma_wait3A_557 = arith.constant 0 : i32
      %dma_wait3A_558 = tpu.memref_slice %arg2[%dma_wait3A_556, %dma_wait3A_557] : memref<10000x128xf32, #tpu.memory_space<hbm>> -> memref<10000x128xf32, #tpu.memory_space<hbm>>
      tpu.wait_indirect_dma semaphore(%arg14 : memref<!tpu.dma_semaphore, #tpu.memory_space<semaphore_mem>>) src(%dma_wait3A_558 : memref<10000x128xf32, #tpu.memory_space<hbm>>) dst(%arg13 : memref<64x128xf32, #tpu.memory_space<vmem>>)
      %sub3A_559 = arith.constant 1 : i32
      %sub3A_560 = arith.subi %add3A_552, %sub3A_559 : i32
      %dma_wait3A_561 = arith.constant 0 : i32
      %dma_wait3A_562 = tpu.memref_slice %arg9[%sub3A_560, %dma_wait3A_561] : memref<40x64xi32, #tpu.memory_space<vmem>> -> memref<1x64xi32, #tpu.memory_space<vmem>>
      %dma_wait3A_563 = tpu.memref_squeeze %dma_wait3A_562 : memref<1x64xi32, #tpu.memory_space<vmem>> -> memref<64xi32, #tpu.memory_space<vmem>>
      %dma_wait3A_564 = arith.constant 0 : i32
      %dma_wait3A_565 = arith.constant 0 : i32
      %dma_wait3A_566 = tpu.memref_slice %arg7[%dma_wait3A_564, %dma_wait3A_565] : memref<10240x128xf32, #tpu.memory_space<vmem_shared>> -> memref<10240x128xf32, #tpu.memory_space<vmem_shared>>
      tpu.wait_indirect_dma semaphore(%arg15 : memref<!tpu.dma_semaphore, #tpu.memory_space<semaphore_mem>>) src(%arg12 : memref<64x128xf32, #tpu.memory_space<vmem>>) dst(%dma_wait3A_566 : memref<10240x128xf32, #tpu.memory_space<vmem_shared>>)
      %add3A_567 = arith.constant 3 : i32
      %add3A_568 = arith.addi %add3A_552, %add3A_567 : i32
      %dma_start3A_569 = arith.constant 0 : i32
      %dma_start3A_570 = tpu.memref_slice %arg8[%add3A_568, %dma_start3A_569] : memref<40x64xi32, #tpu.memory_space<vmem>> -> memref<1x64xi32, #tpu.memory_space<vmem>>
      %dma_start3A_571 = tpu.memref_squeeze %dma_start3A_570 : memref<1x64xi32, #tpu.memory_space<vmem>> -> memref<64xi32, #tpu.memory_space<vmem>>
      %dma_start3A_572 = arith.constant 0 : i32
      %dma_start3A_573 = arith.constant 0 : i32
      %dma_start3A_574 = tpu.memref_slice %arg2[%dma_start3A_572, %dma_start3A_573] : memref<10000x128xf32, #tpu.memory_space<hbm>> -> memref<10000x128xf32, #tpu.memory_space<hbm>>
      tpu.enqueue_indirect_dma source(%dma_start3A_574 : memref<10000x128xf32, #tpu.memory_space<hbm>>) target(%arg12 : memref<64x128xf32, #tpu.memory_space<vmem>>) offsets(%dma_start3A_571 : memref<64xi32, #tpu.memory_space<vmem>>) semaphore(%arg14 : memref<!tpu.dma_semaphore, #tpu.memory_space<semaphore_mem>>)
      %dma_start3A_575 = arith.constant 0 : i32
      %dma_start3A_576 = tpu.memref_slice %arg9[%add3A_552, %dma_start3A_575] : memref<40x64xi32, #tpu.memory_space<vmem>> -> memref<1x64xi32, #tpu.memory_space<vmem>>
      %dma_start3A_577 = tpu.memref_squeeze %dma_start3A_576 : memref<1x64xi32, #tpu.memory_space<vmem>> -> memref<64xi32, #tpu.memory_space<vmem>>
      %dma_start3A_578 = arith.constant 0 : i32
      %dma_start3A_579 = arith.constant 0 : i32
      %dma_start3A_580 = tpu.memref_slice %arg7[%dma_start3A_578, %dma_start3A_579] : memref<10240x128xf32, #tpu.memory_space<vmem_shared>> -> memref<10240x128xf32, #tpu.memory_space<vmem_shared>>
      tpu.enqueue_indirect_dma source(%arg13 : memref<64x128xf32, #tpu.memory_space<vmem>>) target(%dma_start3A_580 : memref<10240x128xf32, #tpu.memory_space<vmem_shared>>) offsets(%dma_start3A_577 : memref<64xi32, #tpu.memory_space<vmem>>) semaphore(%arg15 : memref<!tpu.dma_semaphore, #tpu.memory_space<semaphore_mem>>) {add = true}
      %mul3A_581 = arith.constant 4 : i32
      %mul3A_582 = arith.muli %mul3A_581, %scan3A_479 : i32
      %add3A_583 = arith.constant 1 : i32
      %add3A_584 = arith.addi %mul3A_582, %add3A_583 : i32
      %add3A_585 = arith.constant 3 : i32
      %add3A_586 = arith.addi %add3A_584, %add3A_585 : i32
      %dma_wait3A_587 = arith.constant 0 : i32
      %dma_wait3A_588 = tpu.memref_slice %arg8[%add3A_586, %dma_wait3A_587] : memref<40x64xi32, #tpu.memory_space<vmem>> -> memref<1x64xi32, #tpu.memory_space<vmem>>
      %dma_wait3A_589 = tpu.memref_squeeze %dma_wait3A_588 : memref<1x64xi32, #tpu.memory_space<vmem>> -> memref<64xi32, #tpu.memory_space<vmem>>
      %dma_wait3A_590 = arith.constant 0 : i32
      %dma_wait3A_591 = arith.constant 0 : i32
      %dma_wait3A_592 = tpu.memref_slice %arg2[%dma_wait3A_590, %dma_wait3A_591] : memref<10000x128xf32, #tpu.memory_space<hbm>> -> memref<10000x128xf32, #tpu.memory_space<hbm>>
      tpu.wait_indirect_dma semaphore(%arg14 : memref<!tpu.dma_semaphore, #tpu.memory_space<semaphore_mem>>) src(%dma_wait3A_592 : memref<10000x128xf32, #tpu.memory_space<hbm>>) dst(%arg10 : memref<64x128xf32, #tpu.memory_space<vmem>>)
      %sub3A_593 = arith.constant 1 : i32
      %sub3A_594 = arith.subi %add3A_586, %sub3A_593 : i32
      %dma_wait3A_595 = arith.constant 0 : i32
      %dma_wait3A_596 = tpu.memref_slice %arg9[%sub3A_594, %dma_wait3A_595] : memref<40x64xi32, #tpu.memory_space<vmem>> -> memref<1x64xi32, #tpu.memory_space<vmem>>
      %dma_wait3A_597 = tpu.memref_squeeze %dma_wait3A_596 : memref<1x64xi32, #tpu.memory_space<vmem>> -> memref<64xi32, #tpu.memory_space<vmem>>
      %dma_wait3A_598 = arith.constant 0 : i32
      %dma_wait3A_599 = arith.constant 0 : i32
      %dma_wait3A_600 = tpu.memref_slice %arg7[%dma_wait3A_598, %dma_wait3A_599] : memref<10240x128xf32, #tpu.memory_space<vmem_shared>> -> memref<10240x128xf32, #tpu.memory_space<vmem_shared>>
      tpu.wait_indirect_dma semaphore(%arg15 : memref<!tpu.dma_semaphore, #tpu.memory_space<semaphore_mem>>) src(%arg13 : memref<64x128xf32, #tpu.memory_space<vmem>>) dst(%dma_wait3A_600 : memref<10240x128xf32, #tpu.memory_space<vmem_shared>>)
      %add3A_601 = arith.constant 3 : i32
      %add3A_602 = arith.addi %add3A_586, %add3A_601 : i32
      %dma_start3A_603 = arith.constant 0 : i32
      %dma_start3A_604 = tpu.memref_slice %arg8[%add3A_602, %dma_start3A_603] : memref<40x64xi32, #tpu.memory_space<vmem>> -> memref<1x64xi32, #tpu.memory_space<vmem>>
      %dma_start3A_605 = tpu.memref_squeeze %dma_start3A_604 : memref<1x64xi32, #tpu.memory_space<vmem>> -> memref<64xi32, #tpu.memory_space<vmem>>
      %dma_start3A_606 = arith.constant 0 : i32
      %dma_start3A_607 = arith.constant 0 : i32
      %dma_start3A_608 = tpu.memref_slice %arg2[%dma_start3A_606, %dma_start3A_607] : memref<10000x128xf32, #tpu.memory_space<hbm>> -> memref<10000x128xf32, #tpu.memory_space<hbm>>
      tpu.enqueue_indirect_dma source(%dma_start3A_608 : memref<10000x128xf32, #tpu.memory_space<hbm>>) target(%arg13 : memref<64x128xf32, #tpu.memory_space<vmem>>) offsets(%dma_start3A_605 : memref<64xi32, #tpu.memory_space<vmem>>) semaphore(%arg14 : memref<!tpu.dma_semaphore, #tpu.memory_space<semaphore_mem>>)
      %dma_start3A_609 = arith.constant 0 : i32
      %dma_start3A_610 = tpu.memref_slice %arg9[%add3A_586, %dma_start3A_609] : memref<40x64xi32, #tpu.memory_space<vmem>> -> memref<1x64xi32, #tpu.memory_space<vmem>>
      %dma_start3A_611 = tpu.memref_squeeze %dma_start3A_610 : memref<1x64xi32, #tpu.memory_space<vmem>> -> memref<64xi32, #tpu.memory_space<vmem>>
      %dma_start3A_612 = arith.constant 0 : i32
      %dma_start3A_613 = arith.constant 0 : i32
      %dma_start3A_614 = tpu.memref_slice %arg7[%dma_start3A_612, %dma_start3A_613] : memref<10240x128xf32, #tpu.memory_space<vmem_shared>> -> memref<10240x128xf32, #tpu.memory_space<vmem_shared>>
      tpu.enqueue_indirect_dma source(%arg10 : memref<64x128xf32, #tpu.memory_space<vmem>>) target(%dma_start3A_614 : memref<10240x128xf32, #tpu.memory_space<vmem_shared>>) offsets(%dma_start3A_611 : memref<64xi32, #tpu.memory_space<vmem>>) semaphore(%arg15 : memref<!tpu.dma_semaphore, #tpu.memory_space<semaphore_mem>>) {add = true}
    }
    %scan3A_285 = arith.constant 9 : i32
    %dma_wait3A_286 = arith.constant 37 : i32
    %dma_wait3A_287 = arith.constant 0 : i32
    %dma_wait3A_288 = tpu.memref_slice %arg8[%dma_wait3A_286, %dma_wait3A_287] : memref<40x64xi32, #tpu.memory_space<vmem>> -> memref<1x64xi32, #tpu.memory_space<vmem>>
    %dma_wait3A_289 = tpu.memref_squeeze %dma_wait3A_288 : memref<1x64xi32, #tpu.memory_space<vmem>> -> memref<64xi32, #tpu.memory_space<vmem>>
    %dma_wait3A_290 = arith.constant 0 : i32
    %dma_wait3A_291 = arith.constant 0 : i32
    %dma_wait3A_292 = tpu.memref_slice %arg2[%dma_wait3A_290, %dma_wait3A_291] : memref<10000x128xf32, #tpu.memory_space<hbm>> -> memref<10000x128xf32, #tpu.memory_space<hbm>>
    tpu.wait_indirect_dma semaphore(%arg14 : memref<!tpu.dma_semaphore, #tpu.memory_space<semaphore_mem>>) src(%dma_wait3A_292 : memref<10000x128xf32, #tpu.memory_space<hbm>>) dst(%arg11 : memref<64x128xf32, #tpu.memory_space<vmem>>)
    %dma_wait3A_293 = arith.constant 36 : i32
    %dma_wait3A_294 = arith.constant 0 : i32
    %dma_wait3A_295 = tpu.memref_slice %arg9[%dma_wait3A_293, %dma_wait3A_294] : memref<40x64xi32, #tpu.memory_space<vmem>> -> memref<1x64xi32, #tpu.memory_space<vmem>>
    %dma_wait3A_296 = tpu.memref_squeeze %dma_wait3A_295 : memref<1x64xi32, #tpu.memory_space<vmem>> -> memref<64xi32, #tpu.memory_space<vmem>>
    %dma_wait3A_297 = arith.constant 0 : i32
    %dma_wait3A_298 = arith.constant 0 : i32
    %dma_wait3A_299 = tpu.memref_slice %arg7[%dma_wait3A_297, %dma_wait3A_298] : memref<10240x128xf32, #tpu.memory_space<vmem_shared>> -> memref<10240x128xf32, #tpu.memory_space<vmem_shared>>
    tpu.wait_indirect_dma semaphore(%arg15 : memref<!tpu.dma_semaphore, #tpu.memory_space<semaphore_mem>>) src(%arg10 : memref<64x128xf32, #tpu.memory_space<vmem>>) dst(%dma_wait3A_299 : memref<10240x128xf32, #tpu.memory_space<vmem_shared>>)
    %dma_start3A_300 = arith.constant 37 : i32
    %dma_start3A_301 = arith.constant 0 : i32
    %dma_start3A_302 = tpu.memref_slice %arg9[%dma_start3A_300, %dma_start3A_301] : memref<40x64xi32, #tpu.memory_space<vmem>> -> memref<1x64xi32, #tpu.memory_space<vmem>>
    %dma_start3A_303 = tpu.memref_squeeze %dma_start3A_302 : memref<1x64xi32, #tpu.memory_space<vmem>> -> memref<64xi32, #tpu.memory_space<vmem>>
    %dma_start3A_304 = arith.constant 0 : i32
    %dma_start3A_305 = arith.constant 0 : i32
    %dma_start3A_306 = tpu.memref_slice %arg7[%dma_start3A_304, %dma_start3A_305] : memref<10240x128xf32, #tpu.memory_space<vmem_shared>> -> memref<10240x128xf32, #tpu.memory_space<vmem_shared>>
    tpu.enqueue_indirect_dma source(%arg11 : memref<64x128xf32, #tpu.memory_space<vmem>>) target(%dma_start3A_306 : memref<10240x128xf32, #tpu.memory_space<vmem_shared>>) offsets(%dma_start3A_303 : memref<64xi32, #tpu.memory_space<vmem>>) semaphore(%arg15 : memref<!tpu.dma_semaphore, #tpu.memory_space<semaphore_mem>>) {add = true}
    %dma_wait3A_307 = arith.constant 38 : i32
    %dma_wait3A_308 = arith.constant 0 : i32
    %dma_wait3A_309 = tpu.memref_slice %arg8[%dma_wait3A_307, %dma_wait3A_308] : memref<40x64xi32, #tpu.memory_space<vmem>> -> memref<1x64xi32, #tpu.memory_space<vmem>>
    %dma_wait3A_310 = tpu.memref_squeeze %dma_wait3A_309 : memref<1x64xi32, #tpu.memory_space<vmem>> -> memref<64xi32, #tpu.memory_space<vmem>>
    %dma_wait3A_311 = arith.constant 0 : i32
    %dma_wait3A_312 = arith.constant 0 : i32
    %dma_wait3A_313 = tpu.memref_slice %arg2[%dma_wait3A_311, %dma_wait3A_312] : memref<10000x128xf32, #tpu.memory_space<hbm>> -> memref<10000x128xf32, #tpu.memory_space<hbm>>
    tpu.wait_indirect_dma semaphore(%arg14 : memref<!tpu.dma_semaphore, #tpu.memory_space<semaphore_mem>>) src(%dma_wait3A_313 : memref<10000x128xf32, #tpu.memory_space<hbm>>) dst(%arg12 : memref<64x128xf32, #tpu.memory_space<vmem>>)
    %dma_wait3A_314 = arith.constant 37 : i32
    %dma_wait3A_315 = arith.constant 0 : i32
    %dma_wait3A_316 = tpu.memref_slice %arg9[%dma_wait3A_314, %dma_wait3A_315] : memref<40x64xi32, #tpu.memory_space<vmem>> -> memref<1x64xi32, #tpu.memory_space<vmem>>
    %dma_wait3A_317 = tpu.memref_squeeze %dma_wait3A_316 : memref<1x64xi32, #tpu.memory_space<vmem>> -> memref<64xi32, #tpu.memory_space<vmem>>
    %dma_wait3A_318 = arith.constant 0 : i32
    %dma_wait3A_319 = arith.constant 0 : i32
    %dma_wait3A_320 = tpu.memref_slice %arg7[%dma_wait3A_318, %dma_wait3A_319] : memref<10240x128xf32, #tpu.memory_space<vmem_shared>> -> memref<10240x128xf32, #tpu.memory_space<vmem_shared>>
    tpu.wait_indirect_dma semaphore(%arg15 : memref<!tpu.dma_semaphore, #tpu.memory_space<semaphore_mem>>) src(%arg11 : memref<64x128xf32, #tpu.memory_space<vmem>>) dst(%dma_wait3A_320 : memref<10240x128xf32, #tpu.memory_space<vmem_shared>>)
    %dma_start3A_321 = arith.constant 38 : i32
    %dma_start3A_322 = arith.constant 0 : i32
    %dma_start3A_323 = tpu.memref_slice %arg9[%dma_start3A_321, %dma_start3A_322] : memref<40x64xi32, #tpu.memory_space<vmem>> -> memref<1x64xi32, #tpu.memory_space<vmem>>
    %dma_start3A_324 = tpu.memref_squeeze %dma_start3A_323 : memref<1x64xi32, #tpu.memory_space<vmem>> -> memref<64xi32, #tpu.memory_space<vmem>>
    %dma_start3A_325 = arith.constant 0 : i32
    %dma_start3A_326 = arith.constant 0 : i32
    %dma_start3A_327 = tpu.memref_slice %arg7[%dma_start3A_325, %dma_start3A_326] : memref<10240x128xf32, #tpu.memory_space<vmem_shared>> -> memref<10240x128xf32, #tpu.memory_space<vmem_shared>>
    tpu.enqueue_indirect_dma source(%arg12 : memref<64x128xf32, #tpu.memory_space<vmem>>) target(%dma_start3A_327 : memref<10240x128xf32, #tpu.memory_space<vmem_shared>>) offsets(%dma_start3A_324 : memref<64xi32, #tpu.memory_space<vmem>>) semaphore(%arg15 : memref<!tpu.dma_semaphore, #tpu.memory_space<semaphore_mem>>) {add = true}
    %dma_wait3A_328 = arith.constant 39 : i32
    %dma_wait3A_329 = arith.constant 0 : i32
    %dma_wait3A_330 = tpu.memref_slice %arg8[%dma_wait3A_328, %dma_wait3A_329] : memref<40x64xi32, #tpu.memory_space<vmem>> -> memref<1x64xi32, #tpu.memory_space<vmem>>
    %dma_wait3A_331 = tpu.memref_squeeze %dma_wait3A_330 : memref<1x64xi32, #tpu.memory_space<vmem>> -> memref<64xi32, #tpu.memory_space<vmem>>
    %dma_wait3A_332 = arith.constant 0 : i32
    %dma_wait3A_333 = arith.constant 0 : i32
    %dma_wait3A_334 = tpu.memref_slice %arg2[%dma_wait3A_332, %dma_wait3A_333] : memref<10000x128xf32, #tpu.memory_space<hbm>> -> memref<10000x128xf32, #tpu.memory_space<hbm>>
    tpu.wait_indirect_dma semaphore(%arg14 : memref<!tpu.dma_semaphore, #tpu.memory_space<semaphore_mem>>) src(%dma_wait3A_334 : memref<10000x128xf32, #tpu.memory_space<hbm>>) dst(%arg13 : memref<64x128xf32, #tpu.memory_space<vmem>>)
    %dma_wait3A_335 = arith.constant 38 : i32
    %dma_wait3A_336 = arith.constant 0 : i32
    %dma_wait3A_337 = tpu.memref_slice %arg9[%dma_wait3A_335, %dma_wait3A_336] : memref<40x64xi32, #tpu.memory_space<vmem>> -> memref<1x64xi32, #tpu.memory_space<vmem>>
    %dma_wait3A_338 = tpu.memref_squeeze %dma_wait3A_337 : memref<1x64xi32, #tpu.memory_space<vmem>> -> memref<64xi32, #tpu.memory_space<vmem>>
    %dma_wait3A_339 = arith.constant 0 : i32
    %dma_wait3A_340 = arith.constant 0 : i32
    %dma_wait3A_341 = tpu.memref_slice %arg7[%dma_wait3A_339, %dma_wait3A_340] : memref<10240x128xf32, #tpu.memory_space<vmem_shared>> -> memref<10240x128xf32, #tpu.memory_space<vmem_shared>>
    tpu.wait_indirect_dma semaphore(%arg15 : memref<!tpu.dma_semaphore, #tpu.memory_space<semaphore_mem>>) src(%arg12 : memref<64x128xf32, #tpu.memory_space<vmem>>) dst(%dma_wait3A_341 : memref<10240x128xf32, #tpu.memory_space<vmem_shared>>)
    %dma_start3A_342 = arith.constant 39 : i32
    %dma_start3A_343 = arith.constant 0 : i32
    %dma_start3A_344 = tpu.memref_slice %arg9[%dma_start3A_342, %dma_start3A_343] : memref<40x64xi32, #tpu.memory_space<vmem>> -> memref<1x64xi32, #tpu.memory_space<vmem>>
    %dma_start3A_345 = tpu.memref_squeeze %dma_start3A_344 : memref<1x64xi32, #tpu.memory_space<vmem>> -> memref<64xi32, #tpu.memory_space<vmem>>
    %dma_start3A_346 = arith.constant 0 : i32
    %dma_start3A_347 = arith.constant 0 : i32
    %dma_start3A_348 = tpu.memref_slice %arg7[%dma_start3A_346, %dma_start3A_347] : memref<10240x128xf32, #tpu.memory_space<vmem_shared>> -> memref<10240x128xf32, #tpu.memory_space<vmem_shared>>
    tpu.enqueue_indirect_dma source(%arg13 : memref<64x128xf32, #tpu.memory_space<vmem>>) target(%dma_start3A_348 : memref<10240x128xf32, #tpu.memory_space<vmem_shared>>) offsets(%dma_start3A_345 : memref<64xi32, #tpu.memory_space<vmem>>) semaphore(%arg15 : memref<!tpu.dma_semaphore, #tpu.memory_space<semaphore_mem>>) {add = true}
    %dma_wait3A_349 = arith.constant 39 : i32
    %dma_wait3A_350 = arith.constant 0 : i32
    %dma_wait3A_351 = tpu.memref_slice %arg9[%dma_wait3A_349, %dma_wait3A_350] : memref<40x64xi32, #tpu.memory_space<vmem>> -> memref<1x64xi32, #tpu.memory_space<vmem>>
    %dma_wait3A_352 = tpu.memref_squeeze %dma_wait3A_351 : memref<1x64xi32, #tpu.memory_space<vmem>> -> memref<64xi32, #tpu.memory_space<vmem>>
    %dma_wait3A_353 = arith.constant 0 : i32
    %dma_wait3A_354 = arith.constant 0 : i32
    %dma_wait3A_355 = tpu.memref_slice %arg7[%dma_wait3A_353, %dma_wait3A_354] : memref<10240x128xf32, #tpu.memory_space<vmem_shared>> -> memref<10240x128xf32, #tpu.memory_space<vmem_shared>>
    tpu.wait_indirect_dma semaphore(%arg15 : memref<!tpu.dma_semaphore, #tpu.memory_space<semaphore_mem>>) src(%arg13 : memref<64x128xf32, #tpu.memory_space<vmem>>) dst(%dma_wait3A_355 : memref<10240x128xf32, #tpu.memory_space<vmem_shared>>)
    "tpu.region"() ({
      %run_scoped3A = tpu.sem_alloc : memref<!tpu.dma_semaphore, #tpu.memory_space<semaphore_mem>>
      %dma_start3A_479 = arith.constant 0 : i32
      %dma_start3A_480 = arith.constant 0 : i32
      %dma_start3A_481 = tpu.memref_slice %arg3[%add3A, %dma_start3A_479, %dma_start3A_480] : memref<32x160x64xi32, #tpu.memory_space<hbm>> -> memref<1x160x64xi32, #tpu.memory_space<hbm>>
      %dma_start3A_482 = tpu.memref_squeeze %dma_start3A_481 : memref<1x160x64xi32, #tpu.memory_space<hbm>> -> memref<160x64xi32, #tpu.memory_space<hbm>>
      %dma_start3A_483 = arith.constant 120 : i32
      %dma_start3A_484 = arith.constant 0 : i32
      %dma_start3A_485 = tpu.memref_slice %dma_start3A_482[%dma_start3A_483, %dma_start3A_484] : memref<160x64xi32, #tpu.memory_space<hbm>> -> memref<40x64xi32, #tpu.memory_space<hbm>>
      %dma_start3A_486 = arith.constant 0 : i32
      %dma_start3A_487 = arith.constant 0 : i32
      %dma_start3A_488 = tpu.memref_slice %arg3[%add3A, %dma_start3A_486, %dma_start3A_487] : memref<32x160x64xi32, #tpu.memory_space<hbm>> -> memref<1x160x64xi32, #tpu.memory_space<hbm>>
      %dma_start3A_489 = tpu.memref_squeeze %dma_start3A_488 : memref<1x160x64xi32, #tpu.memory_space<hbm>> -> memref<160x64xi32, #tpu.memory_space<hbm>>
      %dma_start3A_490 = arith.constant 120 : i32
      %dma_start3A_491 = arith.constant 0 : i32
      %dma_start3A_492 = tpu.memref_slice %dma_start3A_489[%dma_start3A_490, %dma_start3A_491] : memref<160x64xi32, #tpu.memory_space<hbm>> -> memref<40x64xi32, #tpu.memory_space<hbm>>
      tpu.enqueue_dma source(%dma_start3A_492 : memref<40x64xi32, #tpu.memory_space<hbm>>) target(%arg8 : memref<40x64xi32, #tpu.memory_space<vmem>>) target_semaphore(%run_scoped3A : memref<!tpu.dma_semaphore, #tpu.memory_space<semaphore_mem>>)
      %dma_wait3A_493 = arith.constant 0 : i32
      %dma_wait3A_494 = arith.constant 0 : i32
      %dma_wait3A_495 = tpu.memref_slice %arg3[%add3A, %dma_wait3A_493, %dma_wait3A_494] : memref<32x160x64xi32, #tpu.memory_space<hbm>> -> memref<1x160x64xi32, #tpu.memory_space<hbm>>
      %dma_wait3A_496 = tpu.memref_squeeze %dma_wait3A_495 : memref<1x160x64xi32, #tpu.memory_space<hbm>> -> memref<160x64xi32, #tpu.memory_space<hbm>>
      %dma_wait3A_497 = arith.constant 120 : i32
      %dma_wait3A_498 = arith.constant 0 : i32
      %dma_wait3A_499 = tpu.memref_slice %dma_wait3A_496[%dma_wait3A_497, %dma_wait3A_498] : memref<160x64xi32, #tpu.memory_space<hbm>> -> memref<40x64xi32, #tpu.memory_space<hbm>>
      %dma_wait3A_500 = arith.constant 0 : i32
      %dma_wait3A_501 = arith.constant 0 : i32
      %dma_wait3A_502 = tpu.memref_slice %arg3[%add3A, %dma_wait3A_500, %dma_wait3A_501] : memref<32x160x64xi32, #tpu.memory_space<hbm>> -> memref<1x160x64xi32, #tpu.memory_space<hbm>>
      %dma_wait3A_503 = tpu.memref_squeeze %dma_wait3A_502 : memref<1x160x64xi32, #tpu.memory_space<hbm>> -> memref<160x64xi32, #tpu.memory_space<hbm>>
      %dma_wait3A_504 = arith.constant 120 : i32
      %dma_wait3A_505 = arith.constant 0 : i32
      %dma_wait3A_506 = tpu.memref_slice %dma_wait3A_503[%dma_wait3A_504, %dma_wait3A_505] : memref<160x64xi32, #tpu.memory_space<hbm>> -> memref<40x64xi32, #tpu.memory_space<hbm>>
      tpu.wait_dma2 semaphore(%run_scoped3A : memref<!tpu.dma_semaphore, #tpu.memory_space<semaphore_mem>>) src(%dma_wait3A_506 : memref<40x64xi32, #tpu.memory_space<hbm>>) dst(%arg8 : memref<40x64xi32, #tpu.memory_space<vmem>>)
      tpu.yield
    }) : () -> ()
    "tpu.region"() ({
      %run_scoped3A = tpu.sem_alloc : memref<!tpu.dma_semaphore, #tpu.memory_space<semaphore_mem>>
      %dma_start3A_479 = arith.constant 0 : i32
      %dma_start3A_480 = arith.constant 0 : i32
      %dma_start3A_481 = tpu.memref_slice %arg4[%add3A, %dma_start3A_479, %dma_start3A_480] : memref<32x160x64xi32, #tpu.memory_space<hbm>> -> memref<1x160x64xi32, #tpu.memory_space<hbm>>
      %dma_start3A_482 = tpu.memref_squeeze %dma_start3A_481 : memref<1x160x64xi32, #tpu.memory_space<hbm>> -> memref<160x64xi32, #tpu.memory_space<hbm>>
      %dma_start3A_483 = arith.constant 120 : i32
      %dma_start3A_484 = arith.constant 0 : i32
      %dma_start3A_485 = tpu.memref_slice %dma_start3A_482[%dma_start3A_483, %dma_start3A_484] : memref<160x64xi32, #tpu.memory_space<hbm>> -> memref<40x64xi32, #tpu.memory_space<hbm>>
      %dma_start3A_486 = arith.constant 0 : i32
      %dma_start3A_487 = arith.constant 0 : i32
      %dma_start3A_488 = tpu.memref_slice %arg4[%add3A, %dma_start3A_486, %dma_start3A_487] : memref<32x160x64xi32, #tpu.memory_space<hbm>> -> memref<1x160x64xi32, #tpu.memory_space<hbm>>
      %dma_start3A_489 = tpu.memref_squeeze %dma_start3A_488 : memref<1x160x64xi32, #tpu.memory_space<hbm>> -> memref<160x64xi32, #tpu.memory_space<hbm>>
      %dma_start3A_490 = arith.constant 120 : i32
      %dma_start3A_491 = arith.constant 0 : i32
      %dma_start3A_492 = tpu.memref_slice %dma_start3A_489[%dma_start3A_490, %dma_start3A_491] : memref<160x64xi32, #tpu.memory_space<hbm>> -> memref<40x64xi32, #tpu.memory_space<hbm>>
      tpu.enqueue_dma source(%dma_start3A_492 : memref<40x64xi32, #tpu.memory_space<hbm>>) target(%arg9 : memref<40x64xi32, #tpu.memory_space<vmem>>) target_semaphore(%run_scoped3A : memref<!tpu.dma_semaphore, #tpu.memory_space<semaphore_mem>>)
      %dma_wait3A_493 = arith.constant 0 : i32
      %dma_wait3A_494 = arith.constant 0 : i32
      %dma_wait3A_495 = tpu.memref_slice %arg4[%add3A, %dma_wait3A_493, %dma_wait3A_494] : memref<32x160x64xi32, #tpu.memory_space<hbm>> -> memref<1x160x64xi32, #tpu.memory_space<hbm>>
      %dma_wait3A_496 = tpu.memref_squeeze %dma_wait3A_495 : memref<1x160x64xi32, #tpu.memory_space<hbm>> -> memref<160x64xi32, #tpu.memory_space<hbm>>
      %dma_wait3A_497 = arith.constant 120 : i32
      %dma_wait3A_498 = arith.constant 0 : i32
      %dma_wait3A_499 = tpu.memref_slice %dma_wait3A_496[%dma_wait3A_497, %dma_wait3A_498] : memref<160x64xi32, #tpu.memory_space<hbm>> -> memref<40x64xi32, #tpu.memory_space<hbm>>
      %dma_wait3A_500 = arith.constant 0 : i32
      %dma_wait3A_501 = arith.constant 0 : i32
      %dma_wait3A_502 = tpu.memref_slice %arg4[%add3A, %dma_wait3A_500, %dma_wait3A_501] : memref<32x160x64xi32, #tpu.memory_space<hbm>> -> memref<1x160x64xi32, #tpu.memory_space<hbm>>
      %dma_wait3A_503 = tpu.memref_squeeze %dma_wait3A_502 : memref<1x160x64xi32, #tpu.memory_space<hbm>> -> memref<160x64xi32, #tpu.memory_space<hbm>>
      %dma_wait3A_504 = arith.constant 120 : i32
      %dma_wait3A_505 = arith.constant 0 : i32
      %dma_wait3A_506 = tpu.memref_slice %dma_wait3A_503[%dma_wait3A_504, %dma_wait3A_505] : memref<160x64xi32, #tpu.memory_space<hbm>> -> memref<40x64xi32, #tpu.memory_space<hbm>>
      tpu.wait_dma2 semaphore(%run_scoped3A : memref<!tpu.dma_semaphore, #tpu.memory_space<semaphore_mem>>) src(%dma_wait3A_506 : memref<40x64xi32, #tpu.memory_space<hbm>>) dst(%arg9 : memref<40x64xi32, #tpu.memory_space<vmem>>)
      tpu.yield
    }) : () -> ()
    %dma_start3A_356 = arith.constant 0 : i32
    %dma_start3A_357 = arith.constant 0 : i32
    %dma_start3A_358 = tpu.memref_slice %arg8[%dma_start3A_356, %dma_start3A_357] : memref<40x64xi32, #tpu.memory_space<vmem>> -> memref<1x64xi32, #tpu.memory_space<vmem>>
    %dma_start3A_359 = tpu.memref_squeeze %dma_start3A_358 : memref<1x64xi32, #tpu.memory_space<vmem>> -> memref<64xi32, #tpu.memory_space<vmem>>
    %dma_start3A_360 = arith.constant 0 : i32
    %dma_start3A_361 = arith.constant 0 : i32
    %dma_start3A_362 = tpu.memref_slice %arg2[%dma_start3A_360, %dma_start3A_361] : memref<10000x128xf32, #tpu.memory_space<hbm>> -> memref<10000x128xf32, #tpu.memory_space<hbm>>
    tpu.enqueue_indirect_dma source(%dma_start3A_362 : memref<10000x128xf32, #tpu.memory_space<hbm>>) target(%arg10 : memref<64x128xf32, #tpu.memory_space<vmem>>) offsets(%dma_start3A_359 : memref<64xi32, #tpu.memory_space<vmem>>) semaphore(%arg14 : memref<!tpu.dma_semaphore, #tpu.memory_space<semaphore_mem>>)
    %dma_start3A_363 = arith.constant 1 : i32
    %dma_start3A_364 = arith.constant 0 : i32
    %dma_start3A_365 = tpu.memref_slice %arg8[%dma_start3A_363, %dma_start3A_364] : memref<40x64xi32, #tpu.memory_space<vmem>> -> memref<1x64xi32, #tpu.memory_space<vmem>>
    %dma_start3A_366 = tpu.memref_squeeze %dma_start3A_365 : memref<1x64xi32, #tpu.memory_space<vmem>> -> memref<64xi32, #tpu.memory_space<vmem>>
    %dma_start3A_367 = arith.constant 0 : i32
    %dma_start3A_368 = arith.constant 0 : i32
    %dma_start3A_369 = tpu.memref_slice %arg2[%dma_start3A_367, %dma_start3A_368] : memref<10000x128xf32, #tpu.memory_space<hbm>> -> memref<10000x128xf32, #tpu.memory_space<hbm>>
    tpu.enqueue_indirect_dma source(%dma_start3A_369 : memref<10000x128xf32, #tpu.memory_space<hbm>>) target(%arg11 : memref<64x128xf32, #tpu.memory_space<vmem>>) offsets(%dma_start3A_366 : memref<64xi32, #tpu.memory_space<vmem>>) semaphore(%arg14 : memref<!tpu.dma_semaphore, #tpu.memory_space<semaphore_mem>>)
    %dma_start3A_370 = arith.constant 2 : i32
    %dma_start3A_371 = arith.constant 0 : i32
    %dma_start3A_372 = tpu.memref_slice %arg8[%dma_start3A_370, %dma_start3A_371] : memref<40x64xi32, #tpu.memory_space<vmem>> -> memref<1x64xi32, #tpu.memory_space<vmem>>
    %dma_start3A_373 = tpu.memref_squeeze %dma_start3A_372 : memref<1x64xi32, #tpu.memory_space<vmem>> -> memref<64xi32, #tpu.memory_space<vmem>>
    %dma_start3A_374 = arith.constant 0 : i32
    %dma_start3A_375 = arith.constant 0 : i32
    %dma_start3A_376 = tpu.memref_slice %arg2[%dma_start3A_374, %dma_start3A_375] : memref<10000x128xf32, #tpu.memory_space<hbm>> -> memref<10000x128xf32, #tpu.memory_space<hbm>>
    tpu.enqueue_indirect_dma source(%dma_start3A_376 : memref<10000x128xf32, #tpu.memory_space<hbm>>) target(%arg12 : memref<64x128xf32, #tpu.memory_space<vmem>>) offsets(%dma_start3A_373 : memref<64xi32, #tpu.memory_space<vmem>>) semaphore(%arg14 : memref<!tpu.dma_semaphore, #tpu.memory_space<semaphore_mem>>)
    %dma_wait3A_377 = arith.constant 0 : i32
    %dma_wait3A_378 = arith.constant 0 : i32
    %dma_wait3A_379 = tpu.memref_slice %arg8[%dma_wait3A_377, %dma_wait3A_378] : memref<40x64xi32, #tpu.memory_space<vmem>> -> memref<1x64xi32, #tpu.memory_space<vmem>>
    %dma_wait3A_380 = tpu.memref_squeeze %dma_wait3A_379 : memref<1x64xi32, #tpu.memory_space<vmem>> -> memref<64xi32, #tpu.memory_space<vmem>>
    %dma_wait3A_381 = arith.constant 0 : i32
    %dma_wait3A_382 = arith.constant 0 : i32
    %dma_wait3A_383 = tpu.memref_slice %arg2[%dma_wait3A_381, %dma_wait3A_382] : memref<10000x128xf32, #tpu.memory_space<hbm>> -> memref<10000x128xf32, #tpu.memory_space<hbm>>
    tpu.wait_indirect_dma semaphore(%arg14 : memref<!tpu.dma_semaphore, #tpu.memory_space<semaphore_mem>>) src(%dma_wait3A_383 : memref<10000x128xf32, #tpu.memory_space<hbm>>) dst(%arg10 : memref<64x128xf32, #tpu.memory_space<vmem>>)
    %dma_start3A_384 = arith.constant 3 : i32
    %dma_start3A_385 = arith.constant 0 : i32
    %dma_start3A_386 = tpu.memref_slice %arg8[%dma_start3A_384, %dma_start3A_385] : memref<40x64xi32, #tpu.memory_space<vmem>> -> memref<1x64xi32, #tpu.memory_space<vmem>>
    %dma_start3A_387 = tpu.memref_squeeze %dma_start3A_386 : memref<1x64xi32, #tpu.memory_space<vmem>> -> memref<64xi32, #tpu.memory_space<vmem>>
    %dma_start3A_388 = arith.constant 0 : i32
    %dma_start3A_389 = arith.constant 0 : i32
    %dma_start3A_390 = tpu.memref_slice %arg2[%dma_start3A_388, %dma_start3A_389] : memref<10000x128xf32, #tpu.memory_space<hbm>> -> memref<10000x128xf32, #tpu.memory_space<hbm>>
    tpu.enqueue_indirect_dma source(%dma_start3A_390 : memref<10000x128xf32, #tpu.memory_space<hbm>>) target(%arg13 : memref<64x128xf32, #tpu.memory_space<vmem>>) offsets(%dma_start3A_387 : memref<64xi32, #tpu.memory_space<vmem>>) semaphore(%arg14 : memref<!tpu.dma_semaphore, #tpu.memory_space<semaphore_mem>>)
    %dma_start3A_391 = arith.constant 0 : i32
    %dma_start3A_392 = arith.constant 0 : i32
    %dma_start3A_393 = tpu.memref_slice %arg9[%dma_start3A_391, %dma_start3A_392] : memref<40x64xi32, #tpu.memory_space<vmem>> -> memref<1x64xi32, #tpu.memory_space<vmem>>
    %dma_start3A_394 = tpu.memref_squeeze %dma_start3A_393 : memref<1x64xi32, #tpu.memory_space<vmem>> -> memref<64xi32, #tpu.memory_space<vmem>>
    %dma_start3A_395 = arith.constant 0 : i32
    %dma_start3A_396 = arith.constant 0 : i32
    %dma_start3A_397 = tpu.memref_slice %arg7[%dma_start3A_395, %dma_start3A_396] : memref<10240x128xf32, #tpu.memory_space<vmem_shared>> -> memref<10240x128xf32, #tpu.memory_space<vmem_shared>>
    tpu.enqueue_indirect_dma source(%arg10 : memref<64x128xf32, #tpu.memory_space<vmem>>) target(%dma_start3A_397 : memref<10240x128xf32, #tpu.memory_space<vmem_shared>>) offsets(%dma_start3A_394 : memref<64xi32, #tpu.memory_space<vmem>>) semaphore(%arg15 : memref<!tpu.dma_semaphore, #tpu.memory_space<semaphore_mem>>) {add = true}
    %scan3A_398 = arith.constant 0 : i32
    %scan3A_399 = arith.constant 0 : i32
    %scan3A_400 = arith.constant 9 : i32
    %scan3A_401 = arith.addi %scan3A_399, %scan3A_400 : i32
    %scan3A_402 = arith.constant 1 : i32
    scf.for %scan3A_479 = %scan3A_399 to %scan3A_401 step %scan3A_402  : i32 {
      %mul3A_480 = arith.constant 4 : i32
      %mul3A_481 = arith.muli %mul3A_480, %scan3A_479 : i32
      %add3A_482 = arith.constant 1 : i32
      %add3A_483 = arith.addi %mul3A_481, %add3A_482 : i32
      %add3A_484 = arith.constant 0 : i32
      %add3A_485 = arith.addi %add3A_483, %add3A_484 : i32
      %dma_wait3A_486 = arith.constant 0 : i32
      %dma_wait3A_487 = tpu.memref_slice %arg8[%add3A_485, %dma_wait3A_486] : memref<40x64xi32, #tpu.memory_space<vmem>> -> memref<1x64xi32, #tpu.memory_space<vmem>>
      %dma_wait3A_488 = tpu.memref_squeeze %dma_wait3A_487 : memref<1x64xi32, #tpu.memory_space<vmem>> -> memref<64xi32, #tpu.memory_space<vmem>>
      %dma_wait3A_489 = arith.constant 0 : i32
      %dma_wait3A_490 = arith.constant 0 : i32
      %dma_wait3A_491 = tpu.memref_slice %arg2[%dma_wait3A_489, %dma_wait3A_490] : memref<10000x128xf32, #tpu.memory_space<hbm>> -> memref<10000x128xf32, #tpu.memory_space<hbm>>
      tpu.wait_indirect_dma semaphore(%arg14 : memref<!tpu.dma_semaphore, #tpu.memory_space<semaphore_mem>>) src(%dma_wait3A_491 : memref<10000x128xf32, #tpu.memory_space<hbm>>) dst(%arg11 : memref<64x128xf32, #tpu.memory_space<vmem>>)
      %sub3A = arith.constant 1 : i32
      %sub3A_492 = arith.subi %add3A_485, %sub3A : i32
      %dma_wait3A_493 = arith.constant 0 : i32
      %dma_wait3A_494 = tpu.memref_slice %arg9[%sub3A_492, %dma_wait3A_493] : memref<40x64xi32, #tpu.memory_space<vmem>> -> memref<1x64xi32, #tpu.memory_space<vmem>>
      %dma_wait3A_495 = tpu.memref_squeeze %dma_wait3A_494 : memref<1x64xi32, #tpu.memory_space<vmem>> -> memref<64xi32, #tpu.memory_space<vmem>>
      %dma_wait3A_496 = arith.constant 0 : i32
      %dma_wait3A_497 = arith.constant 0 : i32
      %dma_wait3A_498 = tpu.memref_slice %arg7[%dma_wait3A_496, %dma_wait3A_497] : memref<10240x128xf32, #tpu.memory_space<vmem_shared>> -> memref<10240x128xf32, #tpu.memory_space<vmem_shared>>
      tpu.wait_indirect_dma semaphore(%arg15 : memref<!tpu.dma_semaphore, #tpu.memory_space<semaphore_mem>>) src(%arg10 : memref<64x128xf32, #tpu.memory_space<vmem>>) dst(%dma_wait3A_498 : memref<10240x128xf32, #tpu.memory_space<vmem_shared>>)
      %add3A_499 = arith.constant 3 : i32
      %add3A_500 = arith.addi %add3A_485, %add3A_499 : i32
      %dma_start3A_501 = arith.constant 0 : i32
      %dma_start3A_502 = tpu.memref_slice %arg8[%add3A_500, %dma_start3A_501] : memref<40x64xi32, #tpu.memory_space<vmem>> -> memref<1x64xi32, #tpu.memory_space<vmem>>
      %dma_start3A_503 = tpu.memref_squeeze %dma_start3A_502 : memref<1x64xi32, #tpu.memory_space<vmem>> -> memref<64xi32, #tpu.memory_space<vmem>>
      %dma_start3A_504 = arith.constant 0 : i32
      %dma_start3A_505 = arith.constant 0 : i32
      %dma_start3A_506 = tpu.memref_slice %arg2[%dma_start3A_504, %dma_start3A_505] : memref<10000x128xf32, #tpu.memory_space<hbm>> -> memref<10000x128xf32, #tpu.memory_space<hbm>>
      tpu.enqueue_indirect_dma source(%dma_start3A_506 : memref<10000x128xf32, #tpu.memory_space<hbm>>) target(%arg10 : memref<64x128xf32, #tpu.memory_space<vmem>>) offsets(%dma_start3A_503 : memref<64xi32, #tpu.memory_space<vmem>>) semaphore(%arg14 : memref<!tpu.dma_semaphore, #tpu.memory_space<semaphore_mem>>)
      %dma_start3A_507 = arith.constant 0 : i32
      %dma_start3A_508 = tpu.memref_slice %arg9[%add3A_485, %dma_start3A_507] : memref<40x64xi32, #tpu.memory_space<vmem>> -> memref<1x64xi32, #tpu.memory_space<vmem>>
      %dma_start3A_509 = tpu.memref_squeeze %dma_start3A_508 : memref<1x64xi32, #tpu.memory_space<vmem>> -> memref<64xi32, #tpu.memory_space<vmem>>
      %dma_start3A_510 = arith.constant 0 : i32
      %dma_start3A_511 = arith.constant 0 : i32
      %dma_start3A_512 = tpu.memref_slice %arg7[%dma_start3A_510, %dma_start3A_511] : memref<10240x128xf32, #tpu.memory_space<vmem_shared>> -> memref<10240x128xf32, #tpu.memory_space<vmem_shared>>
      tpu.enqueue_indirect_dma source(%arg11 : memref<64x128xf32, #tpu.memory_space<vmem>>) target(%dma_start3A_512 : memref<10240x128xf32, #tpu.memory_space<vmem_shared>>) offsets(%dma_start3A_509 : memref<64xi32, #tpu.memory_space<vmem>>) semaphore(%arg15 : memref<!tpu.dma_semaphore, #tpu.memory_space<semaphore_mem>>) {add = true}
      %mul3A_513 = arith.constant 4 : i32
      %mul3A_514 = arith.muli %mul3A_513, %scan3A_479 : i32
      %add3A_515 = arith.constant 1 : i32
      %add3A_516 = arith.addi %mul3A_514, %add3A_515 : i32
      %add3A_517 = arith.constant 1 : i32
      %add3A_518 = arith.addi %add3A_516, %add3A_517 : i32
      %dma_wait3A_519 = arith.constant 0 : i32
      %dma_wait3A_520 = tpu.memref_slice %arg8[%add3A_518, %dma_wait3A_519] : memref<40x64xi32, #tpu.memory_space<vmem>> -> memref<1x64xi32, #tpu.memory_space<vmem>>
      %dma_wait3A_521 = tpu.memref_squeeze %dma_wait3A_520 : memref<1x64xi32, #tpu.memory_space<vmem>> -> memref<64xi32, #tpu.memory_space<vmem>>
      %dma_wait3A_522 = arith.constant 0 : i32
      %dma_wait3A_523 = arith.constant 0 : i32
      %dma_wait3A_524 = tpu.memref_slice %arg2[%dma_wait3A_522, %dma_wait3A_523] : memref<10000x128xf32, #tpu.memory_space<hbm>> -> memref<10000x128xf32, #tpu.memory_space<hbm>>
      tpu.wait_indirect_dma semaphore(%arg14 : memref<!tpu.dma_semaphore, #tpu.memory_space<semaphore_mem>>) src(%dma_wait3A_524 : memref<10000x128xf32, #tpu.memory_space<hbm>>) dst(%arg12 : memref<64x128xf32, #tpu.memory_space<vmem>>)
      %sub3A_525 = arith.constant 1 : i32
      %sub3A_526 = arith.subi %add3A_518, %sub3A_525 : i32
      %dma_wait3A_527 = arith.constant 0 : i32
      %dma_wait3A_528 = tpu.memref_slice %arg9[%sub3A_526, %dma_wait3A_527] : memref<40x64xi32, #tpu.memory_space<vmem>> -> memref<1x64xi32, #tpu.memory_space<vmem>>
      %dma_wait3A_529 = tpu.memref_squeeze %dma_wait3A_528 : memref<1x64xi32, #tpu.memory_space<vmem>> -> memref<64xi32, #tpu.memory_space<vmem>>
      %dma_wait3A_530 = arith.constant 0 : i32
      %dma_wait3A_531 = arith.constant 0 : i32
      %dma_wait3A_532 = tpu.memref_slice %arg7[%dma_wait3A_530, %dma_wait3A_531] : memref<10240x128xf32, #tpu.memory_space<vmem_shared>> -> memref<10240x128xf32, #tpu.memory_space<vmem_shared>>
      tpu.wait_indirect_dma semaphore(%arg15 : memref<!tpu.dma_semaphore, #tpu.memory_space<semaphore_mem>>) src(%arg11 : memref<64x128xf32, #tpu.memory_space<vmem>>) dst(%dma_wait3A_532 : memref<10240x128xf32, #tpu.memory_space<vmem_shared>>)
      %add3A_533 = arith.constant 3 : i32
      %add3A_534 = arith.addi %add3A_518, %add3A_533 : i32
      %dma_start3A_535 = arith.constant 0 : i32
      %dma_start3A_536 = tpu.memref_slice %arg8[%add3A_534, %dma_start3A_535] : memref<40x64xi32, #tpu.memory_space<vmem>> -> memref<1x64xi32, #tpu.memory_space<vmem>>
      %dma_start3A_537 = tpu.memref_squeeze %dma_start3A_536 : memref<1x64xi32, #tpu.memory_space<vmem>> -> memref<64xi32, #tpu.memory_space<vmem>>
      %dma_start3A_538 = arith.constant 0 : i32
      %dma_start3A_539 = arith.constant 0 : i32
      %dma_start3A_540 = tpu.memref_slice %arg2[%dma_start3A_538, %dma_start3A_539] : memref<10000x128xf32, #tpu.memory_space<hbm>> -> memref<10000x128xf32, #tpu.memory_space<hbm>>
      tpu.enqueue_indirect_dma source(%dma_start3A_540 : memref<10000x128xf32, #tpu.memory_space<hbm>>) target(%arg11 : memref<64x128xf32, #tpu.memory_space<vmem>>) offsets(%dma_start3A_537 : memref<64xi32, #tpu.memory_space<vmem>>) semaphore(%arg14 : memref<!tpu.dma_semaphore, #tpu.memory_space<semaphore_mem>>)
      %dma_start3A_541 = arith.constant 0 : i32
      %dma_start3A_542 = tpu.memref_slice %arg9[%add3A_518, %dma_start3A_541] : memref<40x64xi32, #tpu.memory_space<vmem>> -> memref<1x64xi32, #tpu.memory_space<vmem>>
      %dma_start3A_543 = tpu.memref_squeeze %dma_start3A_542 : memref<1x64xi32, #tpu.memory_space<vmem>> -> memref<64xi32, #tpu.memory_space<vmem>>
      %dma_start3A_544 = arith.constant 0 : i32
      %dma_start3A_545 = arith.constant 0 : i32
      %dma_start3A_546 = tpu.memref_slice %arg7[%dma_start3A_544, %dma_start3A_545] : memref<10240x128xf32, #tpu.memory_space<vmem_shared>> -> memref<10240x128xf32, #tpu.memory_space<vmem_shared>>
      tpu.enqueue_indirect_dma source(%arg12 : memref<64x128xf32, #tpu.memory_space<vmem>>) target(%dma_start3A_546 : memref<10240x128xf32, #tpu.memory_space<vmem_shared>>) offsets(%dma_start3A_543 : memref<64xi32, #tpu.memory_space<vmem>>) semaphore(%arg15 : memref<!tpu.dma_semaphore, #tpu.memory_space<semaphore_mem>>) {add = true}
      %mul3A_547 = arith.constant 4 : i32
      %mul3A_548 = arith.muli %mul3A_547, %scan3A_479 : i32
      %add3A_549 = arith.constant 1 : i32
      %add3A_550 = arith.addi %mul3A_548, %add3A_549 : i32
      %add3A_551 = arith.constant 2 : i32
      %add3A_552 = arith.addi %add3A_550, %add3A_551 : i32
      %dma_wait3A_553 = arith.constant 0 : i32
      %dma_wait3A_554 = tpu.memref_slice %arg8[%add3A_552, %dma_wait3A_553] : memref<40x64xi32, #tpu.memory_space<vmem>> -> memref<1x64xi32, #tpu.memory_space<vmem>>
      %dma_wait3A_555 = tpu.memref_squeeze %dma_wait3A_554 : memref<1x64xi32, #tpu.memory_space<vmem>> -> memref<64xi32, #tpu.memory_space<vmem>>
      %dma_wait3A_556 = arith.constant 0 : i32
      %dma_wait3A_557 = arith.constant 0 : i32
      %dma_wait3A_558 = tpu.memref_slice %arg2[%dma_wait3A_556, %dma_wait3A_557] : memref<10000x128xf32, #tpu.memory_space<hbm>> -> memref<10000x128xf32, #tpu.memory_space<hbm>>
      tpu.wait_indirect_dma semaphore(%arg14 : memref<!tpu.dma_semaphore, #tpu.memory_space<semaphore_mem>>) src(%dma_wait3A_558 : memref<10000x128xf32, #tpu.memory_space<hbm>>) dst(%arg13 : memref<64x128xf32, #tpu.memory_space<vmem>>)
      %sub3A_559 = arith.constant 1 : i32
      %sub3A_560 = arith.subi %add3A_552, %sub3A_559 : i32
      %dma_wait3A_561 = arith.constant 0 : i32
      %dma_wait3A_562 = tpu.memref_slice %arg9[%sub3A_560, %dma_wait3A_561] : memref<40x64xi32, #tpu.memory_space<vmem>> -> memref<1x64xi32, #tpu.memory_space<vmem>>
      %dma_wait3A_563 = tpu.memref_squeeze %dma_wait3A_562 : memref<1x64xi32, #tpu.memory_space<vmem>> -> memref<64xi32, #tpu.memory_space<vmem>>
      %dma_wait3A_564 = arith.constant 0 : i32
      %dma_wait3A_565 = arith.constant 0 : i32
      %dma_wait3A_566 = tpu.memref_slice %arg7[%dma_wait3A_564, %dma_wait3A_565] : memref<10240x128xf32, #tpu.memory_space<vmem_shared>> -> memref<10240x128xf32, #tpu.memory_space<vmem_shared>>
      tpu.wait_indirect_dma semaphore(%arg15 : memref<!tpu.dma_semaphore, #tpu.memory_space<semaphore_mem>>) src(%arg12 : memref<64x128xf32, #tpu.memory_space<vmem>>) dst(%dma_wait3A_566 : memref<10240x128xf32, #tpu.memory_space<vmem_shared>>)
      %add3A_567 = arith.constant 3 : i32
      %add3A_568 = arith.addi %add3A_552, %add3A_567 : i32
      %dma_start3A_569 = arith.constant 0 : i32
      %dma_start3A_570 = tpu.memref_slice %arg8[%add3A_568, %dma_start3A_569] : memref<40x64xi32, #tpu.memory_space<vmem>> -> memref<1x64xi32, #tpu.memory_space<vmem>>
      %dma_start3A_571 = tpu.memref_squeeze %dma_start3A_570 : memref<1x64xi32, #tpu.memory_space<vmem>> -> memref<64xi32, #tpu.memory_space<vmem>>
      %dma_start3A_572 = arith.constant 0 : i32
      %dma_start3A_573 = arith.constant 0 : i32
      %dma_start3A_574 = tpu.memref_slice %arg2[%dma_start3A_572, %dma_start3A_573] : memref<10000x128xf32, #tpu.memory_space<hbm>> -> memref<10000x128xf32, #tpu.memory_space<hbm>>
      tpu.enqueue_indirect_dma source(%dma_start3A_574 : memref<10000x128xf32, #tpu.memory_space<hbm>>) target(%arg12 : memref<64x128xf32, #tpu.memory_space<vmem>>) offsets(%dma_start3A_571 : memref<64xi32, #tpu.memory_space<vmem>>) semaphore(%arg14 : memref<!tpu.dma_semaphore, #tpu.memory_space<semaphore_mem>>)
      %dma_start3A_575 = arith.constant 0 : i32
      %dma_start3A_576 = tpu.memref_slice %arg9[%add3A_552, %dma_start3A_575] : memref<40x64xi32, #tpu.memory_space<vmem>> -> memref<1x64xi32, #tpu.memory_space<vmem>>
      %dma_start3A_577 = tpu.memref_squeeze %dma_start3A_576 : memref<1x64xi32, #tpu.memory_space<vmem>> -> memref<64xi32, #tpu.memory_space<vmem>>
      %dma_start3A_578 = arith.constant 0 : i32
      %dma_start3A_579 = arith.constant 0 : i32
      %dma_start3A_580 = tpu.memref_slice %arg7[%dma_start3A_578, %dma_start3A_579] : memref<10240x128xf32, #tpu.memory_space<vmem_shared>> -> memref<10240x128xf32, #tpu.memory_space<vmem_shared>>
      tpu.enqueue_indirect_dma source(%arg13 : memref<64x128xf32, #tpu.memory_space<vmem>>) target(%dma_start3A_580 : memref<10240x128xf32, #tpu.memory_space<vmem_shared>>) offsets(%dma_start3A_577 : memref<64xi32, #tpu.memory_space<vmem>>) semaphore(%arg15 : memref<!tpu.dma_semaphore, #tpu.memory_space<semaphore_mem>>) {add = true}
      %mul3A_581 = arith.constant 4 : i32
      %mul3A_582 = arith.muli %mul3A_581, %scan3A_479 : i32
      %add3A_583 = arith.constant 1 : i32
      %add3A_584 = arith.addi %mul3A_582, %add3A_583 : i32
      %add3A_585 = arith.constant 3 : i32
      %add3A_586 = arith.addi %add3A_584, %add3A_585 : i32
      %dma_wait3A_587 = arith.constant 0 : i32
      %dma_wait3A_588 = tpu.memref_slice %arg8[%add3A_586, %dma_wait3A_587] : memref<40x64xi32, #tpu.memory_space<vmem>> -> memref<1x64xi32, #tpu.memory_space<vmem>>
      %dma_wait3A_589 = tpu.memref_squeeze %dma_wait3A_588 : memref<1x64xi32, #tpu.memory_space<vmem>> -> memref<64xi32, #tpu.memory_space<vmem>>
      %dma_wait3A_590 = arith.constant 0 : i32
      %dma_wait3A_591 = arith.constant 0 : i32
      %dma_wait3A_592 = tpu.memref_slice %arg2[%dma_wait3A_590, %dma_wait3A_591] : memref<10000x128xf32, #tpu.memory_space<hbm>> -> memref<10000x128xf32, #tpu.memory_space<hbm>>
      tpu.wait_indirect_dma semaphore(%arg14 : memref<!tpu.dma_semaphore, #tpu.memory_space<semaphore_mem>>) src(%dma_wait3A_592 : memref<10000x128xf32, #tpu.memory_space<hbm>>) dst(%arg10 : memref<64x128xf32, #tpu.memory_space<vmem>>)
      %sub3A_593 = arith.constant 1 : i32
      %sub3A_594 = arith.subi %add3A_586, %sub3A_593 : i32
      %dma_wait3A_595 = arith.constant 0 : i32
      %dma_wait3A_596 = tpu.memref_slice %arg9[%sub3A_594, %dma_wait3A_595] : memref<40x64xi32, #tpu.memory_space<vmem>> -> memref<1x64xi32, #tpu.memory_space<vmem>>
      %dma_wait3A_597 = tpu.memref_squeeze %dma_wait3A_596 : memref<1x64xi32, #tpu.memory_space<vmem>> -> memref<64xi32, #tpu.memory_space<vmem>>
      %dma_wait3A_598 = arith.constant 0 : i32
      %dma_wait3A_599 = arith.constant 0 : i32
      %dma_wait3A_600 = tpu.memref_slice %arg7[%dma_wait3A_598, %dma_wait3A_599] : memref<10240x128xf32, #tpu.memory_space<vmem_shared>> -> memref<10240x128xf32, #tpu.memory_space<vmem_shared>>
      tpu.wait_indirect_dma semaphore(%arg15 : memref<!tpu.dma_semaphore, #tpu.memory_space<semaphore_mem>>) src(%arg13 : memref<64x128xf32, #tpu.memory_space<vmem>>) dst(%dma_wait3A_600 : memref<10240x128xf32, #tpu.memory_space<vmem_shared>>)
      %add3A_601 = arith.constant 3 : i32
      %add3A_602 = arith.addi %add3A_586, %add3A_601 : i32
      %dma_start3A_603 = arith.constant 0 : i32
      %dma_start3A_604 = tpu.memref_slice %arg8[%add3A_602, %dma_start3A_603] : memref<40x64xi32, #tpu.memory_space<vmem>> -> memref<1x64xi32, #tpu.memory_space<vmem>>
      %dma_start3A_605 = tpu.memref_squeeze %dma_start3A_604 : memref<1x64xi32, #tpu.memory_space<vmem>> -> memref<64xi32, #tpu.memory_space<vmem>>
      %dma_start3A_606 = arith.constant 0 : i32
      %dma_start3A_607 = arith.constant 0 : i32
      %dma_start3A_608 = tpu.memref_slice %arg2[%dma_start3A_606, %dma_start3A_607] : memref<10000x128xf32, #tpu.memory_space<hbm>> -> memref<10000x128xf32, #tpu.memory_space<hbm>>
      tpu.enqueue_indirect_dma source(%dma_start3A_608 : memref<10000x128xf32, #tpu.memory_space<hbm>>) target(%arg13 : memref<64x128xf32, #tpu.memory_space<vmem>>) offsets(%dma_start3A_605 : memref<64xi32, #tpu.memory_space<vmem>>) semaphore(%arg14 : memref<!tpu.dma_semaphore, #tpu.memory_space<semaphore_mem>>)
      %dma_start3A_609 = arith.constant 0 : i32
      %dma_start3A_610 = tpu.memref_slice %arg9[%add3A_586, %dma_start3A_609] : memref<40x64xi32, #tpu.memory_space<vmem>> -> memref<1x64xi32, #tpu.memory_space<vmem>>
      %dma_start3A_611 = tpu.memref_squeeze %dma_start3A_610 : memref<1x64xi32, #tpu.memory_space<vmem>> -> memref<64xi32, #tpu.memory_space<vmem>>
      %dma_start3A_612 = arith.constant 0 : i32
      %dma_start3A_613 = arith.constant 0 : i32
      %dma_start3A_614 = tpu.memref_slice %arg7[%dma_start3A_612, %dma_start3A_613] : memref<10240x128xf32, #tpu.memory_space<vmem_shared>> -> memref<10240x128xf32, #tpu.memory_space<vmem_shared>>
      tpu.enqueue_indirect_dma source(%arg10 : memref<64x128xf32, #tpu.memory_space<vmem>>) target(%dma_start3A_614 : memref<10240x128xf32, #tpu.memory_space<vmem_shared>>) offsets(%dma_start3A_611 : memref<64xi32, #tpu.memory_space<vmem>>) semaphore(%arg15 : memref<!tpu.dma_semaphore, #tpu.memory_space<semaphore_mem>>) {add = true}
    }
    %scan3A_403 = arith.constant 9 : i32
    %dma_wait3A_404 = arith.constant 37 : i32
    %dma_wait3A_405 = arith.constant 0 : i32
    %dma_wait3A_406 = tpu.memref_slice %arg8[%dma_wait3A_404, %dma_wait3A_405] : memref<40x64xi32, #tpu.memory_space<vmem>> -> memref<1x64xi32, #tpu.memory_space<vmem>>
    %dma_wait3A_407 = tpu.memref_squeeze %dma_wait3A_406 : memref<1x64xi32, #tpu.memory_space<vmem>> -> memref<64xi32, #tpu.memory_space<vmem>>
    %dma_wait3A_408 = arith.constant 0 : i32
    %dma_wait3A_409 = arith.constant 0 : i32
    %dma_wait3A_410 = tpu.memref_slice %arg2[%dma_wait3A_408, %dma_wait3A_409] : memref<10000x128xf32, #tpu.memory_space<hbm>> -> memref<10000x128xf32, #tpu.memory_space<hbm>>
    tpu.wait_indirect_dma semaphore(%arg14 : memref<!tpu.dma_semaphore, #tpu.memory_space<semaphore_mem>>) src(%dma_wait3A_410 : memref<10000x128xf32, #tpu.memory_space<hbm>>) dst(%arg11 : memref<64x128xf32, #tpu.memory_space<vmem>>)
    %dma_wait3A_411 = arith.constant 36 : i32
    %dma_wait3A_412 = arith.constant 0 : i32
    %dma_wait3A_413 = tpu.memref_slice %arg9[%dma_wait3A_411, %dma_wait3A_412] : memref<40x64xi32, #tpu.memory_space<vmem>> -> memref<1x64xi32, #tpu.memory_space<vmem>>
    %dma_wait3A_414 = tpu.memref_squeeze %dma_wait3A_413 : memref<1x64xi32, #tpu.memory_space<vmem>> -> memref<64xi32, #tpu.memory_space<vmem>>
    %dma_wait3A_415 = arith.constant 0 : i32
    %dma_wait3A_416 = arith.constant 0 : i32
    %dma_wait3A_417 = tpu.memref_slice %arg7[%dma_wait3A_415, %dma_wait3A_416] : memref<10240x128xf32, #tpu.memory_space<vmem_shared>> -> memref<10240x128xf32, #tpu.memory_space<vmem_shared>>
    tpu.wait_indirect_dma semaphore(%arg15 : memref<!tpu.dma_semaphore, #tpu.memory_space<semaphore_mem>>) src(%arg10 : memref<64x128xf32, #tpu.memory_space<vmem>>) dst(%dma_wait3A_417 : memref<10240x128xf32, #tpu.memory_space<vmem_shared>>)
    %dma_start3A_418 = arith.constant 37 : i32
    %dma_start3A_419 = arith.constant 0 : i32
    %dma_start3A_420 = tpu.memref_slice %arg9[%dma_start3A_418, %dma_start3A_419] : memref<40x64xi32, #tpu.memory_space<vmem>> -> memref<1x64xi32, #tpu.memory_space<vmem>>
    %dma_start3A_421 = tpu.memref_squeeze %dma_start3A_420 : memref<1x64xi32, #tpu.memory_space<vmem>> -> memref<64xi32, #tpu.memory_space<vmem>>
    %dma_start3A_422 = arith.constant 0 : i32
    %dma_start3A_423 = arith.constant 0 : i32
    %dma_start3A_424 = tpu.memref_slice %arg7[%dma_start3A_422, %dma_start3A_423] : memref<10240x128xf32, #tpu.memory_space<vmem_shared>> -> memref<10240x128xf32, #tpu.memory_space<vmem_shared>>
    tpu.enqueue_indirect_dma source(%arg11 : memref<64x128xf32, #tpu.memory_space<vmem>>) target(%dma_start3A_424 : memref<10240x128xf32, #tpu.memory_space<vmem_shared>>) offsets(%dma_start3A_421 : memref<64xi32, #tpu.memory_space<vmem>>) semaphore(%arg15 : memref<!tpu.dma_semaphore, #tpu.memory_space<semaphore_mem>>) {add = true}
    %dma_wait3A_425 = arith.constant 38 : i32
    %dma_wait3A_426 = arith.constant 0 : i32
    %dma_wait3A_427 = tpu.memref_slice %arg8[%dma_wait3A_425, %dma_wait3A_426] : memref<40x64xi32, #tpu.memory_space<vmem>> -> memref<1x64xi32, #tpu.memory_space<vmem>>
    %dma_wait3A_428 = tpu.memref_squeeze %dma_wait3A_427 : memref<1x64xi32, #tpu.memory_space<vmem>> -> memref<64xi32, #tpu.memory_space<vmem>>
    %dma_wait3A_429 = arith.constant 0 : i32
    %dma_wait3A_430 = arith.constant 0 : i32
    %dma_wait3A_431 = tpu.memref_slice %arg2[%dma_wait3A_429, %dma_wait3A_430] : memref<10000x128xf32, #tpu.memory_space<hbm>> -> memref<10000x128xf32, #tpu.memory_space<hbm>>
    tpu.wait_indirect_dma semaphore(%arg14 : memref<!tpu.dma_semaphore, #tpu.memory_space<semaphore_mem>>) src(%dma_wait3A_431 : memref<10000x128xf32, #tpu.memory_space<hbm>>) dst(%arg12 : memref<64x128xf32, #tpu.memory_space<vmem>>)
    %dma_wait3A_432 = arith.constant 37 : i32
    %dma_wait3A_433 = arith.constant 0 : i32
    %dma_wait3A_434 = tpu.memref_slice %arg9[%dma_wait3A_432, %dma_wait3A_433] : memref<40x64xi32, #tpu.memory_space<vmem>> -> memref<1x64xi32, #tpu.memory_space<vmem>>
    %dma_wait3A_435 = tpu.memref_squeeze %dma_wait3A_434 : memref<1x64xi32, #tpu.memory_space<vmem>> -> memref<64xi32, #tpu.memory_space<vmem>>
    %dma_wait3A_436 = arith.constant 0 : i32
    %dma_wait3A_437 = arith.constant 0 : i32
    %dma_wait3A_438 = tpu.memref_slice %arg7[%dma_wait3A_436, %dma_wait3A_437] : memref<10240x128xf32, #tpu.memory_space<vmem_shared>> -> memref<10240x128xf32, #tpu.memory_space<vmem_shared>>
    tpu.wait_indirect_dma semaphore(%arg15 : memref<!tpu.dma_semaphore, #tpu.memory_space<semaphore_mem>>) src(%arg11 : memref<64x128xf32, #tpu.memory_space<vmem>>) dst(%dma_wait3A_438 : memref<10240x128xf32, #tpu.memory_space<vmem_shared>>)
    %dma_start3A_439 = arith.constant 38 : i32
    %dma_start3A_440 = arith.constant 0 : i32
    %dma_start3A_441 = tpu.memref_slice %arg9[%dma_start3A_439, %dma_start3A_440] : memref<40x64xi32, #tpu.memory_space<vmem>> -> memref<1x64xi32, #tpu.memory_space<vmem>>
    %dma_start3A_442 = tpu.memref_squeeze %dma_start3A_441 : memref<1x64xi32, #tpu.memory_space<vmem>> -> memref<64xi32, #tpu.memory_space<vmem>>
    %dma_start3A_443 = arith.constant 0 : i32
    %dma_start3A_444 = arith.constant 0 : i32
    %dma_start3A_445 = tpu.memref_slice %arg7[%dma_start3A_443, %dma_start3A_444] : memref<10240x128xf32, #tpu.memory_space<vmem_shared>> -> memref<10240x128xf32, #tpu.memory_space<vmem_shared>>
    tpu.enqueue_indirect_dma source(%arg12 : memref<64x128xf32, #tpu.memory_space<vmem>>) target(%dma_start3A_445 : memref<10240x128xf32, #tpu.memory_space<vmem_shared>>) offsets(%dma_start3A_442 : memref<64xi32, #tpu.memory_space<vmem>>) semaphore(%arg15 : memref<!tpu.dma_semaphore, #tpu.memory_space<semaphore_mem>>) {add = true}
    %dma_wait3A_446 = arith.constant 39 : i32
    %dma_wait3A_447 = arith.constant 0 : i32
    %dma_wait3A_448 = tpu.memref_slice %arg8[%dma_wait3A_446, %dma_wait3A_447] : memref<40x64xi32, #tpu.memory_space<vmem>> -> memref<1x64xi32, #tpu.memory_space<vmem>>
    %dma_wait3A_449 = tpu.memref_squeeze %dma_wait3A_448 : memref<1x64xi32, #tpu.memory_space<vmem>> -> memref<64xi32, #tpu.memory_space<vmem>>
    %dma_wait3A_450 = arith.constant 0 : i32
    %dma_wait3A_451 = arith.constant 0 : i32
    %dma_wait3A_452 = tpu.memref_slice %arg2[%dma_wait3A_450, %dma_wait3A_451] : memref<10000x128xf32, #tpu.memory_space<hbm>> -> memref<10000x128xf32, #tpu.memory_space<hbm>>
    tpu.wait_indirect_dma semaphore(%arg14 : memref<!tpu.dma_semaphore, #tpu.memory_space<semaphore_mem>>) src(%dma_wait3A_452 : memref<10000x128xf32, #tpu.memory_space<hbm>>) dst(%arg13 : memref<64x128xf32, #tpu.memory_space<vmem>>)
    %dma_wait3A_453 = arith.constant 38 : i32
    %dma_wait3A_454 = arith.constant 0 : i32
    %dma_wait3A_455 = tpu.memref_slice %arg9[%dma_wait3A_453, %dma_wait3A_454] : memref<40x64xi32, #tpu.memory_space<vmem>> -> memref<1x64xi32, #tpu.memory_space<vmem>>
    %dma_wait3A_456 = tpu.memref_squeeze %dma_wait3A_455 : memref<1x64xi32, #tpu.memory_space<vmem>> -> memref<64xi32, #tpu.memory_space<vmem>>
    %dma_wait3A_457 = arith.constant 0 : i32
    %dma_wait3A_458 = arith.constant 0 : i32
    %dma_wait3A_459 = tpu.memref_slice %arg7[%dma_wait3A_457, %dma_wait3A_458] : memref<10240x128xf32, #tpu.memory_space<vmem_shared>> -> memref<10240x128xf32, #tpu.memory_space<vmem_shared>>
    tpu.wait_indirect_dma semaphore(%arg15 : memref<!tpu.dma_semaphore, #tpu.memory_space<semaphore_mem>>) src(%arg12 : memref<64x128xf32, #tpu.memory_space<vmem>>) dst(%dma_wait3A_459 : memref<10240x128xf32, #tpu.memory_space<vmem_shared>>)
    %dma_start3A_460 = arith.constant 39 : i32
    %dma_start3A_461 = arith.constant 0 : i32
    %dma_start3A_462 = tpu.memref_slice %arg9[%dma_start3A_460, %dma_start3A_461] : memref<40x64xi32, #tpu.memory_space<vmem>> -> memref<1x64xi32, #tpu.memory_space<vmem>>
    %dma_start3A_463 = tpu.memref_squeeze %dma_start3A_462 : memref<1x64xi32, #tpu.memory_space<vmem>> -> memref<64xi32, #tpu.memory_space<vmem>>
    %dma_start3A_464 = arith.constant 0 : i32
    %dma_start3A_465 = arith.constant 0 : i32
    %dma_start3A_466 = tpu.memref_slice %arg7[%dma_start3A_464, %dma_start3A_465] : memref<10240x128xf32, #tpu.memory_space<vmem_shared>> -> memref<10240x128xf32, #tpu.memory_space<vmem_shared>>
    tpu.enqueue_indirect_dma source(%arg13 : memref<64x128xf32, #tpu.memory_space<vmem>>) target(%dma_start3A_466 : memref<10240x128xf32, #tpu.memory_space<vmem_shared>>) offsets(%dma_start3A_463 : memref<64xi32, #tpu.memory_space<vmem>>) semaphore(%arg15 : memref<!tpu.dma_semaphore, #tpu.memory_space<semaphore_mem>>) {add = true}
    %dma_wait3A_467 = arith.constant 39 : i32
    %dma_wait3A_468 = arith.constant 0 : i32
    %dma_wait3A_469 = tpu.memref_slice %arg9[%dma_wait3A_467, %dma_wait3A_468] : memref<40x64xi32, #tpu.memory_space<vmem>> -> memref<1x64xi32, #tpu.memory_space<vmem>>
    %dma_wait3A_470 = tpu.memref_squeeze %dma_wait3A_469 : memref<1x64xi32, #tpu.memory_space<vmem>> -> memref<64xi32, #tpu.memory_space<vmem>>
    %dma_wait3A_471 = arith.constant 0 : i32
    %dma_wait3A_472 = arith.constant 0 : i32
    %dma_wait3A_473 = tpu.memref_slice %arg7[%dma_wait3A_471, %dma_wait3A_472] : memref<10240x128xf32, #tpu.memory_space<vmem_shared>> -> memref<10240x128xf32, #tpu.memory_space<vmem_shared>>
    tpu.wait_indirect_dma semaphore(%arg15 : memref<!tpu.dma_semaphore, #tpu.memory_space<semaphore_mem>>) src(%arg13 : memref<64x128xf32, #tpu.memory_space<vmem>>) dst(%dma_wait3A_473 : memref<10240x128xf32, #tpu.memory_space<vmem_shared>>)
    %barrier3A_474 = arith.constant 0 : index
    tpu.barrier barrier_id(%barrier3A_474)
    %mul3A_475 = arith.constant 640 : i32
    %mul3A_476 = arith.muli %arg1, %mul3A_475 : i32
    %mul3A_477 = arith.constant 640 : i32
    %mul3A_478 = arith.muli %arg1, %mul3A_477 : i32
    "tpu.region"() ({
      %run_scoped3A = tpu.sem_alloc : memref<!tpu.dma_semaphore, #tpu.memory_space<semaphore_mem>>
      %dma_start3A_479 = arith.constant 0 : i32
      %dma_start3A_480 = arith.constant 0 : i32
      %dma_start3A_481 = tpu.memref_slice %arg6[%arg0, %dma_start3A_479, %dma_start3A_480] : memref<2x10240x128xf32, #tpu.memory_space<hbm>> -> memref<1x10240x128xf32, #tpu.memory_space<hbm>>
      %dma_start3A_482 = tpu.memref_squeeze %dma_start3A_481 : memref<1x10240x128xf32, #tpu.memory_space<hbm>> -> memref<10240x128xf32, #tpu.memory_space<hbm>>
      %dma_start3A_483 = arith.constant 0 : i32
      %dma_start3A_484 = tpu.memref_slice %dma_start3A_482[%mul3A_478, %dma_start3A_483] : memref<10240x128xf32, #tpu.memory_space<hbm>> -> memref<640x128xf32, #tpu.memory_space<hbm>>
      %dma_start3A_485 = arith.constant 0 : i32
      %dma_start3A_486 = tpu.memref_slice %arg7[%mul3A_476, %dma_start3A_485] : memref<10240x128xf32, #tpu.memory_space<vmem_shared>> -> memref<640x128xf32, #tpu.memory_space<vmem_shared>>
      tpu.enqueue_dma source(%dma_start3A_486 : memref<640x128xf32, #tpu.memory_space<vmem_shared>>) target(%dma_start3A_484 : memref<640x128xf32, #tpu.memory_space<hbm>>) target_semaphore(%run_scoped3A : memref<!tpu.dma_semaphore, #tpu.memory_space<semaphore_mem>>)
      %dma_wait3A_487 = arith.constant 0 : i32
      %dma_wait3A_488 = arith.constant 0 : i32
      %dma_wait3A_489 = tpu.memref_slice %arg6[%arg0, %dma_wait3A_487, %dma_wait3A_488] : memref<2x10240x128xf32, #tpu.memory_space<hbm>> -> memref<1x10240x128xf32, #tpu.memory_space<hbm>>
      %dma_wait3A_490 = tpu.memref_squeeze %dma_wait3A_489 : memref<1x10240x128xf32, #tpu.memory_space<hbm>> -> memref<10240x128xf32, #tpu.memory_space<hbm>>
      %dma_wait3A_491 = arith.constant 0 : i32
      %dma_wait3A_492 = tpu.memref_slice %dma_wait3A_490[%mul3A_478, %dma_wait3A_491] : memref<10240x128xf32, #tpu.memory_space<hbm>> -> memref<640x128xf32, #tpu.memory_space<hbm>>
      %dma_wait3A_493 = arith.constant 0 : i32
      %dma_wait3A_494 = tpu.memref_slice %arg7[%mul3A_476, %dma_wait3A_493] : memref<10240x128xf32, #tpu.memory_space<vmem_shared>> -> memref<640x128xf32, #tpu.memory_space<vmem_shared>>
      tpu.wait_dma2 semaphore(%run_scoped3A : memref<!tpu.dma_semaphore, #tpu.memory_space<semaphore_mem>>) src(%dma_wait3A_494 : memref<640x128xf32, #tpu.memory_space<vmem_shared>>) dst(%dma_wait3A_492 : memref<640x128xf32, #tpu.memory_space<hbm>>)
      tpu.yield
    }) : () -> ()
    return
  }
}

module attributes {stable_mosaic.version = 14 : i64} {
  func.func @body(%arg0: i32, %arg1: memref<400x128xf32, #tpu.memory_space<vmem>>, %arg2: memref<128x128xf32, #tpu.memory_space<vmem>>, %arg3: memref<2x400x128xf32, #tpu.memory_space<vmem>>, %arg4: memref<400x128xf32, #tpu.memory_space<vmem>>, %arg5: memref<400x8xf32, #tpu.memory_space<vmem>>) attributes {dimension_semantics = [#tpu.dimension_semantics<arbitrary>], iteration_bounds = array<i64: 25>, scalar_prefetch = 0 : i64, scratch_operands = 0 : i64, tpu.core_type = #tpu.core_type<tc>, window_params = [{transform_indices = @transform_0, window_bounds = array<i64: 400, 128>}, {pipeline_mode = #tpu.pipeline_mode<synchronous>, transform_indices = @transform_1, window_bounds = array<i64: 128, 128>}, {transform_indices = @transform_2, window_bounds = array<i64: 2, 400, 128>}, {transform_indices = @transform_3, window_bounds = array<i64: 400, 128>}, {transform_indices = @transform_4, window_bounds = array<i64: 400, 8>}]} {
    %get3A = arith.constant 0 : index
    %get3A_0 = arith.constant 0 : index
    %get3A_1 = vector.load %arg1[%get3A, %get3A_0] : memref<400x128xf32, #tpu.memory_space<vmem>>, vector<400x128xf32>
    %get3A_2 = arith.constant 0 : index
    %get3A_3 = arith.constant 0 : index
    %get3A_4 = vector.load %arg2[%get3A_2, %get3A_3] : memref<128x128xf32, #tpu.memory_space<vmem>>, vector<128x128xf32>
    %dot_general3A = arith.constant dense<0.000000e+00> : vector<400x128xf32>
    %dot_general3A_5 = tpu.matmul %get3A_1, %get3A_4, %dot_general3A {dimension_numbers = #tpu.dot_dimension_numbers<[1], [0], [0], [1], [0, 0, 1, 1], [], []>, transpose_lhs_hint = false} : vector<400x128xf32>, vector<128x128xf32>, vector<400x128xf32> -> vector<400x128xf32>
    %get3A_6 = arith.constant 0 : index
    %get3A_7 = arith.constant 0 : index
    %get3A_8 = arith.constant 0 : index
    %get3A_9 = vector.load %arg3[%get3A_6, %get3A_7, %get3A_8] : memref<2x400x128xf32, #tpu.memory_space<vmem>>, vector<1x400x128xf32>
    %get3A_10 = vector.shape_cast %get3A_9 : vector<1x400x128xf32> to vector<400x128xf32>
    %slice3A = vector.extract_strided_slice %get3A_10 {offsets = [0, 0], sizes = [400, 1], strides = [1, 1]} : vector<400x128xf32> to vector<400x1xf32>
    %get3A_11 = arith.constant 1 : index
    %get3A_12 = arith.constant 0 : index
    %get3A_13 = arith.constant 0 : index
    %get3A_14 = vector.load %arg3[%get3A_11, %get3A_12, %get3A_13] : memref<2x400x128xf32, #tpu.memory_space<vmem>>, vector<1x400x128xf32>
    %get3A_15 = vector.shape_cast %get3A_14 : vector<1x400x128xf32> to vector<400x128xf32>
    %slice3A_16 = vector.extract_strided_slice %get3A_15 {offsets = [0, 0], sizes = [400, 1], strides = [1, 1]} : vector<400x128xf32> to vector<400x1xf32>
    %add3A = arith.addf %slice3A, %slice3A_16 : vector<400x1xf32>
    %add3A_17 = arith.constant 1.000000e+00 : f32
    %add3A_18 = vector.broadcast %add3A_17 : f32 to vector<400x1xf32>
    %add3A_19 = arith.addf %add3A, %add3A_18 : vector<400x1xf32>
    %rsqrt3A = math.rsqrt %add3A_19 : vector<400x1xf32>
    %mul3A = vector.broadcast %rsqrt3A : vector<400x1xf32> to vector<400x128xf32>
    %mul3A_20 = arith.mulf %dot_general3A_5, %mul3A : vector<400x128xf32>
    %swap3A = arith.constant 0 : index
    %swap3A_21 = arith.constant 0 : index
    %swap3A_22 = vector.load %arg4[%swap3A, %swap3A_21] : memref<400x128xf32, #tpu.memory_space<vmem>>, vector<400x128xf32>
    tpu.vector_store %arg4[%swap3A, %swap3A_21], %mul3A_20 {strides = array<i32>} : memref<400x128xf32, #tpu.memory_space<vmem>>, vector<400x128xf32>,
    %broadcast_in_dim3A = vector.shape_cast %rsqrt3A : vector<400x1xf32> to vector<400x1xf32>
    %broadcast_in_dim3A_23 = vector.broadcast %broadcast_in_dim3A : vector<400x1xf32> to vector<400x8xf32>
    %swap3A_24 = arith.constant 0 : index
    %swap3A_25 = arith.constant 0 : index
    %swap3A_26 = vector.load %arg5[%swap3A_24, %swap3A_25] : memref<400x8xf32, #tpu.memory_space<vmem>>, vector<400x8xf32>
    tpu.vector_store %arg5[%swap3A_24, %swap3A_25], %broadcast_in_dim3A_23 {strides = array<i32>} : memref<400x8xf32, #tpu.memory_space<vmem>>, vector<400x8xf32>,
    return
  }
  func.func @transform_0(%arg0: i32) -> (i32, i32) {
    %c0_i32 = arith.constant 0 : i32
    %c0_i32_0 = arith.constant 0 : i32
    return %arg0, %c0_i32 : i32, i32
  }
  func.func @transform_1(%arg0: i32) -> (i32, i32) {
    %c0_i32 = arith.constant 0 : i32
    %c0_i32_0 = arith.constant 0 : i32
    %c0_i32_1 = arith.constant 0 : i32
    return %c0_i32, %c0_i32_0 : i32, i32
  }
  func.func @transform_2(%arg0: i32) -> (i32, i32, i32) {
    %c0_i32 = arith.constant 0 : i32
    %c0_i32_0 = arith.constant 0 : i32
    %c0_i32_1 = arith.constant 0 : i32
    return %c0_i32, %arg0, %c0_i32_0 : i32, i32, i32
  }
  func.func @transform_3(%arg0: i32) -> (i32, i32) {
    %c0_i32 = arith.constant 0 : i32
    %c0_i32_0 = arith.constant 0 : i32
    return %arg0, %c0_i32 : i32, i32
  }
  func.func @transform_4(%arg0: i32) -> (i32, i32) {
    %c0_i32 = arith.constant 0 : i32
    %c0_i32_0 = arith.constant 0 : i32
    return %arg0, %c0_i32 : i32, i32
  }
}

module attributes {stable_mosaic.version = 14 : i64} {
  func.func @body(%arg0: i32, %arg1: memref<2x400x128xf32, #tpu.memory_space<vmem>>, %arg2: memref<400x128xf32, #tpu.memory_space<vmem>>, %arg3: memref<1x128xf32, #tpu.memory_space<vmem>>, %arg4: memref<128x128xf32, #tpu.memory_space<vmem>>, %arg5: memref<400x8xf32, #tpu.memory_space<vmem>>, %arg6: memref<400x128xf32, #tpu.memory_space<vmem>>) attributes {dimension_semantics = [#tpu.dimension_semantics<arbitrary>], iteration_bounds = array<i64: 25>, scalar_prefetch = 0 : i64, scratch_operands = 0 : i64, tpu.core_type = #tpu.core_type<tc>, window_params = [{transform_indices = @transform_0, window_bounds = array<i64: 2, 400, 128>}, {transform_indices = @transform_1, window_bounds = array<i64: 400, 128>}, {pipeline_mode = #tpu.pipeline_mode<synchronous>, transform_indices = @transform_2, window_bounds = array<i64: 1, 128>}, {pipeline_mode = #tpu.pipeline_mode<synchronous>, transform_indices = @transform_3, window_bounds = array<i64: 128, 128>}, {transform_indices = @transform_4, window_bounds = array<i64: 400, 8>}, {transform_indices = @transform_5, window_bounds = array<i64: 400, 128>}]} {
    %get3A = arith.constant 0 : index
    %get3A_0 = arith.constant 0 : index
    %get3A_1 = vector.load %arg5[%get3A, %get3A_0] : memref<400x8xf32, #tpu.memory_space<vmem>>, vector<400x1xf32>
    %get3A_2 = arith.constant 0 : index
    %get3A_3 = arith.constant 0 : index
    %get3A_4 = arith.constant 0 : index
    %get3A_5 = vector.load %arg1[%get3A_2, %get3A_3, %get3A_4] : memref<2x400x128xf32, #tpu.memory_space<vmem>>, vector<1x400x128xf32>
    %get3A_6 = vector.shape_cast %get3A_5 : vector<1x400x128xf32> to vector<400x128xf32>
    %get3A_7 = arith.constant 1 : index
    %get3A_8 = arith.constant 0 : index
    %get3A_9 = arith.constant 0 : index
    %get3A_10 = vector.load %arg1[%get3A_7, %get3A_8, %get3A_9] : memref<2x400x128xf32, #tpu.memory_space<vmem>>, vector<1x400x128xf32>
    %get3A_11 = vector.shape_cast %get3A_10 : vector<1x400x128xf32> to vector<400x128xf32>
    %add3A = arith.addf %get3A_6, %get3A_11 : vector<400x128xf32>
    %get3A_12 = arith.constant 0 : index
    %get3A_13 = arith.constant 0 : index
    %get3A_14 = vector.load %arg2[%get3A_12, %get3A_13] : memref<400x128xf32, #tpu.memory_space<vmem>>, vector<400x128xf32>
    %add3A_15 = arith.addf %add3A, %get3A_14 : vector<400x128xf32>
    %mul3A = vector.broadcast %get3A_1 : vector<400x1xf32> to vector<400x128xf32>
    %mul3A_16 = arith.mulf %add3A_15, %mul3A : vector<400x128xf32>
    %get3A_17 = arith.constant 0 : index
    %get3A_18 = arith.constant 0 : index
    %get3A_19 = vector.load %arg3[%get3A_17, %get3A_18] : memref<1x128xf32, #tpu.memory_space<vmem>>, vector<1x128xf32>
    %add3A_20 = vector.broadcast %get3A_19 : vector<1x128xf32> to vector<400x128xf32>
    %add3A_21 = arith.addf %mul3A_16, %add3A_20 : vector<400x128xf32>
    %max3A = arith.constant 0.000000e+00 : f32
    %max3A_22 = vector.broadcast %max3A : f32 to vector<400x128xf32>
    %max3A_23 = arith.maximumf %add3A_21, %max3A_22 : vector<400x128xf32>
    %get3A_24 = arith.constant 0 : index
    %get3A_25 = arith.constant 0 : index
    %get3A_26 = vector.load %arg4[%get3A_24, %get3A_25] : memref<128x128xf32, #tpu.memory_space<vmem>>, vector<128x128xf32>
    %dot_general3A = arith.constant dense<0.000000e+00> : vector<400x128xf32>
    %dot_general3A_27 = tpu.matmul %max3A_23, %get3A_26, %dot_general3A {dimension_numbers = #tpu.dot_dimension_numbers<[1], [0], [0], [1], [0, 0, 1, 1], [], []>, transpose_lhs_hint = false} : vector<400x128xf32>, vector<128x128xf32>, vector<400x128xf32> -> vector<400x128xf32>
    %mul3A_28 = vector.broadcast %get3A_1 : vector<400x1xf32> to vector<400x128xf32>
    %mul3A_29 = arith.mulf %dot_general3A_27, %mul3A_28 : vector<400x128xf32>
    %swap3A = arith.constant 0 : index
    %swap3A_30 = arith.constant 0 : index
    %swap3A_31 = vector.load %arg6[%swap3A, %swap3A_30] : memref<400x128xf32, #tpu.memory_space<vmem>>, vector<400x128xf32>
    tpu.vector_store %arg6[%swap3A, %swap3A_30], %mul3A_29 {strides = array<i32>} : memref<400x128xf32, #tpu.memory_space<vmem>>, vector<400x128xf32>,
    return
  }
  func.func @transform_0(%arg0: i32) -> (i32, i32, i32) {
    %c0_i32 = arith.constant 0 : i32
    %c0_i32_0 = arith.constant 0 : i32
    %c0_i32_1 = arith.constant 0 : i32
    return %c0_i32, %arg0, %c0_i32_0 : i32, i32, i32
  }
  func.func @transform_1(%arg0: i32) -> (i32, i32) {
    %c0_i32 = arith.constant 0 : i32
    %c0_i32_0 = arith.constant 0 : i32
    return %arg0, %c0_i32 : i32, i32
  }
  func.func @transform_2(%arg0: i32) -> (i32, i32) {
    %c0_i32 = arith.constant 0 : i32
    %c0_i32_0 = arith.constant 0 : i32
    %c0_i32_1 = arith.constant 0 : i32
    return %c0_i32, %c0_i32_0 : i32, i32
  }
  func.func @transform_3(%arg0: i32) -> (i32, i32) {
    %c0_i32 = arith.constant 0 : i32
    %c0_i32_0 = arith.constant 0 : i32
    %c0_i32_1 = arith.constant 0 : i32
    return %c0_i32, %c0_i32_0 : i32, i32
  }
  func.func @transform_4(%arg0: i32) -> (i32, i32) {
    %c0_i32 = arith.constant 0 : i32
    %c0_i32_0 = arith.constant 0 : i32
    return %arg0, %c0_i32 : i32, i32
  }
  func.func @transform_5(%arg0: i32) -> (i32, i32) {
    %c0_i32 = arith.constant 0 : i32
    %c0_i32_0 = arith.constant 0 : i32
    return %arg0, %c0_i32 : i32, i32
  }
}

module attributes {stable_mosaic.version = 14 : i64} {
  func.func @body(%arg0: i32, %arg1: memref<2x400x128xf32, #tpu.memory_space<vmem>>, %arg2: memref<400x128xf32, #tpu.memory_space<vmem>>, %arg3: memref<1x128xf32, #tpu.memory_space<vmem>>, %arg4: memref<400x8xf32, #tpu.memory_space<vmem>>, %arg5: memref<400x128xf32, #tpu.memory_space<vmem>>) attributes {dimension_semantics = [#tpu.dimension_semantics<arbitrary>], iteration_bounds = array<i64: 25>, scalar_prefetch = 0 : i64, scratch_operands = 0 : i64, tpu.core_type = #tpu.core_type<tc>, window_params = [{transform_indices = @transform_0, window_bounds = array<i64: 2, 400, 128>}, {transform_indices = @transform_1, window_bounds = array<i64: 400, 128>}, {pipeline_mode = #tpu.pipeline_mode<synchronous>, transform_indices = @transform_2, window_bounds = array<i64: 1, 128>}, {transform_indices = @transform_3, window_bounds = array<i64: 400, 8>}, {transform_indices = @transform_4, window_bounds = array<i64: 400, 128>}]} {
    %get3A = arith.constant 0 : index
    %get3A_0 = arith.constant 0 : index
    %get3A_1 = vector.load %arg4[%get3A, %get3A_0] : memref<400x8xf32, #tpu.memory_space<vmem>>, vector<400x1xf32>
    %get3A_2 = arith.constant 0 : index
    %get3A_3 = arith.constant 0 : index
    %get3A_4 = arith.constant 0 : index
    %get3A_5 = vector.load %arg1[%get3A_2, %get3A_3, %get3A_4] : memref<2x400x128xf32, #tpu.memory_space<vmem>>, vector<1x400x128xf32>
    %get3A_6 = vector.shape_cast %get3A_5 : vector<1x400x128xf32> to vector<400x128xf32>
    %get3A_7 = arith.constant 1 : index
    %get3A_8 = arith.constant 0 : index
    %get3A_9 = arith.constant 0 : index
    %get3A_10 = vector.load %arg1[%get3A_7, %get3A_8, %get3A_9] : memref<2x400x128xf32, #tpu.memory_space<vmem>>, vector<1x400x128xf32>
    %get3A_11 = vector.shape_cast %get3A_10 : vector<1x400x128xf32> to vector<400x128xf32>
    %add3A = arith.addf %get3A_6, %get3A_11 : vector<400x128xf32>
    %get3A_12 = arith.constant 0 : index
    %get3A_13 = arith.constant 0 : index
    %get3A_14 = vector.load %arg2[%get3A_12, %get3A_13] : memref<400x128xf32, #tpu.memory_space<vmem>>, vector<400x128xf32>
    %add3A_15 = arith.addf %add3A, %get3A_14 : vector<400x128xf32>
    %mul3A = vector.broadcast %get3A_1 : vector<400x1xf32> to vector<400x128xf32>
    %mul3A_16 = arith.mulf %add3A_15, %mul3A : vector<400x128xf32>
    %get3A_17 = arith.constant 0 : index
    %get3A_18 = arith.constant 0 : index
    %get3A_19 = vector.load %arg3[%get3A_17, %get3A_18] : memref<1x128xf32, #tpu.memory_space<vmem>>, vector<1x128xf32>
    %add3A_20 = vector.broadcast %get3A_19 : vector<1x128xf32> to vector<400x128xf32>
    %add3A_21 = arith.addf %mul3A_16, %add3A_20 : vector<400x128xf32>
    %max3A = arith.constant 0.000000e+00 : f32
    %max3A_22 = vector.broadcast %max3A : f32 to vector<400x128xf32>
    %max3A_23 = arith.maximumf %add3A_21, %max3A_22 : vector<400x128xf32>
    %swap3A = arith.constant 0 : index
    %swap3A_24 = arith.constant 0 : index
    %swap3A_25 = vector.load %arg5[%swap3A, %swap3A_24] : memref<400x128xf32, #tpu.memory_space<vmem>>, vector<400x128xf32>
    tpu.vector_store %arg5[%swap3A, %swap3A_24], %max3A_23 {strides = array<i32>} : memref<400x128xf32, #tpu.memory_space<vmem>>, vector<400x128xf32>,
    return
  }
  func.func @transform_0(%arg0: i32) -> (i32, i32, i32) {
    %c0_i32 = arith.constant 0 : i32
    %c0_i32_0 = arith.constant 0 : i32
    %c0_i32_1 = arith.constant 0 : i32
    return %c0_i32, %arg0, %c0_i32_0 : i32, i32, i32
  }
  func.func @transform_1(%arg0: i32) -> (i32, i32) {
    %c0_i32 = arith.constant 0 : i32
    %c0_i32_0 = arith.constant 0 : i32
    return %arg0, %c0_i32 : i32, i32
  }
  func.func @transform_2(%arg0: i32) -> (i32, i32) {
    %c0_i32 = arith.constant 0 : i32
    %c0_i32_0 = arith.constant 0 : i32
    %c0_i32_1 = arith.constant 0 : i32
    return %c0_i32, %c0_i32_0 : i32, i32
  }
  func.func @transform_3(%arg0: i32) -> (i32, i32) {
    %c0_i32 = arith.constant 0 : i32
    %c0_i32_0 = arith.constant 0 : i32
    return %arg0, %c0_i32 : i32, i32
  }
  func.func @transform_4(%arg0: i32) -> (i32, i32) {
    %c0_i32 = arith.constant 0 : i32
    %c0_i32_0 = arith.constant 0 : i32
    return %arg0, %c0_i32 : i32, i32
  }
}

</mosaic_0001>

<sc_bundles>
// kernel: kernel.11.cloned.1.call-start
scs
__scs_entry_jumppad:
0x0: {  	(pc) =	sbr.rel $0x88, $3  }
0x1: {  	(tag) =	ssettag $0x0;
	lr =	simm.s32 $0x1  }
0x2: {  	[smem:$0x3F9B] =	sst lr;
	_ =	strace $0xD0000000  }
0x3: {  	_ = 	snop  }
0x4: {  	_ = 	snop  }
0x5: {  	_ = 	snop  }
0x6: {  	_ = 	snop  }
0x7: {  	_ = 	snop  }
__scs_overlays_trampoline_lowered:
0x8: {  	[smem:$0x3FAA] =	sst s0  }
0x9: {  	[smem:$0x3FAB] =	sst s1  }
0xa: {  	[smem:$0x3FAC] =	sst s2  }
0xb: {  	[smem:$0x3FAD] =	sst s3  }
0xc: {  	[smem:$0x3FAE] =	sst s4  }
0xd: {  	[smem:$0x3FAF] =	sst s5  }
0xe: {  	[smem:$0x3FB0] =	sst s6  }
0xf: {  	[smem:$0x3FB1] =	sst s7  }
0x10: {  	[smem:$0x3FB2] =	sst s8  }
0x11: {  	[smem:$0x3FB3] =	sst s9;
	s0 =	simm.s32 @!p0 $0x0  }
0x12: {  	s1 =	sld [smem:$0x3F99];
	s0 =	simm.s32 @p0 $0x1  }
0x13: {  	[smem:$0x3FB4] =	sst s0;
	s0 =	simm.s32 @!p1 $0x0  }
0x14: {  	s2 =	sld [smem:$0x3F98];
	s0 =	simm.s32 @p1 $0x1  }
0x15: {  	[smem:$0x3FB5] =	sst s0;
	s0 =	simm.s32 @!p2 $0x0  }
0x16: {  	s3 =	sld [smem:$0x3FDB];
	s0 =	simm.s32 @p2 $0x1  }
0x17: {  	s4 =	simm.s32 $0x1BF5;
	[smem:$0x3FB7] =	sst s0  }
0x18: {  	s0 =	sld [smem:$0x3F9A];
	_ =	swait.ge [sflag:s4], $0x0  }
0x19: {  	s7 =	sld [smem:$0x3F9B]  }
0x1a: {  	s8 =	sadd.s32 $0xFFFFE003, lr  }
0x1b: {  	s9 =	sadd.s32 $0xFFFFFEF7, lr;
	s5 =	simm.s32 $0xFFFFFFFF;
	p2 =	slt.u32 s8, $0xFFFFF086  }
0x1c: {  	p1 =	slt.u32 s9, $0xF7A;
	s5 =	simm.s32 @!p2 $0x0  }
0x1d: {  	s5 =	simm.s32 @p1 $0x1;
	p0 =	seq.s32 s7, s2  }
0x1e: {  	s7 =	smul.u32 @!p0 $0xF7A, s2;
	p2 =	seq.s32 @!p0 s5, $0x0  }
0x1f: {  	s9 =	smul.u32 $0xF7A, s1;
	s8 =	simm.s32 @!p0 $0x1BF5;
	p2 =	por !p2, p0  }
0x20: {  	[sflag:s8] =	ssyncset.s32 @!p0 $0xFFFFF086;
	s6 =	sadd.s32 @!p0 s3, s7;
	s7 =	simm.s32 @!p0 $0x108  }
0x21: {  	s3 =	sadd.s32 s3, s9;
	s6 =	sadd.s32 @!p0 $0x88, s6;
	s7 =	simm.s32 @p2 $0x1082  }
0x22: {  	[simem:s7], [sflag:s8] =	dma.local @!p0 [hbm:s6], $0xF7A  }
0x23: {  	s9 =	sor.u32 $0xD0000000, s2;
	s6 =	simm.s32 $0x108;
	_ =	swait.ge @!p0 [sflag:s8], $0x0  }
0x24: {  	s3 =	sadd.s32 $0x88, s3;
	s6 =	simm.s32 @!p1 $0x1082;
	[sflag:s4] =	ssyncset.s32 $0xFFFFF086  }
0x25: {  	[simem:s6], [sflag:s4] =	dma.local [hbm:s3], $0xF7A  }
0x26: {  	[smem:$0x3F9B] =	sst s1;
	(tag) =	ssettag s2;
	_ =	strace s9  }
0x27: {  	s1 =	sld [smem:$0x3FAB]  }
0x28: {  	s2 =	sld [smem:$0x3FAC]  }
0x29: {  	s4 =	sld [smem:$0x3FAE]  }
0x2a: {  	p0 =	seq.s32 s5, $0x0;
	s5 =	sld [smem:$0x3FAF]  }
0x2b: {  	s6 =	sld [smem:$0x3FB0]  }
0x2c: {  	s7 =	sld [smem:$0x3FB1]  }
0x2d: {  	s3 =	simm.s32 $0x108;
	s8 =	sld [smem:$0x3FB2]  }
0x2e: {  	s3 =	simm.s32 @!p0 $0x1082;
	s9 =	sld [smem:$0x3FB3]  }
0x2f: {  	lr =	sadd.s32 s0, s3;
	s0 =	sld [smem:$0x3FAA]  }
0x30: {  	s3 =	sld [smem:$0x3FAD]  }
0x31: {  	[smem:$0x3FB6] =	sst s10  }
0x32: {  	s10 =	sld [smem:$0x3FB4];
	_ =	sdelay $0x3  }
0x33: {  	p0 =	seq.s32 s10, $0x1;
	s10 =	sld [smem:$0x3FB6];
	_ =	sdelay $0x3  }
0x34: {  	[smem:$0x3FB6] =	sst s10  }
0x35: {  	s10 =	sld [smem:$0x3FB5];
	_ =	sdelay $0x3  }
0x36: {  	p1 =	seq.s32 s10, $0x1;
	s10 =	sld [smem:$0x3FB6];
	_ =	sdelay $0x3  }
0x37: {  	[smem:$0x3FB6] =	sst s10  }
0x38: {  	s10 =	sld [smem:$0x3FB7]  }
0x39: {  	_ = 	snop;
	(pc) =	sbr.ind lr, $3  }
0x3a: {  	_ = 	snop  }
0x3b: {  	_ = 	snop  }
0x3c: {  	p2 =	seq.s32 s10, $0x1;
	s10 =	sld [smem:$0x3FB6]  }
0x3d: {  	_ =	shalt  }
0x3e: {  	_ =	shalt  }
0x3f: {  	_ =	shalt  }
0x40: {  	_ =	shalt  }
0x41: {  	_ =	shalt  }
0x42: {  	_ =	shalt  }
0x43: {  	_ =	shalt  }
0x44: {  	_ =	shalt  }
0x45: {  	_ =	shalt  }
0x46: {  	_ =	shalt  }
0x47: {  	_ =	shalt  }
0x48: {  	_ =	shalt  }
0x49: {  	_ =	shalt  }
0x4a: {  	_ =	shalt  }
0x4b: {  	_ =	shalt  }
0x4c: {  	_ =	shalt  }
0x4d: {  	_ =	shalt  }
0x4e: {  	_ =	shalt  }
0x4f: {  	_ =	shalt  }
0x50: {  	_ =	shalt  }
0x51: {  	_ =	shalt  }
0x52: {  	_ =	shalt  }
0x53: {  	_ =	shalt  }
0x54: {  	_ =	shalt  }
0x55: {  	_ =	shalt  }
0x56: {  	_ =	shalt  }
0x57: {  	_ =	shalt  }
0x58: {  	_ =	shalt  }
0x59: {  	_ =	shalt  }
0x5a: {  	_ =	shalt  }
0x5b: {  	_ =	shalt  }
0x5c: {  	_ =	shalt  }
0x5d: {  	_ =	shalt  }
0x5e: {  	_ =	shalt  }
0x5f: {  	_ =	shalt  }
0x60: {  	_ =	shalt  }
0x61: {  	_ =	shalt  }
0x62: {  	_ =	shalt  }
0x63: {  	_ =	shalt  }
0x64: {  	_ =	shalt  }
0x65: {  	_ =	shalt  }
0x66: {  	_ =	shalt  }
0x67: {  	_ =	shalt  }
0x68: {  	_ =	shalt  }
0x69: {  	_ =	shalt  }
0x6a: {  	_ =	shalt  }
0x6b: {  	_ =	shalt  }
0x6c: {  	_ =	shalt  }
0x6d: {  	_ =	shalt  }
0x6e: {  	_ =	shalt  }
0x6f: {  	_ =	shalt  }
0x70: {  	_ =	shalt  }
0x71: {  	_ =	shalt  }
0x72: {  	_ =	shalt  }
0x73: {  	_ =	shalt  }
0x74: {  	_ =	shalt  }
0x75: {  	_ =	shalt  }
0x76: {  	_ =	shalt  }
0x77: {  	_ =	shalt  }
0x78: {  	_ =	shalt  }
0x79: {  	_ =	shalt  }
0x7a: {  	_ =	shalt  }
0x7b: {  	_ =	shalt  }
0x7c: {  	_ =	shalt  }
0x7d: {  	_ =	shalt  }
0x7e: {  	_ =	shalt  }
0x7f: {  	_ =	shalt  }
0x80: {  	_ =	shalt  }
0x81: {  	_ =	shalt  }
0x82: {  	_ =	shalt  }
0x83: {  	_ =	shalt  }
0x84: {  	_ =	shalt  }
0x85: {  	_ =	shalt  }
0x86: {  	_ =	shalt  }
0x87: {  	_ =	shalt  }
.Lfunc_end0:
.L_simem_size_0:
called_computation.1_lowered:
.L_overlay_start_0:
0x88: {  	s2 =	sld [smem:$0x3FD9]  }
0x89: {  	s3 =	sld [smem:$0x3FFE];
	_ =	sdelay $0x1  }
0x8a: {  	s1 =	srdreg.scid  }
0x8b: {  	s0 =	sand.u32 $0x1, s1  }
0x8c: {  	s17 =	sshll.u32 s0, $0xA;
	s2 =	sadd.s32 s3, s2  }
0x8d: {  	s2 =	sadd.s32 s2, s17  }
0x8e: {  	[smem:$0x3FC2] =	sst s2  }
0x8f: {  	_ = 	snop  }
0x90: {  	s2 =	sld [smem:$0x3FD0];
	(tm) =	ssettm $0x1  }
0x91: {  	s18 =	sld [smem:$0x3FFB];
	_ =	sdelay $0x3  }
0x92: {  	_ =	strace s18  }
0x93: {  	s3 =	sld [smem:$0x3FFC];
	_ =	sdelay $0x3  }
0x94: {  	_ =	strace s3  }
0x95: {  	s3 =	sld [smem:$0x3FFD];
	_ =	sdelay $0x3  }
0x96: {  	_ =	strace s3  }
0x97: {  	_ =	strace $0x8FFFFFFF  }
0x98: {  	s19 =	sld [smem:$0x3FDB];
	_ =	sdelay $0x1  }
0x99: {  	s4 =	simm.s32 $_scs_section_size  }
0x9a: {  	s5 =	simm.s32 $_size__tile_overlayer_lowered;
	s6 =	simm.s32 $_tile_overlayer_lowered  }
0x9b: {  	s22 =	simm.s32 $0x1BFF;
	s21 =	sshll.u32 s6, $0x1;
	s3 =	sadd.s32 s4, s19  }
0x9c: {  	s7 =	simm.s32 $0x0;
	s20 =	sshll.u32 s5, $0x1;
	s5 =	sadd.s32 s21, s3  }
0x9d: {  	[timem:s7], [sflag:s22] =	dma.local [hbm:s5], s20  }
0x9e: {  	_ =	swait.ge [sflag:s22], s20  }
0x9f: {  	s4 =	ssub.s32 $0x0, s20;
	[sflag:s22] =	ssyncset.done $0x0  }
0xa0: {  	[sflag:s22] =	ssyncadd.s32 s4;
	_ =	sdelay $0x1  }
0xa1: {  	s23 =	simm.s32 $0x1B8B  }
0xa2: {  	_ =	swait.ge [sflag:s23], $0x1  }
0xa3: {  	[sflag:s23] =	ssyncset.done $0x0  }
0xa4: {  	s25 =	simm.s32 $0x1B8E;
	s24 =	sld [smem:$0x3FFE];
	[sflag:s23] =	ssyncadd.s32 $0xFFFFFFFF  }
0xa5: {  	s26 =	simm.s32 $execute0_lowered;
	[smem:$0x3FD2] =	sst s25  }
0xa6: {  	s5 =	sshll.u32 s26, $0x1;
	_ =	strace $0x80000049;
	[dreg:$0x1] =	wrdreg $0xFFFFFFFF  }
0xa7: {  	s28 =	simm.s32 $_size_execute0_lowered;
	s3 =	sadd.s32 s3, s5;
	[dreg:$0x0] =	wrdreg $0x0  }
0xa8: {  	s5 =	sshll.u32 s28, $0x1;
	[dreg:$0x2] =	wrdreg s3  }
0xa9: {  	[dreg:$0x3] =	wrdreg s5  }
0xaa: {  	[dreg:$0x4] =	wrdreg $0xC0  }
0xab: {  	_ =	task [dreg:s7], $0x5FFFF  }
0xac: {  	[dreg:$0x1] =	wrdreg $0xFFFFFFFF  }
0xad: {  	[dreg:$0x0] =	wrdreg $0x60  }
0xae: {  	[dreg:$0x2] =	wrdreg s2  }
0xaf: {  	[dreg:$0x3] =	wrdreg s24  }
0xb0: {  	[dreg:$0x4] =	wrdreg $0x0  }
0xb1: {  	[dreg:$0x5] =	wrdreg $0x9  }
0xb2: {  	_ =	task.clear_ibuf [dreg:s7], $0x6FFFF;
	_ =	strace $0x90000049  }
0xb3: {  	s29 =	simm.s32 $0x9;
	_ =	strace $0x8000004B  }
0xb4: {  	_ =	swait.ge [sflag:s29], $0x1  }
0xb5: {  	[sflag:s29] =	ssyncadd.s32 $0xFFFFFFFF  }
0xb6: {  	_ =	strace $0x9000004B  }
0xb7: {  	_ =	sfence  }
0xb8: {  	s30 =	sld [smem:$0x0];
	_ =	sdelay $0x2  }
0xb9: {  	s31 =	sshll.u32 s1, $0xD;
	s1 =	sshrl.u32 s1, $0x2  }
0xba: {  	s3 =	sand.u32 $0x4000, s31;
	s1 =	sadd.s32 s1, s30  }
0xbb: {  	s0 =	sor.u32 s3, s0;
	s1 =	sshll.u32 s1, $0x11  }
0xbc: {  	s0 =	sor.u32 s1, s0  }
0xbd: {  	s0 =	sadd.s32 $0x8F2B, s0  }
0xbe: {  	[sflag:s0] =	ssyncadd.remote.s32 $0x1  }
0xbf: {  	_ =	sfence.sel $0xFFFF  }
0xc0: {  	[dreg:$0x0] =	wrdreg $0xFFFFFFFF;
	(pc) =	sbr.abs _section_cstart, $3  }
0xc1: {  	[dreg:$0x1] =	wrdreg $0xFFFFFFFF  }
0xc2: {  	_ =	task.clear_ibuf [dreg:s7], $0x2FFFF;
	_ =	strace $0x9FFFFFFF  }
0xc3: {  	(tm) =	ssettm $0x7FFFFFFF  }
tec
execute0_lowered:
.L_overlay_start_1:
0x0: {  	(tag) =	ssettag $0x1  }
0x1: {  	s2 =	srdreg.scid;
	s1 =	rddreg [dreg:$0x0]  }
0x2: {  	s0 =	stileid.u32;
	s6 =	rddreg [dreg:$0x1]  }
0x3: {  	s3 =	rddreg [dreg:$0x2];
	s4 =	simm.s32 $0x0;
	s14 =	simm.s32 $0x40  }
0x4: {  	s15 =	simm.s32 $0x16800;
	s16 =	simm.s32 $0x14080;
	s17 =	simm.s32 $0x18800  }
0x5: {  	s18 =	simm.s32 $0x14100;
	s19 =	simm.s32 $0x1A800;
	s20 =	simm.s32 $0x1  }
0x6: {  	s21 =	simm.s32 $0x14180;
	s22 =	simm.s32 $0x1C800;
	s23 =	simm.s32 $0x2  }
0x7: {  	s28 =	simm.s32 $0x16780;
	s29 =	simm.s32 $0x0;
	s5 =	sand.u32 $0x1, s2  }
0x8: {  	s25 =	sshll.u32 s0, $0x1;
	s24 =	smul.u32 $0x2800, s0;
	[smem:$0x7FF] =	sst s4  }
0x9: {  	s9 =	smul.u32 $0x50000, s0;
	s31 =	sshll.u32 s0, $0x6;
	s2 =	sor.u32 s5, s25  }
0xa: {  	s8 =	smul.u32 $0x28000, s5;
	_ =	strace $0x8000004A;
	s5 =	ssub.s32 $0x2, s5  }
0xb: {  	s7 =	smul.u32 $0xA00, s2;
	s26 =	sadd.s32 s24, s6;
	s11 =	sshrl.u32 s5, $0x1  }
0xc: {  	s30 =	sshrl.u32 s9, $0x2;
	s12 =	sadd.s32 s8, s6;
	s11 =	ssub.s32 s5, s11  }
0xd: {  	s13 =	sadd.s32 s30, s3;
	s5 =	sadd.s32 $0x3200, s26;
	s26 =	simm.s32 $0x16700  }
0xe: {  	s10 =	sadd.s32 s7, s6;
	s6 =	sor.u32 $0x1C03, s31;
	s25 =	sadd.s32 $0x2B200, s12  }
0xf: {  	s9 =	smax.u32 s11, $0x1;
	s11 =	simm.s32 $0x3;
	s12 =	simm.s32 $0x14000  }
0x10: {  	s7 =	sadd.s32 $0x8F200, s10;
	s8 =	sadd.s32 $0x7B200, s10;
	s10 =	sshrl.u32 s13, $0x3  }
0x11: {  	s13 =	simm.s32 $0x15400;
	s24 =	sadd.s32 s24, s25;
	s25 =	simm.s32 $0x16680  }
.LBB2_1:
0x12: {  	[spmem:s10], [sflag:s6] =	dma.local [hbm:s5], $0x2800  }
0x13: {  	_ =	swait.ge [sflag:s11], $0x2800  }
0x14: {  	[sflag:s11] =	ssyncset.done $0x0  }
0x15: {  	[sflag:s11] =	ssyncadd.s32 $0xFFFFD800  }
0x16: {  	[bflag:$0x0] =	sbarrier.arrive $0xFFFF  }
0x17: {  	[tilespmem:s12], [sflag:$0x3] =	stream.linear.gather [hbm4b:s7+s4], $0x1400, $0x38;
	[tilespmem:$0x1E800] =	vst v63  }
0x18: {  	_ =	swait.ge [sflag:s11], $0x1400  }
0x19: {  	[sflag:s11] =	ssyncset.done $0x0  }
0x1a: {  	[sflag:s11] =	ssyncadd.s32 $0xFFFFEC00  }
0x1b: {  	[tilespmem:s13], [sflag:$0x3] =	stream.linear.gather [hbm4b:s8+s4], $0x1400, $0x38;
	[tilespmem:$0x1E800] =	vst v63  }
0x1c: {  	_ =	swait.ge [sflag:s11], $0x1400  }
0x1d: {  	[sflag:s11] =	ssyncset.done $0x0  }
0x1e: {  	[sflag:s11] =	ssyncadd.s32 $0xFFFFEC00  }
0x1f: {  	[tilespmem:s15], [sflag:$0x1] =	stream.indirect.gather [hbm4b:s1+s14], $0x80, s12, s14, $0xb8;
	[tilespmem:$0x1E800] =	vst v63  }
0x20: {  	_ = 	snop  }
0x21: {  	[tilespmem:s17], [sflag:$0x1] =	stream.indirect.gather [hbm4b:s1+s14], $0x80, s16, s14, $0xb8;
	[tilespmem:$0x1E800] =	vst v63  }
0x22: {  	_ = 	snop  }
0x23: {  	[tilespmem:s19], [sflag:$0x1] =	stream.indirect.gather [hbm4b:s1+s14], $0x80, s18, s14, $0xb8;
	[tilespmem:$0x1E800] =	vst v63  }
0x24: {  	_ =	swait.ge [sflag:s20], $0x2000  }
0x25: {  	[sflag:s20] =	ssyncset.done $0x0  }
0x26: {  	[sflag:s20] =	ssyncadd.s32 $0xFFFFE000  }
0x27: {  	[tilespmem:s22], [sflag:$0x1] =	stream.indirect.gather [hbm4b:s1+s14], $0x80, s21, s14, $0xb8;
	[tilespmem:$0x1E800] =	vst v63  }
0x28: {  	_ = 	snop  }
0x29: {  	[spmem:s3] =	stream.indirect.scatter.add.f32 [tilespmem:s15], [sflag:$0x2], $0x80, s13, s14, $0xb8;
	[tilespmem:$0x1E800] =	vst v63  }
0x2a: {  	_ =	swait.ge [sflag:s20], $0x2000  }
0x2b: {  	[sflag:s20] =	ssyncset.done $0x0  }
0x2c: {  	[sflag:s20] =	ssyncadd.s32 $0xFFFFE000  }
0x2d: {  	_ =	swait.ge [sflag:s23], $0x2000  }
0x2e: {  	[sflag:s23] =	ssyncset.done $0x0  }
0x2f: {  	s30 =	simm.s32 $0x14200;
	[sflag:s23] =	ssyncadd.s32 $0xFFFFE000  }
0x30: {  	[tilespmem:s15], [sflag:$0x1] =	stream.indirect.gather [hbm4b:s1+s14], $0x80, s30, s14, $0xb8;
	[tilespmem:$0x1E800] =	vst v63  }
0x31: {  	s30 =	simm.s32 $0x15480  }
0x32: {  	[spmem:s3] =	stream.indirect.scatter.add.f32 [tilespmem:s17], [sflag:$0x2], $0x80, s30, s14, $0xb8;
	[tilespmem:$0x1E800] =	vst v63  }
0x33: {  	_ =	swait.ge [sflag:s20], $0x2000  }
0x34: {  	[sflag:s20] =	ssyncset.done $0x0  }
0x35: {  	[sflag:s20] =	ssyncadd.s32 $0xFFFFE000  }
0x36: {  	_ =	swait.ge [sflag:s23], $0x2000  }
0x37: {  	[sflag:s23] =	ssyncset.done $0x0  }
0x38: {  	s30 =	simm.s32 $0x14280;
	[sflag:s23] =	ssyncadd.s32 $0xFFFFE000  }
0x39: {  	[tilespmem:s17], [sflag:$0x1] =	stream.indirect.gather [hbm4b:s1+s14], $0x80, s30, s14, $0xb8;
	[tilespmem:$0x1E800] =	vst v63  }
0x3a: {  	s30 =	simm.s32 $0x15500  }
0x3b: {  	[spmem:s3] =	stream.indirect.scatter.add.f32 [tilespmem:s19], [sflag:$0x2], $0x80, s30, s14, $0xb8;
	[tilespmem:$0x1E800] =	vst v63  }
0x3c: {  	_ =	swait.ge [sflag:s20], $0x2000  }
0x3d: {  	[sflag:s20] =	ssyncset.done $0x0  }
0x3e: {  	[sflag:s20] =	ssyncadd.s32 $0xFFFFE000  }
0x3f: {  	_ =	swait.ge [sflag:s23], $0x2000  }
0x40: {  	[sflag:s23] =	ssyncset.done $0x0  }
0x41: {  	s30 =	simm.s32 $0x14300;
	[sflag:s23] =	ssyncadd.s32 $0xFFFFE000  }
0x42: {  	[tilespmem:s19], [sflag:$0x1] =	stream.indirect.gather [hbm4b:s1+s14], $0x80, s30, s14, $0xb8;
	[tilespmem:$0x1E800] =	vst v63  }
0x43: {  	s30 =	simm.s32 $0x15580  }
0x44: {  	[spmem:s3] =	stream.indirect.scatter.add.f32 [tilespmem:s22], [sflag:$0x2], $0x80, s30, s14, $0xb8;
	[tilespmem:$0x1E800] =	vst v63  }
0x45: {  	_ =	swait.ge [sflag:s20], $0x2000  }
0x46: {  	[sflag:s20] =	ssyncset.done $0x0  }
0x47: {  	[sflag:s20] =	ssyncadd.s32 $0xFFFFE000  }
0x48: {  	_ =	swait.ge [sflag:s23], $0x2000  }
0x49: {  	[sflag:s23] =	ssyncset.done $0x0  }
0x4a: {  	s30 =	simm.s32 $0x14380;
	[sflag:s23] =	ssyncadd.s32 $0xFFFFE000  }
0x4b: {  	[tilespmem:s22], [sflag:$0x1] =	stream.indirect.gather [hbm4b:s1+s14], $0x80, s30, s14, $0xb8;
	[tilespmem:$0x1E800] =	vst v63  }
0x4c: {  	s31 =	simm.s32 $0x15600;
	s30 =	simm.s32 $0x800  }
.LBB2_2:
0x4d: {  	[spmem:s3] =	stream.indirect.scatter.add.f32 [tilespmem:s15], [sflag:$0x2], $0x80, s31, s14, $0xb8;
	[tilespmem:$0x1E800] =	vst v63  }
0x4e: {  	s31 =	smov.u32 s30  }
0x4f: {  	p0 =	sne.s32 s30, $0x4000;
	s30 =	sadd.s32 $0x800, s30;
	_ =	swait.ge [sflag:s20], $0x2000  }
0x50: {  	[sflag:s20] =	ssyncset.done $0x0  }
0x51: {  	[sflag:s20] =	ssyncadd.s32 $0xFFFFE000  }
0x52: {  	_ =	swait.ge [sflag:s23], $0x2000  }
0x53: {  	s31 =	sshra.s32 s31, $0x2;
	[sflag:s23] =	ssyncset.done $0x0  }
0x54: {  	s2 =	sadd.s32 $0x14200, s31;
	[sflag:s23] =	ssyncadd.s32 $0xFFFFE000  }
0x55: {  	[tilespmem:s15], [sflag:$0x1] =	stream.indirect.gather [hbm4b:s1+s14], $0x80, s2, s14, $0xb8;
	[tilespmem:$0x1E800] =	vst v63  }
0x56: {  	s2 =	sadd.s32 $0x15480, s31  }
0x57: {  	[spmem:s3] =	stream.indirect.scatter.add.f32 [tilespmem:s17], [sflag:$0x2], $0x80, s2, s14, $0xb8;
	[tilespmem:$0x1E800] =	vst v63  }
0x58: {  	_ =	swait.ge [sflag:s20], $0x2000  }
0x59: {  	[sflag:s20] =	ssyncset.done $0x0  }
0x5a: {  	[sflag:s20] =	ssyncadd.s32 $0xFFFFE000  }
0x5b: {  	_ =	swait.ge [sflag:s23], $0x2000  }
0x5c: {  	[sflag:s23] =	ssyncset.done $0x0  }
0x5d: {  	s2 =	sadd.s32 $0x14280, s31;
	[sflag:s23] =	ssyncadd.s32 $0xFFFFE000  }
0x5e: {  	[tilespmem:s17], [sflag:$0x1] =	stream.indirect.gather [hbm4b:s1+s14], $0x80, s2, s14, $0xb8;
	[tilespmem:$0x1E800] =	vst v63  }
0x5f: {  	s2 =	sadd.s32 $0x15500, s31  }
0x60: {  	[spmem:s3] =	stream.indirect.scatter.add.f32 [tilespmem:s19], [sflag:$0x2], $0x80, s2, s14, $0xb8;
	[tilespmem:$0x1E800] =	vst v63  }
0x61: {  	_ =	swait.ge [sflag:s20], $0x2000  }
0x62: {  	[sflag:s20] =	ssyncset.done $0x0  }
0x63: {  	[sflag:s20] =	ssyncadd.s32 $0xFFFFE000  }
0x64: {  	_ =	swait.ge [sflag:s23], $0x2000  }
0x65: {  	[sflag:s23] =	ssyncset.done $0x0  }
0x66: {  	s2 =	sadd.s32 $0x14300, s31;
	[sflag:s23] =	ssyncadd.s32 $0xFFFFE000  }
0x67: {  	[tilespmem:s19], [sflag:$0x1] =	stream.indirect.gather [hbm4b:s1+s14], $0x80, s2, s14, $0xb8;
	[tilespmem:$0x1E800] =	vst v63  }
0x68: {  	s2 =	sadd.s32 $0x15580, s31  }
0x69: {  	[spmem:s3] =	stream.indirect.scatter.add.f32 [tilespmem:s22], [sflag:$0x2], $0x80, s2, s14, $0xb8;
	[tilespmem:$0x1E800] =	vst v63  }
0x6a: {  	_ =	swait.ge [sflag:s20], $0x2000  }
0x6b: {  	[sflag:s20] =	ssyncset.done $0x0  }
0x6c: {  	[sflag:s20] =	ssyncadd.s32 $0xFFFFE000  }
.Ltmp0:
0x6d: {  	_ =	swait.ge [sflag:s23], $0x2000;
	(pc) =	sbr.rel @p0 .LBB2_2-.Ltmp0, $4  }
0x6e: {  	[sflag:s23] =	ssyncset.done $0x0  }
0x6f: {  	s2 =	sadd.s32 $0x14380, s31;
	[sflag:s23] =	ssyncadd.s32 $0xFFFFE000  }
0x70: {  	[tilespmem:s22], [sflag:$0x1] =	stream.indirect.gather [hbm4b:s1+s14], $0x80, s2, s14, $0xb8;
	[tilespmem:$0x1E800] =	vst v63  }
0x71: {  	s31 =	sadd.s32 $0x15600, s31  }
0x72: {  	[spmem:s3] =	stream.indirect.scatter.add.f32 [tilespmem:s15], [sflag:$0x2], $0x80, s31, s14, $0xb8;
	[tilespmem:$0x1E800] =	vst v63  }
0x73: {  	_ =	swait.ge [sflag:s20], $0x2000  }
0x74: {  	[sflag:s20] =	ssyncset.done $0x0  }
0x75: {  	[sflag:s20] =	ssyncadd.s32 $0xFFFFE000  }
0x76: {  	_ =	swait.ge [sflag:s23], $0x2000  }
0x77: {  	[sflag:s23] =	ssyncset.done $0x0  }
0x78: {  	[sflag:s23] =	ssyncadd.s32 $0xFFFFE000  }
0x79: {  	[spmem:s3] =	stream.indirect.scatter.add.f32 [tilespmem:s17], [sflag:$0x2], $0x80, s25, s14, $0xb8;
	[tilespmem:$0x1E800] =	vst v63  }
0x7a: {  	_ =	swait.ge [sflag:s20], $0x2000  }
0x7b: {  	[sflag:s20] =	ssyncset.done $0x0  }
0x7c: {  	[sflag:s20] =	ssyncadd.s32 $0xFFFFE000  }
0x7d: {  	_ =	swait.ge [sflag:s23], $0x2000  }
0x7e: {  	[sflag:s23] =	ssyncset.done $0x0  }
0x7f: {  	[sflag:s23] =	ssyncadd.s32 $0xFFFFE000  }
0x80: {  	[spmem:s3] =	stream.indirect.scatter.add.f32 [tilespmem:s19], [sflag:$0x2], $0x80, s26, s14, $0xb8;
	[tilespmem:$0x1E800] =	vst v63  }
0x81: {  	_ =	swait.ge [sflag:s20], $0x2000  }
0x82: {  	[sflag:s20] =	ssyncset.done $0x0  }
0x83: {  	[sflag:s20] =	ssyncadd.s32 $0xFFFFE000  }
0x84: {  	_ =	swait.ge [sflag:s23], $0x2000  }
0x85: {  	[sflag:s23] =	ssyncset.done $0x0  }
0x86: {  	[sflag:s23] =	ssyncadd.s32 $0xFFFFE000  }
0x87: {  	[spmem:s3] =	stream.indirect.scatter.add.f32 [tilespmem:s22], [sflag:$0x2], $0x80, s28, s14, $0xb8;
	[tilespmem:$0x1E800] =	vst v63  }
0x88: {  	_ =	swait.ge [sflag:s23], $0x2000  }
0x89: {  	[sflag:s23] =	ssyncset.done $0x0  }
0x8a: {  	s2 =	sadd.s32 $0x280, s7;
	s30 =	simm.s32 $0x0;
	[sflag:s23] =	ssyncadd.s32 $0xFFFFE000  }
0x8b: {  	[tilespmem:s12], [sflag:$0x3] =	stream.linear.gather [hbm4b:s2+s30], $0x1400, $0x38;
	[tilespmem:$0x1E800] =	vst v63  }
0x8c: {  	_ =	swait.ge [sflag:s11], $0x1400  }
0x8d: {  	[sflag:s11] =	ssyncset.done $0x0  }
0x8e: {  	s2 =	sadd.s32 $0x280, s8;
	[sflag:s11] =	ssyncadd.s32 $0xFFFFEC00  }
0x8f: {  	[tilespmem:s13], [sflag:$0x3] =	stream.linear.gather [hbm4b:s2+s30], $0x1400, $0x38;
	[tilespmem:$0x1E800] =	vst v63  }
0x90: {  	_ =	swait.ge [sflag:s11], $0x1400  }
0x91: {  	[sflag:s11] =	ssyncset.done $0x0  }
0x92: {  	[sflag:s11] =	ssyncadd.s32 $0xFFFFEC00  }
0x93: {  	[tilespmem:s15], [sflag:$0x1] =	stream.indirect.gather [hbm4b:s1+s14], $0x80, s12, s14, $0xb8;
	[tilespmem:$0x1E800] =	vst v63  }
0x94: {  	_ = 	snop  }
0x95: {  	[tilespmem:s17], [sflag:$0x1] =	stream.indirect.gather [hbm4b:s1+s14], $0x80, s16, s14, $0xb8;
	[tilespmem:$0x1E800] =	vst v63  }
0x96: {  	_ = 	snop  }
0x97: {  	[tilespmem:s19], [sflag:$0x1] =	stream.indirect.gather [hbm4b:s1+s14], $0x80, s18, s14, $0xb8;
	[tilespmem:$0x1E800] =	vst v63  }
0x98: {  	_ =	swait.ge [sflag:s20], $0x2000  }
0x99: {  	[sflag:s20] =	ssyncset.done $0x0  }
0x9a: {  	[sflag:s20] =	ssyncadd.s32 $0xFFFFE000  }
0x9b: {  	[tilespmem:s22], [sflag:$0x1] =	stream.indirect.gather [hbm4b:s1+s14], $0x80, s21, s14, $0xb8;
	[tilespmem:$0x1E800] =	vst v63  }
0x9c: {  	_ = 	snop  }
0x9d: {  	[spmem:s3] =	stream.indirect.scatter.add.f32 [tilespmem:s15], [sflag:$0x2], $0x80, s13, s14, $0xb8;
	[tilespmem:$0x1E800] =	vst v63  }
0x9e: {  	_ =	swait.ge [sflag:s20], $0x2000  }
0x9f: {  	[sflag:s20] =	ssyncset.done $0x0  }
0xa0: {  	[sflag:s20] =	ssyncadd.s32 $0xFFFFE000  }
0xa1: {  	_ =	swait.ge [sflag:s23], $0x2000  }
0xa2: {  	[sflag:s23] =	ssyncset.done $0x0  }
0xa3: {  	s2 =	simm.s32 $0x14200;
	[sflag:s23] =	ssyncadd.s32 $0xFFFFE000  }
0xa4: {  	[tilespmem:s15], [sflag:$0x1] =	stream.indirect.gather [hbm4b:s1+s14], $0x80, s2, s14, $0xb8;
	[tilespmem:$0x1E800] =	vst v63  }
0xa5: {  	s2 =	simm.s32 $0x15480  }
0xa6: {  	[spmem:s3] =	stream.indirect.scatter.add.f32 [tilespmem:s17], [sflag:$0x2], $0x80, s2, s14, $0xb8;
	[tilespmem:$0x1E800] =	vst v63  }
0xa7: {  	_ =	swait.ge [sflag:s20], $0x2000  }
0xa8: {  	[sflag:s20] =	ssyncset.done $0x0  }
0xa9: {  	[sflag:s20] =	ssyncadd.s32 $0xFFFFE000  }
0xaa: {  	_ =	swait.ge [sflag:s23], $0x2000  }
0xab: {  	[sflag:s23] =	ssyncset.done $0x0  }
0xac: {  	s2 =	simm.s32 $0x14280;
	[sflag:s23] =	ssyncadd.s32 $0xFFFFE000  }
0xad: {  	[tilespmem:s17], [sflag:$0x1] =	stream.indirect.gather [hbm4b:s1+s14], $0x80, s2, s14, $0xb8;
	[tilespmem:$0x1E800] =	vst v63  }
0xae: {  	s2 =	simm.s32 $0x15500  }
0xaf: {  	[spmem:s3] =	stream.indirect.scatter.add.f32 [tilespmem:s19], [sflag:$0x2], $0x80, s2, s14, $0xb8;
	[tilespmem:$0x1E800] =	vst v63  }
0xb0: {  	_ =	swait.ge [sflag:s20], $0x2000  }
0xb1: {  	[sflag:s20] =	ssyncset.done $0x0  }
0xb2: {  	[sflag:s20] =	ssyncadd.s32 $0xFFFFE000  }
0xb3: {  	_ =	swait.ge [sflag:s23], $0x2000  }
0xb4: {  	[sflag:s23] =	ssyncset.done $0x0  }
0xb5: {  	s2 =	simm.s32 $0x14300;
	[sflag:s23] =	ssyncadd.s32 $0xFFFFE000  }
0xb6: {  	[tilespmem:s19], [sflag:$0x1] =	stream.indirect.gather [hbm4b:s1+s14], $0x80, s2, s14, $0xb8;
	[tilespmem:$0x1E800] =	vst v63  }
0xb7: {  	s2 =	simm.s32 $0x15580  }
0xb8: {  	[spmem:s3] =	stream.indirect.scatter.add.f32 [tilespmem:s22], [sflag:$0x2], $0x80, s2, s14, $0xb8;
	[tilespmem:$0x1E800] =	vst v63  }
0xb9: {  	_ =	swait.ge [sflag:s20], $0x2000  }
0xba: {  	[sflag:s20] =	ssyncset.done $0x0  }
0xbb: {  	[sflag:s20] =	ssyncadd.s32 $0xFFFFE000  }
0xbc: {  	_ =	swait.ge [sflag:s23], $0x2000  }
0xbd: {  	s31 =	simm.s32 $0x15600;
	[sflag:s23] =	ssyncset.done $0x0  }
0xbe: {  	s30 =	simm.s32 $0x800;
	s2 =	simm.s32 $0x14380;
	[sflag:s23] =	ssyncadd.s32 $0xFFFFE000  }
0xbf: {  	[tilespmem:s22], [sflag:$0x1] =	stream.indirect.gather [hbm4b:s1+s14], $0x80, s2, s14, $0xb8;
	[tilespmem:$0x1E800] =	vst v63  }
.LBB2_4:
0xc0: {  	[spmem:s3] =	stream.indirect.scatter.add.f32 [tilespmem:s15], [sflag:$0x2], $0x80, s31, s14, $0xb8;
	[tilespmem:$0x1E800] =	vst v63  }
0xc1: {  	s2 =	smov.u32 s30  }
0xc2: {  	p0 =	sne.s32 s30, $0x4000;
	s30 =	sadd.s32 $0x800, s30;
	_ =	swait.ge [sflag:s20], $0x2000  }
0xc3: {  	[sflag:s20] =	ssyncset.done $0x0  }
0xc4: {  	[sflag:s20] =	ssyncadd.s32 $0xFFFFE000  }
0xc5: {  	_ =	swait.ge [sflag:s23], $0x2000  }
0xc6: {  	s31 =	sshra.s32 s2, $0x2;
	[sflag:s23] =	ssyncset.done $0x0  }
0xc7: {  	s2 =	sadd.s32 $0x14200, s31;
	[sflag:s23] =	ssyncadd.s32 $0xFFFFE000  }
0xc8: {  	[tilespmem:s15], [sflag:$0x1] =	stream.indirect.gather [hbm4b:s1+s14], $0x80, s2, s14, $0xb8;
	[tilespmem:$0x1E800] =	vst v63  }
0xc9: {  	s2 =	sadd.s32 $0x15480, s31  }
0xca: {  	[spmem:s3] =	stream.indirect.scatter.add.f32 [tilespmem:s17], [sflag:$0x2], $0x80, s2, s14, $0xb8;
	[tilespmem:$0x1E800] =	vst v63  }
0xcb: {  	_ =	swait.ge [sflag:s20], $0x2000  }
0xcc: {  	[sflag:s20] =	ssyncset.done $0x0  }
0xcd: {  	[sflag:s20] =	ssyncadd.s32 $0xFFFFE000  }
0xce: {  	_ =	swait.ge [sflag:s23], $0x2000  }
0xcf: {  	[sflag:s23] =	ssyncset.done $0x0  }
0xd0: {  	s2 =	sadd.s32 $0x14280, s31;
	[sflag:s23] =	ssyncadd.s32 $0xFFFFE000  }
0xd1: {  	[tilespmem:s17], [sflag:$0x1] =	stream.indirect.gather [hbm4b:s1+s14], $0x80, s2, s14, $0xb8;
	[tilespmem:$0x1E800] =	vst v63  }
0xd2: {  	s2 =	sadd.s32 $0x15500, s31  }
0xd3: {  	[spmem:s3] =	stream.indirect.scatter.add.f32 [tilespmem:s19], [sflag:$0x2], $0x80, s2, s14, $0xb8;
	[tilespmem:$0x1E800] =	vst v63  }
0xd4: {  	_ =	swait.ge [sflag:s20], $0x2000  }
0xd5: {  	[sflag:s20] =	ssyncset.done $0x0  }
0xd6: {  	[sflag:s20] =	ssyncadd.s32 $0xFFFFE000  }
0xd7: {  	_ =	swait.ge [sflag:s23], $0x2000  }
0xd8: {  	[sflag:s23] =	ssyncset.done $0x0  }
0xd9: {  	s2 =	sadd.s32 $0x14300, s31;
	[sflag:s23] =	ssyncadd.s32 $0xFFFFE000  }
0xda: {  	[tilespmem:s19], [sflag:$0x1] =	stream.indirect.gather [hbm4b:s1+s14], $0x80, s2, s14, $0xb8;
	[tilespmem:$0x1E800] =	vst v63  }
0xdb: {  	s2 =	sadd.s32 $0x15580, s31  }
0xdc: {  	[spmem:s3] =	stream.indirect.scatter.add.f32 [tilespmem:s22], [sflag:$0x2], $0x80, s2, s14, $0xb8;
	[tilespmem:$0x1E800] =	vst v63  }
0xdd: {  	_ =	swait.ge [sflag:s20], $0x2000  }
0xde: {  	[sflag:s20] =	ssyncset.done $0x0  }
0xdf: {  	[sflag:s20] =	ssyncadd.s32 $0xFFFFE000  }
.Ltmp1:
0xe0: {  	_ =	swait.ge [sflag:s23], $0x2000;
	(pc) =	sbr.rel @p0 .LBB2_4-.Ltmp1, $4  }
0xe1: {  	[sflag:s23] =	ssyncset.done $0x0  }
0xe2: {  	s2 =	sadd.s32 $0x14380, s31;
	[sflag:s23] =	ssyncadd.s32 $0xFFFFE000  }
0xe3: {  	[tilespmem:s22], [sflag:$0x1] =	stream.indirect.gather [hbm4b:s1+s14], $0x80, s2, s14, $0xb8;
	[tilespmem:$0x1E800] =	vst v63  }
0xe4: {  	s31 =	sadd.s32 $0x15600, s31  }
0xe5: {  	[spmem:s3] =	stream.indirect.scatter.add.f32 [tilespmem:s15], [sflag:$0x2], $0x80, s31, s14, $0xb8;
	[tilespmem:$0x1E800] =	vst v63  }
0xe6: {  	_ =	swait.ge [sflag:s20], $0x2000  }
0xe7: {  	[sflag:s20] =	ssyncset.done $0x0  }
0xe8: {  	[sflag:s20] =	ssyncadd.s32 $0xFFFFE000  }
0xe9: {  	_ =	swait.ge [sflag:s23], $0x2000  }
0xea: {  	[sflag:s23] =	ssyncset.done $0x0  }
0xeb: {  	[sflag:s23] =	ssyncadd.s32 $0xFFFFE000  }
0xec: {  	[spmem:s3] =	stream.indirect.scatter.add.f32 [tilespmem:s17], [sflag:$0x2], $0x80, s25, s14, $0xb8;
	[tilespmem:$0x1E800] =	vst v63  }
0xed: {  	_ =	swait.ge [sflag:s20], $0x2000  }
0xee: {  	[sflag:s20] =	ssyncset.done $0x0  }
0xef: {  	[sflag:s20] =	ssyncadd.s32 $0xFFFFE000  }
0xf0: {  	_ =	swait.ge [sflag:s23], $0x2000  }
0xf1: {  	[sflag:s23] =	ssyncset.done $0x0  }
0xf2: {  	[sflag:s23] =	ssyncadd.s32 $0xFFFFE000  }
0xf3: {  	[spmem:s3] =	stream.indirect.scatter.add.f32 [tilespmem:s19], [sflag:$0x2], $0x80, s26, s14, $0xb8;
	[tilespmem:$0x1E800] =	vst v63  }
0xf4: {  	_ =	swait.ge [sflag:s20], $0x2000  }
0xf5: {  	[sflag:s20] =	ssyncset.done $0x0  }
0xf6: {  	[sflag:s20] =	ssyncadd.s32 $0xFFFFE000  }
0xf7: {  	_ =	swait.ge [sflag:s23], $0x2000  }
0xf8: {  	[sflag:s23] =	ssyncset.done $0x0  }
0xf9: {  	[sflag:s23] =	ssyncadd.s32 $0xFFFFE000  }
0xfa: {  	[spmem:s3] =	stream.indirect.scatter.add.f32 [tilespmem:s22], [sflag:$0x2], $0x80, s28, s14, $0xb8;
	[tilespmem:$0x1E800] =	vst v63  }
0xfb: {  	_ =	swait.ge [sflag:s23], $0x2000  }
0xfc: {  	[sflag:s23] =	ssyncset.done $0x0  }
0xfd: {  	s2 =	sadd.s32 $0x500, s7;
	s30 =	simm.s32 $0x0;
	[sflag:s23] =	ssyncadd.s32 $0xFFFFE000  }
0xfe: {  	[tilespmem:s12], [sflag:$0x3] =	stream.linear.gather [hbm4b:s2+s30], $0x1400, $0x38;
	[tilespmem:$0x1E800] =	vst v63  }
0xff: {  	_ =	swait.ge [sflag:s11], $0x1400  }
0x100: {  	[sflag:s11] =	ssyncset.done $0x0  }
0x101: {  	s2 =	sadd.s32 $0x500, s8;
	[sflag:s11] =	ssyncadd.s32 $0xFFFFEC00  }
0x102: {  	[tilespmem:s13], [sflag:$0x3] =	stream.linear.gather [hbm4b:s2+s30], $0x1400, $0x38;
	[tilespmem:$0x1E800] =	vst v63  }
0x103: {  	_ =	swait.ge [sflag:s11], $0x1400  }
0x104: {  	[sflag:s11] =	ssyncset.done $0x0  }
0x105: {  	[sflag:s11] =	ssyncadd.s32 $0xFFFFEC00  }
0x106: {  	[tilespmem:s15], [sflag:$0x1] =	stream.indirect.gather [hbm4b:s1+s14], $0x80, s12, s14, $0xb8;
	[tilespmem:$0x1E800] =	vst v63  }
0x107: {  	_ = 	snop  }
0x108: {  	[tilespmem:s17], [sflag:$0x1] =	stream.indirect.gather [hbm4b:s1+s14], $0x80, s16, s14, $0xb8;
	[tilespmem:$0x1E800] =	vst v63  }
0x109: {  	_ = 	snop  }
0x10a: {  	[tilespmem:s19], [sflag:$0x1] =	stream.indirect.gather [hbm4b:s1+s14], $0x80, s18, s14, $0xb8;
	[tilespmem:$0x1E800] =	vst v63  }
0x10b: {  	_ =	swait.ge [sflag:s20], $0x2000  }
0x10c: {  	[sflag:s20] =	ssyncset.done $0x0  }
0x10d: {  	[sflag:s20] =	ssyncadd.s32 $0xFFFFE000  }
0x10e: {  	[tilespmem:s22], [sflag:$0x1] =	stream.indirect.gather [hbm4b:s1+s14], $0x80, s21, s14, $0xb8;
	[tilespmem:$0x1E800] =	vst v63  }
0x10f: {  	_ = 	snop  }
0x110: {  	[spmem:s3] =	stream.indirect.scatter.add.f32 [tilespmem:s15], [sflag:$0x2], $0x80, s13, s14, $0xb8;
	[tilespmem:$0x1E800] =	vst v63  }
0x111: {  	_ =	swait.ge [sflag:s20], $0x2000  }
0x112: {  	[sflag:s20] =	ssyncset.done $0x0  }
0x113: {  	[sflag:s20] =	ssyncadd.s32 $0xFFFFE000  }
0x114: {  	_ =	swait.ge [sflag:s23], $0x2000  }
0x115: {  	[sflag:s23] =	ssyncset.done $0x0  }
0x116: {  	s2 =	simm.s32 $0x14200;
	[sflag:s23] =	ssyncadd.s32 $0xFFFFE000  }
0x117: {  	[tilespmem:s15], [sflag:$0x1] =	stream.indirect.gather [hbm4b:s1+s14], $0x80, s2, s14, $0xb8;
	[tilespmem:$0x1E800] =	vst v63  }
0x118: {  	s2 =	simm.s32 $0x15480  }
0x119: {  	[spmem:s3] =	stream.indirect.scatter.add.f32 [tilespmem:s17], [sflag:$0x2], $0x80, s2, s14, $0xb8;
	[tilespmem:$0x1E800] =	vst v63  }
0x11a: {  	_ =	swait.ge [sflag:s20], $0x2000  }
0x11b: {  	[sflag:s20] =	ssyncset.done $0x0  }
0x11c: {  	[sflag:s20] =	ssyncadd.s32 $0xFFFFE000  }
0x11d: {  	_ =	swait.ge [sflag:s23], $0x2000  }
0x11e: {  	[sflag:s23] =	ssyncset.done $0x0  }
0x11f: {  	s2 =	simm.s32 $0x14280;
	[sflag:s23] =	ssyncadd.s32 $0xFFFFE000  }
0x120: {  	[tilespmem:s17], [sflag:$0x1] =	stream.indirect.gather [hbm4b:s1+s14], $0x80, s2, s14, $0xb8;
	[tilespmem:$0x1E800] =	vst v63  }
0x121: {  	s2 =	simm.s32 $0x15500  }
0x122: {  	[spmem:s3] =	stream.indirect.scatter.add.f32 [tilespmem:s19], [sflag:$0x2], $0x80, s2, s14, $0xb8;
	[tilespmem:$0x1E800] =	vst v63  }
0x123: {  	_ =	swait.ge [sflag:s20], $0x2000  }
0x124: {  	[sflag:s20] =	ssyncset.done $0x0  }
0x125: {  	[sflag:s20] =	ssyncadd.s32 $0xFFFFE000  }
0x126: {  	_ =	swait.ge [sflag:s23], $0x2000  }
0x127: {  	[sflag:s23] =	ssyncset.done $0x0  }
0x128: {  	s2 =	simm.s32 $0x14300;
	[sflag:s23] =	ssyncadd.s32 $0xFFFFE000  }
0x129: {  	[tilespmem:s19], [sflag:$0x1] =	stream.indirect.gather [hbm4b:s1+s14], $0x80, s2, s14, $0xb8;
	[tilespmem:$0x1E800] =	vst v63  }
0x12a: {  	s2 =	simm.s32 $0x15580  }
0x12b: {  	[spmem:s3] =	stream.indirect.scatter.add.f32 [tilespmem:s22], [sflag:$0x2], $0x80, s2, s14, $0xb8;
	[tilespmem:$0x1E800] =	vst v63  }
0x12c: {  	_ =	swait.ge [sflag:s20], $0x2000  }
0x12d: {  	[sflag:s20] =	ssyncset.done $0x0  }
0x12e: {  	[sflag:s20] =	ssyncadd.s32 $0xFFFFE000  }
0x12f: {  	_ =	swait.ge [sflag:s23], $0x2000  }
0x130: {  	s31 =	simm.s32 $0x15600;
	[sflag:s23] =	ssyncset.done $0x0  }
0x131: {  	s30 =	simm.s32 $0x800;
	s2 =	simm.s32 $0x14380;
	[sflag:s23] =	ssyncadd.s32 $0xFFFFE000  }
0x132: {  	[tilespmem:s22], [sflag:$0x1] =	stream.indirect.gather [hbm4b:s1+s14], $0x80, s2, s14, $0xb8;
	[tilespmem:$0x1E800] =	vst v63  }
.LBB2_6:
0x133: {  	[spmem:s3] =	stream.indirect.scatter.add.f32 [tilespmem:s15], [sflag:$0x2], $0x80, s31, s14, $0xb8;
	[tilespmem:$0x1E800] =	vst v63  }
0x134: {  	s2 =	smov.u32 s30  }
0x135: {  	p0 =	sne.s32 s30, $0x4000;
	s30 =	sadd.s32 $0x800, s30;
	_ =	swait.ge [sflag:s20], $0x2000  }
0x136: {  	[sflag:s20] =	ssyncset.done $0x0  }
0x137: {  	[sflag:s20] =	ssyncadd.s32 $0xFFFFE000  }
0x138: {  	_ =	swait.ge [sflag:s23], $0x2000  }
0x139: {  	s31 =	sshra.s32 s2, $0x2;
	[sflag:s23] =	ssyncset.done $0x0  }
0x13a: {  	s2 =	sadd.s32 $0x14200, s31;
	[sflag:s23] =	ssyncadd.s32 $0xFFFFE000  }
0x13b: {  	[tilespmem:s15], [sflag:$0x1] =	stream.indirect.gather [hbm4b:s1+s14], $0x80, s2, s14, $0xb8;
	[tilespmem:$0x1E800] =	vst v63  }
0x13c: {  	s2 =	sadd.s32 $0x15480, s31  }
0x13d: {  	[spmem:s3] =	stream.indirect.scatter.add.f32 [tilespmem:s17], [sflag:$0x2], $0x80, s2, s14, $0xb8;
	[tilespmem:$0x1E800] =	vst v63  }
0x13e: {  	_ =	swait.ge [sflag:s20], $0x2000  }
0x13f: {  	[sflag:s20] =	ssyncset.done $0x0  }
0x140: {  	[sflag:s20] =	ssyncadd.s32 $0xFFFFE000  }
0x141: {  	_ =	swait.ge [sflag:s23], $0x2000  }
0x142: {  	[sflag:s23] =	ssyncset.done $0x0  }
0x143: {  	s2 =	sadd.s32 $0x14280, s31;
	[sflag:s23] =	ssyncadd.s32 $0xFFFFE000  }
0x144: {  	[tilespmem:s17], [sflag:$0x1] =	stream.indirect.gather [hbm4b:s1+s14], $0x80, s2, s14, $0xb8;
	[tilespmem:$0x1E800] =	vst v63  }
0x145: {  	s2 =	sadd.s32 $0x15500, s31  }
0x146: {  	[spmem:s3] =	stream.indirect.scatter.add.f32 [tilespmem:s19], [sflag:$0x2], $0x80, s2, s14, $0xb8;
	[tilespmem:$0x1E800] =	vst v63  }
0x147: {  	_ =	swait.ge [sflag:s20], $0x2000  }
0x148: {  	[sflag:s20] =	ssyncset.done $0x0  }
0x149: {  	[sflag:s20] =	ssyncadd.s32 $0xFFFFE000  }
0x14a: {  	_ =	swait.ge [sflag:s23], $0x2000  }
0x14b: {  	[sflag:s23] =	ssyncset.done $0x0  }
0x14c: {  	s2 =	sadd.s32 $0x14300, s31;
	[sflag:s23] =	ssyncadd.s32 $0xFFFFE000  }
0x14d: {  	[tilespmem:s19], [sflag:$0x1] =	stream.indirect.gather [hbm4b:s1+s14], $0x80, s2, s14, $0xb8;
	[tilespmem:$0x1E800] =	vst v63  }
0x14e: {  	s2 =	sadd.s32 $0x15580, s31  }
0x14f: {  	[spmem:s3] =	stream.indirect.scatter.add.f32 [tilespmem:s22], [sflag:$0x2], $0x80, s2, s14, $0xb8;
	[tilespmem:$0x1E800] =	vst v63  }
0x150: {  	_ =	swait.ge [sflag:s20], $0x2000  }
0x151: {  	[sflag:s20] =	ssyncset.done $0x0  }
0x152: {  	[sflag:s20] =	ssyncadd.s32 $0xFFFFE000  }
.Ltmp2:
0x153: {  	_ =	swait.ge [sflag:s23], $0x2000;
	(pc) =	sbr.rel @p0 .LBB2_6-.Ltmp2, $4  }
0x154: {  	[sflag:s23] =	ssyncset.done $0x0  }
0x155: {  	s2 =	sadd.s32 $0x14380, s31;
	[sflag:s23] =	ssyncadd.s32 $0xFFFFE000  }
0x156: {  	[tilespmem:s22], [sflag:$0x1] =	stream.indirect.gather [hbm4b:s1+s14], $0x80, s2, s14, $0xb8;
	[tilespmem:$0x1E800] =	vst v63  }
0x157: {  	s31 =	sadd.s32 $0x15600, s31  }
0x158: {  	[spmem:s3] =	stream.indirect.scatter.add.f32 [tilespmem:s15], [sflag:$0x2], $0x80, s31, s14, $0xb8;
	[tilespmem:$0x1E800] =	vst v63  }
0x159: {  	_ =	swait.ge [sflag:s20], $0x2000  }
0x15a: {  	[sflag:s20] =	ssyncset.done $0x0  }
0x15b: {  	[sflag:s20] =	ssyncadd.s32 $0xFFFFE000  }
0x15c: {  	_ =	swait.ge [sflag:s23], $0x2000  }
0x15d: {  	[sflag:s23] =	ssyncset.done $0x0  }
0x15e: {  	[sflag:s23] =	ssyncadd.s32 $0xFFFFE000  }
0x15f: {  	[spmem:s3] =	stream.indirect.scatter.add.f32 [tilespmem:s17], [sflag:$0x2], $0x80, s25, s14, $0xb8;
	[tilespmem:$0x1E800] =	vst v63  }
0x160: {  	_ =	swait.ge [sflag:s20], $0x2000  }
0x161: {  	[sflag:s20] =	ssyncset.done $0x0  }
0x162: {  	[sflag:s20] =	ssyncadd.s32 $0xFFFFE000  }
0x163: {  	_ =	swait.ge [sflag:s23], $0x2000  }
0x164: {  	[sflag:s23] =	ssyncset.done $0x0  }
0x165: {  	[sflag:s23] =	ssyncadd.s32 $0xFFFFE000  }
0x166: {  	[spmem:s3] =	stream.indirect.scatter.add.f32 [tilespmem:s19], [sflag:$0x2], $0x80, s26, s14, $0xb8;
	[tilespmem:$0x1E800] =	vst v63  }
0x167: {  	_ =	swait.ge [sflag:s20], $0x2000  }
0x168: {  	[sflag:s20] =	ssyncset.done $0x0  }
0x169: {  	[sflag:s20] =	ssyncadd.s32 $0xFFFFE000  }
0x16a: {  	_ =	swait.ge [sflag:s23], $0x2000  }
0x16b: {  	[sflag:s23] =	ssyncset.done $0x0  }
0x16c: {  	[sflag:s23] =	ssyncadd.s32 $0xFFFFE000  }
0x16d: {  	[spmem:s3] =	stream.indirect.scatter.add.f32 [tilespmem:s22], [sflag:$0x2], $0x80, s28, s14, $0xb8;
	[tilespmem:$0x1E800] =	vst v63  }
0x16e: {  	_ =	swait.ge [sflag:s23], $0x2000  }
0x16f: {  	[sflag:s23] =	ssyncset.done $0x0  }
0x170: {  	s2 =	sadd.s32 $0x780, s7;
	s30 =	simm.s32 $0x0;
	[sflag:s23] =	ssyncadd.s32 $0xFFFFE000  }
0x171: {  	[tilespmem:s12], [sflag:$0x3] =	stream.linear.gather [hbm4b:s2+s30], $0x1400, $0x38;
	[tilespmem:$0x1E800] =	vst v63  }
0x172: {  	_ =	swait.ge [sflag:s11], $0x1400  }
0x173: {  	[sflag:s11] =	ssyncset.done $0x0  }
0x174: {  	s2 =	sadd.s32 $0x780, s8;
	[sflag:s11] =	ssyncadd.s32 $0xFFFFEC00  }
0x175: {  	[tilespmem:s13], [sflag:$0x3] =	stream.linear.gather [hbm4b:s2+s30], $0x1400, $0x38;
	[tilespmem:$0x1E800] =	vst v63  }
0x176: {  	_ =	swait.ge [sflag:s11], $0x1400  }
0x177: {  	[sflag:s11] =	ssyncset.done $0x0  }
0x178: {  	[sflag:s11] =	ssyncadd.s32 $0xFFFFEC00  }
0x179: {  	[tilespmem:s15], [sflag:$0x1] =	stream.indirect.gather [hbm4b:s1+s14], $0x80, s12, s14, $0xb8;
	[tilespmem:$0x1E800] =	vst v63  }
0x17a: {  	_ = 	snop  }
0x17b: {  	[tilespmem:s17], [sflag:$0x1] =	stream.indirect.gather [hbm4b:s1+s14], $0x80, s16, s14, $0xb8;
	[tilespmem:$0x1E800] =	vst v63  }
0x17c: {  	_ = 	snop  }
0x17d: {  	[tilespmem:s19], [sflag:$0x1] =	stream.indirect.gather [hbm4b:s1+s14], $0x80, s18, s14, $0xb8;
	[tilespmem:$0x1E800] =	vst v63  }
0x17e: {  	_ =	swait.ge [sflag:s20], $0x2000  }
0x17f: {  	[sflag:s20] =	ssyncset.done $0x0  }
0x180: {  	[sflag:s20] =	ssyncadd.s32 $0xFFFFE000  }
0x181: {  	[tilespmem:s22], [sflag:$0x1] =	stream.indirect.gather [hbm4b:s1+s14], $0x80, s21, s14, $0xb8;
	[tilespmem:$0x1E800] =	vst v63  }
0x182: {  	_ = 	snop  }
0x183: {  	[spmem:s3] =	stream.indirect.scatter.add.f32 [tilespmem:s15], [sflag:$0x2], $0x80, s13, s14, $0xb8;
	[tilespmem:$0x1E800] =	vst v63  }
0x184: {  	_ =	swait.ge [sflag:s20], $0x2000  }
0x185: {  	[sflag:s20] =	ssyncset.done $0x0  }
0x186: {  	[sflag:s20] =	ssyncadd.s32 $0xFFFFE000  }
0x187: {  	_ =	swait.ge [sflag:s23], $0x2000  }
0x188: {  	[sflag:s23] =	ssyncset.done $0x0  }
0x189: {  	s2 =	simm.s32 $0x14200;
	[sflag:s23] =	ssyncadd.s32 $0xFFFFE000  }
0x18a: {  	[tilespmem:s15], [sflag:$0x1] =	stream.indirect.gather [hbm4b:s1+s14], $0x80, s2, s14, $0xb8;
	[tilespmem:$0x1E800] =	vst v63  }
0x18b: {  	s2 =	simm.s32 $0x15480  }
0x18c: {  	[spmem:s3] =	stream.indirect.scatter.add.f32 [tilespmem:s17], [sflag:$0x2], $0x80, s2, s14, $0xb8;
	[tilespmem:$0x1E800] =	vst v63  }
0x18d: {  	_ =	swait.ge [sflag:s20], $0x2000  }
0x18e: {  	[sflag:s20] =	ssyncset.done $0x0  }
0x18f: {  	[sflag:s20] =	ssyncadd.s32 $0xFFFFE000  }
0x190: {  	_ =	swait.ge [sflag:s23], $0x2000  }
0x191: {  	[sflag:s23] =	ssyncset.done $0x0  }
0x192: {  	s2 =	simm.s32 $0x14280;
	[sflag:s23] =	ssyncadd.s32 $0xFFFFE000  }
0x193: {  	[tilespmem:s17], [sflag:$0x1] =	stream.indirect.gather [hbm4b:s1+s14], $0x80, s2, s14, $0xb8;
	[tilespmem:$0x1E800] =	vst v63  }
0x194: {  	s2 =	simm.s32 $0x15500  }
0x195: {  	[spmem:s3] =	stream.indirect.scatter.add.f32 [tilespmem:s19], [sflag:$0x2], $0x80, s2, s14, $0xb8;
	[tilespmem:$0x1E800] =	vst v63  }
0x196: {  	_ =	swait.ge [sflag:s20], $0x2000  }
0x197: {  	[sflag:s20] =	ssyncset.done $0x0  }
0x198: {  	[sflag:s20] =	ssyncadd.s32 $0xFFFFE000  }
0x199: {  	_ =	swait.ge [sflag:s23], $0x2000  }
0x19a: {  	[sflag:s23] =	ssyncset.done $0x0  }
0x19b: {  	s2 =	simm.s32 $0x14300;
	[sflag:s23] =	ssyncadd.s32 $0xFFFFE000  }
0x19c: {  	[tilespmem:s19], [sflag:$0x1] =	stream.indirect.gather [hbm4b:s1+s14], $0x80, s2, s14, $0xb8;
	[tilespmem:$0x1E800] =	vst v63  }
0x19d: {  	s2 =	simm.s32 $0x15580  }
0x19e: {  	[spmem:s3] =	stream.indirect.scatter.add.f32 [tilespmem:s22], [sflag:$0x2], $0x80, s2, s14, $0xb8;
	[tilespmem:$0x1E800] =	vst v63  }
0x19f: {  	_ =	swait.ge [sflag:s20], $0x2000  }
0x1a0: {  	[sflag:s20] =	ssyncset.done $0x0  }
0x1a1: {  	[sflag:s20] =	ssyncadd.s32 $0xFFFFE000  }
0x1a2: {  	_ =	swait.ge [sflag:s23], $0x2000  }
0x1a3: {  	s31 =	simm.s32 $0x15600;
	[sflag:s23] =	ssyncset.done $0x0  }
0x1a4: {  	s30 =	simm.s32 $0x800;
	s2 =	simm.s32 $0x14380;
	[sflag:s23] =	ssyncadd.s32 $0xFFFFE000  }
0x1a5: {  	[tilespmem:s22], [sflag:$0x1] =	stream.indirect.gather [hbm4b:s1+s14], $0x80, s2, s14, $0xb8;
	[tilespmem:$0x1E800] =	vst v63  }
.LBB2_8:
0x1a6: {  	[spmem:s3] =	stream.indirect.scatter.add.f32 [tilespmem:s15], [sflag:$0x2], $0x80, s31, s14, $0xb8;
	[tilespmem:$0x1E800] =	vst v63  }
0x1a7: {  	s2 =	smov.u32 s30  }
0x1a8: {  	p0 =	sne.s32 s30, $0x4000;
	s30 =	sadd.s32 $0x800, s30;
	_ =	swait.ge [sflag:s20], $0x2000  }
0x1a9: {  	[sflag:s20] =	ssyncset.done $0x0  }
0x1aa: {  	[sflag:s20] =	ssyncadd.s32 $0xFFFFE000  }
0x1ab: {  	_ =	swait.ge [sflag:s23], $0x2000  }
0x1ac: {  	s31 =	sshra.s32 s2, $0x2;
	[sflag:s23] =	ssyncset.done $0x0  }
0x1ad: {  	s2 =	sadd.s32 $0x14200, s31;
	[sflag:s23] =	ssyncadd.s32 $0xFFFFE000  }
0x1ae: {  	[tilespmem:s15], [sflag:$0x1] =	stream.indirect.gather [hbm4b:s1+s14], $0x80, s2, s14, $0xb8;
	[tilespmem:$0x1E800] =	vst v63  }
0x1af: {  	s2 =	sadd.s32 $0x15480, s31  }
0x1b0: {  	[spmem:s3] =	stream.indirect.scatter.add.f32 [tilespmem:s17], [sflag:$0x2], $0x80, s2, s14, $0xb8;
	[tilespmem:$0x1E800] =	vst v63  }
0x1b1: {  	_ =	swait.ge [sflag:s20], $0x2000  }
0x1b2: {  	[sflag:s20] =	ssyncset.done $0x0  }
0x1b3: {  	[sflag:s20] =	ssyncadd.s32 $0xFFFFE000  }
0x1b4: {  	_ =	swait.ge [sflag:s23], $0x2000  }
0x1b5: {  	[sflag:s23] =	ssyncset.done $0x0  }
0x1b6: {  	s2 =	sadd.s32 $0x14280, s31;
	[sflag:s23] =	ssyncadd.s32 $0xFFFFE000  }
0x1b7: {  	[tilespmem:s17], [sflag:$0x1] =	stream.indirect.gather [hbm4b:s1+s14], $0x80, s2, s14, $0xb8;
	[tilespmem:$0x1E800] =	vst v63  }
0x1b8: {  	s2 =	sadd.s32 $0x15500, s31  }
0x1b9: {  	[spmem:s3] =	stream.indirect.scatter.add.f32 [tilespmem:s19], [sflag:$0x2], $0x80, s2, s14, $0xb8;
	[tilespmem:$0x1E800] =	vst v63  }
0x1ba: {  	_ =	swait.ge [sflag:s20], $0x2000  }
0x1bb: {  	[sflag:s20] =	ssyncset.done $0x0  }
0x1bc: {  	[sflag:s20] =	ssyncadd.s32 $0xFFFFE000  }
0x1bd: {  	_ =	swait.ge [sflag:s23], $0x2000  }
0x1be: {  	[sflag:s23] =	ssyncset.done $0x0  }
0x1bf: {  	s2 =	sadd.s32 $0x14300, s31;
	[sflag:s23] =	ssyncadd.s32 $0xFFFFE000  }
0x1c0: {  	[tilespmem:s19], [sflag:$0x1] =	stream.indirect.gather [hbm4b:s1+s14], $0x80, s2, s14, $0xb8;
	[tilespmem:$0x1E800] =	vst v63  }
0x1c1: {  	s2 =	sadd.s32 $0x15580, s31  }
0x1c2: {  	[spmem:s3] =	stream.indirect.scatter.add.f32 [tilespmem:s22], [sflag:$0x2], $0x80, s2, s14, $0xb8;
	[tilespmem:$0x1E800] =	vst v63  }
0x1c3: {  	_ =	swait.ge [sflag:s20], $0x2000  }
0x1c4: {  	[sflag:s20] =	ssyncset.done $0x0  }
0x1c5: {  	[sflag:s20] =	ssyncadd.s32 $0xFFFFE000  }
.Ltmp3:
0x1c6: {  	_ =	swait.ge [sflag:s23], $0x2000;
	(pc) =	sbr.rel @p0 .LBB2_8-.Ltmp3, $4  }
0x1c7: {  	[sflag:s23] =	ssyncset.done $0x0  }
0x1c8: {  	s2 =	sadd.s32 $0x14380, s31;
	[sflag:s23] =	ssyncadd.s32 $0xFFFFE000  }
0x1c9: {  	[tilespmem:s22], [sflag:$0x1] =	stream.indirect.gather [hbm4b:s1+s14], $0x80, s2, s14, $0xb8;
	[tilespmem:$0x1E800] =	vst v63  }
0x1ca: {  	s31 =	sadd.s32 $0x15600, s31  }
0x1cb: {  	[spmem:s3] =	stream.indirect.scatter.add.f32 [tilespmem:s15], [sflag:$0x2], $0x80, s31, s14, $0xb8;
	[tilespmem:$0x1E800] =	vst v63  }
0x1cc: {  	_ =	swait.ge [sflag:s20], $0x2000  }
0x1cd: {  	[sflag:s20] =	ssyncset.done $0x0  }
0x1ce: {  	[sflag:s20] =	ssyncadd.s32 $0xFFFFE000  }
0x1cf: {  	_ =	swait.ge [sflag:s23], $0x2000  }
0x1d0: {  	[sflag:s23] =	ssyncset.done $0x0  }
0x1d1: {  	[sflag:s23] =	ssyncadd.s32 $0xFFFFE000  }
0x1d2: {  	[spmem:s3] =	stream.indirect.scatter.add.f32 [tilespmem:s17], [sflag:$0x2], $0x80, s25, s14, $0xb8;
	[tilespmem:$0x1E800] =	vst v63  }
0x1d3: {  	_ =	swait.ge [sflag:s20], $0x2000  }
0x1d4: {  	[sflag:s20] =	ssyncset.done $0x0  }
0x1d5: {  	[sflag:s20] =	ssyncadd.s32 $0xFFFFE000  }
0x1d6: {  	_ =	swait.ge [sflag:s23], $0x2000  }
0x1d7: {  	[sflag:s23] =	ssyncset.done $0x0  }
0x1d8: {  	[sflag:s23] =	ssyncadd.s32 $0xFFFFE000  }
0x1d9: {  	[spmem:s3] =	stream.indirect.scatter.add.f32 [tilespmem:s19], [sflag:$0x2], $0x80, s26, s14, $0xb8;
	[tilespmem:$0x1E800] =	vst v63  }
0x1da: {  	_ =	swait.ge [sflag:s20], $0x2000  }
0x1db: {  	[sflag:s20] =	ssyncset.done $0x0  }
0x1dc: {  	[sflag:s20] =	ssyncadd.s32 $0xFFFFE000  }
0x1dd: {  	_ =	swait.ge [sflag:s23], $0x2000  }
0x1de: {  	[sflag:s23] =	ssyncset.done $0x0  }
0x1df: {  	[sflag:s23] =	ssyncadd.s32 $0xFFFFE000  }
0x1e0: {  	[spmem:s3] =	stream.indirect.scatter.add.f32 [tilespmem:s22], [sflag:$0x2], $0x80, s28, s14, $0xb8;
	[tilespmem:$0x1E800] =	vst v63  }
0x1e1: {  	_ =	swait.ge [sflag:s23], $0x2000  }
0x1e2: {  	s29 =	sadd.s32 $0x1, s29;
	[sflag:s23] =	ssyncset.done $0x0  }
0x1e3: {  	p0 =	sne.s32 s29, s9;
	[sflag:s23] =	ssyncadd.s32 $0xFFFFE000  }
.Ltmp4:
0x1e4: {  	[bflag:$0x0] =	sbarrier.arrive $0xFFFF;
	(pc) =	sbr.rel @p0 .LBB2_1-.Ltmp4, $4  }
0x1e5: {  	[hbm:s24], [sflag:s6] =	dma.local [spmem:s10], $0x2800  }
0x1e6: {  	_ =	swait.ge [sflag:s11], $0x2800  }
0x1e7: {  	[sflag:s11] =	ssyncset.done $0x0  }
0x1e8: {  	[sflag:s11] =	ssyncadd.s32 $0xFFFFD800  }
0x1e9: {  	_ =	sfence.sel $0x180000  }
0x1ea: {  	[bflag:$0x0] =	sbarrier.arrive $0xFFFF  }
0x1eb: {  	_ =	strace $0x9000004A  }
0x1ec: {  	[bflag:$0x2] =	sbarrier.arrive $0xFFFF  }
0x1ed: {  	p0 =	sne.s32 s0, $0x0;
	s0 =	rddreg [dreg:$0x3]  }
0x1ee: {  	s0 =	sadd.s32 @!p0 $0x100000, s0  }
0x1ef: {  	[sflag:s0] =	ssyncadd.tile.s32 @!p0 $0x1;
	_ =	shalt  }
.Lfunc_end2:
_tile_overlayer_lowered:
.L_overlay_start_2:
0x1f0: {  	(tag) =	ssettag $0x2  }
0x1f1: {  	s0 =	rddreg [dreg:$0x0];
	s2 =	stileid.u32  }
0x1f2: {  	s1 =	rddreg [dreg:$0x1];
	p0 =	sne.s32 s2, $0x0  }
0x1f3: {  	s3 =	rddreg [dreg:$0x2];
	[bflag:$0x3] =	sbarrier.arrive $0xFFFF;
	s2 =	simm.s32 @!p0 $0x1C03  }
0x1f4: {  	[timem:s3], [sflag:s2] =	dma.local @!p0 [hbm:s0], s1  }
0x1f5: {  	s0 =	simm.s32 @!p0 $0x3  }
0x1f6: {  	_ =	swait.ge @!p0 [sflag:s0], s1  }
0x1f7: {  	s1 =	ssub.s32 @!p0 $0x0, s1;
	[sflag:s0] =	ssyncset.done @!p0 $0x0  }
0x1f8: {  	[sflag:s0] =	ssyncadd.s32 @!p0 s1  }
0x1f9: {  	[bflag:$0x3] =	sbarrier.arrive $0xFFFF  }
0x1fa: {  	_ =	shalt  }

// kernel: kernel.14.cloned.1.call-start
scs
__scs_entry_jumppad:
0x0: {  	(pc) =	sbr.rel $0x88, $3  }
0x1: {  	(tag) =	ssettag $0x0;
	lr =	simm.s32 $0x1  }
0x2: {  	[smem:$0x3F9B] =	sst lr;
	_ =	strace $0xD0000000  }
0x3: {  	_ = 	snop  }
0x4: {  	_ = 	snop  }
0x5: {  	_ = 	snop  }
0x6: {  	_ = 	snop  }
0x7: {  	_ = 	snop  }
__scs_overlays_trampoline_lowered:
0x8: {  	[smem:$0x3FAA] =	sst s0  }
0x9: {  	[smem:$0x3FAB] =	sst s1  }
0xa: {  	[smem:$0x3FAC] =	sst s2  }
0xb: {  	[smem:$0x3FAD] =	sst s3  }
0xc: {  	[smem:$0x3FAE] =	sst s4  }
0xd: {  	[smem:$0x3FAF] =	sst s5  }
0xe: {  	[smem:$0x3FB0] =	sst s6  }
0xf: {  	[smem:$0x3FB1] =	sst s7  }
0x10: {  	[smem:$0x3FB2] =	sst s8  }
0x11: {  	[smem:$0x3FB3] =	sst s9;
	s0 =	simm.s32 @!p0 $0x0  }
0x12: {  	s1 =	sld [smem:$0x3F99];
	s0 =	simm.s32 @p0 $0x1  }
0x13: {  	[smem:$0x3FB4] =	sst s0;
	s0 =	simm.s32 @!p1 $0x0  }
0x14: {  	s2 =	sld [smem:$0x3F98];
	s0 =	simm.s32 @p1 $0x1  }
0x15: {  	[smem:$0x3FB5] =	sst s0;
	s0 =	simm.s32 @!p2 $0x0  }
0x16: {  	s3 =	sld [smem:$0x3FDB];
	s0 =	simm.s32 @p2 $0x1  }
0x17: {  	s4 =	simm.s32 $0x1BF5;
	[smem:$0x3FB7] =	sst s0  }
0x18: {  	s0 =	sld [smem:$0x3F9A];
	_ =	swait.ge [sflag:s4], $0x0  }
0x19: {  	s7 =	sld [smem:$0x3F9B]  }
0x1a: {  	s8 =	sadd.s32 $0xFFFFE003, lr  }
0x1b: {  	s9 =	sadd.s32 $0xFFFFFEF7, lr;
	s5 =	simm.s32 $0xFFFFFFFF;
	p2 =	slt.u32 s8, $0xFFFFF086  }
0x1c: {  	p1 =	slt.u32 s9, $0xF7A;
	s5 =	simm.s32 @!p2 $0x0  }
0x1d: {  	s5 =	simm.s32 @p1 $0x1;
	p0 =	seq.s32 s7, s2  }
0x1e: {  	s7 =	smul.u32 @!p0 $0xF7A, s2;
	p2 =	seq.s32 @!p0 s5, $0x0  }
0x1f: {  	s9 =	smul.u32 $0xF7A, s1;
	s8 =	simm.s32 @!p0 $0x1BF5;
	p2 =	por !p2, p0  }
0x20: {  	[sflag:s8] =	ssyncset.s32 @!p0 $0xFFFFF086;
	s6 =	sadd.s32 @!p0 s3, s7;
	s7 =	simm.s32 @!p0 $0x108  }
0x21: {  	s3 =	sadd.s32 s3, s9;
	s6 =	sadd.s32 @!p0 $0x88, s6;
	s7 =	simm.s32 @p2 $0x1082  }
0x22: {  	[simem:s7], [sflag:s8] =	dma.local @!p0 [hbm:s6], $0xF7A  }
0x23: {  	s9 =	sor.u32 $0xD0000000, s2;
	s6 =	simm.s32 $0x108;
	_ =	swait.ge @!p0 [sflag:s8], $0x0  }
0x24: {  	s3 =	sadd.s32 $0x88, s3;
	s6 =	simm.s32 @!p1 $0x1082;
	[sflag:s4] =	ssyncset.s32 $0xFFFFF086  }
0x25: {  	[simem:s6], [sflag:s4] =	dma.local [hbm:s3], $0xF7A  }
0x26: {  	[smem:$0x3F9B] =	sst s1;
	(tag) =	ssettag s2;
	_ =	strace s9  }
0x27: {  	s1 =	sld [smem:$0x3FAB]  }
0x28: {  	s2 =	sld [smem:$0x3FAC]  }
0x29: {  	s4 =	sld [smem:$0x3FAE]  }
0x2a: {  	p0 =	seq.s32 s5, $0x0;
	s5 =	sld [smem:$0x3FAF]  }
0x2b: {  	s6 =	sld [smem:$0x3FB0]  }
0x2c: {  	s7 =	sld [smem:$0x3FB1]  }
0x2d: {  	s3 =	simm.s32 $0x108;
	s8 =	sld [smem:$0x3FB2]  }
0x2e: {  	s3 =	simm.s32 @!p0 $0x1082;
	s9 =	sld [smem:$0x3FB3]  }
0x2f: {  	lr =	sadd.s32 s0, s3;
	s0 =	sld [smem:$0x3FAA]  }
0x30: {  	s3 =	sld [smem:$0x3FAD]  }
0x31: {  	[smem:$0x3FB6] =	sst s10  }
0x32: {  	s10 =	sld [smem:$0x3FB4];
	_ =	sdelay $0x3  }
0x33: {  	p0 =	seq.s32 s10, $0x1;
	s10 =	sld [smem:$0x3FB6];
	_ =	sdelay $0x3  }
0x34: {  	[smem:$0x3FB6] =	sst s10  }
0x35: {  	s10 =	sld [smem:$0x3FB5];
	_ =	sdelay $0x3  }
0x36: {  	p1 =	seq.s32 s10, $0x1;
	s10 =	sld [smem:$0x3FB6];
	_ =	sdelay $0x3  }
0x37: {  	[smem:$0x3FB6] =	sst s10  }
0x38: {  	s10 =	sld [smem:$0x3FB7]  }
0x39: {  	_ = 	snop;
	(pc) =	sbr.ind lr, $3  }
0x3a: {  	_ = 	snop  }
0x3b: {  	_ = 	snop  }
0x3c: {  	p2 =	seq.s32 s10, $0x1;
	s10 =	sld [smem:$0x3FB6]  }
0x3d: {  	_ =	shalt  }
0x3e: {  	_ =	shalt  }
0x3f: {  	_ =	shalt  }
0x40: {  	_ =	shalt  }
0x41: {  	_ =	shalt  }
0x42: {  	_ =	shalt  }
0x43: {  	_ =	shalt  }
0x44: {  	_ =	shalt  }
0x45: {  	_ =	shalt  }
0x46: {  	_ =	shalt  }
0x47: {  	_ =	shalt  }
0x48: {  	_ =	shalt  }
0x49: {  	_ =	shalt  }
0x4a: {  	_ =	shalt  }
0x4b: {  	_ =	shalt  }
0x4c: {  	_ =	shalt  }
0x4d: {  	_ =	shalt  }
0x4e: {  	_ =	shalt  }
0x4f: {  	_ =	shalt  }
0x50: {  	_ =	shalt  }
0x51: {  	_ =	shalt  }
0x52: {  	_ =	shalt  }
0x53: {  	_ =	shalt  }
0x54: {  	_ =	shalt  }
0x55: {  	_ =	shalt  }
0x56: {  	_ =	shalt  }
0x57: {  	_ =	shalt  }
0x58: {  	_ =	shalt  }
0x59: {  	_ =	shalt  }
0x5a: {  	_ =	shalt  }
0x5b: {  	_ =	shalt  }
0x5c: {  	_ =	shalt  }
0x5d: {  	_ =	shalt  }
0x5e: {  	_ =	shalt  }
0x5f: {  	_ =	shalt  }
0x60: {  	_ =	shalt  }
0x61: {  	_ =	shalt  }
0x62: {  	_ =	shalt  }
0x63: {  	_ =	shalt  }
0x64: {  	_ =	shalt  }
0x65: {  	_ =	shalt  }
0x66: {  	_ =	shalt  }
0x67: {  	_ =	shalt  }
0x68: {  	_ =	shalt  }
0x69: {  	_ =	shalt  }
0x6a: {  	_ =	shalt  }
0x6b: {  	_ =	shalt  }
0x6c: {  	_ =	shalt  }
0x6d: {  	_ =	shalt  }
0x6e: {  	_ =	shalt  }
0x6f: {  	_ =	shalt  }
0x70: {  	_ =	shalt  }
0x71: {  	_ =	shalt  }
0x72: {  	_ =	shalt  }
0x73: {  	_ =	shalt  }
0x74: {  	_ =	shalt  }
0x75: {  	_ =	shalt  }
0x76: {  	_ =	shalt  }
0x77: {  	_ =	shalt  }
0x78: {  	_ =	shalt  }
0x79: {  	_ =	shalt  }
0x7a: {  	_ =	shalt  }
0x7b: {  	_ =	shalt  }
0x7c: {  	_ =	shalt  }
0x7d: {  	_ =	shalt  }
0x7e: {  	_ =	shalt  }
0x7f: {  	_ =	shalt  }
0x80: {  	_ =	shalt  }
0x81: {  	_ =	shalt  }
0x82: {  	_ =	shalt  }
0x83: {  	_ =	shalt  }
0x84: {  	_ =	shalt  }
0x85: {  	_ =	shalt  }
0x86: {  	_ =	shalt  }
0x87: {  	_ =	shalt  }
.Lfunc_end0:
.L_simem_size_0:
called_computation.2_lowered:
.L_overlay_start_0:
0x88: {  	s2 =	sld [smem:$0x3FD9]  }
0x89: {  	s3 =	sld [smem:$0x3FFE];
	_ =	sdelay $0x1  }
0x8a: {  	s1 =	srdreg.scid  }
0x8b: {  	s0 =	sand.u32 $0x1, s1  }
0x8c: {  	s17 =	sshll.u32 s0, $0xA;
	s2 =	sadd.s32 s3, s2  }
0x8d: {  	s2 =	sadd.s32 s2, s17  }
0x8e: {  	[smem:$0x3FC2] =	sst s2  }
0x8f: {  	_ = 	snop  }
0x90: {  	s2 =	sld [smem:$0x3FD0];
	(tm) =	ssettm $0x1  }
0x91: {  	s18 =	sld [smem:$0x3FFB];
	_ =	sdelay $0x3  }
0x92: {  	_ =	strace s18  }
0x93: {  	s3 =	sld [smem:$0x3FFC];
	_ =	sdelay $0x3  }
0x94: {  	_ =	strace s3  }
0x95: {  	s3 =	sld [smem:$0x3FFD];
	_ =	sdelay $0x3  }
0x96: {  	_ =	strace s3  }
0x97: {  	_ =	strace $0x8FFFFFFF  }
0x98: {  	s19 =	sld [smem:$0x3FDB];
	_ =	sdelay $0x1  }
0x99: {  	s4 =	simm.s32 $_scs_section_size  }
0x9a: {  	s5 =	simm.s32 $_size__tile_overlayer_lowered;
	s6 =	simm.s32 $_tile_overlayer_lowered  }
0x9b: {  	s22 =	simm.s32 $0x1BFF;
	s21 =	sshll.u32 s6, $0x1;
	s3 =	sadd.s32 s4, s19  }
0x9c: {  	s7 =	simm.s32 $0x0;
	s20 =	sshll.u32 s5, $0x1;
	s5 =	sadd.s32 s21, s3  }
0x9d: {  	[timem:s7], [sflag:s22] =	dma.local [hbm:s5], s20  }
0x9e: {  	_ =	swait.ge [sflag:s22], s20  }
0x9f: {  	s4 =	ssub.s32 $0x0, s20;
	[sflag:s22] =	ssyncset.done $0x0  }
0xa0: {  	[sflag:s22] =	ssyncadd.s32 s4;
	_ =	sdelay $0x1  }
0xa1: {  	s23 =	simm.s32 $0x1B8B  }
0xa2: {  	_ =	swait.ge [sflag:s23], $0x1  }
0xa3: {  	[sflag:s23] =	ssyncset.done $0x0  }
0xa4: {  	s25 =	simm.s32 $0x1B8E;
	s24 =	sld [smem:$0x3FFE];
	[sflag:s23] =	ssyncadd.s32 $0xFFFFFFFF  }
0xa5: {  	s26 =	simm.s32 $execute0_lowered;
	[smem:$0x3FD2] =	sst s25  }
0xa6: {  	s5 =	sshll.u32 s26, $0x1;
	_ =	strace $0x8000004C;
	[dreg:$0x1] =	wrdreg $0xFFFFFFFF  }
0xa7: {  	s28 =	simm.s32 $_size_execute0_lowered;
	s3 =	sadd.s32 s3, s5;
	[dreg:$0x0] =	wrdreg $0x0  }
0xa8: {  	s5 =	sshll.u32 s28, $0x1;
	[dreg:$0x2] =	wrdreg s3  }
0xa9: {  	[dreg:$0x3] =	wrdreg s5  }
0xaa: {  	[dreg:$0x4] =	wrdreg $0xC0  }
0xab: {  	_ =	task [dreg:s7], $0x5FFFF  }
0xac: {  	[dreg:$0x1] =	wrdreg $0xFFFFFFFF  }
0xad: {  	[dreg:$0x0] =	wrdreg $0x60  }
0xae: {  	[dreg:$0x2] =	wrdreg s2  }
0xaf: {  	[dreg:$0x3] =	wrdreg s24  }
0xb0: {  	[dreg:$0x4] =	wrdreg $0x0  }
0xb1: {  	[dreg:$0x5] =	wrdreg $0x9  }
0xb2: {  	_ =	task.clear_ibuf [dreg:s7], $0x6FFFF;
	_ =	strace $0x9000004C  }
0xb3: {  	s29 =	simm.s32 $0x9;
	_ =	strace $0x8000004E  }
0xb4: {  	_ =	swait.ge [sflag:s29], $0x1  }
0xb5: {  	[sflag:s29] =	ssyncadd.s32 $0xFFFFFFFF  }
0xb6: {  	_ =	strace $0x9000004E  }
0xb7: {  	_ =	sfence  }
0xb8: {  	s30 =	sld [smem:$0x0];
	_ =	sdelay $0x2  }
0xb9: {  	s31 =	sshll.u32 s1, $0xD;
	s1 =	sshrl.u32 s1, $0x2  }
0xba: {  	s3 =	sand.u32 $0x4000, s31;
	s1 =	sadd.s32 s1, s30  }
0xbb: {  	s0 =	sor.u32 s3, s0;
	s1 =	sshll.u32 s1, $0x11  }
0xbc: {  	s0 =	sor.u32 s1, s0  }
0xbd: {  	s0 =	sadd.s32 $0x8F2B, s0  }
0xbe: {  	[sflag:s0] =	ssyncadd.remote.s32 $0x1  }
0xbf: {  	_ =	sfence.sel $0xFFFF  }
0xc0: {  	[dreg:$0x0] =	wrdreg $0xFFFFFFFF;
	(pc) =	sbr.abs _section_cstart, $3  }
0xc1: {  	[dreg:$0x1] =	wrdreg $0xFFFFFFFF  }
0xc2: {  	_ =	task.clear_ibuf [dreg:s7], $0x2FFFF;
	_ =	strace $0x9FFFFFFF  }
0xc3: {  	(tm) =	ssettm $0x7FFFFFFF  }
tec
execute0_lowered:
.L_overlay_start_1:
0x0: {  	(tag) =	ssettag $0x1  }
0x1: {  	s2 =	srdreg.scid;
	s1 =	rddreg [dreg:$0x0]  }
0x2: {  	s0 =	stileid.u32;
	s6 =	rddreg [dreg:$0x1]  }
0x3: {  	s3 =	rddreg [dreg:$0x2];
	s4 =	simm.s32 $0x0;
	s14 =	simm.s32 $0x40  }
0x4: {  	s15 =	simm.s32 $0x16800;
	s16 =	simm.s32 $0x14080;
	s17 =	simm.s32 $0x18800  }
0x5: {  	s18 =	simm.s32 $0x14100;
	s19 =	simm.s32 $0x1A800;
	s20 =	simm.s32 $0x1  }
0x6: {  	s21 =	simm.s32 $0x14180;
	s22 =	simm.s32 $0x1C800;
	s23 =	simm.s32 $0x2  }
0x7: {  	s28 =	simm.s32 $0x16780;
	s29 =	simm.s32 $0x0;
	s5 =	sand.u32 $0x1, s2  }
0x8: {  	s25 =	sshll.u32 s0, $0x1;
	s24 =	smul.u32 $0x2800, s0;
	[smem:$0x7FF] =	sst s4  }
0x9: {  	s9 =	smul.u32 $0x50000, s0;
	s31 =	sshll.u32 s0, $0x6;
	s2 =	sor.u32 s5, s25  }
0xa: {  	s8 =	smul.u32 $0x28000, s5;
	_ =	strace $0x8000004D;
	s5 =	ssub.s32 $0x2, s5  }
0xb: {  	s7 =	smul.u32 $0xA00, s2;
	s26 =	sadd.s32 s24, s6;
	s11 =	sshrl.u32 s5, $0x1  }
0xc: {  	s30 =	sshrl.u32 s9, $0x2;
	s12 =	sadd.s32 s8, s6;
	s11 =	ssub.s32 s5, s11  }
0xd: {  	s13 =	sadd.s32 s30, s3;
	s5 =	sadd.s32 $0x3200, s26;
	s26 =	simm.s32 $0x16700  }
0xe: {  	s10 =	sadd.s32 s7, s6;
	s6 =	sor.u32 $0x1C03, s31;
	s25 =	sadd.s32 $0x2B200, s12  }
0xf: {  	s9 =	smax.u32 s11, $0x1;
	s11 =	simm.s32 $0x3;
	s12 =	simm.s32 $0x14000  }
0x10: {  	s7 =	sadd.s32 $0x8F200, s10;
	s8 =	sadd.s32 $0x7B200, s10;
	s10 =	sshrl.u32 s13, $0x3  }
0x11: {  	s13 =	simm.s32 $0x15400;
	s24 =	sadd.s32 s24, s25;
	s25 =	simm.s32 $0x16680  }
.LBB2_1:
0x12: {  	[spmem:s10], [sflag:s6] =	dma.local [hbm:s5], $0x2800  }
0x13: {  	_ =	swait.ge [sflag:s11], $0x2800  }
0x14: {  	[sflag:s11] =	ssyncset.done $0x0  }
0x15: {  	[sflag:s11] =	ssyncadd.s32 $0xFFFFD800  }
0x16: {  	[bflag:$0x0] =	sbarrier.arrive $0xFFFF  }
0x17: {  	[tilespmem:s12], [sflag:$0x3] =	stream.linear.gather [hbm4b:s7+s4], $0x1400, $0x38;
	[tilespmem:$0x1E800] =	vst v63  }
0x18: {  	_ =	swait.ge [sflag:s11], $0x1400  }
0x19: {  	[sflag:s11] =	ssyncset.done $0x0  }
0x1a: {  	[sflag:s11] =	ssyncadd.s32 $0xFFFFEC00  }
0x1b: {  	[tilespmem:s13], [sflag:$0x3] =	stream.linear.gather [hbm4b:s8+s4], $0x1400, $0x38;
	[tilespmem:$0x1E800] =	vst v63  }
0x1c: {  	_ =	swait.ge [sflag:s11], $0x1400  }
0x1d: {  	[sflag:s11] =	ssyncset.done $0x0  }
0x1e: {  	[sflag:s11] =	ssyncadd.s32 $0xFFFFEC00  }
0x1f: {  	[tilespmem:s15], [sflag:$0x1] =	stream.indirect.gather [hbm4b:s1+s14], $0x80, s12, s14, $0xb8;
	[tilespmem:$0x1E800] =	vst v63  }
0x20: {  	_ = 	snop  }
0x21: {  	[tilespmem:s17], [sflag:$0x1] =	stream.indirect.gather [hbm4b:s1+s14], $0x80, s16, s14, $0xb8;
	[tilespmem:$0x1E800] =	vst v63  }
0x22: {  	_ = 	snop  }
0x23: {  	[tilespmem:s19], [sflag:$0x1] =	stream.indirect.gather [hbm4b:s1+s14], $0x80, s18, s14, $0xb8;
	[tilespmem:$0x1E800] =	vst v63  }
0x24: {  	_ =	swait.ge [sflag:s20], $0x2000  }
0x25: {  	[sflag:s20] =	ssyncset.done $0x0  }
0x26: {  	[sflag:s20] =	ssyncadd.s32 $0xFFFFE000  }
0x27: {  	[tilespmem:s22], [sflag:$0x1] =	stream.indirect.gather [hbm4b:s1+s14], $0x80, s21, s14, $0xb8;
	[tilespmem:$0x1E800] =	vst v63  }
0x28: {  	_ = 	snop  }
0x29: {  	[spmem:s3] =	stream.indirect.scatter.add.f32 [tilespmem:s15], [sflag:$0x2], $0x80, s13, s14, $0xb8;
	[tilespmem:$0x1E800] =	vst v63  }
0x2a: {  	_ =	swait.ge [sflag:s20], $0x2000  }
0x2b: {  	[sflag:s20] =	ssyncset.done $0x0  }
0x2c: {  	[sflag:s20] =	ssyncadd.s32 $0xFFFFE000  }
0x2d: {  	_ =	swait.ge [sflag:s23], $0x2000  }
0x2e: {  	[sflag:s23] =	ssyncset.done $0x0  }
0x2f: {  	s30 =	simm.s32 $0x14200;
	[sflag:s23] =	ssyncadd.s32 $0xFFFFE000  }
0x30: {  	[tilespmem:s15], [sflag:$0x1] =	stream.indirect.gather [hbm4b:s1+s14], $0x80, s30, s14, $0xb8;
	[tilespmem:$0x1E800] =	vst v63  }
0x31: {  	s30 =	simm.s32 $0x15480  }
0x32: {  	[spmem:s3] =	stream.indirect.scatter.add.f32 [tilespmem:s17], [sflag:$0x2], $0x80, s30, s14, $0xb8;
	[tilespmem:$0x1E800] =	vst v63  }
0x33: {  	_ =	swait.ge [sflag:s20], $0x2000  }
0x34: {  	[sflag:s20] =	ssyncset.done $0x0  }
0x35: {  	[sflag:s20] =	ssyncadd.s32 $0xFFFFE000  }
0x36: {  	_ =	swait.ge [sflag:s23], $0x2000  }
0x37: {  	[sflag:s23] =	ssyncset.done $0x0  }
0x38: {  	s30 =	simm.s32 $0x14280;
	[sflag:s23] =	ssyncadd.s32 $0xFFFFE000  }
0x39: {  	[tilespmem:s17], [sflag:$0x1] =	stream.indirect.gather [hbm4b:s1+s14], $0x80, s30, s14, $0xb8;
	[tilespmem:$0x1E800] =	vst v63  }
0x3a: {  	s30 =	simm.s32 $0x15500  }
0x3b: {  	[spmem:s3] =	stream.indirect.scatter.add.f32 [tilespmem:s19], [sflag:$0x2], $0x80, s30, s14, $0xb8;
	[tilespmem:$0x1E800] =	vst v63  }
0x3c: {  	_ =	swait.ge [sflag:s20], $0x2000  }
0x3d: {  	[sflag:s20] =	ssyncset.done $0x0  }
0x3e: {  	[sflag:s20] =	ssyncadd.s32 $0xFFFFE000  }
0x3f: {  	_ =	swait.ge [sflag:s23], $0x2000  }
0x40: {  	[sflag:s23] =	ssyncset.done $0x0  }
0x41: {  	s30 =	simm.s32 $0x14300;
	[sflag:s23] =	ssyncadd.s32 $0xFFFFE000  }
0x42: {  	[tilespmem:s19], [sflag:$0x1] =	stream.indirect.gather [hbm4b:s1+s14], $0x80, s30, s14, $0xb8;
	[tilespmem:$0x1E800] =	vst v63  }
0x43: {  	s30 =	simm.s32 $0x15580  }
0x44: {  	[spmem:s3] =	stream.indirect.scatter.add.f32 [tilespmem:s22], [sflag:$0x2], $0x80, s30, s14, $0xb8;
	[tilespmem:$0x1E800] =	vst v63  }
0x45: {  	_ =	swait.ge [sflag:s20], $0x2000  }
0x46: {  	[sflag:s20] =	ssyncset.done $0x0  }
0x47: {  	[sflag:s20] =	ssyncadd.s32 $0xFFFFE000  }
0x48: {  	_ =	swait.ge [sflag:s23], $0x2000  }
0x49: {  	[sflag:s23] =	ssyncset.done $0x0  }
0x4a: {  	s30 =	simm.s32 $0x14380;
	[sflag:s23] =	ssyncadd.s32 $0xFFFFE000  }
0x4b: {  	[tilespmem:s22], [sflag:$0x1] =	stream.indirect.gather [hbm4b:s1+s14], $0x80, s30, s14, $0xb8;
	[tilespmem:$0x1E800] =	vst v63  }
0x4c: {  	s31 =	simm.s32 $0x15600;
	s30 =	simm.s32 $0x800  }
.LBB2_2:
0x4d: {  	[spmem:s3] =	stream.indirect.scatter.add.f32 [tilespmem:s15], [sflag:$0x2], $0x80, s31, s14, $0xb8;
	[tilespmem:$0x1E800] =	vst v63  }
0x4e: {  	s31 =	smov.u32 s30  }
0x4f: {  	p0 =	sne.s32 s30, $0x4000;
	s30 =	sadd.s32 $0x800, s30;
	_ =	swait.ge [sflag:s20], $0x2000  }
0x50: {  	[sflag:s20] =	ssyncset.done $0x0  }
0x51: {  	[sflag:s20] =	ssyncadd.s32 $0xFFFFE000  }
0x52: {  	_ =	swait.ge [sflag:s23], $0x2000  }
0x53: {  	s31 =	sshra.s32 s31, $0x2;
	[sflag:s23] =	ssyncset.done $0x0  }
0x54: {  	s2 =	sadd.s32 $0x14200, s31;
	[sflag:s23] =	ssyncadd.s32 $0xFFFFE000  }
0x55: {  	[tilespmem:s15], [sflag:$0x1] =	stream.indirect.gather [hbm4b:s1+s14], $0x80, s2, s14, $0xb8;
	[tilespmem:$0x1E800] =	vst v63  }
0x56: {  	s2 =	sadd.s32 $0x15480, s31  }
0x57: {  	[spmem:s3] =	stream.indirect.scatter.add.f32 [tilespmem:s17], [sflag:$0x2], $0x80, s2, s14, $0xb8;
	[tilespmem:$0x1E800] =	vst v63  }
0x58: {  	_ =	swait.ge [sflag:s20], $0x2000  }
0x59: {  	[sflag:s20] =	ssyncset.done $0x0  }
0x5a: {  	[sflag:s20] =	ssyncadd.s32 $0xFFFFE000  }
0x5b: {  	_ =	swait.ge [sflag:s23], $0x2000  }
0x5c: {  	[sflag:s23] =	ssyncset.done $0x0  }
0x5d: {  	s2 =	sadd.s32 $0x14280, s31;
	[sflag:s23] =	ssyncadd.s32 $0xFFFFE000  }
0x5e: {  	[tilespmem:s17], [sflag:$0x1] =	stream.indirect.gather [hbm4b:s1+s14], $0x80, s2, s14, $0xb8;
	[tilespmem:$0x1E800] =	vst v63  }
0x5f: {  	s2 =	sadd.s32 $0x15500, s31  }
0x60: {  	[spmem:s3] =	stream.indirect.scatter.add.f32 [tilespmem:s19], [sflag:$0x2], $0x80, s2, s14, $0xb8;
	[tilespmem:$0x1E800] =	vst v63  }
0x61: {  	_ =	swait.ge [sflag:s20], $0x2000  }
0x62: {  	[sflag:s20] =	ssyncset.done $0x0  }
0x63: {  	[sflag:s20] =	ssyncadd.s32 $0xFFFFE000  }
0x64: {  	_ =	swait.ge [sflag:s23], $0x2000  }
0x65: {  	[sflag:s23] =	ssyncset.done $0x0  }
0x66: {  	s2 =	sadd.s32 $0x14300, s31;
	[sflag:s23] =	ssyncadd.s32 $0xFFFFE000  }
0x67: {  	[tilespmem:s19], [sflag:$0x1] =	stream.indirect.gather [hbm4b:s1+s14], $0x80, s2, s14, $0xb8;
	[tilespmem:$0x1E800] =	vst v63  }
0x68: {  	s2 =	sadd.s32 $0x15580, s31  }
0x69: {  	[spmem:s3] =	stream.indirect.scatter.add.f32 [tilespmem:s22], [sflag:$0x2], $0x80, s2, s14, $0xb8;
	[tilespmem:$0x1E800] =	vst v63  }
0x6a: {  	_ =	swait.ge [sflag:s20], $0x2000  }
0x6b: {  	[sflag:s20] =	ssyncset.done $0x0  }
0x6c: {  	[sflag:s20] =	ssyncadd.s32 $0xFFFFE000  }
.Ltmp0:
0x6d: {  	_ =	swait.ge [sflag:s23], $0x2000;
	(pc) =	sbr.rel @p0 .LBB2_2-.Ltmp0, $4  }
0x6e: {  	[sflag:s23] =	ssyncset.done $0x0  }
0x6f: {  	s2 =	sadd.s32 $0x14380, s31;
	[sflag:s23] =	ssyncadd.s32 $0xFFFFE000  }
0x70: {  	[tilespmem:s22], [sflag:$0x1] =	stream.indirect.gather [hbm4b:s1+s14], $0x80, s2, s14, $0xb8;
	[tilespmem:$0x1E800] =	vst v63  }
0x71: {  	s31 =	sadd.s32 $0x15600, s31  }
0x72: {  	[spmem:s3] =	stream.indirect.scatter.add.f32 [tilespmem:s15], [sflag:$0x2], $0x80, s31, s14, $0xb8;
	[tilespmem:$0x1E800] =	vst v63  }
0x73: {  	_ =	swait.ge [sflag:s20], $0x2000  }
0x74: {  	[sflag:s20] =	ssyncset.done $0x0  }
0x75: {  	[sflag:s20] =	ssyncadd.s32 $0xFFFFE000  }
0x76: {  	_ =	swait.ge [sflag:s23], $0x2000  }
0x77: {  	[sflag:s23] =	ssyncset.done $0x0  }
0x78: {  	[sflag:s23] =	ssyncadd.s32 $0xFFFFE000  }
0x79: {  	[spmem:s3] =	stream.indirect.scatter.add.f32 [tilespmem:s17], [sflag:$0x2], $0x80, s25, s14, $0xb8;
	[tilespmem:$0x1E800] =	vst v63  }
0x7a: {  	_ =	swait.ge [sflag:s20], $0x2000  }
0x7b: {  	[sflag:s20] =	ssyncset.done $0x0  }
0x7c: {  	[sflag:s20] =	ssyncadd.s32 $0xFFFFE000  }
0x7d: {  	_ =	swait.ge [sflag:s23], $0x2000  }
0x7e: {  	[sflag:s23] =	ssyncset.done $0x0  }
0x7f: {  	[sflag:s23] =	ssyncadd.s32 $0xFFFFE000  }
0x80: {  	[spmem:s3] =	stream.indirect.scatter.add.f32 [tilespmem:s19], [sflag:$0x2], $0x80, s26, s14, $0xb8;
	[tilespmem:$0x1E800] =	vst v63  }
0x81: {  	_ =	swait.ge [sflag:s20], $0x2000  }
0x82: {  	[sflag:s20] =	ssyncset.done $0x0  }
0x83: {  	[sflag:s20] =	ssyncadd.s32 $0xFFFFE000  }
0x84: {  	_ =	swait.ge [sflag:s23], $0x2000  }
0x85: {  	[sflag:s23] =	ssyncset.done $0x0  }
0x86: {  	[sflag:s23] =	ssyncadd.s32 $0xFFFFE000  }
0x87: {  	[spmem:s3] =	stream.indirect.scatter.add.f32 [tilespmem:s22], [sflag:$0x2], $0x80, s28, s14, $0xb8;
	[tilespmem:$0x1E800] =	vst v63  }
0x88: {  	_ =	swait.ge [sflag:s23], $0x2000  }
0x89: {  	[sflag:s23] =	ssyncset.done $0x0  }
0x8a: {  	s2 =	sadd.s32 $0x280, s7;
	s30 =	simm.s32 $0x0;
	[sflag:s23] =	ssyncadd.s32 $0xFFFFE000  }
0x8b: {  	[tilespmem:s12], [sflag:$0x3] =	stream.linear.gather [hbm4b:s2+s30], $0x1400, $0x38;
	[tilespmem:$0x1E800] =	vst v63  }
0x8c: {  	_ =	swait.ge [sflag:s11], $0x1400  }
0x8d: {  	[sflag:s11] =	ssyncset.done $0x0  }
0x8e: {  	s2 =	sadd.s32 $0x280, s8;
	[sflag:s11] =	ssyncadd.s32 $0xFFFFEC00  }
0x8f: {  	[tilespmem:s13], [sflag:$0x3] =	stream.linear.gather [hbm4b:s2+s30], $0x1400, $0x38;
	[tilespmem:$0x1E800] =	vst v63  }
0x90: {  	_ =	swait.ge [sflag:s11], $0x1400  }
0x91: {  	[sflag:s11] =	ssyncset.done $0x0  }
0x92: {  	[sflag:s11] =	ssyncadd.s32 $0xFFFFEC00  }
0x93: {  	[tilespmem:s15], [sflag:$0x1] =	stream.indirect.gather [hbm4b:s1+s14], $0x80, s12, s14, $0xb8;
	[tilespmem:$0x1E800] =	vst v63  }
0x94: {  	_ = 	snop  }
0x95: {  	[tilespmem:s17], [sflag:$0x1] =	stream.indirect.gather [hbm4b:s1+s14], $0x80, s16, s14, $0xb8;
	[tilespmem:$0x1E800] =	vst v63  }
0x96: {  	_ = 	snop  }
0x97: {  	[tilespmem:s19], [sflag:$0x1] =	stream.indirect.gather [hbm4b:s1+s14], $0x80, s18, s14, $0xb8;
	[tilespmem:$0x1E800] =	vst v63  }
0x98: {  	_ =	swait.ge [sflag:s20], $0x2000  }
0x99: {  	[sflag:s20] =	ssyncset.done $0x0  }
0x9a: {  	[sflag:s20] =	ssyncadd.s32 $0xFFFFE000  }
0x9b: {  	[tilespmem:s22], [sflag:$0x1] =	stream.indirect.gather [hbm4b:s1+s14], $0x80, s21, s14, $0xb8;
	[tilespmem:$0x1E800] =	vst v63  }
0x9c: {  	_ = 	snop  }
0x9d: {  	[spmem:s3] =	stream.indirect.scatter.add.f32 [tilespmem:s15], [sflag:$0x2], $0x80, s13, s14, $0xb8;
	[tilespmem:$0x1E800] =	vst v63  }
0x9e: {  	_ =	swait.ge [sflag:s20], $0x2000  }
0x9f: {  	[sflag:s20] =	ssyncset.done $0x0  }
0xa0: {  	[sflag:s20] =	ssyncadd.s32 $0xFFFFE000  }
0xa1: {  	_ =	swait.ge [sflag:s23], $0x2000  }
0xa2: {  	[sflag:s23] =	ssyncset.done $0x0  }
0xa3: {  	s2 =	simm.s32 $0x14200;
	[sflag:s23] =	ssyncadd.s32 $0xFFFFE000  }
0xa4: {  	[tilespmem:s15], [sflag:$0x1] =	stream.indirect.gather [hbm4b:s1+s14], $0x80, s2, s14, $0xb8;
	[tilespmem:$0x1E800] =	vst v63  }
0xa5: {  	s2 =	simm.s32 $0x15480  }
0xa6: {  	[spmem:s3] =	stream.indirect.scatter.add.f32 [tilespmem:s17], [sflag:$0x2], $0x80, s2, s14, $0xb8;
	[tilespmem:$0x1E800] =	vst v63  }
0xa7: {  	_ =	swait.ge [sflag:s20], $0x2000  }
0xa8: {  	[sflag:s20] =	ssyncset.done $0x0  }
0xa9: {  	[sflag:s20] =	ssyncadd.s32 $0xFFFFE000  }
0xaa: {  	_ =	swait.ge [sflag:s23], $0x2000  }
0xab: {  	[sflag:s23] =	ssyncset.done $0x0  }
0xac: {  	s2 =	simm.s32 $0x14280;
	[sflag:s23] =	ssyncadd.s32 $0xFFFFE000  }
0xad: {  	[tilespmem:s17], [sflag:$0x1] =	stream.indirect.gather [hbm4b:s1+s14], $0x80, s2, s14, $0xb8;
	[tilespmem:$0x1E800] =	vst v63  }
0xae: {  	s2 =	simm.s32 $0x15500  }
0xaf: {  	[spmem:s3] =	stream.indirect.scatter.add.f32 [tilespmem:s19], [sflag:$0x2], $0x80, s2, s14, $0xb8;
	[tilespmem:$0x1E800] =	vst v63  }
0xb0: {  	_ =	swait.ge [sflag:s20], $0x2000  }
0xb1: {  	[sflag:s20] =	ssyncset.done $0x0  }
0xb2: {  	[sflag:s20] =	ssyncadd.s32 $0xFFFFE000  }
0xb3: {  	_ =	swait.ge [sflag:s23], $0x2000  }
0xb4: {  	[sflag:s23] =	ssyncset.done $0x0  }
0xb5: {  	s2 =	simm.s32 $0x14300;
	[sflag:s23] =	ssyncadd.s32 $0xFFFFE000  }
0xb6: {  	[tilespmem:s19], [sflag:$0x1] =	stream.indirect.gather [hbm4b:s1+s14], $0x80, s2, s14, $0xb8;
	[tilespmem:$0x1E800] =	vst v63  }
0xb7: {  	s2 =	simm.s32 $0x15580  }
0xb8: {  	[spmem:s3] =	stream.indirect.scatter.add.f32 [tilespmem:s22], [sflag:$0x2], $0x80, s2, s14, $0xb8;
	[tilespmem:$0x1E800] =	vst v63  }
0xb9: {  	_ =	swait.ge [sflag:s20], $0x2000  }
0xba: {  	[sflag:s20] =	ssyncset.done $0x0  }
0xbb: {  	[sflag:s20] =	ssyncadd.s32 $0xFFFFE000  }
0xbc: {  	_ =	swait.ge [sflag:s23], $0x2000  }
0xbd: {  	s31 =	simm.s32 $0x15600;
	[sflag:s23] =	ssyncset.done $0x0  }
0xbe: {  	s30 =	simm.s32 $0x800;
	s2 =	simm.s32 $0x14380;
	[sflag:s23] =	ssyncadd.s32 $0xFFFFE000  }
0xbf: {  	[tilespmem:s22], [sflag:$0x1] =	stream.indirect.gather [hbm4b:s1+s14], $0x80, s2, s14, $0xb8;
	[tilespmem:$0x1E800] =	vst v63  }
.LBB2_4:
0xc0: {  	[spmem:s3] =	stream.indirect.scatter.add.f32 [tilespmem:s15], [sflag:$0x2], $0x80, s31, s14, $0xb8;
	[tilespmem:$0x1E800] =	vst v63  }
0xc1: {  	s2 =	smov.u32 s30  }
0xc2: {  	p0 =	sne.s32 s30, $0x4000;
	s30 =	sadd.s32 $0x800, s30;
	_ =	swait.ge [sflag:s20], $0x2000  }
0xc3: {  	[sflag:s20] =	ssyncset.done $0x0  }
0xc4: {  	[sflag:s20] =	ssyncadd.s32 $0xFFFFE000  }
0xc5: {  	_ =	swait.ge [sflag:s23], $0x2000  }
0xc6: {  	s31 =	sshra.s32 s2, $0x2;
	[sflag:s23] =	ssyncset.done $0x0  }
0xc7: {  	s2 =	sadd.s32 $0x14200, s31;
	[sflag:s23] =	ssyncadd.s32 $0xFFFFE000  }
0xc8: {  	[tilespmem:s15], [sflag:$0x1] =	stream.indirect.gather [hbm4b:s1+s14], $0x80, s2, s14, $0xb8;
	[tilespmem:$0x1E800] =	vst v63  }
0xc9: {  	s2 =	sadd.s32 $0x15480, s31  }
0xca: {  	[spmem:s3] =	stream.indirect.scatter.add.f32 [tilespmem:s17], [sflag:$0x2], $0x80, s2, s14, $0xb8;
	[tilespmem:$0x1E800] =	vst v63  }
0xcb: {  	_ =	swait.ge [sflag:s20], $0x2000  }
0xcc: {  	[sflag:s20] =	ssyncset.done $0x0  }
0xcd: {  	[sflag:s20] =	ssyncadd.s32 $0xFFFFE000  }
0xce: {  	_ =	swait.ge [sflag:s23], $0x2000  }
0xcf: {  	[sflag:s23] =	ssyncset.done $0x0  }
0xd0: {  	s2 =	sadd.s32 $0x14280, s31;
	[sflag:s23] =	ssyncadd.s32 $0xFFFFE000  }
0xd1: {  	[tilespmem:s17], [sflag:$0x1] =	stream.indirect.gather [hbm4b:s1+s14], $0x80, s2, s14, $0xb8;
	[tilespmem:$0x1E800] =	vst v63  }
0xd2: {  	s2 =	sadd.s32 $0x15500, s31  }
0xd3: {  	[spmem:s3] =	stream.indirect.scatter.add.f32 [tilespmem:s19], [sflag:$0x2], $0x80, s2, s14, $0xb8;
	[tilespmem:$0x1E800] =	vst v63  }
0xd4: {  	_ =	swait.ge [sflag:s20], $0x2000  }
0xd5: {  	[sflag:s20] =	ssyncset.done $0x0  }
0xd6: {  	[sflag:s20] =	ssyncadd.s32 $0xFFFFE000  }
0xd7: {  	_ =	swait.ge [sflag:s23], $0x2000  }
0xd8: {  	[sflag:s23] =	ssyncset.done $0x0  }
0xd9: {  	s2 =	sadd.s32 $0x14300, s31;
	[sflag:s23] =	ssyncadd.s32 $0xFFFFE000  }
0xda: {  	[tilespmem:s19], [sflag:$0x1] =	stream.indirect.gather [hbm4b:s1+s14], $0x80, s2, s14, $0xb8;
	[tilespmem:$0x1E800] =	vst v63  }
0xdb: {  	s2 =	sadd.s32 $0x15580, s31  }
0xdc: {  	[spmem:s3] =	stream.indirect.scatter.add.f32 [tilespmem:s22], [sflag:$0x2], $0x80, s2, s14, $0xb8;
	[tilespmem:$0x1E800] =	vst v63  }
0xdd: {  	_ =	swait.ge [sflag:s20], $0x2000  }
0xde: {  	[sflag:s20] =	ssyncset.done $0x0  }
0xdf: {  	[sflag:s20] =	ssyncadd.s32 $0xFFFFE000  }
.Ltmp1:
0xe0: {  	_ =	swait.ge [sflag:s23], $0x2000;
	(pc) =	sbr.rel @p0 .LBB2_4-.Ltmp1, $4  }
0xe1: {  	[sflag:s23] =	ssyncset.done $0x0  }
0xe2: {  	s2 =	sadd.s32 $0x14380, s31;
	[sflag:s23] =	ssyncadd.s32 $0xFFFFE000  }
0xe3: {  	[tilespmem:s22], [sflag:$0x1] =	stream.indirect.gather [hbm4b:s1+s14], $0x80, s2, s14, $0xb8;
	[tilespmem:$0x1E800] =	vst v63  }
0xe4: {  	s31 =	sadd.s32 $0x15600, s31  }
0xe5: {  	[spmem:s3] =	stream.indirect.scatter.add.f32 [tilespmem:s15], [sflag:$0x2], $0x80, s31, s14, $0xb8;
	[tilespmem:$0x1E800] =	vst v63  }
0xe6: {  	_ =	swait.ge [sflag:s20], $0x2000  }
0xe7: {  	[sflag:s20] =	ssyncset.done $0x0  }
0xe8: {  	[sflag:s20] =	ssyncadd.s32 $0xFFFFE000  }
0xe9: {  	_ =	swait.ge [sflag:s23], $0x2000  }
0xea: {  	[sflag:s23] =	ssyncset.done $0x0  }
0xeb: {  	[sflag:s23] =	ssyncadd.s32 $0xFFFFE000  }
0xec: {  	[spmem:s3] =	stream.indirect.scatter.add.f32 [tilespmem:s17], [sflag:$0x2], $0x80, s25, s14, $0xb8;
	[tilespmem:$0x1E800] =	vst v63  }
0xed: {  	_ =	swait.ge [sflag:s20], $0x2000  }
0xee: {  	[sflag:s20] =	ssyncset.done $0x0  }
0xef: {  	[sflag:s20] =	ssyncadd.s32 $0xFFFFE000  }
0xf0: {  	_ =	swait.ge [sflag:s23], $0x2000  }
0xf1: {  	[sflag:s23] =	ssyncset.done $0x0  }
0xf2: {  	[sflag:s23] =	ssyncadd.s32 $0xFFFFE000  }
0xf3: {  	[spmem:s3] =	stream.indirect.scatter.add.f32 [tilespmem:s19], [sflag:$0x2], $0x80, s26, s14, $0xb8;
	[tilespmem:$0x1E800] =	vst v63  }
0xf4: {  	_ =	swait.ge [sflag:s20], $0x2000  }
0xf5: {  	[sflag:s20] =	ssyncset.done $0x0  }
0xf6: {  	[sflag:s20] =	ssyncadd.s32 $0xFFFFE000  }
0xf7: {  	_ =	swait.ge [sflag:s23], $0x2000  }
0xf8: {  	[sflag:s23] =	ssyncset.done $0x0  }
0xf9: {  	[sflag:s23] =	ssyncadd.s32 $0xFFFFE000  }
0xfa: {  	[spmem:s3] =	stream.indirect.scatter.add.f32 [tilespmem:s22], [sflag:$0x2], $0x80, s28, s14, $0xb8;
	[tilespmem:$0x1E800] =	vst v63  }
0xfb: {  	_ =	swait.ge [sflag:s23], $0x2000  }
0xfc: {  	[sflag:s23] =	ssyncset.done $0x0  }
0xfd: {  	s2 =	sadd.s32 $0x500, s7;
	s30 =	simm.s32 $0x0;
	[sflag:s23] =	ssyncadd.s32 $0xFFFFE000  }
0xfe: {  	[tilespmem:s12], [sflag:$0x3] =	stream.linear.gather [hbm4b:s2+s30], $0x1400, $0x38;
	[tilespmem:$0x1E800] =	vst v63  }
0xff: {  	_ =	swait.ge [sflag:s11], $0x1400  }
0x100: {  	[sflag:s11] =	ssyncset.done $0x0  }
0x101: {  	s2 =	sadd.s32 $0x500, s8;
	[sflag:s11] =	ssyncadd.s32 $0xFFFFEC00  }
0x102: {  	[tilespmem:s13], [sflag:$0x3] =	stream.linear.gather [hbm4b:s2+s30], $0x1400, $0x38;
	[tilespmem:$0x1E800] =	vst v63  }
0x103: {  	_ =	swait.ge [sflag:s11], $0x1400  }
0x104: {  	[sflag:s11] =	ssyncset.done $0x0  }
0x105: {  	[sflag:s11] =	ssyncadd.s32 $0xFFFFEC00  }
0x106: {  	[tilespmem:s15], [sflag:$0x1] =	stream.indirect.gather [hbm4b:s1+s14], $0x80, s12, s14, $0xb8;
	[tilespmem:$0x1E800] =	vst v63  }
0x107: {  	_ = 	snop  }
0x108: {  	[tilespmem:s17], [sflag:$0x1] =	stream.indirect.gather [hbm4b:s1+s14], $0x80, s16, s14, $0xb8;
	[tilespmem:$0x1E800] =	vst v63  }
0x109: {  	_ = 	snop  }
0x10a: {  	[tilespmem:s19], [sflag:$0x1] =	stream.indirect.gather [hbm4b:s1+s14], $0x80, s18, s14, $0xb8;
	[tilespmem:$0x1E800] =	vst v63  }
0x10b: {  	_ =	swait.ge [sflag:s20], $0x2000  }
0x10c: {  	[sflag:s20] =	ssyncset.done $0x0  }
0x10d: {  	[sflag:s20] =	ssyncadd.s32 $0xFFFFE000  }
0x10e: {  	[tilespmem:s22], [sflag:$0x1] =	stream.indirect.gather [hbm4b:s1+s14], $0x80, s21, s14, $0xb8;
	[tilespmem:$0x1E800] =	vst v63  }
0x10f: {  	_ = 	snop  }
0x110: {  	[spmem:s3] =	stream.indirect.scatter.add.f32 [tilespmem:s15], [sflag:$0x2], $0x80, s13, s14, $0xb8;
	[tilespmem:$0x1E800] =	vst v63  }
0x111: {  	_ =	swait.ge [sflag:s20], $0x2000  }
0x112: {  	[sflag:s20] =	ssyncset.done $0x0  }
0x113: {  	[sflag:s20] =	ssyncadd.s32 $0xFFFFE000  }
0x114: {  	_ =	swait.ge [sflag:s23], $0x2000  }
0x115: {  	[sflag:s23] =	ssyncset.done $0x0  }
0x116: {  	s2 =	simm.s32 $0x14200;
	[sflag:s23] =	ssyncadd.s32 $0xFFFFE000  }
0x117: {  	[tilespmem:s15], [sflag:$0x1] =	stream.indirect.gather [hbm4b:s1+s14], $0x80, s2, s14, $0xb8;
	[tilespmem:$0x1E800] =	vst v63  }
0x118: {  	s2 =	simm.s32 $0x15480  }
0x119: {  	[spmem:s3] =	stream.indirect.scatter.add.f32 [tilespmem:s17], [sflag:$0x2], $0x80, s2, s14, $0xb8;
	[tilespmem:$0x1E800] =	vst v63  }
0x11a: {  	_ =	swait.ge [sflag:s20], $0x2000  }
0x11b: {  	[sflag:s20] =	ssyncset.done $0x0  }
0x11c: {  	[sflag:s20] =	ssyncadd.s32 $0xFFFFE000  }
0x11d: {  	_ =	swait.ge [sflag:s23], $0x2000  }
0x11e: {  	[sflag:s23] =	ssyncset.done $0x0  }
0x11f: {  	s2 =	simm.s32 $0x14280;
	[sflag:s23] =	ssyncadd.s32 $0xFFFFE000  }
0x120: {  	[tilespmem:s17], [sflag:$0x1] =	stream.indirect.gather [hbm4b:s1+s14], $0x80, s2, s14, $0xb8;
	[tilespmem:$0x1E800] =	vst v63  }
0x121: {  	s2 =	simm.s32 $0x15500  }
0x122: {  	[spmem:s3] =	stream.indirect.scatter.add.f32 [tilespmem:s19], [sflag:$0x2], $0x80, s2, s14, $0xb8;
	[tilespmem:$0x1E800] =	vst v63  }
0x123: {  	_ =	swait.ge [sflag:s20], $0x2000  }
0x124: {  	[sflag:s20] =	ssyncset.done $0x0  }
0x125: {  	[sflag:s20] =	ssyncadd.s32 $0xFFFFE000  }
0x126: {  	_ =	swait.ge [sflag:s23], $0x2000  }
0x127: {  	[sflag:s23] =	ssyncset.done $0x0  }
0x128: {  	s2 =	simm.s32 $0x14300;
	[sflag:s23] =	ssyncadd.s32 $0xFFFFE000  }
0x129: {  	[tilespmem:s19], [sflag:$0x1] =	stream.indirect.gather [hbm4b:s1+s14], $0x80, s2, s14, $0xb8;
	[tilespmem:$0x1E800] =	vst v63  }
0x12a: {  	s2 =	simm.s32 $0x15580  }
0x12b: {  	[spmem:s3] =	stream.indirect.scatter.add.f32 [tilespmem:s22], [sflag:$0x2], $0x80, s2, s14, $0xb8;
	[tilespmem:$0x1E800] =	vst v63  }
0x12c: {  	_ =	swait.ge [sflag:s20], $0x2000  }
0x12d: {  	[sflag:s20] =	ssyncset.done $0x0  }
0x12e: {  	[sflag:s20] =	ssyncadd.s32 $0xFFFFE000  }
0x12f: {  	_ =	swait.ge [sflag:s23], $0x2000  }
0x130: {  	s31 =	simm.s32 $0x15600;
	[sflag:s23] =	ssyncset.done $0x0  }
0x131: {  	s30 =	simm.s32 $0x800;
	s2 =	simm.s32 $0x14380;
	[sflag:s23] =	ssyncadd.s32 $0xFFFFE000  }
0x132: {  	[tilespmem:s22], [sflag:$0x1] =	stream.indirect.gather [hbm4b:s1+s14], $0x80, s2, s14, $0xb8;
	[tilespmem:$0x1E800] =	vst v63  }
.LBB2_6:
0x133: {  	[spmem:s3] =	stream.indirect.scatter.add.f32 [tilespmem:s15], [sflag:$0x2], $0x80, s31, s14, $0xb8;
	[tilespmem:$0x1E800] =	vst v63  }
0x134: {  	s2 =	smov.u32 s30  }
0x135: {  	p0 =	sne.s32 s30, $0x4000;
	s30 =	sadd.s32 $0x800, s30;
	_ =	swait.ge [sflag:s20], $0x2000  }
0x136: {  	[sflag:s20] =	ssyncset.done $0x0  }
0x137: {  	[sflag:s20] =	ssyncadd.s32 $0xFFFFE000  }
0x138: {  	_ =	swait.ge [sflag:s23], $0x2000  }
0x139: {  	s31 =	sshra.s32 s2, $0x2;
	[sflag:s23] =	ssyncset.done $0x0  }
0x13a: {  	s2 =	sadd.s32 $0x14200, s31;
	[sflag:s23] =	ssyncadd.s32 $0xFFFFE000  }
0x13b: {  	[tilespmem:s15], [sflag:$0x1] =	stream.indirect.gather [hbm4b:s1+s14], $0x80, s2, s14, $0xb8;
	[tilespmem:$0x1E800] =	vst v63  }
0x13c: {  	s2 =	sadd.s32 $0x15480, s31  }
0x13d: {  	[spmem:s3] =	stream.indirect.scatter.add.f32 [tilespmem:s17], [sflag:$0x2], $0x80, s2, s14, $0xb8;
	[tilespmem:$0x1E800] =	vst v63  }
0x13e: {  	_ =	swait.ge [sflag:s20], $0x2000  }
0x13f: {  	[sflag:s20] =	ssyncset.done $0x0  }
0x140: {  	[sflag:s20] =	ssyncadd.s32 $0xFFFFE000  }
0x141: {  	_ =	swait.ge [sflag:s23], $0x2000  }
0x142: {  	[sflag:s23] =	ssyncset.done $0x0  }
0x143: {  	s2 =	sadd.s32 $0x14280, s31;
	[sflag:s23] =	ssyncadd.s32 $0xFFFFE000  }
0x144: {  	[tilespmem:s17], [sflag:$0x1] =	stream.indirect.gather [hbm4b:s1+s14], $0x80, s2, s14, $0xb8;
	[tilespmem:$0x1E800] =	vst v63  }
0x145: {  	s2 =	sadd.s32 $0x15500, s31  }
0x146: {  	[spmem:s3] =	stream.indirect.scatter.add.f32 [tilespmem:s19], [sflag:$0x2], $0x80, s2, s14, $0xb8;
	[tilespmem:$0x1E800] =	vst v63  }
0x147: {  	_ =	swait.ge [sflag:s20], $0x2000  }
0x148: {  	[sflag:s20] =	ssyncset.done $0x0  }
0x149: {  	[sflag:s20] =	ssyncadd.s32 $0xFFFFE000  }
0x14a: {  	_ =	swait.ge [sflag:s23], $0x2000  }
0x14b: {  	[sflag:s23] =	ssyncset.done $0x0  }
0x14c: {  	s2 =	sadd.s32 $0x14300, s31;
	[sflag:s23] =	ssyncadd.s32 $0xFFFFE000  }
0x14d: {  	[tilespmem:s19], [sflag:$0x1] =	stream.indirect.gather [hbm4b:s1+s14], $0x80, s2, s14, $0xb8;
	[tilespmem:$0x1E800] =	vst v63  }
0x14e: {  	s2 =	sadd.s32 $0x15580, s31  }
0x14f: {  	[spmem:s3] =	stream.indirect.scatter.add.f32 [tilespmem:s22], [sflag:$0x2], $0x80, s2, s14, $0xb8;
	[tilespmem:$0x1E800] =	vst v63  }
0x150: {  	_ =	swait.ge [sflag:s20], $0x2000  }
0x151: {  	[sflag:s20] =	ssyncset.done $0x0  }
0x152: {  	[sflag:s20] =	ssyncadd.s32 $0xFFFFE000  }
.Ltmp2:
0x153: {  	_ =	swait.ge [sflag:s23], $0x2000;
	(pc) =	sbr.rel @p0 .LBB2_6-.Ltmp2, $4  }
0x154: {  	[sflag:s23] =	ssyncset.done $0x0  }
0x155: {  	s2 =	sadd.s32 $0x14380, s31;
	[sflag:s23] =	ssyncadd.s32 $0xFFFFE000  }
0x156: {  	[tilespmem:s22], [sflag:$0x1] =	stream.indirect.gather [hbm4b:s1+s14], $0x80, s2, s14, $0xb8;
	[tilespmem:$0x1E800] =	vst v63  }
0x157: {  	s31 =	sadd.s32 $0x15600, s31  }
0x158: {  	[spmem:s3] =	stream.indirect.scatter.add.f32 [tilespmem:s15], [sflag:$0x2], $0x80, s31, s14, $0xb8;
	[tilespmem:$0x1E800] =	vst v63  }
0x159: {  	_ =	swait.ge [sflag:s20], $0x2000  }
0x15a: {  	[sflag:s20] =	ssyncset.done $0x0  }
0x15b: {  	[sflag:s20] =	ssyncadd.s32 $0xFFFFE000  }
0x15c: {  	_ =	swait.ge [sflag:s23], $0x2000  }
0x15d: {  	[sflag:s23] =	ssyncset.done $0x0  }
0x15e: {  	[sflag:s23] =	ssyncadd.s32 $0xFFFFE000  }
0x15f: {  	[spmem:s3] =	stream.indirect.scatter.add.f32 [tilespmem:s17], [sflag:$0x2], $0x80, s25, s14, $0xb8;
	[tilespmem:$0x1E800] =	vst v63  }
0x160: {  	_ =	swait.ge [sflag:s20], $0x2000  }
0x161: {  	[sflag:s20] =	ssyncset.done $0x0  }
0x162: {  	[sflag:s20] =	ssyncadd.s32 $0xFFFFE000  }
0x163: {  	_ =	swait.ge [sflag:s23], $0x2000  }
0x164: {  	[sflag:s23] =	ssyncset.done $0x0  }
0x165: {  	[sflag:s23] =	ssyncadd.s32 $0xFFFFE000  }
0x166: {  	[spmem:s3] =	stream.indirect.scatter.add.f32 [tilespmem:s19], [sflag:$0x2], $0x80, s26, s14, $0xb8;
	[tilespmem:$0x1E800] =	vst v63  }
0x167: {  	_ =	swait.ge [sflag:s20], $0x2000  }
0x168: {  	[sflag:s20] =	ssyncset.done $0x0  }
0x169: {  	[sflag:s20] =	ssyncadd.s32 $0xFFFFE000  }
0x16a: {  	_ =	swait.ge [sflag:s23], $0x2000  }
0x16b: {  	[sflag:s23] =	ssyncset.done $0x0  }
0x16c: {  	[sflag:s23] =	ssyncadd.s32 $0xFFFFE000  }
0x16d: {  	[spmem:s3] =	stream.indirect.scatter.add.f32 [tilespmem:s22], [sflag:$0x2], $0x80, s28, s14, $0xb8;
	[tilespmem:$0x1E800] =	vst v63  }
0x16e: {  	_ =	swait.ge [sflag:s23], $0x2000  }
0x16f: {  	[sflag:s23] =	ssyncset.done $0x0  }
0x170: {  	s2 =	sadd.s32 $0x780, s7;
	s30 =	simm.s32 $0x0;
	[sflag:s23] =	ssyncadd.s32 $0xFFFFE000  }
0x171: {  	[tilespmem:s12], [sflag:$0x3] =	stream.linear.gather [hbm4b:s2+s30], $0x1400, $0x38;
	[tilespmem:$0x1E800] =	vst v63  }
0x172: {  	_ =	swait.ge [sflag:s11], $0x1400  }
0x173: {  	[sflag:s11] =	ssyncset.done $0x0  }
0x174: {  	s2 =	sadd.s32 $0x780, s8;
	[sflag:s11] =	ssyncadd.s32 $0xFFFFEC00  }
0x175: {  	[tilespmem:s13], [sflag:$0x3] =	stream.linear.gather [hbm4b:s2+s30], $0x1400, $0x38;
	[tilespmem:$0x1E800] =	vst v63  }
0x176: {  	_ =	swait.ge [sflag:s11], $0x1400  }
0x177: {  	[sflag:s11] =	ssyncset.done $0x0  }
0x178: {  	[sflag:s11] =	ssyncadd.s32 $0xFFFFEC00  }
0x179: {  	[tilespmem:s15], [sflag:$0x1] =	stream.indirect.gather [hbm4b:s1+s14], $0x80, s12, s14, $0xb8;
	[tilespmem:$0x1E800] =	vst v63  }
0x17a: {  	_ = 	snop  }
0x17b: {  	[tilespmem:s17], [sflag:$0x1] =	stream.indirect.gather [hbm4b:s1+s14], $0x80, s16, s14, $0xb8;
	[tilespmem:$0x1E800] =	vst v63  }
0x17c: {  	_ = 	snop  }
0x17d: {  	[tilespmem:s19], [sflag:$0x1] =	stream.indirect.gather [hbm4b:s1+s14], $0x80, s18, s14, $0xb8;
	[tilespmem:$0x1E800] =	vst v63  }
0x17e: {  	_ =	swait.ge [sflag:s20], $0x2000  }
0x17f: {  	[sflag:s20] =	ssyncset.done $0x0  }
0x180: {  	[sflag:s20] =	ssyncadd.s32 $0xFFFFE000  }
0x181: {  	[tilespmem:s22], [sflag:$0x1] =	stream.indirect.gather [hbm4b:s1+s14], $0x80, s21, s14, $0xb8;
	[tilespmem:$0x1E800] =	vst v63  }
0x182: {  	_ = 	snop  }
0x183: {  	[spmem:s3] =	stream.indirect.scatter.add.f32 [tilespmem:s15], [sflag:$0x2], $0x80, s13, s14, $0xb8;
	[tilespmem:$0x1E800] =	vst v63  }
0x184: {  	_ =	swait.ge [sflag:s20], $0x2000  }
0x185: {  	[sflag:s20] =	ssyncset.done $0x0  }
0x186: {  	[sflag:s20] =	ssyncadd.s32 $0xFFFFE000  }
0x187: {  	_ =	swait.ge [sflag:s23], $0x2000  }
0x188: {  	[sflag:s23] =	ssyncset.done $0x0  }
0x189: {  	s2 =	simm.s32 $0x14200;
	[sflag:s23] =	ssyncadd.s32 $0xFFFFE000  }
0x18a: {  	[tilespmem:s15], [sflag:$0x1] =	stream.indirect.gather [hbm4b:s1+s14], $0x80, s2, s14, $0xb8;
	[tilespmem:$0x1E800] =	vst v63  }
0x18b: {  	s2 =	simm.s32 $0x15480  }
0x18c: {  	[spmem:s3] =	stream.indirect.scatter.add.f32 [tilespmem:s17], [sflag:$0x2], $0x80, s2, s14, $0xb8;
	[tilespmem:$0x1E800] =	vst v63  }
0x18d: {  	_ =	swait.ge [sflag:s20], $0x2000  }
0x18e: {  	[sflag:s20] =	ssyncset.done $0x0  }
0x18f: {  	[sflag:s20] =	ssyncadd.s32 $0xFFFFE000  }
0x190: {  	_ =	swait.ge [sflag:s23], $0x2000  }
0x191: {  	[sflag:s23] =	ssyncset.done $0x0  }
0x192: {  	s2 =	simm.s32 $0x14280;
	[sflag:s23] =	ssyncadd.s32 $0xFFFFE000  }
0x193: {  	[tilespmem:s17], [sflag:$0x1] =	stream.indirect.gather [hbm4b:s1+s14], $0x80, s2, s14, $0xb8;
	[tilespmem:$0x1E800] =	vst v63  }
0x194: {  	s2 =	simm.s32 $0x15500  }
0x195: {  	[spmem:s3] =	stream.indirect.scatter.add.f32 [tilespmem:s19], [sflag:$0x2], $0x80, s2, s14, $0xb8;
	[tilespmem:$0x1E800] =	vst v63  }
0x196: {  	_ =	swait.ge [sflag:s20], $0x2000  }
0x197: {  	[sflag:s20] =	ssyncset.done $0x0  }
0x198: {  	[sflag:s20] =	ssyncadd.s32 $0xFFFFE000  }
0x199: {  	_ =	swait.ge [sflag:s23], $0x2000  }
0x19a: {  	[sflag:s23] =	ssyncset.done $0x0  }
0x19b: {  	s2 =	simm.s32 $0x14300;
	[sflag:s23] =	ssyncadd.s32 $0xFFFFE000  }
0x19c: {  	[tilespmem:s19], [sflag:$0x1] =	stream.indirect.gather [hbm4b:s1+s14], $0x80, s2, s14, $0xb8;
	[tilespmem:$0x1E800] =	vst v63  }
0x19d: {  	s2 =	simm.s32 $0x15580  }
0x19e: {  	[spmem:s3] =	stream.indirect.scatter.add.f32 [tilespmem:s22], [sflag:$0x2], $0x80, s2, s14, $0xb8;
	[tilespmem:$0x1E800] =	vst v63  }
0x19f: {  	_ =	swait.ge [sflag:s20], $0x2000  }
0x1a0: {  	[sflag:s20] =	ssyncset.done $0x0  }
0x1a1: {  	[sflag:s20] =	ssyncadd.s32 $0xFFFFE000  }
0x1a2: {  	_ =	swait.ge [sflag:s23], $0x2000  }
0x1a3: {  	s31 =	simm.s32 $0x15600;
	[sflag:s23] =	ssyncset.done $0x0  }
0x1a4: {  	s30 =	simm.s32 $0x800;
	s2 =	simm.s32 $0x14380;
	[sflag:s23] =	ssyncadd.s32 $0xFFFFE000  }
0x1a5: {  	[tilespmem:s22], [sflag:$0x1] =	stream.indirect.gather [hbm4b:s1+s14], $0x80, s2, s14, $0xb8;
	[tilespmem:$0x1E800] =	vst v63  }
.LBB2_8:
0x1a6: {  	[spmem:s3] =	stream.indirect.scatter.add.f32 [tilespmem:s15], [sflag:$0x2], $0x80, s31, s14, $0xb8;
	[tilespmem:$0x1E800] =	vst v63  }
0x1a7: {  	s2 =	smov.u32 s30  }
0x1a8: {  	p0 =	sne.s32 s30, $0x4000;
	s30 =	sadd.s32 $0x800, s30;
	_ =	swait.ge [sflag:s20], $0x2000  }
0x1a9: {  	[sflag:s20] =	ssyncset.done $0x0  }
0x1aa: {  	[sflag:s20] =	ssyncadd.s32 $0xFFFFE000  }
0x1ab: {  	_ =	swait.ge [sflag:s23], $0x2000  }
0x1ac: {  	s31 =	sshra.s32 s2, $0x2;
	[sflag:s23] =	ssyncset.done $0x0  }
0x1ad: {  	s2 =	sadd.s32 $0x14200, s31;
	[sflag:s23] =	ssyncadd.s32 $0xFFFFE000  }
0x1ae: {  	[tilespmem:s15], [sflag:$0x1] =	stream.indirect.gather [hbm4b:s1+s14], $0x80, s2, s14, $0xb8;
	[tilespmem:$0x1E800] =	vst v63  }
0x1af: {  	s2 =	sadd.s32 $0x15480, s31  }
0x1b0: {  	[spmem:s3] =	stream.indirect.scatter.add.f32 [tilespmem:s17], [sflag:$0x2], $0x80, s2, s14, $0xb8;
	[tilespmem:$0x1E800] =	vst v63  }
0x1b1: {  	_ =	swait.ge [sflag:s20], $0x2000  }
0x1b2: {  	[sflag:s20] =	ssyncset.done $0x0  }
0x1b3: {  	[sflag:s20] =	ssyncadd.s32 $0xFFFFE000  }
0x1b4: {  	_ =	swait.ge [sflag:s23], $0x2000  }
0x1b5: {  	[sflag:s23] =	ssyncset.done $0x0  }
0x1b6: {  	s2 =	sadd.s32 $0x14280, s31;
	[sflag:s23] =	ssyncadd.s32 $0xFFFFE000  }
0x1b7: {  	[tilespmem:s17], [sflag:$0x1] =	stream.indirect.gather [hbm4b:s1+s14], $0x80, s2, s14, $0xb8;
	[tilespmem:$0x1E800] =	vst v63  }
0x1b8: {  	s2 =	sadd.s32 $0x15500, s31  }
0x1b9: {  	[spmem:s3] =	stream.indirect.scatter.add.f32 [tilespmem:s19], [sflag:$0x2], $0x80, s2, s14, $0xb8;
	[tilespmem:$0x1E800] =	vst v63  }
0x1ba: {  	_ =	swait.ge [sflag:s20], $0x2000  }
0x1bb: {  	[sflag:s20] =	ssyncset.done $0x0  }
0x1bc: {  	[sflag:s20] =	ssyncadd.s32 $0xFFFFE000  }
0x1bd: {  	_ =	swait.ge [sflag:s23], $0x2000  }
0x1be: {  	[sflag:s23] =	ssyncset.done $0x0  }
0x1bf: {  	s2 =	sadd.s32 $0x14300, s31;
	[sflag:s23] =	ssyncadd.s32 $0xFFFFE000  }
0x1c0: {  	[tilespmem:s19], [sflag:$0x1] =	stream.indirect.gather [hbm4b:s1+s14], $0x80, s2, s14, $0xb8;
	[tilespmem:$0x1E800] =	vst v63  }
0x1c1: {  	s2 =	sadd.s32 $0x15580, s31  }
0x1c2: {  	[spmem:s3] =	stream.indirect.scatter.add.f32 [tilespmem:s22], [sflag:$0x2], $0x80, s2, s14, $0xb8;
	[tilespmem:$0x1E800] =	vst v63  }
0x1c3: {  	_ =	swait.ge [sflag:s20], $0x2000  }
0x1c4: {  	[sflag:s20] =	ssyncset.done $0x0  }
0x1c5: {  	[sflag:s20] =	ssyncadd.s32 $0xFFFFE000  }
.Ltmp3:
0x1c6: {  	_ =	swait.ge [sflag:s23], $0x2000;
	(pc) =	sbr.rel @p0 .LBB2_8-.Ltmp3, $4  }
0x1c7: {  	[sflag:s23] =	ssyncset.done $0x0  }
0x1c8: {  	s2 =	sadd.s32 $0x14380, s31;
	[sflag:s23] =	ssyncadd.s32 $0xFFFFE000  }
0x1c9: {  	[tilespmem:s22], [sflag:$0x1] =	stream.indirect.gather [hbm4b:s1+s14], $0x80, s2, s14, $0xb8;
	[tilespmem:$0x1E800] =	vst v63  }
0x1ca: {  	s31 =	sadd.s32 $0x15600, s31  }
0x1cb: {  	[spmem:s3] =	stream.indirect.scatter.add.f32 [tilespmem:s15], [sflag:$0x2], $0x80, s31, s14, $0xb8;
	[tilespmem:$0x1E800] =	vst v63  }
0x1cc: {  	_ =	swait.ge [sflag:s20], $0x2000  }
0x1cd: {  	[sflag:s20] =	ssyncset.done $0x0  }
0x1ce: {  	[sflag:s20] =	ssyncadd.s32 $0xFFFFE000  }
0x1cf: {  	_ =	swait.ge [sflag:s23], $0x2000  }
0x1d0: {  	[sflag:s23] =	ssyncset.done $0x0  }
0x1d1: {  	[sflag:s23] =	ssyncadd.s32 $0xFFFFE000  }
0x1d2: {  	[spmem:s3] =	stream.indirect.scatter.add.f32 [tilespmem:s17], [sflag:$0x2], $0x80, s25, s14, $0xb8;
	[tilespmem:$0x1E800] =	vst v63  }
0x1d3: {  	_ =	swait.ge [sflag:s20], $0x2000  }
0x1d4: {  	[sflag:s20] =	ssyncset.done $0x0  }
0x1d5: {  	[sflag:s20] =	ssyncadd.s32 $0xFFFFE000  }
0x1d6: {  	_ =	swait.ge [sflag:s23], $0x2000  }
0x1d7: {  	[sflag:s23] =	ssyncset.done $0x0  }
0x1d8: {  	[sflag:s23] =	ssyncadd.s32 $0xFFFFE000  }
0x1d9: {  	[spmem:s3] =	stream.indirect.scatter.add.f32 [tilespmem:s19], [sflag:$0x2], $0x80, s26, s14, $0xb8;
	[tilespmem:$0x1E800] =	vst v63  }
0x1da: {  	_ =	swait.ge [sflag:s20], $0x2000  }
0x1db: {  	[sflag:s20] =	ssyncset.done $0x0  }
0x1dc: {  	[sflag:s20] =	ssyncadd.s32 $0xFFFFE000  }
0x1dd: {  	_ =	swait.ge [sflag:s23], $0x2000  }
0x1de: {  	[sflag:s23] =	ssyncset.done $0x0  }
0x1df: {  	[sflag:s23] =	ssyncadd.s32 $0xFFFFE000  }
0x1e0: {  	[spmem:s3] =	stream.indirect.scatter.add.f32 [tilespmem:s22], [sflag:$0x2], $0x80, s28, s14, $0xb8;
	[tilespmem:$0x1E800] =	vst v63  }
0x1e1: {  	_ =	swait.ge [sflag:s23], $0x2000  }
0x1e2: {  	s29 =	sadd.s32 $0x1, s29;
	[sflag:s23] =	ssyncset.done $0x0  }
0x1e3: {  	p0 =	sne.s32 s29, s9;
	[sflag:s23] =	ssyncadd.s32 $0xFFFFE000  }
.Ltmp4:
0x1e4: {  	[bflag:$0x0] =	sbarrier.arrive $0xFFFF;
	(pc) =	sbr.rel @p0 .LBB2_1-.Ltmp4, $4  }
0x1e5: {  	[hbm:s24], [sflag:s6] =	dma.local [spmem:s10], $0x2800  }
0x1e6: {  	_ =	swait.ge [sflag:s11], $0x2800  }
0x1e7: {  	[sflag:s11] =	ssyncset.done $0x0  }
0x1e8: {  	[sflag:s11] =	ssyncadd.s32 $0xFFFFD800  }
0x1e9: {  	_ =	sfence.sel $0x180000  }
0x1ea: {  	[bflag:$0x0] =	sbarrier.arrive $0xFFFF  }
0x1eb: {  	_ =	strace $0x9000004D  }
0x1ec: {  	[bflag:$0x2] =	sbarrier.arrive $0xFFFF  }
0x1ed: {  	p0 =	sne.s32 s0, $0x0;
	s0 =	rddreg [dreg:$0x3]  }
0x1ee: {  	s0 =	sadd.s32 @!p0 $0x100000, s0  }
0x1ef: {  	[sflag:s0] =	ssyncadd.tile.s32 @!p0 $0x1;
	_ =	shalt  }
.Lfunc_end2:
_tile_overlayer_lowered:
.L_overlay_start_2:
0x1f0: {  	(tag) =	ssettag $0x2  }
0x1f1: {  	s0 =	rddreg [dreg:$0x0];
	s2 =	stileid.u32  }
0x1f2: {  	s1 =	rddreg [dreg:$0x1];
	p0 =	sne.s32 s2, $0x0  }
0x1f3: {  	s3 =	rddreg [dreg:$0x2];
	[bflag:$0x3] =	sbarrier.arrive $0xFFFF;
	s2 =	simm.s32 @!p0 $0x1C03  }
0x1f4: {  	[timem:s3], [sflag:s2] =	dma.local @!p0 [hbm:s0], s1  }
0x1f5: {  	s0 =	simm.s32 @!p0 $0x3  }
0x1f6: {  	_ =	swait.ge @!p0 [sflag:s0], s1  }
0x1f7: {  	s1 =	ssub.s32 @!p0 $0x0, s1;
	[sflag:s0] =	ssyncset.done @!p0 $0x0  }
0x1f8: {  	[sflag:s0] =	ssyncadd.s32 @!p0 s1  }
0x1f9: {  	[bflag:$0x3] =	sbarrier.arrive $0xFFFF  }
0x1fa: {  	_ =	shalt  }

// kernel: kernel.8.cloned.1.call-start
scs
__scs_entry_jumppad:
0x0: {  	(pc) =	sbr.rel $0x88, $3  }
0x1: {  	(tag) =	ssettag $0x0;
	lr =	simm.s32 $0x1  }
0x2: {  	[smem:$0x3F9B] =	sst lr;
	_ =	strace $0xD0000000  }
0x3: {  	_ = 	snop  }
0x4: {  	_ = 	snop  }
0x5: {  	_ = 	snop  }
0x6: {  	_ = 	snop  }
0x7: {  	_ = 	snop  }
__scs_overlays_trampoline_lowered:
0x8: {  	[smem:$0x3FAA] =	sst s0  }
0x9: {  	[smem:$0x3FAB] =	sst s1  }
0xa: {  	[smem:$0x3FAC] =	sst s2  }
0xb: {  	[smem:$0x3FAD] =	sst s3  }
0xc: {  	[smem:$0x3FAE] =	sst s4  }
0xd: {  	[smem:$0x3FAF] =	sst s5  }
0xe: {  	[smem:$0x3FB0] =	sst s6  }
0xf: {  	[smem:$0x3FB1] =	sst s7  }
0x10: {  	[smem:$0x3FB2] =	sst s8  }
0x11: {  	[smem:$0x3FB3] =	sst s9;
	s0 =	simm.s32 @!p0 $0x0  }
0x12: {  	s1 =	sld [smem:$0x3F99];
	s0 =	simm.s32 @p0 $0x1  }
0x13: {  	[smem:$0x3FB4] =	sst s0;
	s0 =	simm.s32 @!p1 $0x0  }
0x14: {  	s2 =	sld [smem:$0x3F98];
	s0 =	simm.s32 @p1 $0x1  }
0x15: {  	[smem:$0x3FB5] =	sst s0;
	s0 =	simm.s32 @!p2 $0x0  }
0x16: {  	s3 =	sld [smem:$0x3FDB];
	s0 =	simm.s32 @p2 $0x1  }
0x17: {  	s4 =	simm.s32 $0x1BF5;
	[smem:$0x3FB7] =	sst s0  }
0x18: {  	s0 =	sld [smem:$0x3F9A];
	_ =	swait.ge [sflag:s4], $0x0  }
0x19: {  	s7 =	sld [smem:$0x3F9B]  }
0x1a: {  	s8 =	sadd.s32 $0xFFFFE003, lr  }
0x1b: {  	s9 =	sadd.s32 $0xFFFFFEF7, lr;
	s5 =	simm.s32 $0xFFFFFFFF;
	p2 =	slt.u32 s8, $0xFFFFF086  }
0x1c: {  	p1 =	slt.u32 s9, $0xF7A;
	s5 =	simm.s32 @!p2 $0x0  }
0x1d: {  	s5 =	simm.s32 @p1 $0x1;
	p0 =	seq.s32 s7, s2  }
0x1e: {  	s7 =	smul.u32 @!p0 $0xF7A, s2;
	p2 =	seq.s32 @!p0 s5, $0x0  }
0x1f: {  	s9 =	smul.u32 $0xF7A, s1;
	s8 =	simm.s32 @!p0 $0x1BF5;
	p2 =	por !p2, p0  }
0x20: {  	[sflag:s8] =	ssyncset.s32 @!p0 $0xFFFFF086;
	s6 =	sadd.s32 @!p0 s3, s7;
	s7 =	simm.s32 @!p0 $0x108  }
0x21: {  	s3 =	sadd.s32 s3, s9;
	s6 =	sadd.s32 @!p0 $0x88, s6;
	s7 =	simm.s32 @p2 $0x1082  }
0x22: {  	[simem:s7], [sflag:s8] =	dma.local @!p0 [hbm:s6], $0xF7A  }
0x23: {  	s9 =	sor.u32 $0xD0000000, s2;
	s6 =	simm.s32 $0x108;
	_ =	swait.ge @!p0 [sflag:s8], $0x0  }
0x24: {  	s3 =	sadd.s32 $0x88, s3;
	s6 =	simm.s32 @!p1 $0x1082;
	[sflag:s4] =	ssyncset.s32 $0xFFFFF086  }
0x25: {  	[simem:s6], [sflag:s4] =	dma.local [hbm:s3], $0xF7A  }
0x26: {  	[smem:$0x3F9B] =	sst s1;
	(tag) =	ssettag s2;
	_ =	strace s9  }
0x27: {  	s1 =	sld [smem:$0x3FAB]  }
0x28: {  	s2 =	sld [smem:$0x3FAC]  }
0x29: {  	s4 =	sld [smem:$0x3FAE]  }
0x2a: {  	p0 =	seq.s32 s5, $0x0;
	s5 =	sld [smem:$0x3FAF]  }
0x2b: {  	s6 =	sld [smem:$0x3FB0]  }
0x2c: {  	s7 =	sld [smem:$0x3FB1]  }
0x2d: {  	s3 =	simm.s32 $0x108;
	s8 =	sld [smem:$0x3FB2]  }
0x2e: {  	s3 =	simm.s32 @!p0 $0x1082;
	s9 =	sld [smem:$0x3FB3]  }
0x2f: {  	lr =	sadd.s32 s0, s3;
	s0 =	sld [smem:$0x3FAA]  }
0x30: {  	s3 =	sld [smem:$0x3FAD]  }
0x31: {  	[smem:$0x3FB6] =	sst s10  }
0x32: {  	s10 =	sld [smem:$0x3FB4];
	_ =	sdelay $0x3  }
0x33: {  	p0 =	seq.s32 s10, $0x1;
	s10 =	sld [smem:$0x3FB6];
	_ =	sdelay $0x3  }
0x34: {  	[smem:$0x3FB6] =	sst s10  }
0x35: {  	s10 =	sld [smem:$0x3FB5];
	_ =	sdelay $0x3  }
0x36: {  	p1 =	seq.s32 s10, $0x1;
	s10 =	sld [smem:$0x3FB6];
	_ =	sdelay $0x3  }
0x37: {  	[smem:$0x3FB6] =	sst s10  }
0x38: {  	s10 =	sld [smem:$0x3FB7]  }
0x39: {  	_ = 	snop;
	(pc) =	sbr.ind lr, $3  }
0x3a: {  	_ = 	snop  }
0x3b: {  	_ = 	snop  }
0x3c: {  	p2 =	seq.s32 s10, $0x1;
	s10 =	sld [smem:$0x3FB6]  }
0x3d: {  	_ =	shalt  }
0x3e: {  	_ =	shalt  }
0x3f: {  	_ =	shalt  }
0x40: {  	_ =	shalt  }
0x41: {  	_ =	shalt  }
0x42: {  	_ =	shalt  }
0x43: {  	_ =	shalt  }
0x44: {  	_ =	shalt  }
0x45: {  	_ =	shalt  }
0x46: {  	_ =	shalt  }
0x47: {  	_ =	shalt  }
0x48: {  	_ =	shalt  }
0x49: {  	_ =	shalt  }
0x4a: {  	_ =	shalt  }
0x4b: {  	_ =	shalt  }
0x4c: {  	_ =	shalt  }
0x4d: {  	_ =	shalt  }
0x4e: {  	_ =	shalt  }
0x4f: {  	_ =	shalt  }
0x50: {  	_ =	shalt  }
0x51: {  	_ =	shalt  }
0x52: {  	_ =	shalt  }
0x53: {  	_ =	shalt  }
0x54: {  	_ =	shalt  }
0x55: {  	_ =	shalt  }
0x56: {  	_ =	shalt  }
0x57: {  	_ =	shalt  }
0x58: {  	_ =	shalt  }
0x59: {  	_ =	shalt  }
0x5a: {  	_ =	shalt  }
0x5b: {  	_ =	shalt  }
0x5c: {  	_ =	shalt  }
0x5d: {  	_ =	shalt  }
0x5e: {  	_ =	shalt  }
0x5f: {  	_ =	shalt  }
0x60: {  	_ =	shalt  }
0x61: {  	_ =	shalt  }
0x62: {  	_ =	shalt  }
0x63: {  	_ =	shalt  }
0x64: {  	_ =	shalt  }
0x65: {  	_ =	shalt  }
0x66: {  	_ =	shalt  }
0x67: {  	_ =	shalt  }
0x68: {  	_ =	shalt  }
0x69: {  	_ =	shalt  }
0x6a: {  	_ =	shalt  }
0x6b: {  	_ =	shalt  }
0x6c: {  	_ =	shalt  }
0x6d: {  	_ =	shalt  }
0x6e: {  	_ =	shalt  }
0x6f: {  	_ =	shalt  }
0x70: {  	_ =	shalt  }
0x71: {  	_ =	shalt  }
0x72: {  	_ =	shalt  }
0x73: {  	_ =	shalt  }
0x74: {  	_ =	shalt  }
0x75: {  	_ =	shalt  }
0x76: {  	_ =	shalt  }
0x77: {  	_ =	shalt  }
0x78: {  	_ =	shalt  }
0x79: {  	_ =	shalt  }
0x7a: {  	_ =	shalt  }
0x7b: {  	_ =	shalt  }
0x7c: {  	_ =	shalt  }
0x7d: {  	_ =	shalt  }
0x7e: {  	_ =	shalt  }
0x7f: {  	_ =	shalt  }
0x80: {  	_ =	shalt  }
0x81: {  	_ =	shalt  }
0x82: {  	_ =	shalt  }
0x83: {  	_ =	shalt  }
0x84: {  	_ =	shalt  }
0x85: {  	_ =	shalt  }
0x86: {  	_ =	shalt  }
0x87: {  	_ =	shalt  }
.Lfunc_end0:
.L_simem_size_0:
called_computation_lowered:
.L_overlay_start_0:
0x88: {  	s2 =	sld [smem:$0x3FD9]  }
0x89: {  	s3 =	sld [smem:$0x3FFE];
	_ =	sdelay $0x1  }
0x8a: {  	s1 =	srdreg.scid  }
0x8b: {  	s0 =	sand.u32 $0x1, s1  }
0x8c: {  	s17 =	sshll.u32 s0, $0xA;
	s2 =	sadd.s32 s3, s2  }
0x8d: {  	s2 =	sadd.s32 s2, s17  }
0x8e: {  	[smem:$0x3FC2] =	sst s2  }
0x8f: {  	_ = 	snop  }
0x90: {  	s2 =	sld [smem:$0x3FD0];
	(tm) =	ssettm $0x1  }
0x91: {  	s18 =	sld [smem:$0x3FFB];
	_ =	sdelay $0x3  }
0x92: {  	_ =	strace s18  }
0x93: {  	s3 =	sld [smem:$0x3FFC];
	_ =	sdelay $0x3  }
0x94: {  	_ =	strace s3  }
0x95: {  	s3 =	sld [smem:$0x3FFD];
	_ =	sdelay $0x3  }
0x96: {  	_ =	strace s3  }
0x97: {  	_ =	strace $0x8FFFFFFF  }
0x98: {  	s19 =	sld [smem:$0x3FDB];
	_ =	sdelay $0x1  }
0x99: {  	s4 =	simm.s32 $_scs_section_size  }
0x9a: {  	s5 =	simm.s32 $_size__tile_overlayer_lowered;
	s6 =	simm.s32 $_tile_overlayer_lowered  }
0x9b: {  	s22 =	simm.s32 $0x1BFF;
	s21 =	sshll.u32 s6, $0x1;
	s3 =	sadd.s32 s4, s19  }
0x9c: {  	s7 =	simm.s32 $0x0;
	s20 =	sshll.u32 s5, $0x1;
	s5 =	sadd.s32 s21, s3  }
0x9d: {  	[timem:s7], [sflag:s22] =	dma.local [hbm:s5], s20  }
0x9e: {  	_ =	swait.ge [sflag:s22], s20  }
0x9f: {  	s4 =	ssub.s32 $0x0, s20;
	[sflag:s22] =	ssyncset.done $0x0  }
0xa0: {  	[sflag:s22] =	ssyncadd.s32 s4;
	_ =	sdelay $0x1  }
0xa1: {  	s23 =	simm.s32 $0x1B8B  }
0xa2: {  	_ =	swait.ge [sflag:s23], $0x1  }
0xa3: {  	[sflag:s23] =	ssyncset.done $0x0  }
0xa4: {  	s25 =	simm.s32 $0x1B8E;
	s24 =	sld [smem:$0x3FFE];
	[sflag:s23] =	ssyncadd.s32 $0xFFFFFFFF  }
0xa5: {  	s26 =	simm.s32 $execute0_lowered;
	[smem:$0x3FD2] =	sst s25  }
0xa6: {  	s5 =	sshll.u32 s26, $0x1;
	_ =	strace $0x80000046;
	[dreg:$0x1] =	wrdreg $0xFFFFFFFF  }
0xa7: {  	s28 =	simm.s32 $_size_execute0_lowered;
	s3 =	sadd.s32 s3, s5;
	[dreg:$0x0] =	wrdreg $0x0  }
0xa8: {  	s5 =	sshll.u32 s28, $0x1;
	[dreg:$0x2] =	wrdreg s3  }
0xa9: {  	[dreg:$0x3] =	wrdreg s5  }
0xaa: {  	[dreg:$0x4] =	wrdreg $0xC0  }
0xab: {  	_ =	task [dreg:s7], $0x5FFFF  }
0xac: {  	[dreg:$0x1] =	wrdreg $0xFFFFFFFF  }
0xad: {  	[dreg:$0x0] =	wrdreg $0x60  }
0xae: {  	[dreg:$0x2] =	wrdreg s2  }
0xaf: {  	[dreg:$0x3] =	wrdreg s24  }
0xb0: {  	[dreg:$0x4] =	wrdreg $0x0  }
0xb1: {  	[dreg:$0x5] =	wrdreg $0x9  }
0xb2: {  	_ =	task.clear_ibuf [dreg:s7], $0x6FFFF;
	_ =	strace $0x90000046  }
0xb3: {  	s29 =	simm.s32 $0x9;
	_ =	strace $0x80000048  }
0xb4: {  	_ =	swait.ge [sflag:s29], $0x1  }
0xb5: {  	[sflag:s29] =	ssyncadd.s32 $0xFFFFFFFF  }
0xb6: {  	_ =	strace $0x90000048  }
0xb7: {  	_ =	sfence  }
0xb8: {  	s30 =	sld [smem:$0x0];
	_ =	sdelay $0x2  }
0xb9: {  	s31 =	sshll.u32 s1, $0xD;
	s1 =	sshrl.u32 s1, $0x2  }
0xba: {  	s3 =	sand.u32 $0x4000, s31;
	s1 =	sadd.s32 s1, s30  }
0xbb: {  	s0 =	sor.u32 s3, s0;
	s1 =	sshll.u32 s1, $0x11  }
0xbc: {  	s0 =	sor.u32 s1, s0  }
0xbd: {  	s0 =	sadd.s32 $0x8F2B, s0  }
0xbe: {  	[sflag:s0] =	ssyncadd.remote.s32 $0x1  }
0xbf: {  	_ =	sfence.sel $0xFFFF  }
0xc0: {  	[dreg:$0x0] =	wrdreg $0xFFFFFFFF;
	(pc) =	sbr.abs _section_cstart, $3  }
0xc1: {  	[dreg:$0x1] =	wrdreg $0xFFFFFFFF  }
0xc2: {  	_ =	task.clear_ibuf [dreg:s7], $0x2FFFF;
	_ =	strace $0x9FFFFFFF  }
0xc3: {  	(tm) =	ssettm $0x7FFFFFFF  }
tec
execute0_lowered:
.L_overlay_start_1:
0x0: {  	(tag) =	ssettag $0x1  }
0x1: {  	s7 =	rddreg [dreg:$0x0]  }
0x2: {  	s5 =	rddreg [dreg:$0x1]  }
0x3: {  	s2 =	rddreg [dreg:$0x2]  }
0x4: {  	s0 =	rddreg [dreg:$0x3]  }
0x5: {  	s1 =	stileid.u32;
	s3 =	simm.s32 $0x0;
	s4 =	srdreg.scid  }
0x6: {  	s13 =	simm.s32 $0x80;
	s14 =	simm.s32 $0x14080;
	s15 =	simm.s32 $0x14100  }
0x7: {  	s16 =	simm.s32 $0x1;
	s17 =	smul.u32 $0x2800, s1;
	[smem:$0x7FF] =	sst s3  }
0x8: {  	s6 =	sand.u32 $0x1, s4;
	s4 =	sadd.s32 $0x2A00, s5;
	s10 =	smul.u32 $0x50000, s1  }
0x9: {  	s11 =	sshll.u32 s1, $0x1;
	s31 =	sshll.u32 s1, $0x6;
	_ =	strace $0x80000047  }
0xa: {  	s9 =	smul.u32 $0x28000, s6;
	s29 =	ssub.s32 $0x2, s6;
	s6 =	sor.u32 s6, s11  }
0xb: {  	s8 =	sadd.s32 s17, s5;
	s30 =	sshrl.u32 s29, $0x1;
	s10 =	sshrl.u32 s10, $0x2  }
0xc: {  	s12 =	smul.u32 $0x500, s6;
	s6 =	sor.u32 $0x1C02, s31;
	s9 =	sadd.s32 s9, s5  }
0xd: {  	s11 =	ssub.s32 s29, s30;
	s10 =	sadd.s32 s10, s2;
	s5 =	sadd.s32 $0x3200, s8  }
0xe: {  	s7 =	sadd.s32 s7, s12;
	s18 =	sadd.s32 $0x2B200, s9;
	s8 =	smax.u32 s11, $0x1  }
0xf: {  	s9 =	sshrl.u32 s10, $0x3;
	s10 =	simm.s32 $0x2;
	s11 =	simm.s32 $0x14000  }
0x10: {  	s12 =	simm.s32 $0x16800;
	s17 =	sadd.s32 s17, s18;
	s18 =	simm.s32 $0x0  }
.LBB2_1:
0x11: {  	[spmem:s9], [sflag:s6] =	dma.local [hbm:s5], $0x2800  }
0x12: {  	_ =	swait.ge [sflag:s10], $0x2800  }
0x13: {  	[sflag:s10] =	ssyncset.done $0x0  }
0x14: {  	[sflag:s10] =	ssyncadd.s32 $0xFFFFD800  }
0x15: {  	[tilespmem:s11], [sflag:$0x2] =	stream.linear.gather [hbm4b:s7+s3], $0x2800, $0x38;
	[tilespmem:$0x1A800] =	vst v63  }
0x16: {  	_ =	swait.ge [sflag:s10], $0x2800  }
0x17: {  	[sflag:s10] =	ssyncset.done $0x0  }
0x18: {  	[sflag:s10] =	ssyncadd.s32 $0xFFFFD800  }
0x19: {  	[tilespmem:s12], [sflag:$0x2] =	stream.linear.gather [hbm4b:s4+s3], $0x4000, $0x38;
	[tilespmem:$0x1A800] =	vst v63  }
0x1a: {  	_ =	swait.ge [sflag:s10], $0x4000  }
0x1b: {  	[sflag:s10] =	ssyncset.done $0x0  }
0x1c: {  	[sflag:s10] =	ssyncadd.s32 $0xFFFFC000  }
0x1d: {  	[bflag:$0x0] =	sbarrier.arrive $0xFFFF  }
0x1e: {  	[spmem:s2] =	stream.indirect.scatter.add.f32 [tilespmem:s12], [sflag:$0x1], $0x80, s11, s13, $0xb8;
	[tilespmem:$0x1A800] =	vst v63  }
0x1f: {  	_ = 	snop  }
0x20: {  	[spmem:s2] =	stream.indirect.scatter.add.f32 [tilespmem:s12], [sflag:$0x1], $0x80, s14, s13, $0xb8;
	[tilespmem:$0x1A800] =	vst v63  }
0x21: {  	_ = 	snop  }
0x22: {  	[spmem:s2] =	stream.indirect.scatter.add.f32 [tilespmem:s12], [sflag:$0x1], $0x80, s15, s13, $0xb8;
	[tilespmem:$0x1A800] =	vst v63  }
0x23: {  	s19 =	simm.s32 $0x14180  }
0x24: {  	[spmem:s2] =	stream.indirect.scatter.add.f32 [tilespmem:s12], [sflag:$0x1], $0x80, s19, s13, $0xb8;
	[tilespmem:$0x1A800] =	vst v63  }
0x25: {  	s19 =	simm.s32 $0x800;
	_ =	swait.ge [sflag:s16], $0x4000  }
.LBB2_2:
0x26: {  	s20 =	sshra.s32 s19, $0x2;
	[sflag:s16] =	ssyncset.done $0x0;
	p0 =	sne.s32 s19, $0x9E00  }
.Ltmp0:
0x27: {  	s20 =	sadd.s32 $0x14000, s20;
	[sflag:s16] =	ssyncadd.s32 $0xFFFFC000;
	(pc) =	sbr.rel @p0 .LBB2_2-.Ltmp0, $3  }
0x28: {  	[spmem:s2] =	stream.indirect.scatter.add.f32 [tilespmem:s12], [sflag:$0x1], $0x80, s20, s13, $0xb8;
	[tilespmem:$0x1A800] =	vst v63  }
0x29: {  	s19 =	sadd.s32 $0x200, s19;
	_ =	sdelay $0x1  }
0x2a: {  	_ =	swait.ge [sflag:s16], $0x4000  }
0x2b: {  	[sflag:s16] =	ssyncset.done $0x0  }
0x2c: {  	[sflag:s16] =	ssyncadd.s32 $0xFFFFC000  }
0x2d: {  	_ =	swait.ge [sflag:s16], $0x4000  }
0x2e: {  	[sflag:s16] =	ssyncset.done $0x0  }
0x2f: {  	[sflag:s16] =	ssyncadd.s32 $0xFFFFC000  }
0x30: {  	_ =	swait.ge [sflag:s16], $0x4000  }
0x31: {  	[sflag:s16] =	ssyncset.done $0x0  }
0x32: {  	[sflag:s16] =	ssyncadd.s32 $0xFFFFC000  }
0x33: {  	_ =	swait.ge [sflag:s16], $0x4000  }
0x34: {  	s18 =	sadd.s32 $0x1, s18;
	[sflag:s16] =	ssyncset.done $0x0  }
0x35: {  	p0 =	sne.s32 s18, s8;
	[sflag:s16] =	ssyncadd.s32 $0xFFFFC000  }
.Ltmp1:
0x36: {  	[bflag:$0x0] =	sbarrier.arrive $0xFFFF;
	(pc) =	sbr.rel @p0 .LBB2_1-.Ltmp1, $4  }
0x37: {  	[hbm:s17], [sflag:s6] =	dma.local [spmem:s9], $0x2800  }
0x38: {  	_ =	swait.ge [sflag:s10], $0x2800  }
0x39: {  	[sflag:s10] =	ssyncset.done $0x0  }
0x3a: {  	[sflag:s10] =	ssyncadd.s32 $0xFFFFD800  }
0x3b: {  	_ =	sfence.sel $0x180000  }
0x3c: {  	[bflag:$0x0] =	sbarrier.arrive $0xFFFF  }
0x3d: {  	p0 =	sne.s32 s1, $0x0;
	_ =	strace $0x90000047  }
0x3e: {  	s0 =	sadd.s32 @!p0 $0x100000, s0;
	[bflag:$0x2] =	sbarrier.arrive $0xFFFF  }
0x3f: {  	[sflag:s0] =	ssyncadd.tile.s32 @!p0 $0x1;
	_ =	shalt  }
.Lfunc_end2:
_tile_overlayer_lowered:
.L_overlay_start_2:
0x40: {  	(tag) =	ssettag $0x2  }
0x41: {  	s0 =	rddreg [dreg:$0x0];
	s2 =	stileid.u32  }
0x42: {  	s1 =	rddreg [dreg:$0x1];
	p0 =	sne.s32 s2, $0x0  }
0x43: {  	s3 =	rddreg [dreg:$0x2];
	[bflag:$0x3] =	sbarrier.arrive $0xFFFF;
	s2 =	simm.s32 @!p0 $0x1C02  }
0x44: {  	[timem:s3], [sflag:s2] =	dma.local @!p0 [hbm:s0], s1  }
0x45: {  	s0 =	simm.s32 @!p0 $0x2  }
0x46: {  	_ =	swait.ge @!p0 [sflag:s0], s1  }
0x47: {  	s1 =	ssub.s32 @!p0 $0x0, s1;
	[sflag:s0] =	ssyncset.done @!p0 $0x0  }
0x48: {  	[sflag:s0] =	ssyncadd.s32 @!p0 s1  }
0x49: {  	[bflag:$0x3] =	sbarrier.arrive $0xFFFF  }
0x4a: {  	_ =	shalt  }

</sc_bundles>
